<compile_context>
chip_gen: v7x
topology: tpu7x:2x2x1
jax: 0.10.2.dev20260603
libtpu: 0.0.44.dev20260713+nightly
codegen_flags: <defaults>
</compile_context>

<pallas_src>
import functools

import jax
import jax.numpy as jnp
from jax import lax
from jax.experimental import pallas as pl
from jax.experimental.pallas import tpu as pltpu
from jax.experimental.pallas import tpu_sc as plsc

_NC, _NS = 2, 16
_NW = _NC * _NS
_CH = 32
_KP = 128
_NEG = -1e30
_GRP = 4


def _sc_gather(table, idx2, TW, L):
    R, D = table.shape
    rpw = R // _NW
    chunks = rpw // _CH
    mesh = plsc.VectorSubcoreMesh(core_axis_name="c", subcore_axis_name="s")

    @functools.partial(
        pl.kernel,
        mesh=mesh,
        out_type=jax.ShapeDtypeStruct((R, D), jnp.float32),
        scratch_types=[
            pltpu.VMEM((chunks, _CH), jnp.int32),
            pltpu.VMEM((2, _CH, D), jnp.float32),
            pltpu.SemaphoreType.DMA,
            pltpu.SemaphoreType.DMA,
            pltpu.SemaphoreType.DMA,
            pltpu.SemaphoreType.DMA,
        ],
    )
    def k(table_hbm, idx_hbm, out_hbm, idx_v, rows_v, g0, g1, o0, o1):
        gsem = (g0, g1)
        osem = (o0, o1)
        wid = lax.axis_index("s") * _NC + lax.axis_index("c")
        base = wid * rpw
        pltpu.sync_copy(idx_hbm.at[pl.ds(wid * chunks, chunks)], idx_v)
        off = (base // TW) * L
        for r in range(chunks):
            for i in range(_CH // 16):
                sl = pl.ds(i * 16, 16)
                idx_v[r, sl] = idx_v[r, sl] + off
        gather_h = [None] * chunks
        out_h = [None] * chunks

        def issue_gather(c):
            buf = c & 1
            gather_h[c] = pltpu.async_copy(
                table_hbm.at[idx_v.at[c]], rows_v.at[buf], gsem[buf])

        issue_gather(0)
        for c in range(chunks):
            buf = c & 1
            gather_h[c].wait()
            out_h[c] = pltpu.async_copy(
                rows_v.at[buf], out_hbm.at[pl.ds(base + c * _CH, _CH)],
                osem[buf])
            if c + 1 < chunks:
                if c >= 1:
                    out_h[c - 1].wait()
                issue_gather(c + 1)
        out_h[chunks - 1].wait()
        if chunks >= 2:
            out_h[chunks - 2].wait()

    return k(table, idx2)


def _mlp_body(g_ref, m0_ref, m1_ref, w1_ref, b1_ref, w2_ref, b2_ref, o_ref):
    D = w1_ref.shape[0]
    g = g_ref[...]
    tr = g[:, :D] * m0_ref[...] + g[:, D:] * m1_ref[...]
    h = jnp.dot(tr.astype(jnp.bfloat16), w1_ref[...],
                preferred_element_type=jnp.float32)
    h = jnp.maximum(h + b1_ref[...], 0.0)
    s = jnp.dot(h.astype(jnp.bfloat16), w2_ref[...],
                preferred_element_type=jnp.float32) + b2_ref[...]
    o_ref[...] = jnp.exp(s)


def _mlp(g2, m0, m1, W1, b1r, W2p, b2r, blk=256):
    NR, D2 = g2.shape
    D, H = W1.shape
    grid = NR // blk
    return pl.pallas_call(
        _mlp_body,
        grid=(grid,),
        in_specs=[
            pl.BlockSpec((blk, D2), lambda i: (i, 0)),
            pl.BlockSpec((blk, 1), lambda i: (i, 0)),
            pl.BlockSpec((blk, 1), lambda i: (i, 0)),
            pl.BlockSpec((D, H), lambda i: (0, 0)),
            pl.BlockSpec((1, H), lambda i: (0, 0)),
            pl.BlockSpec((H, _KP), lambda i: (0, 0)),
            pl.BlockSpec((1, _KP), lambda i: (0, 0)),
        ],
        out_specs=pl.BlockSpec((blk, _KP), lambda i: (i, 0)),
        out_shape=jax.ShapeDtypeStruct((NR, _KP), jnp.float32),
    )(g2, m0, m1, W1, b1r, W2p, b2r)


def _crf_body(K, T, s_ref, tr_ref, st_ref, en_ref, ln_ref, o_ref):
    ii = lax.broadcasted_iota(jnp.int32, (_KP, _KP), 0)
    jj = lax.broadcasted_iota(jnp.int32, (_KP, _KP), 1)
    E = jnp.where((ii < K) & (jj < K), jnp.exp(tr_ref[...]), 0.0)
    ln = ln_ref[...]
    w = jnp.exp(st_ref[...]) * s_ref[0]
    c = jnp.zeros((w.shape[0], 1), jnp.float32)
    ngrp = (T - 1 + _GRP - 1) // _GRP

    def group(gi, carry):
        w, c = carry
        t0 = 1 + gi * _GRP
        for k in range(_GRP):
            t = jnp.minimum(t0 + k, T - 1)
            wn = jnp.dot(w, E, preferred_element_type=jnp.float32) * s_ref[t]
            keep = (t0 + k).astype(jnp.float32) < ln
            w = jnp.where(keep, wn, w)
        s = jnp.max(w, axis=1, keepdims=True)
        return w / s, c + jnp.log(s)

    w, c = lax.fori_loop(0, ngrp, group, (w, c))
    z = jnp.sum(w * jnp.exp(en_ref[...]), axis=1, keepdims=True)
    o_ref[...] = c + jnp.log(z)


def _crf(s_t, trp, stp, enp, lnf, K):
    T, B, _ = s_t.shape
    return pl.pallas_call(
        functools.partial(_crf_body, K, T),
        out_shape=jax.ShapeDtypeStruct((B, 1), jnp.float32),
    )(s_t, trp, stp, enp, lnf)


def kernel(bert_outputs, token_idxs, token_masks, token_nums, W1, b1, W2, b2,
           transitions, start_trans, end_trans):
    B, L, D = bert_outputs.shape
    TW = token_idxs.shape[1]
    T = TW // 2
    K = W2.shape[1]
    kpad = _KP - K

    table = bert_outputs.reshape(B * L, D)
    idx2 = token_idxs.reshape(B * TW // _CH, _CH).astype(jnp.int32)
    gathered = _sc_gather(table, idx2, TW, L)

    g2 = gathered.reshape(B * T, 2 * D)
    m = token_masks.reshape(B * T, 2)
    W2p = jnp.pad(W2, ((0, 0), (0, kpad))).astype(jnp.bfloat16)
    b2r = jnp.pad(b2, (0, kpad)).reshape(1, _KP)
    escores = _mlp(g2, m[:, 0:1], m[:, 1:2], W1.astype(jnp.bfloat16),
                   b1.reshape(1, -1), W2p, b2r)

    s_t = escores.reshape(B, T, _KP).transpose(1, 0, 2)
    trp = jnp.pad(transitions, ((0, kpad), (0, kpad)))
    stp = jnp.pad(start_trans, (0, kpad), constant_values=_NEG).reshape(1, _KP)
    enp = jnp.pad(end_trans, (0, kpad), constant_values=_NEG).reshape(1, _KP)
    lnf = jnp.maximum(token_nums, 1).astype(jnp.float32).reshape(B, 1)
    logZ = _crf(s_t, trp, stp, enp, lnf, K)
    return logZ[:, 0]

# --- scband reference (transcript-rebuilt; emitter-appended) ---
"""Pipeline reference for scband-per-nee-26396869001913 (READ-ONLY COPY).

The authoritative reference and input builder live on the scoring server;
editing this copy changes nothing except your own understanding.
"""

import jax, jax.numpy as jnp
import numpy as np

B, L, T, W, D, H, K = 16, 2048, 1024, 2, 1024, 2048, 67


def log_sum_exp(tensor, axis):
    m = tensor.max(axis=axis)
    return m + jnp.log(jnp.exp(tensor - jnp.expand_dims(m, axis)).sum(axis=axis))


def setup_inputs(seed: int = 0):
    key = jax.random.key(seed)
    ks = jax.random.split(key, 12)
    bert_outputs = jax.random.normal(ks[0], (B, L, D), dtype=jnp.float32)
    token_idxs = jax.random.randint(ks[1], (B, T * W), 0, L).astype(jnp.int64)
    token_masks = jax.random.uniform(ks[2], (B, T * W), dtype=jnp.float32)
    token_nums = jax.random.randint(ks[3], (B,), 1, T).astype(jnp.int64)
    W1 = jax.random.normal(ks[4], (D, H), dtype=jnp.float32) * 0.02
    b1 = jnp.zeros((H,), dtype=jnp.float32)
    W2 = jax.random.normal(ks[5], (H, K), dtype=jnp.float32) * 0.02
    b2 = jnp.zeros((K,), dtype=jnp.float32)
    transitions = jax.random.normal(ks[6], (K, K), dtype=jnp.float32) * 0.1
    start_trans = jax.random.normal(ks[7], (K,), dtype=jnp.float32) * 0.1
    end_trans = jax.random.normal(ks[8], (K,), dtype=jnp.float32) * 0.1
    return {
        'bert_outputs': bert_outputs,
        'token_idxs': token_idxs,
        'token_masks': token_masks,
        'token_nums': token_nums,
        'W1': W1, 'b1': b1, 'W2': W2, 'b2': b2,
        'transitions': transitions,
        'start_trans': start_trans,
        'end_trans': end_trans,
    }


def reference(bert_outputs, token_idxs, token_masks, token_nums, W1, b1, W2, b2, transitions, start_trans, end_trans):
    # 1) token_lens_to_idxs-style gather: select word-piece vectors per token and
    #    average them using the precomputed (idx, mask) matrices (mask holds 1/len).
    Bb, Ll, Dd = bert_outputs.shape
    gathered = jnp.take_along_axis(bert_outputs, token_idxs[:, :, None], axis=1)  # [B, T*W, D]
    gathered = gathered * token_masks[:, :, None]
    Tt = token_idxs.shape[1] // W
    token_reprs = gathered.reshape(Bb, Tt, W, Dd).sum(axis=2)  # [B, T, D]
    # 2) Linears: two-layer label scorer (entity label FFN head)
    h = jax.nn.relu(token_reprs @ W1 + b1)
    scores = h @ W2 + b2  # [B, T, K]
    # 3) CRF forward algorithm (partition function) with sequence_mask + log_sum_exp
    lens = jnp.maximum(token_nums, 1)
    mask = jnp.arange(Tt)[None, :] < lens[:, None]  # sequence_mask
    scores_T = jnp.transpose(scores, (1, 0, 2))  # [T, B, K]
    mask_T = jnp.transpose(mask, (1, 0))         # [T, B]
    alpha0 = scores_T[0] + start_trans[None, :]
    def scan_fn(alpha, inp):
        emit, m = inp
        mat = alpha[:, :, None] + transitions[None, :, :] + emit[:, None, :]
        new_alpha = log_sum_exp(mat, 1)
        alpha = jnp.where(m[:, None], new_alpha, alpha)
        return alpha, None
    alpha, _ = jax.lax.scan(scan_fn, alpha0, (scores_T[1:], mask_T[1:]))
    logZ = log_sum_exp(alpha + end_trans[None, :], 1)  # [B]
    return logZ

if __name__ == "__main__":
    import jax
    _d = setup_inputs()
    print(jax.jit(kernel)(*tuple(_d.values())))

</pallas_src>

<mosaic_0001>
#map = affine_map<(d0, d1) -> (0, 0)>
module attributes {stable_mosaic.version = 14 : i64} {
  func.func @k(%arg0: i32, %arg1: i32, %arg2: memref<32768x1024xf32, #tpu.memory_space<hbm>>, %arg3: memref<1024x32xi32, #tpu.memory_space<hbm>>, %arg4: memref<32768x1024xf32, #tpu.memory_space<hbm>>, %arg5: memref<32x32xi32, #tpu.memory_space<vmem>>, %arg6: memref<2x32x1024xf32, #tpu.memory_space<vmem>>, %arg7: memref<!tpu.dma_semaphore, #tpu.memory_space<semaphore_mem>>, %arg8: memref<!tpu.dma_semaphore, #tpu.memory_space<semaphore_mem>>, %arg9: memref<!tpu.dma_semaphore, #tpu.memory_space<semaphore_mem>>, %arg10: memref<!tpu.dma_semaphore, #tpu.memory_space<semaphore_mem>>) attributes {dimension_semantics = [#tpu.dimension_semantics<core_parallel>, #tpu.dimension_semantics<subcore_parallel>], iteration_bounds = array<i64: 2, 16>, scalar_prefetch = 0 : i64, scratch_operands = 6 : i64, tpu.core_type = #tpu.core_type<sc_vector_subcore>, window_params = [{transform_indices = #map}, {transform_indices = #map}, {transform_indices = #map}]} {
    %mul3A = arith.constant 2 : i32
    %mul3A_0 = arith.muli %arg1, %mul3A : i32
    %add3A = arith.addi %mul3A_0, %arg0 : i32
    %mul3A_1 = arith.constant 1024 : i32
    %mul3A_2 = arith.muli %add3A, %mul3A_1 : i32
    %mul3A_3 = arith.constant 32 : i32
    %mul3A_4 = arith.muli %add3A, %mul3A_3 : i32
    "tpu.region"() ({
      %run_scoped3A = tpu.sem_alloc : memref<!tpu.dma_semaphore, #tpu.memory_space<semaphore_mem>>
      %dma_start3A_2515 = arith.constant 0 : i32
      %dma_start3A_2516 = tpu.memref_slice %arg3[%mul3A_4, %dma_start3A_2515] : memref<1024x32xi32, #tpu.memory_space<hbm>> -> memref<32x32xi32, #tpu.memory_space<hbm>>
      %dma_start3A_2517 = arith.constant 0 : i32
      %dma_start3A_2518 = tpu.memref_slice %arg3[%mul3A_4, %dma_start3A_2517] : memref<1024x32xi32, #tpu.memory_space<hbm>> -> memref<32x32xi32, #tpu.memory_space<hbm>>
      tpu.enqueue_dma source(%dma_start3A_2518 : memref<32x32xi32, #tpu.memory_space<hbm>>) target(%arg5 : memref<32x32xi32, #tpu.memory_space<vmem>>) target_semaphore(%run_scoped3A : memref<!tpu.dma_semaphore, #tpu.memory_space<semaphore_mem>>)
      %dma_wait3A_2519 = arith.constant 0 : i32
      %dma_wait3A_2520 = tpu.memref_slice %arg3[%mul3A_4, %dma_wait3A_2519] : memref<1024x32xi32, #tpu.memory_space<hbm>> -> memref<32x32xi32, #tpu.memory_space<hbm>>
      %dma_wait3A_2521 = arith.constant 0 : i32
      %dma_wait3A_2522 = tpu.memref_slice %arg3[%mul3A_4, %dma_wait3A_2521] : memref<1024x32xi32, #tpu.memory_space<hbm>> -> memref<32x32xi32, #tpu.memory_space<hbm>>
      tpu.wait_dma2 semaphore(%run_scoped3A : memref<!tpu.dma_semaphore, #tpu.memory_space<semaphore_mem>>) src(%dma_wait3A_2522 : memref<32x32xi32, #tpu.memory_space<hbm>>) dst(%arg5 : memref<32x32xi32, #tpu.memory_space<vmem>>)
      tpu.yield
    }) : () -> ()
    %jit3A = arith.constant 2048 : i32
    %div3A = arith.divsi %mul3A_2, %jit3A : i32
    %sign3A = arith.constant 0 : i32
    %sign3A_5 = arith.cmpi sgt, %mul3A_2, %sign3A : i32
    %sign3A_6 = arith.extui %sign3A_5 : i1 to i32
    %sign3A_7 = arith.constant 0 : i32
    %sign3A_8 = arith.cmpi slt, %mul3A_2, %sign3A_7 : i32
    %sign3A_9 = arith.extui %sign3A_8 : i1 to i32
    %sign3A_10 = arith.subi %sign3A_6, %sign3A_9 : i32
    %sign3A_11 = arith.constant 0 : i32
    %sign3A_12 = arith.cmpi sgt, %jit3A, %sign3A_11 : i32
    %sign3A_13 = arith.extui %sign3A_12 : i1 to i32
    %sign3A_14 = arith.constant 0 : i32
    %sign3A_15 = arith.cmpi slt, %jit3A, %sign3A_14 : i32
    %sign3A_16 = arith.extui %sign3A_15 : i1 to i32
    %sign3A_17 = arith.subi %sign3A_13, %sign3A_16 : i32
    %ne3A = arith.cmpi ne, %sign3A_10, %sign3A_17 : i32
    %rem3A = arith.remsi %mul3A_2, %jit3A : i32
    %ne3A_18 = arith.constant 0 : i32
    %ne3A_19 = arith.cmpi ne, %rem3A, %ne3A_18 : i32
    %and3A = arith.andi %ne3A, %ne3A_19 : i1
    %sub3A = arith.constant 1 : i32
    %sub3A_20 = arith.subi %div3A, %sub3A : i32
    %select_n3A = arith.select %and3A, %sub3A_20, %div3A : i32
    %mul3A_21 = arith.constant 2048 : i32
    %mul3A_22 = arith.muli %select_n3A, %mul3A_21 : i32
    %get3A = arith.constant 0 : i32
    %get3A_23 = arith.index_cast %get3A : i32 to index
    %get3A_24 = arith.constant 0 : index
    %get3A_25 = tpu.vector_load %arg5[%get3A_23, %get3A_24] {strides = array<i32>} : memref<32x32xi32, #tpu.memory_space<vmem>>, vector<1x16xi32>,
    %get3A_26 = vector.shape_cast %get3A_25 : vector<1x16xi32> to vector<16xi32>
    %add3A_27 = vector.broadcast %mul3A_22 : i32 to vector<16xi32>
    %add3A_28 = arith.addi %get3A_26, %add3A_27 : vector<16xi32>
    %swap3A = arith.constant 0 : i32
    %swap3A_29 = arith.index_cast %swap3A : i32 to index
    %swap3A_30 = arith.constant 0 : index
    %swap3A_31 = tpu.vector_load %arg5[%swap3A_29, %swap3A_30] {strides = array<i32>} : memref<32x32xi32, #tpu.memory_space<vmem>>, vector<1x16xi32>,
    %swap3A_32 = vector.shape_cast %swap3A_31 : vector<1x16xi32> to vector<16xi32>
    %swap3A_33 = vector.shape_cast %add3A_28 : vector<16xi32> to vector<1x16xi32>
    tpu.vector_store %arg5[%swap3A_29, %swap3A_30], %swap3A_33 {strides = array<i32>} : memref<32x32xi32, #tpu.memory_space<vmem>>, vector<1x16xi32>,
    %get3A_34 = arith.constant 0 : i32
    %get3A_35 = arith.index_cast %get3A_34 : i32 to index
    %get3A_36 = arith.constant 16 : index
    %get3A_37 = tpu.vector_load %arg5[%get3A_35, %get3A_36] {strides = array<i32>} : memref<32x32xi32, #tpu.memory_space<vmem>>, vector<1x16xi32>,
    %get3A_38 = vector.shape_cast %get3A_37 : vector<1x16xi32> to vector<16xi32>
    %add3A_39 = vector.broadcast %mul3A_22 : i32 to vector<16xi32>
    %add3A_40 = arith.addi %get3A_38, %add3A_39 : vector<16xi32>
    %swap3A_41 = arith.constant 0 : i32
    %swap3A_42 = arith.index_cast %swap3A_41 : i32 to index
    %swap3A_43 = arith.constant 16 : index
    %swap3A_44 = tpu.vector_load %arg5[%swap3A_42, %swap3A_43] {strides = array<i32>} : memref<32x32xi32, #tpu.memory_space<vmem>>, vector<1x16xi32>,
    %swap3A_45 = vector.shape_cast %swap3A_44 : vector<1x16xi32> to vector<16xi32>
    %swap3A_46 = vector.shape_cast %add3A_40 : vector<16xi32> to vector<1x16xi32>
    tpu.vector_store %arg5[%swap3A_42, %swap3A_43], %swap3A_46 {strides = array<i32>} : memref<32x32xi32, #tpu.memory_space<vmem>>, vector<1x16xi32>,
    %get3A_47 = arith.constant 1 : i32
    %get3A_48 = arith.index_cast %get3A_47 : i32 to index
    %get3A_49 = arith.constant 0 : index
    %get3A_50 = tpu.vector_load %arg5[%get3A_48, %get3A_49] {strides = array<i32>} : memref<32x32xi32, #tpu.memory_space<vmem>>, vector<1x16xi32>,
    %get3A_51 = vector.shape_cast %get3A_50 : vector<1x16xi32> to vector<16xi32>
    %add3A_52 = vector.broadcast %mul3A_22 : i32 to vector<16xi32>
    %add3A_53 = arith.addi %get3A_51, %add3A_52 : vector<16xi32>
    %swap3A_54 = arith.constant 1 : i32
    %swap3A_55 = arith.index_cast %swap3A_54 : i32 to index
    %swap3A_56 = arith.constant 0 : index
    %swap3A_57 = tpu.vector_load %arg5[%swap3A_55, %swap3A_56] {strides = array<i32>} : memref<32x32xi32, #tpu.memory_space<vmem>>, vector<1x16xi32>,
    %swap3A_58 = vector.shape_cast %swap3A_57 : vector<1x16xi32> to vector<16xi32>
    %swap3A_59 = vector.shape_cast %add3A_53 : vector<16xi32> to vector<1x16xi32>
    tpu.vector_store %arg5[%swap3A_55, %swap3A_56], %swap3A_59 {strides = array<i32>} : memref<32x32xi32, #tpu.memory_space<vmem>>, vector<1x16xi32>,
    %get3A_60 = arith.constant 1 : i32
    %get3A_61 = arith.index_cast %get3A_60 : i32 to index
    %get3A_62 = arith.constant 16 : index
    %get3A_63 = tpu.vector_load %arg5[%get3A_61, %get3A_62] {strides = array<i32>} : memref<32x32xi32, #tpu.memory_space<vmem>>, vector<1x16xi32>,
    %get3A_64 = vector.shape_cast %get3A_63 : vector<1x16xi32> to vector<16xi32>
    %add3A_65 = vector.broadcast %mul3A_22 : i32 to vector<16xi32>
    %add3A_66 = arith.addi %get3A_64, %add3A_65 : vector<16xi32>
    %swap3A_67 = arith.constant 1 : i32
    %swap3A_68 = arith.index_cast %swap3A_67 : i32 to index
    %swap3A_69 = arith.constant 16 : index
    %swap3A_70 = tpu.vector_load %arg5[%swap3A_68, %swap3A_69] {strides = array<i32>} : memref<32x32xi32, #tpu.memory_space<vmem>>, vector<1x16xi32>,
    %swap3A_71 = vector.shape_cast %swap3A_70 : vector<1x16xi32> to vector<16xi32>
    %swap3A_72 = vector.shape_cast %add3A_66 : vector<16xi32> to vector<1x16xi32>
    tpu.vector_store %arg5[%swap3A_68, %swap3A_69], %swap3A_72 {strides = array<i32>} : memref<32x32xi32, #tpu.memory_space<vmem>>, vector<1x16xi32>,
    %get3A_73 = arith.constant 2 : i32
    %get3A_74 = arith.index_cast %get3A_73 : i32 to index
    %get3A_75 = arith.constant 0 : index
    %get3A_76 = tpu.vector_load %arg5[%get3A_74, %get3A_75] {strides = array<i32>} : memref<32x32xi32, #tpu.memory_space<vmem>>, vector<1x16xi32>,
    %get3A_77 = vector.shape_cast %get3A_76 : vector<1x16xi32> to vector<16xi32>
    %add3A_78 = vector.broadcast %mul3A_22 : i32 to vector<16xi32>
    %add3A_79 = arith.addi %get3A_77, %add3A_78 : vector<16xi32>
    %swap3A_80 = arith.constant 2 : i32
    %swap3A_81 = arith.index_cast %swap3A_80 : i32 to index
    %swap3A_82 = arith.constant 0 : index
    %swap3A_83 = tpu.vector_load %arg5[%swap3A_81, %swap3A_82] {strides = array<i32>} : memref<32x32xi32, #tpu.memory_space<vmem>>, vector<1x16xi32>,
    %swap3A_84 = vector.shape_cast %swap3A_83 : vector<1x16xi32> to vector<16xi32>
    %swap3A_85 = vector.shape_cast %add3A_79 : vector<16xi32> to vector<1x16xi32>
    tpu.vector_store %arg5[%swap3A_81, %swap3A_82], %swap3A_85 {strides = array<i32>} : memref<32x32xi32, #tpu.memory_space<vmem>>, vector<1x16xi32>,
    %get3A_86 = arith.constant 2 : i32
    %get3A_87 = arith.index_cast %get3A_86 : i32 to index
    %get3A_88 = arith.constant 16 : index
    %get3A_89 = tpu.vector_load %arg5[%get3A_87, %get3A_88] {strides = array<i32>} : memref<32x32xi32, #tpu.memory_space<vmem>>, vector<1x16xi32>,
    %get3A_90 = vector.shape_cast %get3A_89 : vector<1x16xi32> to vector<16xi32>
    %add3A_91 = vector.broadcast %mul3A_22 : i32 to vector<16xi32>
    %add3A_92 = arith.addi %get3A_90, %add3A_91 : vector<16xi32>
    %swap3A_93 = arith.constant 2 : i32
    %swap3A_94 = arith.index_cast %swap3A_93 : i32 to index
    %swap3A_95 = arith.constant 16 : index
    %swap3A_96 = tpu.vector_load %arg5[%swap3A_94, %swap3A_95] {strides = array<i32>} : memref<32x32xi32, #tpu.memory_space<vmem>>, vector<1x16xi32>,
    %swap3A_97 = vector.shape_cast %swap3A_96 : vector<1x16xi32> to vector<16xi32>
    %swap3A_98 = vector.shape_cast %add3A_92 : vector<16xi32> to vector<1x16xi32>
    tpu.vector_store %arg5[%swap3A_94, %swap3A_95], %swap3A_98 {strides = array<i32>} : memref<32x32xi32, #tpu.memory_space<vmem>>, vector<1x16xi32>,
    %get3A_99 = arith.constant 3 : i32
    %get3A_100 = arith.index_cast %get3A_99 : i32 to index
    %get3A_101 = arith.constant 0 : index
    %get3A_102 = tpu.vector_load %arg5[%get3A_100, %get3A_101] {strides = array<i32>} : memref<32x32xi32, #tpu.memory_space<vmem>>, vector<1x16xi32>,
    %get3A_103 = vector.shape_cast %get3A_102 : vector<1x16xi32> to vector<16xi32>
    %add3A_104 = vector.broadcast %mul3A_22 : i32 to vector<16xi32>
    %add3A_105 = arith.addi %get3A_103, %add3A_104 : vector<16xi32>
    %swap3A_106 = arith.constant 3 : i32
    %swap3A_107 = arith.index_cast %swap3A_106 : i32 to index
    %swap3A_108 = arith.constant 0 : index
    %swap3A_109 = tpu.vector_load %arg5[%swap3A_107, %swap3A_108] {strides = array<i32>} : memref<32x32xi32, #tpu.memory_space<vmem>>, vector<1x16xi32>,
    %swap3A_110 = vector.shape_cast %swap3A_109 : vector<1x16xi32> to vector<16xi32>
    %swap3A_111 = vector.shape_cast %add3A_105 : vector<16xi32> to vector<1x16xi32>
    tpu.vector_store %arg5[%swap3A_107, %swap3A_108], %swap3A_111 {strides = array<i32>} : memref<32x32xi32, #tpu.memory_space<vmem>>, vector<1x16xi32>,
    %get3A_112 = arith.constant 3 : i32
    %get3A_113 = arith.index_cast %get3A_112 : i32 to index
    %get3A_114 = arith.constant 16 : index
    %get3A_115 = tpu.vector_load %arg5[%get3A_113, %get3A_114] {strides = array<i32>} : memref<32x32xi32, #tpu.memory_space<vmem>>, vector<1x16xi32>,
    %get3A_116 = vector.shape_cast %get3A_115 : vector<1x16xi32> to vector<16xi32>
    %add3A_117 = vector.broadcast %mul3A_22 : i32 to vector<16xi32>
    %add3A_118 = arith.addi %get3A_116, %add3A_117 : vector<16xi32>
    %swap3A_119 = arith.constant 3 : i32
    %swap3A_120 = arith.index_cast %swap3A_119 : i32 to index
    %swap3A_121 = arith.constant 16 : index
    %swap3A_122 = tpu.vector_load %arg5[%swap3A_120, %swap3A_121] {strides = array<i32>} : memref<32x32xi32, #tpu.memory_space<vmem>>, vector<1x16xi32>,
    %swap3A_123 = vector.shape_cast %swap3A_122 : vector<1x16xi32> to vector<16xi32>
    %swap3A_124 = vector.shape_cast %add3A_118 : vector<16xi32> to vector<1x16xi32>
    tpu.vector_store %arg5[%swap3A_120, %swap3A_121], %swap3A_124 {strides = array<i32>} : memref<32x32xi32, #tpu.memory_space<vmem>>, vector<1x16xi32>,
    %get3A_125 = arith.constant 4 : i32
    %get3A_126 = arith.index_cast %get3A_125 : i32 to index
    %get3A_127 = arith.constant 0 : index
    %get3A_128 = tpu.vector_load %arg5[%get3A_126, %get3A_127] {strides = array<i32>} : memref<32x32xi32, #tpu.memory_space<vmem>>, vector<1x16xi32>,
    %get3A_129 = vector.shape_cast %get3A_128 : vector<1x16xi32> to vector<16xi32>
    %add3A_130 = vector.broadcast %mul3A_22 : i32 to vector<16xi32>
    %add3A_131 = arith.addi %get3A_129, %add3A_130 : vector<16xi32>
    %swap3A_132 = arith.constant 4 : i32
    %swap3A_133 = arith.index_cast %swap3A_132 : i32 to index
    %swap3A_134 = arith.constant 0 : index
    %swap3A_135 = tpu.vector_load %arg5[%swap3A_133, %swap3A_134] {strides = array<i32>} : memref<32x32xi32, #tpu.memory_space<vmem>>, vector<1x16xi32>,
    %swap3A_136 = vector.shape_cast %swap3A_135 : vector<1x16xi32> to vector<16xi32>
    %swap3A_137 = vector.shape_cast %add3A_131 : vector<16xi32> to vector<1x16xi32>
    tpu.vector_store %arg5[%swap3A_133, %swap3A_134], %swap3A_137 {strides = array<i32>} : memref<32x32xi32, #tpu.memory_space<vmem>>, vector<1x16xi32>,
    %get3A_138 = arith.constant 4 : i32
    %get3A_139 = arith.index_cast %get3A_138 : i32 to index
    %get3A_140 = arith.constant 16 : index
    %get3A_141 = tpu.vector_load %arg5[%get3A_139, %get3A_140] {strides = array<i32>} : memref<32x32xi32, #tpu.memory_space<vmem>>, vector<1x16xi32>,
    %get3A_142 = vector.shape_cast %get3A_141 : vector<1x16xi32> to vector<16xi32>
    %add3A_143 = vector.broadcast %mul3A_22 : i32 to vector<16xi32>
    %add3A_144 = arith.addi %get3A_142, %add3A_143 : vector<16xi32>
    %swap3A_145 = arith.constant 4 : i32
    %swap3A_146 = arith.index_cast %swap3A_145 : i32 to index
    %swap3A_147 = arith.constant 16 : index
    %swap3A_148 = tpu.vector_load %arg5[%swap3A_146, %swap3A_147] {strides = array<i32>} : memref<32x32xi32, #tpu.memory_space<vmem>>, vector<1x16xi32>,
    %swap3A_149 = vector.shape_cast %swap3A_148 : vector<1x16xi32> to vector<16xi32>
    %swap3A_150 = vector.shape_cast %add3A_144 : vector<16xi32> to vector<1x16xi32>
    tpu.vector_store %arg5[%swap3A_146, %swap3A_147], %swap3A_150 {strides = array<i32>} : memref<32x32xi32, #tpu.memory_space<vmem>>, vector<1x16xi32>,
    %get3A_151 = arith.constant 5 : i32
    %get3A_152 = arith.index_cast %get3A_151 : i32 to index
    %get3A_153 = arith.constant 0 : index
    %get3A_154 = tpu.vector_load %arg5[%get3A_152, %get3A_153] {strides = array<i32>} : memref<32x32xi32, #tpu.memory_space<vmem>>, vector<1x16xi32>,
    %get3A_155 = vector.shape_cast %get3A_154 : vector<1x16xi32> to vector<16xi32>
    %add3A_156 = vector.broadcast %mul3A_22 : i32 to vector<16xi32>
    %add3A_157 = arith.addi %get3A_155, %add3A_156 : vector<16xi32>
    %swap3A_158 = arith.constant 5 : i32
    %swap3A_159 = arith.index_cast %swap3A_158 : i32 to index
    %swap3A_160 = arith.constant 0 : index
    %swap3A_161 = tpu.vector_load %arg5[%swap3A_159, %swap3A_160] {strides = array<i32>} : memref<32x32xi32, #tpu.memory_space<vmem>>, vector<1x16xi32>,
    %swap3A_162 = vector.shape_cast %swap3A_161 : vector<1x16xi32> to vector<16xi32>
    %swap3A_163 = vector.shape_cast %add3A_157 : vector<16xi32> to vector<1x16xi32>
    tpu.vector_store %arg5[%swap3A_159, %swap3A_160], %swap3A_163 {strides = array<i32>} : memref<32x32xi32, #tpu.memory_space<vmem>>, vector<1x16xi32>,
    %get3A_164 = arith.constant 5 : i32
    %get3A_165 = arith.index_cast %get3A_164 : i32 to index
    %get3A_166 = arith.constant 16 : index
    %get3A_167 = tpu.vector_load %arg5[%get3A_165, %get3A_166] {strides = array<i32>} : memref<32x32xi32, #tpu.memory_space<vmem>>, vector<1x16xi32>,
    %get3A_168 = vector.shape_cast %get3A_167 : vector<1x16xi32> to vector<16xi32>
    %add3A_169 = vector.broadcast %mul3A_22 : i32 to vector<16xi32>
    %add3A_170 = arith.addi %get3A_168, %add3A_169 : vector<16xi32>
    %swap3A_171 = arith.constant 5 : i32
    %swap3A_172 = arith.index_cast %swap3A_171 : i32 to index
    %swap3A_173 = arith.constant 16 : index
    %swap3A_174 = tpu.vector_load %arg5[%swap3A_172, %swap3A_173] {strides = array<i32>} : memref<32x32xi32, #tpu.memory_space<vmem>>, vector<1x16xi32>,
    %swap3A_175 = vector.shape_cast %swap3A_174 : vector<1x16xi32> to vector<16xi32>
    %swap3A_176 = vector.shape_cast %add3A_170 : vector<16xi32> to vector<1x16xi32>
    tpu.vector_store %arg5[%swap3A_172, %swap3A_173], %swap3A_176 {strides = array<i32>} : memref<32x32xi32, #tpu.memory_space<vmem>>, vector<1x16xi32>,
    %get3A_177 = arith.constant 6 : i32
    %get3A_178 = arith.index_cast %get3A_177 : i32 to index
    %get3A_179 = arith.constant 0 : index
    %get3A_180 = tpu.vector_load %arg5[%get3A_178, %get3A_179] {strides = array<i32>} : memref<32x32xi32, #tpu.memory_space<vmem>>, vector<1x16xi32>,
    %get3A_181 = vector.shape_cast %get3A_180 : vector<1x16xi32> to vector<16xi32>
    %add3A_182 = vector.broadcast %mul3A_22 : i32 to vector<16xi32>
    %add3A_183 = arith.addi %get3A_181, %add3A_182 : vector<16xi32>
    %swap3A_184 = arith.constant 6 : i32
    %swap3A_185 = arith.index_cast %swap3A_184 : i32 to index
    %swap3A_186 = arith.constant 0 : index
    %swap3A_187 = tpu.vector_load %arg5[%swap3A_185, %swap3A_186] {strides = array<i32>} : memref<32x32xi32, #tpu.memory_space<vmem>>, vector<1x16xi32>,
    %swap3A_188 = vector.shape_cast %swap3A_187 : vector<1x16xi32> to vector<16xi32>
    %swap3A_189 = vector.shape_cast %add3A_183 : vector<16xi32> to vector<1x16xi32>
    tpu.vector_store %arg5[%swap3A_185, %swap3A_186], %swap3A_189 {strides = array<i32>} : memref<32x32xi32, #tpu.memory_space<vmem>>, vector<1x16xi32>,
    %get3A_190 = arith.constant 6 : i32
    %get3A_191 = arith.index_cast %get3A_190 : i32 to index
    %get3A_192 = arith.constant 16 : index
    %get3A_193 = tpu.vector_load %arg5[%get3A_191, %get3A_192] {strides = array<i32>} : memref<32x32xi32, #tpu.memory_space<vmem>>, vector<1x16xi32>,
    %get3A_194 = vector.shape_cast %get3A_193 : vector<1x16xi32> to vector<16xi32>
    %add3A_195 = vector.broadcast %mul3A_22 : i32 to vector<16xi32>
    %add3A_196 = arith.addi %get3A_194, %add3A_195 : vector<16xi32>
    %swap3A_197 = arith.constant 6 : i32
    %swap3A_198 = arith.index_cast %swap3A_197 : i32 to index
    %swap3A_199 = arith.constant 16 : index
    %swap3A_200 = tpu.vector_load %arg5[%swap3A_198, %swap3A_199] {strides = array<i32>} : memref<32x32xi32, #tpu.memory_space<vmem>>, vector<1x16xi32>,
    %swap3A_201 = vector.shape_cast %swap3A_200 : vector<1x16xi32> to vector<16xi32>
    %swap3A_202 = vector.shape_cast %add3A_196 : vector<16xi32> to vector<1x16xi32>
    tpu.vector_store %arg5[%swap3A_198, %swap3A_199], %swap3A_202 {strides = array<i32>} : memref<32x32xi32, #tpu.memory_space<vmem>>, vector<1x16xi32>,
    %get3A_203 = arith.constant 7 : i32
    %get3A_204 = arith.index_cast %get3A_203 : i32 to index
    %get3A_205 = arith.constant 0 : index
    %get3A_206 = tpu.vector_load %arg5[%get3A_204, %get3A_205] {strides = array<i32>} : memref<32x32xi32, #tpu.memory_space<vmem>>, vector<1x16xi32>,
    %get3A_207 = vector.shape_cast %get3A_206 : vector<1x16xi32> to vector<16xi32>
    %add3A_208 = vector.broadcast %mul3A_22 : i32 to vector<16xi32>
    %add3A_209 = arith.addi %get3A_207, %add3A_208 : vector<16xi32>
    %swap3A_210 = arith.constant 7 : i32
    %swap3A_211 = arith.index_cast %swap3A_210 : i32 to index
    %swap3A_212 = arith.constant 0 : index
    %swap3A_213 = tpu.vector_load %arg5[%swap3A_211, %swap3A_212] {strides = array<i32>} : memref<32x32xi32, #tpu.memory_space<vmem>>, vector<1x16xi32>,
    %swap3A_214 = vector.shape_cast %swap3A_213 : vector<1x16xi32> to vector<16xi32>
    %swap3A_215 = vector.shape_cast %add3A_209 : vector<16xi32> to vector<1x16xi32>
    tpu.vector_store %arg5[%swap3A_211, %swap3A_212], %swap3A_215 {strides = array<i32>} : memref<32x32xi32, #tpu.memory_space<vmem>>, vector<1x16xi32>,
    %get3A_216 = arith.constant 7 : i32
    %get3A_217 = arith.index_cast %get3A_216 : i32 to index
    %get3A_218 = arith.constant 16 : index
    %get3A_219 = tpu.vector_load %arg5[%get3A_217, %get3A_218] {strides = array<i32>} : memref<32x32xi32, #tpu.memory_space<vmem>>, vector<1x16xi32>,
    %get3A_220 = vector.shape_cast %get3A_219 : vector<1x16xi32> to vector<16xi32>
    %add3A_221 = vector.broadcast %mul3A_22 : i32 to vector<16xi32>
    %add3A_222 = arith.addi %get3A_220, %add3A_221 : vector<16xi32>
    %swap3A_223 = arith.constant 7 : i32
    %swap3A_224 = arith.index_cast %swap3A_223 : i32 to index
    %swap3A_225 = arith.constant 16 : index
    %swap3A_226 = tpu.vector_load %arg5[%swap3A_224, %swap3A_225] {strides = array<i32>} : memref<32x32xi32, #tpu.memory_space<vmem>>, vector<1x16xi32>,
    %swap3A_227 = vector.shape_cast %swap3A_226 : vector<1x16xi32> to vector<16xi32>
    %swap3A_228 = vector.shape_cast %add3A_222 : vector<16xi32> to vector<1x16xi32>
    tpu.vector_store %arg5[%swap3A_224, %swap3A_225], %swap3A_228 {strides = array<i32>} : memref<32x32xi32, #tpu.memory_space<vmem>>, vector<1x16xi32>,
    %get3A_229 = arith.constant 8 : i32
    %get3A_230 = arith.index_cast %get3A_229 : i32 to index
    %get3A_231 = arith.constant 0 : index
    %get3A_232 = tpu.vector_load %arg5[%get3A_230, %get3A_231] {strides = array<i32>} : memref<32x32xi32, #tpu.memory_space<vmem>>, vector<1x16xi32>,
    %get3A_233 = vector.shape_cast %get3A_232 : vector<1x16xi32> to vector<16xi32>
    %add3A_234 = vector.broadcast %mul3A_22 : i32 to vector<16xi32>
    %add3A_235 = arith.addi %get3A_233, %add3A_234 : vector<16xi32>
    %swap3A_236 = arith.constant 8 : i32
    %swap3A_237 = arith.index_cast %swap3A_236 : i32 to index
    %swap3A_238 = arith.constant 0 : index
    %swap3A_239 = tpu.vector_load %arg5[%swap3A_237, %swap3A_238] {strides = array<i32>} : memref<32x32xi32, #tpu.memory_space<vmem>>, vector<1x16xi32>,
    %swap3A_240 = vector.shape_cast %swap3A_239 : vector<1x16xi32> to vector<16xi32>
    %swap3A_241 = vector.shape_cast %add3A_235 : vector<16xi32> to vector<1x16xi32>
    tpu.vector_store %arg5[%swap3A_237, %swap3A_238], %swap3A_241 {strides = array<i32>} : memref<32x32xi32, #tpu.memory_space<vmem>>, vector<1x16xi32>,
    %get3A_242 = arith.constant 8 : i32
    %get3A_243 = arith.index_cast %get3A_242 : i32 to index
    %get3A_244 = arith.constant 16 : index
    %get3A_245 = tpu.vector_load %arg5[%get3A_243, %get3A_244] {strides = array<i32>} : memref<32x32xi32, #tpu.memory_space<vmem>>, vector<1x16xi32>,
    %get3A_246 = vector.shape_cast %get3A_245 : vector<1x16xi32> to vector<16xi32>
    %add3A_247 = vector.broadcast %mul3A_22 : i32 to vector<16xi32>
    %add3A_248 = arith.addi %get3A_246, %add3A_247 : vector<16xi32>
    %swap3A_249 = arith.constant 8 : i32
    %swap3A_250 = arith.index_cast %swap3A_249 : i32 to index
    %swap3A_251 = arith.constant 16 : index
    %swap3A_252 = tpu.vector_load %arg5[%swap3A_250, %swap3A_251] {strides = array<i32>} : memref<32x32xi32, #tpu.memory_space<vmem>>, vector<1x16xi32>,
    %swap3A_253 = vector.shape_cast %swap3A_252 : vector<1x16xi32> to vector<16xi32>
    %swap3A_254 = vector.shape_cast %add3A_248 : vector<16xi32> to vector<1x16xi32>
    tpu.vector_store %arg5[%swap3A_250, %swap3A_251], %swap3A_254 {strides = array<i32>} : memref<32x32xi32, #tpu.memory_space<vmem>>, vector<1x16xi32>,
    %get3A_255 = arith.constant 9 : i32
    %get3A_256 = arith.index_cast %get3A_255 : i32 to index
    %get3A_257 = arith.constant 0 : index
    %get3A_258 = tpu.vector_load %arg5[%get3A_256, %get3A_257] {strides = array<i32>} : memref<32x32xi32, #tpu.memory_space<vmem>>, vector<1x16xi32>,
    %get3A_259 = vector.shape_cast %get3A_258 : vector<1x16xi32> to vector<16xi32>
    %add3A_260 = vector.broadcast %mul3A_22 : i32 to vector<16xi32>
    %add3A_261 = arith.addi %get3A_259, %add3A_260 : vector<16xi32>
    %swap3A_262 = arith.constant 9 : i32
    %swap3A_263 = arith.index_cast %swap3A_262 : i32 to index
    %swap3A_264 = arith.constant 0 : index
    %swap3A_265 = tpu.vector_load %arg5[%swap3A_263, %swap3A_264] {strides = array<i32>} : memref<32x32xi32, #tpu.memory_space<vmem>>, vector<1x16xi32>,
    %swap3A_266 = vector.shape_cast %swap3A_265 : vector<1x16xi32> to vector<16xi32>
    %swap3A_267 = vector.shape_cast %add3A_261 : vector<16xi32> to vector<1x16xi32>
    tpu.vector_store %arg5[%swap3A_263, %swap3A_264], %swap3A_267 {strides = array<i32>} : memref<32x32xi32, #tpu.memory_space<vmem>>, vector<1x16xi32>,
    %get3A_268 = arith.constant 9 : i32
    %get3A_269 = arith.index_cast %get3A_268 : i32 to index
    %get3A_270 = arith.constant 16 : index
    %get3A_271 = tpu.vector_load %arg5[%get3A_269, %get3A_270] {strides = array<i32>} : memref<32x32xi32, #tpu.memory_space<vmem>>, vector<1x16xi32>,
    %get3A_272 = vector.shape_cast %get3A_271 : vector<1x16xi32> to vector<16xi32>
    %add3A_273 = vector.broadcast %mul3A_22 : i32 to vector<16xi32>
    %add3A_274 = arith.addi %get3A_272, %add3A_273 : vector<16xi32>
    %swap3A_275 = arith.constant 9 : i32
    %swap3A_276 = arith.index_cast %swap3A_275 : i32 to index
    %swap3A_277 = arith.constant 16 : index
    %swap3A_278 = tpu.vector_load %arg5[%swap3A_276, %swap3A_277] {strides = array<i32>} : memref<32x32xi32, #tpu.memory_space<vmem>>, vector<1x16xi32>,
    %swap3A_279 = vector.shape_cast %swap3A_278 : vector<1x16xi32> to vector<16xi32>
    %swap3A_280 = vector.shape_cast %add3A_274 : vector<16xi32> to vector<1x16xi32>
    tpu.vector_store %arg5[%swap3A_276, %swap3A_277], %swap3A_280 {strides = array<i32>} : memref<32x32xi32, #tpu.memory_space<vmem>>, vector<1x16xi32>,
    %get3A_281 = arith.constant 10 : i32
    %get3A_282 = arith.index_cast %get3A_281 : i32 to index
    %get3A_283 = arith.constant 0 : index
    %get3A_284 = tpu.vector_load %arg5[%get3A_282, %get3A_283] {strides = array<i32>} : memref<32x32xi32, #tpu.memory_space<vmem>>, vector<1x16xi32>,
    %get3A_285 = vector.shape_cast %get3A_284 : vector<1x16xi32> to vector<16xi32>
    %add3A_286 = vector.broadcast %mul3A_22 : i32 to vector<16xi32>
    %add3A_287 = arith.addi %get3A_285, %add3A_286 : vector<16xi32>
    %swap3A_288 = arith.constant 10 : i32
    %swap3A_289 = arith.index_cast %swap3A_288 : i32 to index
    %swap3A_290 = arith.constant 0 : index
    %swap3A_291 = tpu.vector_load %arg5[%swap3A_289, %swap3A_290] {strides = array<i32>} : memref<32x32xi32, #tpu.memory_space<vmem>>, vector<1x16xi32>,
    %swap3A_292 = vector.shape_cast %swap3A_291 : vector<1x16xi32> to vector<16xi32>
    %swap3A_293 = vector.shape_cast %add3A_287 : vector<16xi32> to vector<1x16xi32>
    tpu.vector_store %arg5[%swap3A_289, %swap3A_290], %swap3A_293 {strides = array<i32>} : memref<32x32xi32, #tpu.memory_space<vmem>>, vector<1x16xi32>,
    %get3A_294 = arith.constant 10 : i32
    %get3A_295 = arith.index_cast %get3A_294 : i32 to index
    %get3A_296 = arith.constant 16 : index
    %get3A_297 = tpu.vector_load %arg5[%get3A_295, %get3A_296] {strides = array<i32>} : memref<32x32xi32, #tpu.memory_space<vmem>>, vector<1x16xi32>,
    %get3A_298 = vector.shape_cast %get3A_297 : vector<1x16xi32> to vector<16xi32>
    %add3A_299 = vector.broadcast %mul3A_22 : i32 to vector<16xi32>
    %add3A_300 = arith.addi %get3A_298, %add3A_299 : vector<16xi32>
    %swap3A_301 = arith.constant 10 : i32
    %swap3A_302 = arith.index_cast %swap3A_301 : i32 to index
    %swap3A_303 = arith.constant 16 : index
    %swap3A_304 = tpu.vector_load %arg5[%swap3A_302, %swap3A_303] {strides = array<i32>} : memref<32x32xi32, #tpu.memory_space<vmem>>, vector<1x16xi32>,
    %swap3A_305 = vector.shape_cast %swap3A_304 : vector<1x16xi32> to vector<16xi32>
    %swap3A_306 = vector.shape_cast %add3A_300 : vector<16xi32> to vector<1x16xi32>
    tpu.vector_store %arg5[%swap3A_302, %swap3A_303], %swap3A_306 {strides = array<i32>} : memref<32x32xi32, #tpu.memory_space<vmem>>, vector<1x16xi32>,
    %get3A_307 = arith.constant 11 : i32
    %get3A_308 = arith.index_cast %get3A_307 : i32 to index
    %get3A_309 = arith.constant 0 : index
    %get3A_310 = tpu.vector_load %arg5[%get3A_308, %get3A_309] {strides = array<i32>} : memref<32x32xi32, #tpu.memory_space<vmem>>, vector<1x16xi32>,
    %get3A_311 = vector.shape_cast %get3A_310 : vector<1x16xi32> to vector<16xi32>
    %add3A_312 = vector.broadcast %mul3A_22 : i32 to vector<16xi32>
    %add3A_313 = arith.addi %get3A_311, %add3A_312 : vector<16xi32>
    %swap3A_314 = arith.constant 11 : i32
    %swap3A_315 = arith.index_cast %swap3A_314 : i32 to index
    %swap3A_316 = arith.constant 0 : index
    %swap3A_317 = tpu.vector_load %arg5[%swap3A_315, %swap3A_316] {strides = array<i32>} : memref<32x32xi32, #tpu.memory_space<vmem>>, vector<1x16xi32>,
    %swap3A_318 = vector.shape_cast %swap3A_317 : vector<1x16xi32> to vector<16xi32>
    %swap3A_319 = vector.shape_cast %add3A_313 : vector<16xi32> to vector<1x16xi32>
    tpu.vector_store %arg5[%swap3A_315, %swap3A_316], %swap3A_319 {strides = array<i32>} : memref<32x32xi32, #tpu.memory_space<vmem>>, vector<1x16xi32>,
    %get3A_320 = arith.constant 11 : i32
    %get3A_321 = arith.index_cast %get3A_320 : i32 to index
    %get3A_322 = arith.constant 16 : index
    %get3A_323 = tpu.vector_load %arg5[%get3A_321, %get3A_322] {strides = array<i32>} : memref<32x32xi32, #tpu.memory_space<vmem>>, vector<1x16xi32>,
    %get3A_324 = vector.shape_cast %get3A_323 : vector<1x16xi32> to vector<16xi32>
    %add3A_325 = vector.broadcast %mul3A_22 : i32 to vector<16xi32>
    %add3A_326 = arith.addi %get3A_324, %add3A_325 : vector<16xi32>
    %swap3A_327 = arith.constant 11 : i32
    %swap3A_328 = arith.index_cast %swap3A_327 : i32 to index
    %swap3A_329 = arith.constant 16 : index
    %swap3A_330 = tpu.vector_load %arg5[%swap3A_328, %swap3A_329] {strides = array<i32>} : memref<32x32xi32, #tpu.memory_space<vmem>>, vector<1x16xi32>,
    %swap3A_331 = vector.shape_cast %swap3A_330 : vector<1x16xi32> to vector<16xi32>
    %swap3A_332 = vector.shape_cast %add3A_326 : vector<16xi32> to vector<1x16xi32>
    tpu.vector_store %arg5[%swap3A_328, %swap3A_329], %swap3A_332 {strides = array<i32>} : memref<32x32xi32, #tpu.memory_space<vmem>>, vector<1x16xi32>,
    %get3A_333 = arith.constant 12 : i32
    %get3A_334 = arith.index_cast %get3A_333 : i32 to index
    %get3A_335 = arith.constant 0 : index
    %get3A_336 = tpu.vector_load %arg5[%get3A_334, %get3A_335] {strides = array<i32>} : memref<32x32xi32, #tpu.memory_space<vmem>>, vector<1x16xi32>,
    %get3A_337 = vector.shape_cast %get3A_336 : vector<1x16xi32> to vector<16xi32>
    %add3A_338 = vector.broadcast %mul3A_22 : i32 to vector<16xi32>
    %add3A_339 = arith.addi %get3A_337, %add3A_338 : vector<16xi32>
    %swap3A_340 = arith.constant 12 : i32
    %swap3A_341 = arith.index_cast %swap3A_340 : i32 to index
    %swap3A_342 = arith.constant 0 : index
    %swap3A_343 = tpu.vector_load %arg5[%swap3A_341, %swap3A_342] {strides = array<i32>} : memref<32x32xi32, #tpu.memory_space<vmem>>, vector<1x16xi32>,
    %swap3A_344 = vector.shape_cast %swap3A_343 : vector<1x16xi32> to vector<16xi32>
    %swap3A_345 = vector.shape_cast %add3A_339 : vector<16xi32> to vector<1x16xi32>
    tpu.vector_store %arg5[%swap3A_341, %swap3A_342], %swap3A_345 {strides = array<i32>} : memref<32x32xi32, #tpu.memory_space<vmem>>, vector<1x16xi32>,
    %get3A_346 = arith.constant 12 : i32
    %get3A_347 = arith.index_cast %get3A_346 : i32 to index
    %get3A_348 = arith.constant 16 : index
    %get3A_349 = tpu.vector_load %arg5[%get3A_347, %get3A_348] {strides = array<i32>} : memref<32x32xi32, #tpu.memory_space<vmem>>, vector<1x16xi32>,
    %get3A_350 = vector.shape_cast %get3A_349 : vector<1x16xi32> to vector<16xi32>
    %add3A_351 = vector.broadcast %mul3A_22 : i32 to vector<16xi32>
    %add3A_352 = arith.addi %get3A_350, %add3A_351 : vector<16xi32>
    %swap3A_353 = arith.constant 12 : i32
    %swap3A_354 = arith.index_cast %swap3A_353 : i32 to index
    %swap3A_355 = arith.constant 16 : index
    %swap3A_356 = tpu.vector_load %arg5[%swap3A_354, %swap3A_355] {strides = array<i32>} : memref<32x32xi32, #tpu.memory_space<vmem>>, vector<1x16xi32>,
    %swap3A_357 = vector.shape_cast %swap3A_356 : vector<1x16xi32> to vector<16xi32>
    %swap3A_358 = vector.shape_cast %add3A_352 : vector<16xi32> to vector<1x16xi32>
    tpu.vector_store %arg5[%swap3A_354, %swap3A_355], %swap3A_358 {strides = array<i32>} : memref<32x32xi32, #tpu.memory_space<vmem>>, vector<1x16xi32>,
    %get3A_359 = arith.constant 13 : i32
    %get3A_360 = arith.index_cast %get3A_359 : i32 to index
    %get3A_361 = arith.constant 0 : index
    %get3A_362 = tpu.vector_load %arg5[%get3A_360, %get3A_361] {strides = array<i32>} : memref<32x32xi32, #tpu.memory_space<vmem>>, vector<1x16xi32>,
    %get3A_363 = vector.shape_cast %get3A_362 : vector<1x16xi32> to vector<16xi32>
    %add3A_364 = vector.broadcast %mul3A_22 : i32 to vector<16xi32>
    %add3A_365 = arith.addi %get3A_363, %add3A_364 : vector<16xi32>
    %swap3A_366 = arith.constant 13 : i32
    %swap3A_367 = arith.index_cast %swap3A_366 : i32 to index
    %swap3A_368 = arith.constant 0 : index
    %swap3A_369 = tpu.vector_load %arg5[%swap3A_367, %swap3A_368] {strides = array<i32>} : memref<32x32xi32, #tpu.memory_space<vmem>>, vector<1x16xi32>,
    %swap3A_370 = vector.shape_cast %swap3A_369 : vector<1x16xi32> to vector<16xi32>
    %swap3A_371 = vector.shape_cast %add3A_365 : vector<16xi32> to vector<1x16xi32>
    tpu.vector_store %arg5[%swap3A_367, %swap3A_368], %swap3A_371 {strides = array<i32>} : memref<32x32xi32, #tpu.memory_space<vmem>>, vector<1x16xi32>,
    %get3A_372 = arith.constant 13 : i32
    %get3A_373 = arith.index_cast %get3A_372 : i32 to index
    %get3A_374 = arith.constant 16 : index
    %get3A_375 = tpu.vector_load %arg5[%get3A_373, %get3A_374] {strides = array<i32>} : memref<32x32xi32, #tpu.memory_space<vmem>>, vector<1x16xi32>,
    %get3A_376 = vector.shape_cast %get3A_375 : vector<1x16xi32> to vector<16xi32>
    %add3A_377 = vector.broadcast %mul3A_22 : i32 to vector<16xi32>
    %add3A_378 = arith.addi %get3A_376, %add3A_377 : vector<16xi32>
    %swap3A_379 = arith.constant 13 : i32
    %swap3A_380 = arith.index_cast %swap3A_379 : i32 to index
    %swap3A_381 = arith.constant 16 : index
    %swap3A_382 = tpu.vector_load %arg5[%swap3A_380, %swap3A_381] {strides = array<i32>} : memref<32x32xi32, #tpu.memory_space<vmem>>, vector<1x16xi32>,
    %swap3A_383 = vector.shape_cast %swap3A_382 : vector<1x16xi32> to vector<16xi32>
    %swap3A_384 = vector.shape_cast %add3A_378 : vector<16xi32> to vector<1x16xi32>
    tpu.vector_store %arg5[%swap3A_380, %swap3A_381], %swap3A_384 {strides = array<i32>} : memref<32x32xi32, #tpu.memory_space<vmem>>, vector<1x16xi32>,
    %get3A_385 = arith.constant 14 : i32
    %get3A_386 = arith.index_cast %get3A_385 : i32 to index
    %get3A_387 = arith.constant 0 : index
    %get3A_388 = tpu.vector_load %arg5[%get3A_386, %get3A_387] {strides = array<i32>} : memref<32x32xi32, #tpu.memory_space<vmem>>, vector<1x16xi32>,
    %get3A_389 = vector.shape_cast %get3A_388 : vector<1x16xi32> to vector<16xi32>
    %add3A_390 = vector.broadcast %mul3A_22 : i32 to vector<16xi32>
    %add3A_391 = arith.addi %get3A_389, %add3A_390 : vector<16xi32>
    %swap3A_392 = arith.constant 14 : i32
    %swap3A_393 = arith.index_cast %swap3A_392 : i32 to index
    %swap3A_394 = arith.constant 0 : index
    %swap3A_395 = tpu.vector_load %arg5[%swap3A_393, %swap3A_394] {strides = array<i32>} : memref<32x32xi32, #tpu.memory_space<vmem>>, vector<1x16xi32>,
    %swap3A_396 = vector.shape_cast %swap3A_395 : vector<1x16xi32> to vector<16xi32>
    %swap3A_397 = vector.shape_cast %add3A_391 : vector<16xi32> to vector<1x16xi32>
    tpu.vector_store %arg5[%swap3A_393, %swap3A_394], %swap3A_397 {strides = array<i32>} : memref<32x32xi32, #tpu.memory_space<vmem>>, vector<1x16xi32>,
    %get3A_398 = arith.constant 14 : i32
    %get3A_399 = arith.index_cast %get3A_398 : i32 to index
    %get3A_400 = arith.constant 16 : index
    %get3A_401 = tpu.vector_load %arg5[%get3A_399, %get3A_400] {strides = array<i32>} : memref<32x32xi32, #tpu.memory_space<vmem>>, vector<1x16xi32>,
    %get3A_402 = vector.shape_cast %get3A_401 : vector<1x16xi32> to vector<16xi32>
    %add3A_403 = vector.broadcast %mul3A_22 : i32 to vector<16xi32>
    %add3A_404 = arith.addi %get3A_402, %add3A_403 : vector<16xi32>
    %swap3A_405 = arith.constant 14 : i32
    %swap3A_406 = arith.index_cast %swap3A_405 : i32 to index
    %swap3A_407 = arith.constant 16 : index
    %swap3A_408 = tpu.vector_load %arg5[%swap3A_406, %swap3A_407] {strides = array<i32>} : memref<32x32xi32, #tpu.memory_space<vmem>>, vector<1x16xi32>,
    %swap3A_409 = vector.shape_cast %swap3A_408 : vector<1x16xi32> to vector<16xi32>
    %swap3A_410 = vector.shape_cast %add3A_404 : vector<16xi32> to vector<1x16xi32>
    tpu.vector_store %arg5[%swap3A_406, %swap3A_407], %swap3A_410 {strides = array<i32>} : memref<32x32xi32, #tpu.memory_space<vmem>>, vector<1x16xi32>,
    %get3A_411 = arith.constant 15 : i32
    %get3A_412 = arith.index_cast %get3A_411 : i32 to index
    %get3A_413 = arith.constant 0 : index
    %get3A_414 = tpu.vector_load %arg5[%get3A_412, %get3A_413] {strides = array<i32>} : memref<32x32xi32, #tpu.memory_space<vmem>>, vector<1x16xi32>,
    %get3A_415 = vector.shape_cast %get3A_414 : vector<1x16xi32> to vector<16xi32>
    %add3A_416 = vector.broadcast %mul3A_22 : i32 to vector<16xi32>
    %add3A_417 = arith.addi %get3A_415, %add3A_416 : vector<16xi32>
    %swap3A_418 = arith.constant 15 : i32
    %swap3A_419 = arith.index_cast %swap3A_418 : i32 to index
    %swap3A_420 = arith.constant 0 : index
    %swap3A_421 = tpu.vector_load %arg5[%swap3A_419, %swap3A_420] {strides = array<i32>} : memref<32x32xi32, #tpu.memory_space<vmem>>, vector<1x16xi32>,
    %swap3A_422 = vector.shape_cast %swap3A_421 : vector<1x16xi32> to vector<16xi32>
    %swap3A_423 = vector.shape_cast %add3A_417 : vector<16xi32> to vector<1x16xi32>
    tpu.vector_store %arg5[%swap3A_419, %swap3A_420], %swap3A_423 {strides = array<i32>} : memref<32x32xi32, #tpu.memory_space<vmem>>, vector<1x16xi32>,
    %get3A_424 = arith.constant 15 : i32
    %get3A_425 = arith.index_cast %get3A_424 : i32 to index
    %get3A_426 = arith.constant 16 : index
    %get3A_427 = tpu.vector_load %arg5[%get3A_425, %get3A_426] {strides = array<i32>} : memref<32x32xi32, #tpu.memory_space<vmem>>, vector<1x16xi32>,
    %get3A_428 = vector.shape_cast %get3A_427 : vector<1x16xi32> to vector<16xi32>
    %add3A_429 = vector.broadcast %mul3A_22 : i32 to vector<16xi32>
    %add3A_430 = arith.addi %get3A_428, %add3A_429 : vector<16xi32>
    %swap3A_431 = arith.constant 15 : i32
    %swap3A_432 = arith.index_cast %swap3A_431 : i32 to index
    %swap3A_433 = arith.constant 16 : index
    %swap3A_434 = tpu.vector_load %arg5[%swap3A_432, %swap3A_433] {strides = array<i32>} : memref<32x32xi32, #tpu.memory_space<vmem>>, vector<1x16xi32>,
    %swap3A_435 = vector.shape_cast %swap3A_434 : vector<1x16xi32> to vector<16xi32>
    %swap3A_436 = vector.shape_cast %add3A_430 : vector<16xi32> to vector<1x16xi32>
    tpu.vector_store %arg5[%swap3A_432, %swap3A_433], %swap3A_436 {strides = array<i32>} : memref<32x32xi32, #tpu.memory_space<vmem>>, vector<1x16xi32>,
    %get3A_437 = arith.constant 16 : i32
    %get3A_438 = arith.index_cast %get3A_437 : i32 to index
    %get3A_439 = arith.constant 0 : index
    %get3A_440 = tpu.vector_load %arg5[%get3A_438, %get3A_439] {strides = array<i32>} : memref<32x32xi32, #tpu.memory_space<vmem>>, vector<1x16xi32>,
    %get3A_441 = vector.shape_cast %get3A_440 : vector<1x16xi32> to vector<16xi32>
    %add3A_442 = vector.broadcast %mul3A_22 : i32 to vector<16xi32>
    %add3A_443 = arith.addi %get3A_441, %add3A_442 : vector<16xi32>
    %swap3A_444 = arith.constant 16 : i32
    %swap3A_445 = arith.index_cast %swap3A_444 : i32 to index
    %swap3A_446 = arith.constant 0 : index
    %swap3A_447 = tpu.vector_load %arg5[%swap3A_445, %swap3A_446] {strides = array<i32>} : memref<32x32xi32, #tpu.memory_space<vmem>>, vector<1x16xi32>,
    %swap3A_448 = vector.shape_cast %swap3A_447 : vector<1x16xi32> to vector<16xi32>
    %swap3A_449 = vector.shape_cast %add3A_443 : vector<16xi32> to vector<1x16xi32>
    tpu.vector_store %arg5[%swap3A_445, %swap3A_446], %swap3A_449 {strides = array<i32>} : memref<32x32xi32, #tpu.memory_space<vmem>>, vector<1x16xi32>,
    %get3A_450 = arith.constant 16 : i32
    %get3A_451 = arith.index_cast %get3A_450 : i32 to index
    %get3A_452 = arith.constant 16 : index
    %get3A_453 = tpu.vector_load %arg5[%get3A_451, %get3A_452] {strides = array<i32>} : memref<32x32xi32, #tpu.memory_space<vmem>>, vector<1x16xi32>,
    %get3A_454 = vector.shape_cast %get3A_453 : vector<1x16xi32> to vector<16xi32>
    %add3A_455 = vector.broadcast %mul3A_22 : i32 to vector<16xi32>
    %add3A_456 = arith.addi %get3A_454, %add3A_455 : vector<16xi32>
    %swap3A_457 = arith.constant 16 : i32
    %swap3A_458 = arith.index_cast %swap3A_457 : i32 to index
    %swap3A_459 = arith.constant 16 : index
    %swap3A_460 = tpu.vector_load %arg5[%swap3A_458, %swap3A_459] {strides = array<i32>} : memref<32x32xi32, #tpu.memory_space<vmem>>, vector<1x16xi32>,
    %swap3A_461 = vector.shape_cast %swap3A_460 : vector<1x16xi32> to vector<16xi32>
    %swap3A_462 = vector.shape_cast %add3A_456 : vector<16xi32> to vector<1x16xi32>
    tpu.vector_store %arg5[%swap3A_458, %swap3A_459], %swap3A_462 {strides = array<i32>} : memref<32x32xi32, #tpu.memory_space<vmem>>, vector<1x16xi32>,
    %get3A_463 = arith.constant 17 : i32
    %get3A_464 = arith.index_cast %get3A_463 : i32 to index
    %get3A_465 = arith.constant 0 : index
    %get3A_466 = tpu.vector_load %arg5[%get3A_464, %get3A_465] {strides = array<i32>} : memref<32x32xi32, #tpu.memory_space<vmem>>, vector<1x16xi32>,
    %get3A_467 = vector.shape_cast %get3A_466 : vector<1x16xi32> to vector<16xi32>
    %add3A_468 = vector.broadcast %mul3A_22 : i32 to vector<16xi32>
    %add3A_469 = arith.addi %get3A_467, %add3A_468 : vector<16xi32>
    %swap3A_470 = arith.constant 17 : i32
    %swap3A_471 = arith.index_cast %swap3A_470 : i32 to index
    %swap3A_472 = arith.constant 0 : index
    %swap3A_473 = tpu.vector_load %arg5[%swap3A_471, %swap3A_472] {strides = array<i32>} : memref<32x32xi32, #tpu.memory_space<vmem>>, vector<1x16xi32>,
    %swap3A_474 = vector.shape_cast %swap3A_473 : vector<1x16xi32> to vector<16xi32>
    %swap3A_475 = vector.shape_cast %add3A_469 : vector<16xi32> to vector<1x16xi32>
    tpu.vector_store %arg5[%swap3A_471, %swap3A_472], %swap3A_475 {strides = array<i32>} : memref<32x32xi32, #tpu.memory_space<vmem>>, vector<1x16xi32>,
    %get3A_476 = arith.constant 17 : i32
    %get3A_477 = arith.index_cast %get3A_476 : i32 to index
    %get3A_478 = arith.constant 16 : index
    %get3A_479 = tpu.vector_load %arg5[%get3A_477, %get3A_478] {strides = array<i32>} : memref<32x32xi32, #tpu.memory_space<vmem>>, vector<1x16xi32>,
    %get3A_480 = vector.shape_cast %get3A_479 : vector<1x16xi32> to vector<16xi32>
    %add3A_481 = vector.broadcast %mul3A_22 : i32 to vector<16xi32>
    %add3A_482 = arith.addi %get3A_480, %add3A_481 : vector<16xi32>
    %swap3A_483 = arith.constant 17 : i32
    %swap3A_484 = arith.index_cast %swap3A_483 : i32 to index
    %swap3A_485 = arith.constant 16 : index
    %swap3A_486 = tpu.vector_load %arg5[%swap3A_484, %swap3A_485] {strides = array<i32>} : memref<32x32xi32, #tpu.memory_space<vmem>>, vector<1x16xi32>,
    %swap3A_487 = vector.shape_cast %swap3A_486 : vector<1x16xi32> to vector<16xi32>
    %swap3A_488 = vector.shape_cast %add3A_482 : vector<16xi32> to vector<1x16xi32>
    tpu.vector_store %arg5[%swap3A_484, %swap3A_485], %swap3A_488 {strides = array<i32>} : memref<32x32xi32, #tpu.memory_space<vmem>>, vector<1x16xi32>,
    %get3A_489 = arith.constant 18 : i32
    %get3A_490 = arith.index_cast %get3A_489 : i32 to index
    %get3A_491 = arith.constant 0 : index
    %get3A_492 = tpu.vector_load %arg5[%get3A_490, %get3A_491] {strides = array<i32>} : memref<32x32xi32, #tpu.memory_space<vmem>>, vector<1x16xi32>,
    %get3A_493 = vector.shape_cast %get3A_492 : vector<1x16xi32> to vector<16xi32>
    %add3A_494 = vector.broadcast %mul3A_22 : i32 to vector<16xi32>
    %add3A_495 = arith.addi %get3A_493, %add3A_494 : vector<16xi32>
    %swap3A_496 = arith.constant 18 : i32
    %swap3A_497 = arith.index_cast %swap3A_496 : i32 to index
    %swap3A_498 = arith.constant 0 : index
    %swap3A_499 = tpu.vector_load %arg5[%swap3A_497, %swap3A_498] {strides = array<i32>} : memref<32x32xi32, #tpu.memory_space<vmem>>, vector<1x16xi32>,
    %swap3A_500 = vector.shape_cast %swap3A_499 : vector<1x16xi32> to vector<16xi32>
    %swap3A_501 = vector.shape_cast %add3A_495 : vector<16xi32> to vector<1x16xi32>
    tpu.vector_store %arg5[%swap3A_497, %swap3A_498], %swap3A_501 {strides = array<i32>} : memref<32x32xi32, #tpu.memory_space<vmem>>, vector<1x16xi32>,
    %get3A_502 = arith.constant 18 : i32
    %get3A_503 = arith.index_cast %get3A_502 : i32 to index
    %get3A_504 = arith.constant 16 : index
    %get3A_505 = tpu.vector_load %arg5[%get3A_503, %get3A_504] {strides = array<i32>} : memref<32x32xi32, #tpu.memory_space<vmem>>, vector<1x16xi32>,
    %get3A_506 = vector.shape_cast %get3A_505 : vector<1x16xi32> to vector<16xi32>
    %add3A_507 = vector.broadcast %mul3A_22 : i32 to vector<16xi32>
    %add3A_508 = arith.addi %get3A_506, %add3A_507 : vector<16xi32>
    %swap3A_509 = arith.constant 18 : i32
    %swap3A_510 = arith.index_cast %swap3A_509 : i32 to index
    %swap3A_511 = arith.constant 16 : index
    %swap3A_512 = tpu.vector_load %arg5[%swap3A_510, %swap3A_511] {strides = array<i32>} : memref<32x32xi32, #tpu.memory_space<vmem>>, vector<1x16xi32>,
    %swap3A_513 = vector.shape_cast %swap3A_512 : vector<1x16xi32> to vector<16xi32>
    %swap3A_514 = vector.shape_cast %add3A_508 : vector<16xi32> to vector<1x16xi32>
    tpu.vector_store %arg5[%swap3A_510, %swap3A_511], %swap3A_514 {strides = array<i32>} : memref<32x32xi32, #tpu.memory_space<vmem>>, vector<1x16xi32>,
    %get3A_515 = arith.constant 19 : i32
    %get3A_516 = arith.index_cast %get3A_515 : i32 to index
    %get3A_517 = arith.constant 0 : index
    %get3A_518 = tpu.vector_load %arg5[%get3A_516, %get3A_517] {strides = array<i32>} : memref<32x32xi32, #tpu.memory_space<vmem>>, vector<1x16xi32>,
    %get3A_519 = vector.shape_cast %get3A_518 : vector<1x16xi32> to vector<16xi32>
    %add3A_520 = vector.broadcast %mul3A_22 : i32 to vector<16xi32>
    %add3A_521 = arith.addi %get3A_519, %add3A_520 : vector<16xi32>
    %swap3A_522 = arith.constant 19 : i32
    %swap3A_523 = arith.index_cast %swap3A_522 : i32 to index
    %swap3A_524 = arith.constant 0 : index
    %swap3A_525 = tpu.vector_load %arg5[%swap3A_523, %swap3A_524] {strides = array<i32>} : memref<32x32xi32, #tpu.memory_space<vmem>>, vector<1x16xi32>,
    %swap3A_526 = vector.shape_cast %swap3A_525 : vector<1x16xi32> to vector<16xi32>
    %swap3A_527 = vector.shape_cast %add3A_521 : vector<16xi32> to vector<1x16xi32>
    tpu.vector_store %arg5[%swap3A_523, %swap3A_524], %swap3A_527 {strides = array<i32>} : memref<32x32xi32, #tpu.memory_space<vmem>>, vector<1x16xi32>,
    %get3A_528 = arith.constant 19 : i32
    %get3A_529 = arith.index_cast %get3A_528 : i32 to index
    %get3A_530 = arith.constant 16 : index
    %get3A_531 = tpu.vector_load %arg5[%get3A_529, %get3A_530] {strides = array<i32>} : memref<32x32xi32, #tpu.memory_space<vmem>>, vector<1x16xi32>,
    %get3A_532 = vector.shape_cast %get3A_531 : vector<1x16xi32> to vector<16xi32>
    %add3A_533 = vector.broadcast %mul3A_22 : i32 to vector<16xi32>
    %add3A_534 = arith.addi %get3A_532, %add3A_533 : vector<16xi32>
    %swap3A_535 = arith.constant 19 : i32
    %swap3A_536 = arith.index_cast %swap3A_535 : i32 to index
    %swap3A_537 = arith.constant 16 : index
    %swap3A_538 = tpu.vector_load %arg5[%swap3A_536, %swap3A_537] {strides = array<i32>} : memref<32x32xi32, #tpu.memory_space<vmem>>, vector<1x16xi32>,
    %swap3A_539 = vector.shape_cast %swap3A_538 : vector<1x16xi32> to vector<16xi32>
    %swap3A_540 = vector.shape_cast %add3A_534 : vector<16xi32> to vector<1x16xi32>
    tpu.vector_store %arg5[%swap3A_536, %swap3A_537], %swap3A_540 {strides = array<i32>} : memref<32x32xi32, #tpu.memory_space<vmem>>, vector<1x16xi32>,
    %get3A_541 = arith.constant 20 : i32
    %get3A_542 = arith.index_cast %get3A_541 : i32 to index
    %get3A_543 = arith.constant 0 : index
    %get3A_544 = tpu.vector_load %arg5[%get3A_542, %get3A_543] {strides = array<i32>} : memref<32x32xi32, #tpu.memory_space<vmem>>, vector<1x16xi32>,
    %get3A_545 = vector.shape_cast %get3A_544 : vector<1x16xi32> to vector<16xi32>
    %add3A_546 = vector.broadcast %mul3A_22 : i32 to vector<16xi32>
    %add3A_547 = arith.addi %get3A_545, %add3A_546 : vector<16xi32>
    %swap3A_548 = arith.constant 20 : i32
    %swap3A_549 = arith.index_cast %swap3A_548 : i32 to index
    %swap3A_550 = arith.constant 0 : index
    %swap3A_551 = tpu.vector_load %arg5[%swap3A_549, %swap3A_550] {strides = array<i32>} : memref<32x32xi32, #tpu.memory_space<vmem>>, vector<1x16xi32>,
    %swap3A_552 = vector.shape_cast %swap3A_551 : vector<1x16xi32> to vector<16xi32>
    %swap3A_553 = vector.shape_cast %add3A_547 : vector<16xi32> to vector<1x16xi32>
    tpu.vector_store %arg5[%swap3A_549, %swap3A_550], %swap3A_553 {strides = array<i32>} : memref<32x32xi32, #tpu.memory_space<vmem>>, vector<1x16xi32>,
    %get3A_554 = arith.constant 20 : i32
    %get3A_555 = arith.index_cast %get3A_554 : i32 to index
    %get3A_556 = arith.constant 16 : index
    %get3A_557 = tpu.vector_load %arg5[%get3A_555, %get3A_556] {strides = array<i32>} : memref<32x32xi32, #tpu.memory_space<vmem>>, vector<1x16xi32>,
    %get3A_558 = vector.shape_cast %get3A_557 : vector<1x16xi32> to vector<16xi32>
    %add3A_559 = vector.broadcast %mul3A_22 : i32 to vector<16xi32>
    %add3A_560 = arith.addi %get3A_558, %add3A_559 : vector<16xi32>
    %swap3A_561 = arith.constant 20 : i32
    %swap3A_562 = arith.index_cast %swap3A_561 : i32 to index
    %swap3A_563 = arith.constant 16 : index
    %swap3A_564 = tpu.vector_load %arg5[%swap3A_562, %swap3A_563] {strides = array<i32>} : memref<32x32xi32, #tpu.memory_space<vmem>>, vector<1x16xi32>,
    %swap3A_565 = vector.shape_cast %swap3A_564 : vector<1x16xi32> to vector<16xi32>
    %swap3A_566 = vector.shape_cast %add3A_560 : vector<16xi32> to vector<1x16xi32>
    tpu.vector_store %arg5[%swap3A_562, %swap3A_563], %swap3A_566 {strides = array<i32>} : memref<32x32xi32, #tpu.memory_space<vmem>>, vector<1x16xi32>,
    %get3A_567 = arith.constant 21 : i32
    %get3A_568 = arith.index_cast %get3A_567 : i32 to index
    %get3A_569 = arith.constant 0 : index
    %get3A_570 = tpu.vector_load %arg5[%get3A_568, %get3A_569] {strides = array<i32>} : memref<32x32xi32, #tpu.memory_space<vmem>>, vector<1x16xi32>,
    %get3A_571 = vector.shape_cast %get3A_570 : vector<1x16xi32> to vector<16xi32>
    %add3A_572 = vector.broadcast %mul3A_22 : i32 to vector<16xi32>
    %add3A_573 = arith.addi %get3A_571, %add3A_572 : vector<16xi32>
    %swap3A_574 = arith.constant 21 : i32
    %swap3A_575 = arith.index_cast %swap3A_574 : i32 to index
    %swap3A_576 = arith.constant 0 : index
    %swap3A_577 = tpu.vector_load %arg5[%swap3A_575, %swap3A_576] {strides = array<i32>} : memref<32x32xi32, #tpu.memory_space<vmem>>, vector<1x16xi32>,
    %swap3A_578 = vector.shape_cast %swap3A_577 : vector<1x16xi32> to vector<16xi32>
    %swap3A_579 = vector.shape_cast %add3A_573 : vector<16xi32> to vector<1x16xi32>
    tpu.vector_store %arg5[%swap3A_575, %swap3A_576], %swap3A_579 {strides = array<i32>} : memref<32x32xi32, #tpu.memory_space<vmem>>, vector<1x16xi32>,
    %get3A_580 = arith.constant 21 : i32
    %get3A_581 = arith.index_cast %get3A_580 : i32 to index
    %get3A_582 = arith.constant 16 : index
    %get3A_583 = tpu.vector_load %arg5[%get3A_581, %get3A_582] {strides = array<i32>} : memref<32x32xi32, #tpu.memory_space<vmem>>, vector<1x16xi32>,
    %get3A_584 = vector.shape_cast %get3A_583 : vector<1x16xi32> to vector<16xi32>
    %add3A_585 = vector.broadcast %mul3A_22 : i32 to vector<16xi32>
    %add3A_586 = arith.addi %get3A_584, %add3A_585 : vector<16xi32>
    %swap3A_587 = arith.constant 21 : i32
    %swap3A_588 = arith.index_cast %swap3A_587 : i32 to index
    %swap3A_589 = arith.constant 16 : index
    %swap3A_590 = tpu.vector_load %arg5[%swap3A_588, %swap3A_589] {strides = array<i32>} : memref<32x32xi32, #tpu.memory_space<vmem>>, vector<1x16xi32>,
    %swap3A_591 = vector.shape_cast %swap3A_590 : vector<1x16xi32> to vector<16xi32>
    %swap3A_592 = vector.shape_cast %add3A_586 : vector<16xi32> to vector<1x16xi32>
    tpu.vector_store %arg5[%swap3A_588, %swap3A_589], %swap3A_592 {strides = array<i32>} : memref<32x32xi32, #tpu.memory_space<vmem>>, vector<1x16xi32>,
    %get3A_593 = arith.constant 22 : i32
    %get3A_594 = arith.index_cast %get3A_593 : i32 to index
    %get3A_595 = arith.constant 0 : index
    %get3A_596 = tpu.vector_load %arg5[%get3A_594, %get3A_595] {strides = array<i32>} : memref<32x32xi32, #tpu.memory_space<vmem>>, vector<1x16xi32>,
    %get3A_597 = vector.shape_cast %get3A_596 : vector<1x16xi32> to vector<16xi32>
    %add3A_598 = vector.broadcast %mul3A_22 : i32 to vector<16xi32>
    %add3A_599 = arith.addi %get3A_597, %add3A_598 : vector<16xi32>
    %swap3A_600 = arith.constant 22 : i32
    %swap3A_601 = arith.index_cast %swap3A_600 : i32 to index
    %swap3A_602 = arith.constant 0 : index
    %swap3A_603 = tpu.vector_load %arg5[%swap3A_601, %swap3A_602] {strides = array<i32>} : memref<32x32xi32, #tpu.memory_space<vmem>>, vector<1x16xi32>,
    %swap3A_604 = vector.shape_cast %swap3A_603 : vector<1x16xi32> to vector<16xi32>
    %swap3A_605 = vector.shape_cast %add3A_599 : vector<16xi32> to vector<1x16xi32>
    tpu.vector_store %arg5[%swap3A_601, %swap3A_602], %swap3A_605 {strides = array<i32>} : memref<32x32xi32, #tpu.memory_space<vmem>>, vector<1x16xi32>,
    %get3A_606 = arith.constant 22 : i32
    %get3A_607 = arith.index_cast %get3A_606 : i32 to index
    %get3A_608 = arith.constant 16 : index
    %get3A_609 = tpu.vector_load %arg5[%get3A_607, %get3A_608] {strides = array<i32>} : memref<32x32xi32, #tpu.memory_space<vmem>>, vector<1x16xi32>,
    %get3A_610 = vector.shape_cast %get3A_609 : vector<1x16xi32> to vector<16xi32>
    %add3A_611 = vector.broadcast %mul3A_22 : i32 to vector<16xi32>
    %add3A_612 = arith.addi %get3A_610, %add3A_611 : vector<16xi32>
    %swap3A_613 = arith.constant 22 : i32
    %swap3A_614 = arith.index_cast %swap3A_613 : i32 to index
    %swap3A_615 = arith.constant 16 : index
    %swap3A_616 = tpu.vector_load %arg5[%swap3A_614, %swap3A_615] {strides = array<i32>} : memref<32x32xi32, #tpu.memory_space<vmem>>, vector<1x16xi32>,
    %swap3A_617 = vector.shape_cast %swap3A_616 : vector<1x16xi32> to vector<16xi32>
    %swap3A_618 = vector.shape_cast %add3A_612 : vector<16xi32> to vector<1x16xi32>
    tpu.vector_store %arg5[%swap3A_614, %swap3A_615], %swap3A_618 {strides = array<i32>} : memref<32x32xi32, #tpu.memory_space<vmem>>, vector<1x16xi32>,
    %get3A_619 = arith.constant 23 : i32
    %get3A_620 = arith.index_cast %get3A_619 : i32 to index
    %get3A_621 = arith.constant 0 : index
    %get3A_622 = tpu.vector_load %arg5[%get3A_620, %get3A_621] {strides = array<i32>} : memref<32x32xi32, #tpu.memory_space<vmem>>, vector<1x16xi32>,
    %get3A_623 = vector.shape_cast %get3A_622 : vector<1x16xi32> to vector<16xi32>
    %add3A_624 = vector.broadcast %mul3A_22 : i32 to vector<16xi32>
    %add3A_625 = arith.addi %get3A_623, %add3A_624 : vector<16xi32>
    %swap3A_626 = arith.constant 23 : i32
    %swap3A_627 = arith.index_cast %swap3A_626 : i32 to index
    %swap3A_628 = arith.constant 0 : index
    %swap3A_629 = tpu.vector_load %arg5[%swap3A_627, %swap3A_628] {strides = array<i32>} : memref<32x32xi32, #tpu.memory_space<vmem>>, vector<1x16xi32>,
    %swap3A_630 = vector.shape_cast %swap3A_629 : vector<1x16xi32> to vector<16xi32>
    %swap3A_631 = vector.shape_cast %add3A_625 : vector<16xi32> to vector<1x16xi32>
    tpu.vector_store %arg5[%swap3A_627, %swap3A_628], %swap3A_631 {strides = array<i32>} : memref<32x32xi32, #tpu.memory_space<vmem>>, vector<1x16xi32>,
    %get3A_632 = arith.constant 23 : i32
    %get3A_633 = arith.index_cast %get3A_632 : i32 to index
    %get3A_634 = arith.constant 16 : index
    %get3A_635 = tpu.vector_load %arg5[%get3A_633, %get3A_634] {strides = array<i32>} : memref<32x32xi32, #tpu.memory_space<vmem>>, vector<1x16xi32>,
    %get3A_636 = vector.shape_cast %get3A_635 : vector<1x16xi32> to vector<16xi32>
    %add3A_637 = vector.broadcast %mul3A_22 : i32 to vector<16xi32>
    %add3A_638 = arith.addi %get3A_636, %add3A_637 : vector<16xi32>
    %swap3A_639 = arith.constant 23 : i32
    %swap3A_640 = arith.index_cast %swap3A_639 : i32 to index
    %swap3A_641 = arith.constant 16 : index
    %swap3A_642 = tpu.vector_load %arg5[%swap3A_640, %swap3A_641] {strides = array<i32>} : memref<32x32xi32, #tpu.memory_space<vmem>>, vector<1x16xi32>,
    %swap3A_643 = vector.shape_cast %swap3A_642 : vector<1x16xi32> to vector<16xi32>
    %swap3A_644 = vector.shape_cast %add3A_638 : vector<16xi32> to vector<1x16xi32>
    tpu.vector_store %arg5[%swap3A_640, %swap3A_641], %swap3A_644 {strides = array<i32>} : memref<32x32xi32, #tpu.memory_space<vmem>>, vector<1x16xi32>,
    %get3A_645 = arith.constant 24 : i32
    %get3A_646 = arith.index_cast %get3A_645 : i32 to index
    %get3A_647 = arith.constant 0 : index
    %get3A_648 = tpu.vector_load %arg5[%get3A_646, %get3A_647] {strides = array<i32>} : memref<32x32xi32, #tpu.memory_space<vmem>>, vector<1x16xi32>,
    %get3A_649 = vector.shape_cast %get3A_648 : vector<1x16xi32> to vector<16xi32>
    %add3A_650 = vector.broadcast %mul3A_22 : i32 to vector<16xi32>
    %add3A_651 = arith.addi %get3A_649, %add3A_650 : vector<16xi32>
    %swap3A_652 = arith.constant 24 : i32
    %swap3A_653 = arith.index_cast %swap3A_652 : i32 to index
    %swap3A_654 = arith.constant 0 : index
    %swap3A_655 = tpu.vector_load %arg5[%swap3A_653, %swap3A_654] {strides = array<i32>} : memref<32x32xi32, #tpu.memory_space<vmem>>, vector<1x16xi32>,
    %swap3A_656 = vector.shape_cast %swap3A_655 : vector<1x16xi32> to vector<16xi32>
    %swap3A_657 = vector.shape_cast %add3A_651 : vector<16xi32> to vector<1x16xi32>
    tpu.vector_store %arg5[%swap3A_653, %swap3A_654], %swap3A_657 {strides = array<i32>} : memref<32x32xi32, #tpu.memory_space<vmem>>, vector<1x16xi32>,
    %get3A_658 = arith.constant 24 : i32
    %get3A_659 = arith.index_cast %get3A_658 : i32 to index
    %get3A_660 = arith.constant 16 : index
    %get3A_661 = tpu.vector_load %arg5[%get3A_659, %get3A_660] {strides = array<i32>} : memref<32x32xi32, #tpu.memory_space<vmem>>, vector<1x16xi32>,
    %get3A_662 = vector.shape_cast %get3A_661 : vector<1x16xi32> to vector<16xi32>
    %add3A_663 = vector.broadcast %mul3A_22 : i32 to vector<16xi32>
    %add3A_664 = arith.addi %get3A_662, %add3A_663 : vector<16xi32>
    %swap3A_665 = arith.constant 24 : i32
    %swap3A_666 = arith.index_cast %swap3A_665 : i32 to index
    %swap3A_667 = arith.constant 16 : index
    %swap3A_668 = tpu.vector_load %arg5[%swap3A_666, %swap3A_667] {strides = array<i32>} : memref<32x32xi32, #tpu.memory_space<vmem>>, vector<1x16xi32>,
    %swap3A_669 = vector.shape_cast %swap3A_668 : vector<1x16xi32> to vector<16xi32>
    %swap3A_670 = vector.shape_cast %add3A_664 : vector<16xi32> to vector<1x16xi32>
    tpu.vector_store %arg5[%swap3A_666, %swap3A_667], %swap3A_670 {strides = array<i32>} : memref<32x32xi32, #tpu.memory_space<vmem>>, vector<1x16xi32>,
    %get3A_671 = arith.constant 25 : i32
    %get3A_672 = arith.index_cast %get3A_671 : i32 to index
    %get3A_673 = arith.constant 0 : index
    %get3A_674 = tpu.vector_load %arg5[%get3A_672, %get3A_673] {strides = array<i32>} : memref<32x32xi32, #tpu.memory_space<vmem>>, vector<1x16xi32>,
    %get3A_675 = vector.shape_cast %get3A_674 : vector<1x16xi32> to vector<16xi32>
    %add3A_676 = vector.broadcast %mul3A_22 : i32 to vector<16xi32>
    %add3A_677 = arith.addi %get3A_675, %add3A_676 : vector<16xi32>
    %swap3A_678 = arith.constant 25 : i32
    %swap3A_679 = arith.index_cast %swap3A_678 : i32 to index
    %swap3A_680 = arith.constant 0 : index
    %swap3A_681 = tpu.vector_load %arg5[%swap3A_679, %swap3A_680] {strides = array<i32>} : memref<32x32xi32, #tpu.memory_space<vmem>>, vector<1x16xi32>,
    %swap3A_682 = vector.shape_cast %swap3A_681 : vector<1x16xi32> to vector<16xi32>
    %swap3A_683 = vector.shape_cast %add3A_677 : vector<16xi32> to vector<1x16xi32>
    tpu.vector_store %arg5[%swap3A_679, %swap3A_680], %swap3A_683 {strides = array<i32>} : memref<32x32xi32, #tpu.memory_space<vmem>>, vector<1x16xi32>,
    %get3A_684 = arith.constant 25 : i32
    %get3A_685 = arith.index_cast %get3A_684 : i32 to index
    %get3A_686 = arith.constant 16 : index
    %get3A_687 = tpu.vector_load %arg5[%get3A_685, %get3A_686] {strides = array<i32>} : memref<32x32xi32, #tpu.memory_space<vmem>>, vector<1x16xi32>,
    %get3A_688 = vector.shape_cast %get3A_687 : vector<1x16xi32> to vector<16xi32>
    %add3A_689 = vector.broadcast %mul3A_22 : i32 to vector<16xi32>
    %add3A_690 = arith.addi %get3A_688, %add3A_689 : vector<16xi32>
    %swap3A_691 = arith.constant 25 : i32
    %swap3A_692 = arith.index_cast %swap3A_691 : i32 to index
    %swap3A_693 = arith.constant 16 : index
    %swap3A_694 = tpu.vector_load %arg5[%swap3A_692, %swap3A_693] {strides = array<i32>} : memref<32x32xi32, #tpu.memory_space<vmem>>, vector<1x16xi32>,
    %swap3A_695 = vector.shape_cast %swap3A_694 : vector<1x16xi32> to vector<16xi32>
    %swap3A_696 = vector.shape_cast %add3A_690 : vector<16xi32> to vector<1x16xi32>
    tpu.vector_store %arg5[%swap3A_692, %swap3A_693], %swap3A_696 {strides = array<i32>} : memref<32x32xi32, #tpu.memory_space<vmem>>, vector<1x16xi32>,
    %get3A_697 = arith.constant 26 : i32
    %get3A_698 = arith.index_cast %get3A_697 : i32 to index
    %get3A_699 = arith.constant 0 : index
    %get3A_700 = tpu.vector_load %arg5[%get3A_698, %get3A_699] {strides = array<i32>} : memref<32x32xi32, #tpu.memory_space<vmem>>, vector<1x16xi32>,
    %get3A_701 = vector.shape_cast %get3A_700 : vector<1x16xi32> to vector<16xi32>
    %add3A_702 = vector.broadcast %mul3A_22 : i32 to vector<16xi32>
    %add3A_703 = arith.addi %get3A_701, %add3A_702 : vector<16xi32>
    %swap3A_704 = arith.constant 26 : i32
    %swap3A_705 = arith.index_cast %swap3A_704 : i32 to index
    %swap3A_706 = arith.constant 0 : index
    %swap3A_707 = tpu.vector_load %arg5[%swap3A_705, %swap3A_706] {strides = array<i32>} : memref<32x32xi32, #tpu.memory_space<vmem>>, vector<1x16xi32>,
    %swap3A_708 = vector.shape_cast %swap3A_707 : vector<1x16xi32> to vector<16xi32>
    %swap3A_709 = vector.shape_cast %add3A_703 : vector<16xi32> to vector<1x16xi32>
    tpu.vector_store %arg5[%swap3A_705, %swap3A_706], %swap3A_709 {strides = array<i32>} : memref<32x32xi32, #tpu.memory_space<vmem>>, vector<1x16xi32>,
    %get3A_710 = arith.constant 26 : i32
    %get3A_711 = arith.index_cast %get3A_710 : i32 to index
    %get3A_712 = arith.constant 16 : index
    %get3A_713 = tpu.vector_load %arg5[%get3A_711, %get3A_712] {strides = array<i32>} : memref<32x32xi32, #tpu.memory_space<vmem>>, vector<1x16xi32>,
    %get3A_714 = vector.shape_cast %get3A_713 : vector<1x16xi32> to vector<16xi32>
    %add3A_715 = vector.broadcast %mul3A_22 : i32 to vector<16xi32>
    %add3A_716 = arith.addi %get3A_714, %add3A_715 : vector<16xi32>
    %swap3A_717 = arith.constant 26 : i32
    %swap3A_718 = arith.index_cast %swap3A_717 : i32 to index
    %swap3A_719 = arith.constant 16 : index
    %swap3A_720 = tpu.vector_load %arg5[%swap3A_718, %swap3A_719] {strides = array<i32>} : memref<32x32xi32, #tpu.memory_space<vmem>>, vector<1x16xi32>,
    %swap3A_721 = vector.shape_cast %swap3A_720 : vector<1x16xi32> to vector<16xi32>
    %swap3A_722 = vector.shape_cast %add3A_716 : vector<16xi32> to vector<1x16xi32>
    tpu.vector_store %arg5[%swap3A_718, %swap3A_719], %swap3A_722 {strides = array<i32>} : memref<32x32xi32, #tpu.memory_space<vmem>>, vector<1x16xi32>,
    %get3A_723 = arith.constant 27 : i32
    %get3A_724 = arith.index_cast %get3A_723 : i32 to index
    %get3A_725 = arith.constant 0 : index
    %get3A_726 = tpu.vector_load %arg5[%get3A_724, %get3A_725] {strides = array<i32>} : memref<32x32xi32, #tpu.memory_space<vmem>>, vector<1x16xi32>,
    %get3A_727 = vector.shape_cast %get3A_726 : vector<1x16xi32> to vector<16xi32>
    %add3A_728 = vector.broadcast %mul3A_22 : i32 to vector<16xi32>
    %add3A_729 = arith.addi %get3A_727, %add3A_728 : vector<16xi32>
    %swap3A_730 = arith.constant 27 : i32
    %swap3A_731 = arith.index_cast %swap3A_730 : i32 to index
    %swap3A_732 = arith.constant 0 : index
    %swap3A_733 = tpu.vector_load %arg5[%swap3A_731, %swap3A_732] {strides = array<i32>} : memref<32x32xi32, #tpu.memory_space<vmem>>, vector<1x16xi32>,
    %swap3A_734 = vector.shape_cast %swap3A_733 : vector<1x16xi32> to vector<16xi32>
    %swap3A_735 = vector.shape_cast %add3A_729 : vector<16xi32> to vector<1x16xi32>
    tpu.vector_store %arg5[%swap3A_731, %swap3A_732], %swap3A_735 {strides = array<i32>} : memref<32x32xi32, #tpu.memory_space<vmem>>, vector<1x16xi32>,
    %get3A_736 = arith.constant 27 : i32
    %get3A_737 = arith.index_cast %get3A_736 : i32 to index
    %get3A_738 = arith.constant 16 : index
    %get3A_739 = tpu.vector_load %arg5[%get3A_737, %get3A_738] {strides = array<i32>} : memref<32x32xi32, #tpu.memory_space<vmem>>, vector<1x16xi32>,
    %get3A_740 = vector.shape_cast %get3A_739 : vector<1x16xi32> to vector<16xi32>
    %add3A_741 = vector.broadcast %mul3A_22 : i32 to vector<16xi32>
    %add3A_742 = arith.addi %get3A_740, %add3A_741 : vector<16xi32>
    %swap3A_743 = arith.constant 27 : i32
    %swap3A_744 = arith.index_cast %swap3A_743 : i32 to index
    %swap3A_745 = arith.constant 16 : index
    %swap3A_746 = tpu.vector_load %arg5[%swap3A_744, %swap3A_745] {strides = array<i32>} : memref<32x32xi32, #tpu.memory_space<vmem>>, vector<1x16xi32>,
    %swap3A_747 = vector.shape_cast %swap3A_746 : vector<1x16xi32> to vector<16xi32>
    %swap3A_748 = vector.shape_cast %add3A_742 : vector<16xi32> to vector<1x16xi32>
    tpu.vector_store %arg5[%swap3A_744, %swap3A_745], %swap3A_748 {strides = array<i32>} : memref<32x32xi32, #tpu.memory_space<vmem>>, vector<1x16xi32>,
    %get3A_749 = arith.constant 28 : i32
    %get3A_750 = arith.index_cast %get3A_749 : i32 to index
    %get3A_751 = arith.constant 0 : index
    %get3A_752 = tpu.vector_load %arg5[%get3A_750, %get3A_751] {strides = array<i32>} : memref<32x32xi32, #tpu.memory_space<vmem>>, vector<1x16xi32>,
    %get3A_753 = vector.shape_cast %get3A_752 : vector<1x16xi32> to vector<16xi32>
    %add3A_754 = vector.broadcast %mul3A_22 : i32 to vector<16xi32>
    %add3A_755 = arith.addi %get3A_753, %add3A_754 : vector<16xi32>
    %swap3A_756 = arith.constant 28 : i32
    %swap3A_757 = arith.index_cast %swap3A_756 : i32 to index
    %swap3A_758 = arith.constant 0 : index
    %swap3A_759 = tpu.vector_load %arg5[%swap3A_757, %swap3A_758] {strides = array<i32>} : memref<32x32xi32, #tpu.memory_space<vmem>>, vector<1x16xi32>,
    %swap3A_760 = vector.shape_cast %swap3A_759 : vector<1x16xi32> to vector<16xi32>
    %swap3A_761 = vector.shape_cast %add3A_755 : vector<16xi32> to vector<1x16xi32>
    tpu.vector_store %arg5[%swap3A_757, %swap3A_758], %swap3A_761 {strides = array<i32>} : memref<32x32xi32, #tpu.memory_space<vmem>>, vector<1x16xi32>,
    %get3A_762 = arith.constant 28 : i32
    %get3A_763 = arith.index_cast %get3A_762 : i32 to index
    %get3A_764 = arith.constant 16 : index
    %get3A_765 = tpu.vector_load %arg5[%get3A_763, %get3A_764] {strides = array<i32>} : memref<32x32xi32, #tpu.memory_space<vmem>>, vector<1x16xi32>,
    %get3A_766 = vector.shape_cast %get3A_765 : vector<1x16xi32> to vector<16xi32>
    %add3A_767 = vector.broadcast %mul3A_22 : i32 to vector<16xi32>
    %add3A_768 = arith.addi %get3A_766, %add3A_767 : vector<16xi32>
    %swap3A_769 = arith.constant 28 : i32
    %swap3A_770 = arith.index_cast %swap3A_769 : i32 to index
    %swap3A_771 = arith.constant 16 : index
    %swap3A_772 = tpu.vector_load %arg5[%swap3A_770, %swap3A_771] {strides = array<i32>} : memref<32x32xi32, #tpu.memory_space<vmem>>, vector<1x16xi32>,
    %swap3A_773 = vector.shape_cast %swap3A_772 : vector<1x16xi32> to vector<16xi32>
    %swap3A_774 = vector.shape_cast %add3A_768 : vector<16xi32> to vector<1x16xi32>
    tpu.vector_store %arg5[%swap3A_770, %swap3A_771], %swap3A_774 {strides = array<i32>} : memref<32x32xi32, #tpu.memory_space<vmem>>, vector<1x16xi32>,
    %get3A_775 = arith.constant 29 : i32
    %get3A_776 = arith.index_cast %get3A_775 : i32 to index
    %get3A_777 = arith.constant 0 : index
    %get3A_778 = tpu.vector_load %arg5[%get3A_776, %get3A_777] {strides = array<i32>} : memref<32x32xi32, #tpu.memory_space<vmem>>, vector<1x16xi32>,
    %get3A_779 = vector.shape_cast %get3A_778 : vector<1x16xi32> to vector<16xi32>
    %add3A_780 = vector.broadcast %mul3A_22 : i32 to vector<16xi32>
    %add3A_781 = arith.addi %get3A_779, %add3A_780 : vector<16xi32>
    %swap3A_782 = arith.constant 29 : i32
    %swap3A_783 = arith.index_cast %swap3A_782 : i32 to index
    %swap3A_784 = arith.constant 0 : index
    %swap3A_785 = tpu.vector_load %arg5[%swap3A_783, %swap3A_784] {strides = array<i32>} : memref<32x32xi32, #tpu.memory_space<vmem>>, vector<1x16xi32>,
    %swap3A_786 = vector.shape_cast %swap3A_785 : vector<1x16xi32> to vector<16xi32>
    %swap3A_787 = vector.shape_cast %add3A_781 : vector<16xi32> to vector<1x16xi32>
    tpu.vector_store %arg5[%swap3A_783, %swap3A_784], %swap3A_787 {strides = array<i32>} : memref<32x32xi32, #tpu.memory_space<vmem>>, vector<1x16xi32>,
    %get3A_788 = arith.constant 29 : i32
    %get3A_789 = arith.index_cast %get3A_788 : i32 to index
    %get3A_790 = arith.constant 16 : index
    %get3A_791 = tpu.vector_load %arg5[%get3A_789, %get3A_790] {strides = array<i32>} : memref<32x32xi32, #tpu.memory_space<vmem>>, vector<1x16xi32>,
    %get3A_792 = vector.shape_cast %get3A_791 : vector<1x16xi32> to vector<16xi32>
    %add3A_793 = vector.broadcast %mul3A_22 : i32 to vector<16xi32>
    %add3A_794 = arith.addi %get3A_792, %add3A_793 : vector<16xi32>
    %swap3A_795 = arith.constant 29 : i32
    %swap3A_796 = arith.index_cast %swap3A_795 : i32 to index
    %swap3A_797 = arith.constant 16 : index
    %swap3A_798 = tpu.vector_load %arg5[%swap3A_796, %swap3A_797] {strides = array<i32>} : memref<32x32xi32, #tpu.memory_space<vmem>>, vector<1x16xi32>,
    %swap3A_799 = vector.shape_cast %swap3A_798 : vector<1x16xi32> to vector<16xi32>
    %swap3A_800 = vector.shape_cast %add3A_794 : vector<16xi32> to vector<1x16xi32>
    tpu.vector_store %arg5[%swap3A_796, %swap3A_797], %swap3A_800 {strides = array<i32>} : memref<32x32xi32, #tpu.memory_space<vmem>>, vector<1x16xi32>,
    %get3A_801 = arith.constant 30 : i32
    %get3A_802 = arith.index_cast %get3A_801 : i32 to index
    %get3A_803 = arith.constant 0 : index
    %get3A_804 = tpu.vector_load %arg5[%get3A_802, %get3A_803] {strides = array<i32>} : memref<32x32xi32, #tpu.memory_space<vmem>>, vector<1x16xi32>,
    %get3A_805 = vector.shape_cast %get3A_804 : vector<1x16xi32> to vector<16xi32>
    %add3A_806 = vector.broadcast %mul3A_22 : i32 to vector<16xi32>
    %add3A_807 = arith.addi %get3A_805, %add3A_806 : vector<16xi32>
    %swap3A_808 = arith.constant 30 : i32
    %swap3A_809 = arith.index_cast %swap3A_808 : i32 to index
    %swap3A_810 = arith.constant 0 : index
    %swap3A_811 = tpu.vector_load %arg5[%swap3A_809, %swap3A_810] {strides = array<i32>} : memref<32x32xi32, #tpu.memory_space<vmem>>, vector<1x16xi32>,
    %swap3A_812 = vector.shape_cast %swap3A_811 : vector<1x16xi32> to vector<16xi32>
    %swap3A_813 = vector.shape_cast %add3A_807 : vector<16xi32> to vector<1x16xi32>
    tpu.vector_store %arg5[%swap3A_809, %swap3A_810], %swap3A_813 {strides = array<i32>} : memref<32x32xi32, #tpu.memory_space<vmem>>, vector<1x16xi32>,
    %get3A_814 = arith.constant 30 : i32
    %get3A_815 = arith.index_cast %get3A_814 : i32 to index
    %get3A_816 = arith.constant 16 : index
    %get3A_817 = tpu.vector_load %arg5[%get3A_815, %get3A_816] {strides = array<i32>} : memref<32x32xi32, #tpu.memory_space<vmem>>, vector<1x16xi32>,
    %get3A_818 = vector.shape_cast %get3A_817 : vector<1x16xi32> to vector<16xi32>
    %add3A_819 = vector.broadcast %mul3A_22 : i32 to vector<16xi32>
    %add3A_820 = arith.addi %get3A_818, %add3A_819 : vector<16xi32>
    %swap3A_821 = arith.constant 30 : i32
    %swap3A_822 = arith.index_cast %swap3A_821 : i32 to index
    %swap3A_823 = arith.constant 16 : index
    %swap3A_824 = tpu.vector_load %arg5[%swap3A_822, %swap3A_823] {strides = array<i32>} : memref<32x32xi32, #tpu.memory_space<vmem>>, vector<1x16xi32>,
    %swap3A_825 = vector.shape_cast %swap3A_824 : vector<1x16xi32> to vector<16xi32>
    %swap3A_826 = vector.shape_cast %add3A_820 : vector<16xi32> to vector<1x16xi32>
    tpu.vector_store %arg5[%swap3A_822, %swap3A_823], %swap3A_826 {strides = array<i32>} : memref<32x32xi32, #tpu.memory_space<vmem>>, vector<1x16xi32>,
    %get3A_827 = arith.constant 31 : i32
    %get3A_828 = arith.index_cast %get3A_827 : i32 to index
    %get3A_829 = arith.constant 0 : index
    %get3A_830 = tpu.vector_load %arg5[%get3A_828, %get3A_829] {strides = array<i32>} : memref<32x32xi32, #tpu.memory_space<vmem>>, vector<1x16xi32>,
    %get3A_831 = vector.shape_cast %get3A_830 : vector<1x16xi32> to vector<16xi32>
    %add3A_832 = vector.broadcast %mul3A_22 : i32 to vector<16xi32>
    %add3A_833 = arith.addi %get3A_831, %add3A_832 : vector<16xi32>
    %swap3A_834 = arith.constant 31 : i32
    %swap3A_835 = arith.index_cast %swap3A_834 : i32 to index
    %swap3A_836 = arith.constant 0 : index
    %swap3A_837 = tpu.vector_load %arg5[%swap3A_835, %swap3A_836] {strides = array<i32>} : memref<32x32xi32, #tpu.memory_space<vmem>>, vector<1x16xi32>,
    %swap3A_838 = vector.shape_cast %swap3A_837 : vector<1x16xi32> to vector<16xi32>
    %swap3A_839 = vector.shape_cast %add3A_833 : vector<16xi32> to vector<1x16xi32>
    tpu.vector_store %arg5[%swap3A_835, %swap3A_836], %swap3A_839 {strides = array<i32>} : memref<32x32xi32, #tpu.memory_space<vmem>>, vector<1x16xi32>,
    %get3A_840 = arith.constant 31 : i32
    %get3A_841 = arith.index_cast %get3A_840 : i32 to index
    %get3A_842 = arith.constant 16 : index
    %get3A_843 = tpu.vector_load %arg5[%get3A_841, %get3A_842] {strides = array<i32>} : memref<32x32xi32, #tpu.memory_space<vmem>>, vector<1x16xi32>,
    %get3A_844 = vector.shape_cast %get3A_843 : vector<1x16xi32> to vector<16xi32>
    %add3A_845 = vector.broadcast %mul3A_22 : i32 to vector<16xi32>
    %add3A_846 = arith.addi %get3A_844, %add3A_845 : vector<16xi32>
    %swap3A_847 = arith.constant 31 : i32
    %swap3A_848 = arith.index_cast %swap3A_847 : i32 to index
    %swap3A_849 = arith.constant 16 : index
    %swap3A_850 = tpu.vector_load %arg5[%swap3A_848, %swap3A_849] {strides = array<i32>} : memref<32x32xi32, #tpu.memory_space<vmem>>, vector<1x16xi32>,
    %swap3A_851 = vector.shape_cast %swap3A_850 : vector<1x16xi32> to vector<16xi32>
    %swap3A_852 = vector.shape_cast %add3A_846 : vector<16xi32> to vector<1x16xi32>
    tpu.vector_store %arg5[%swap3A_848, %swap3A_849], %swap3A_852 {strides = array<i32>} : memref<32x32xi32, #tpu.memory_space<vmem>>, vector<1x16xi32>,
    %dma_start3A = arith.constant 0 : i32
    %dma_start3A_853 = arith.constant 0 : i32
    %dma_start3A_854 = arith.constant 0 : i32
    %dma_start3A_855 = arith.constant 0 : i32
    %dma_start3A_856 = tpu.memref_slice %arg6[%dma_start3A_853, %dma_start3A_854, %dma_start3A_855] : memref<2x32x1024xf32, #tpu.memory_space<vmem>> -> memref<1x32x1024xf32, #tpu.memory_space<vmem>>
    %dma_start3A_857 = tpu.memref_squeeze %dma_start3A_856 : memref<1x32x1024xf32, #tpu.memory_space<vmem>> -> memref<32x1024xf32, #tpu.memory_space<vmem>>
    %dma_start3A_858 = arith.constant 0 : i32
    %dma_start3A_859 = tpu.memref_slice %arg5[%dma_start3A, %dma_start3A_858] : memref<32x32xi32, #tpu.memory_space<vmem>> -> memref<1x32xi32, #tpu.memory_space<vmem>>
    %dma_start3A_860 = tpu.memref_squeeze %dma_start3A_859 : memref<1x32xi32, #tpu.memory_space<vmem>> -> memref<32xi32, #tpu.memory_space<vmem>>
    %dma_start3A_861 = arith.constant 0 : i32
    %dma_start3A_862 = arith.constant 0 : i32
    %dma_start3A_863 = tpu.memref_slice %arg2[%dma_start3A_861, %dma_start3A_862] : memref<32768x1024xf32, #tpu.memory_space<hbm>> -> memref<32768x1024xf32, #tpu.memory_space<hbm>>
    tpu.enqueue_indirect_dma source(%dma_start3A_863 : memref<32768x1024xf32, #tpu.memory_space<hbm>>) target(%dma_start3A_857 : memref<32x1024xf32, #tpu.memory_space<vmem>>) offsets(%dma_start3A_860 : memref<32xi32, #tpu.memory_space<vmem>>) semaphore(%arg7 : memref<!tpu.dma_semaphore, #tpu.memory_space<semaphore_mem>>)
    %dma_wait3A = arith.constant 0 : i32
    %dma_wait3A_864 = arith.constant 0 : i32
    %dma_wait3A_865 = arith.constant 0 : i32
    %dma_wait3A_866 = arith.constant 0 : i32
    %dma_wait3A_867 = tpu.memref_slice %arg6[%dma_wait3A_864, %dma_wait3A_865, %dma_wait3A_866] : memref<2x32x1024xf32, #tpu.memory_space<vmem>> -> memref<1x32x1024xf32, #tpu.memory_space<vmem>>
    %dma_wait3A_868 = tpu.memref_squeeze %dma_wait3A_867 : memref<1x32x1024xf32, #tpu.memory_space<vmem>> -> memref<32x1024xf32, #tpu.memory_space<vmem>>
    %dma_wait3A_869 = arith.constant 0 : i32
    %dma_wait3A_870 = tpu.memref_slice %arg5[%dma_wait3A, %dma_wait3A_869] : memref<32x32xi32, #tpu.memory_space<vmem>> -> memref<1x32xi32, #tpu.memory_space<vmem>>
    %dma_wait3A_871 = tpu.memref_squeeze %dma_wait3A_870 : memref<1x32xi32, #tpu.memory_space<vmem>> -> memref<32xi32, #tpu.memory_space<vmem>>
    %dma_wait3A_872 = arith.constant 0 : i32
    %dma_wait3A_873 = arith.constant 0 : i32
    %dma_wait3A_874 = tpu.memref_slice %arg2[%dma_wait3A_872, %dma_wait3A_873] : memref<32768x1024xf32, #tpu.memory_space<hbm>> -> memref<32768x1024xf32, #tpu.memory_space<hbm>>
    tpu.wait_indirect_dma semaphore(%arg7 : memref<!tpu.dma_semaphore, #tpu.memory_space<semaphore_mem>>) src(%dma_wait3A_874 : memref<32768x1024xf32, #tpu.memory_space<hbm>>) dst(%dma_wait3A_868 : memref<32x1024xf32, #tpu.memory_space<vmem>>)
    %add3A_875 = arith.constant 0 : i32
    %add3A_876 = arith.addi %mul3A_2, %add3A_875 : i32
    %dma_start3A_877 = arith.constant 0 : i32
    %dma_start3A_878 = arith.constant 0 : i32
    %dma_start3A_879 = arith.constant 0 : i32
    %dma_start3A_880 = tpu.memref_slice %arg6[%dma_start3A_877, %dma_start3A_878, %dma_start3A_879] : memref<2x32x1024xf32, #tpu.memory_space<vmem>> -> memref<1x32x1024xf32, #tpu.memory_space<vmem>>
    %dma_start3A_881 = tpu.memref_squeeze %dma_start3A_880 : memref<1x32x1024xf32, #tpu.memory_space<vmem>> -> memref<32x1024xf32, #tpu.memory_space<vmem>>
    %dma_start3A_882 = arith.constant 0 : i32
    %dma_start3A_883 = tpu.memref_slice %arg4[%add3A_876, %dma_start3A_882] : memref<32768x1024xf32, #tpu.memory_space<hbm>> -> memref<32x1024xf32, #tpu.memory_space<hbm>>
    %dma_start3A_884 = arith.constant 0 : i32
    %dma_start3A_885 = tpu.memref_slice %arg4[%add3A_876, %dma_start3A_884] : memref<32768x1024xf32, #tpu.memory_space<hbm>> -> memref<32x1024xf32, #tpu.memory_space<hbm>>
    %dma_start3A_886 = arith.constant 0 : i32
    %dma_start3A_887 = arith.constant 0 : i32
    %dma_start3A_888 = tpu.memref_slice %arg6[%dma_start3A_877, %dma_start3A_886, %dma_start3A_887] : memref<2x32x1024xf32, #tpu.memory_space<vmem>> -> memref<1x32x1024xf32, #tpu.memory_space<vmem>>
    %dma_start3A_889 = tpu.memref_squeeze %dma_start3A_888 : memref<1x32x1024xf32, #tpu.memory_space<vmem>> -> memref<32x1024xf32, #tpu.memory_space<vmem>>
    tpu.enqueue_dma source(%dma_start3A_889 : memref<32x1024xf32, #tpu.memory_space<vmem>>) target(%dma_start3A_885 : memref<32x1024xf32, #tpu.memory_space<hbm>>) target_semaphore(%arg9 : memref<!tpu.dma_semaphore, #tpu.memory_space<semaphore_mem>>)
    %dma_start3A_890 = arith.constant 1 : i32
    %dma_start3A_891 = arith.constant 1 : i32
    %dma_start3A_892 = arith.constant 0 : i32
    %dma_start3A_893 = arith.constant 0 : i32
    %dma_start3A_894 = tpu.memref_slice %arg6[%dma_start3A_891, %dma_start3A_892, %dma_start3A_893] : memref<2x32x1024xf32, #tpu.memory_space<vmem>> -> memref<1x32x1024xf32, #tpu.memory_space<vmem>>
    %dma_start3A_895 = tpu.memref_squeeze %dma_start3A_894 : memref<1x32x1024xf32, #tpu.memory_space<vmem>> -> memref<32x1024xf32, #tpu.memory_space<vmem>>
    %dma_start3A_896 = arith.constant 0 : i32
    %dma_start3A_897 = tpu.memref_slice %arg5[%dma_start3A_890, %dma_start3A_896] : memref<32x32xi32, #tpu.memory_space<vmem>> -> memref<1x32xi32, #tpu.memory_space<vmem>>
    %dma_start3A_898 = tpu.memref_squeeze %dma_start3A_897 : memref<1x32xi32, #tpu.memory_space<vmem>> -> memref<32xi32, #tpu.memory_space<vmem>>
    %dma_start3A_899 = arith.constant 0 : i32
    %dma_start3A_900 = arith.constant 0 : i32
    %dma_start3A_901 = tpu.memref_slice %arg2[%dma_start3A_899, %dma_start3A_900] : memref<32768x1024xf32, #tpu.memory_space<hbm>> -> memref<32768x1024xf32, #tpu.memory_space<hbm>>
    tpu.enqueue_indirect_dma source(%dma_start3A_901 : memref<32768x1024xf32, #tpu.memory_space<hbm>>) target(%dma_start3A_895 : memref<32x1024xf32, #tpu.memory_space<vmem>>) offsets(%dma_start3A_898 : memref<32xi32, #tpu.memory_space<vmem>>) semaphore(%arg8 : memref<!tpu.dma_semaphore, #tpu.memory_space<semaphore_mem>>)
    %dma_wait3A_902 = arith.constant 1 : i32
    %dma_wait3A_903 = arith.constant 1 : i32
    %dma_wait3A_904 = arith.constant 0 : i32
    %dma_wait3A_905 = arith.constant 0 : i32
    %dma_wait3A_906 = tpu.memref_slice %arg6[%dma_wait3A_903, %dma_wait3A_904, %dma_wait3A_905] : memref<2x32x1024xf32, #tpu.memory_space<vmem>> -> memref<1x32x1024xf32, #tpu.memory_space<vmem>>
    %dma_wait3A_907 = tpu.memref_squeeze %dma_wait3A_906 : memref<1x32x1024xf32, #tpu.memory_space<vmem>> -> memref<32x1024xf32, #tpu.memory_space<vmem>>
    %dma_wait3A_908 = arith.constant 0 : i32
    %dma_wait3A_909 = tpu.memref_slice %arg5[%dma_wait3A_902, %dma_wait3A_908] : memref<32x32xi32, #tpu.memory_space<vmem>> -> memref<1x32xi32, #tpu.memory_space<vmem>>
    %dma_wait3A_910 = tpu.memref_squeeze %dma_wait3A_909 : memref<1x32xi32, #tpu.memory_space<vmem>> -> memref<32xi32, #tpu.memory_space<vmem>>
    %dma_wait3A_911 = arith.constant 0 : i32
    %dma_wait3A_912 = arith.constant 0 : i32
    %dma_wait3A_913 = tpu.memref_slice %arg2[%dma_wait3A_911, %dma_wait3A_912] : memref<32768x1024xf32, #tpu.memory_space<hbm>> -> memref<32768x1024xf32, #tpu.memory_space<hbm>>
    tpu.wait_indirect_dma semaphore(%arg8 : memref<!tpu.dma_semaphore, #tpu.memory_space<semaphore_mem>>) src(%dma_wait3A_913 : memref<32768x1024xf32, #tpu.memory_space<hbm>>) dst(%dma_wait3A_907 : memref<32x1024xf32, #tpu.memory_space<vmem>>)
    %add3A_914 = arith.constant 32 : i32
    %add3A_915 = arith.addi %mul3A_2, %add3A_914 : i32
    %dma_start3A_916 = arith.constant 1 : i32
    %dma_start3A_917 = arith.constant 0 : i32
    %dma_start3A_918 = arith.constant 0 : i32
    %dma_start3A_919 = tpu.memref_slice %arg6[%dma_start3A_916, %dma_start3A_917, %dma_start3A_918] : memref<2x32x1024xf32, #tpu.memory_space<vmem>> -> memref<1x32x1024xf32, #tpu.memory_space<vmem>>
    %dma_start3A_920 = tpu.memref_squeeze %dma_start3A_919 : memref<1x32x1024xf32, #tpu.memory_space<vmem>> -> memref<32x1024xf32, #tpu.memory_space<vmem>>
    %dma_start3A_921 = arith.constant 0 : i32
    %dma_start3A_922 = tpu.memref_slice %arg4[%add3A_915, %dma_start3A_921] : memref<32768x1024xf32, #tpu.memory_space<hbm>> -> memref<32x1024xf32, #tpu.memory_space<hbm>>
    %dma_start3A_923 = arith.constant 0 : i32
    %dma_start3A_924 = tpu.memref_slice %arg4[%add3A_915, %dma_start3A_923] : memref<32768x1024xf32, #tpu.memory_space<hbm>> -> memref<32x1024xf32, #tpu.memory_space<hbm>>
    %dma_start3A_925 = arith.constant 0 : i32
    %dma_start3A_926 = arith.constant 0 : i32
    %dma_start3A_927 = tpu.memref_slice %arg6[%dma_start3A_916, %dma_start3A_925, %dma_start3A_926] : memref<2x32x1024xf32, #tpu.memory_space<vmem>> -> memref<1x32x1024xf32, #tpu.memory_space<vmem>>
    %dma_start3A_928 = tpu.memref_squeeze %dma_start3A_927 : memref<1x32x1024xf32, #tpu.memory_space<vmem>> -> memref<32x1024xf32, #tpu.memory_space<vmem>>
    tpu.enqueue_dma source(%dma_start3A_928 : memref<32x1024xf32, #tpu.memory_space<vmem>>) target(%dma_start3A_924 : memref<32x1024xf32, #tpu.memory_space<hbm>>) target_semaphore(%arg10 : memref<!tpu.dma_semaphore, #tpu.memory_space<semaphore_mem>>)
    %dma_wait3A_929 = arith.constant 0 : i32
    %dma_wait3A_930 = arith.constant 0 : i32
    %dma_wait3A_931 = arith.constant 0 : i32
    %dma_wait3A_932 = tpu.memref_slice %arg6[%dma_wait3A_929, %dma_wait3A_930, %dma_wait3A_931] : memref<2x32x1024xf32, #tpu.memory_space<vmem>> -> memref<1x32x1024xf32, #tpu.memory_space<vmem>>
    %dma_wait3A_933 = tpu.memref_squeeze %dma_wait3A_932 : memref<1x32x1024xf32, #tpu.memory_space<vmem>> -> memref<32x1024xf32, #tpu.memory_space<vmem>>
    %dma_wait3A_934 = arith.constant 0 : i32
    %dma_wait3A_935 = tpu.memref_slice %arg4[%add3A_876, %dma_wait3A_934] : memref<32768x1024xf32, #tpu.memory_space<hbm>> -> memref<32x1024xf32, #tpu.memory_space<hbm>>
    %dma_wait3A_936 = arith.constant 0 : i32
    %dma_wait3A_937 = tpu.memref_slice %arg4[%add3A_876, %dma_wait3A_936] : memref<32768x1024xf32, #tpu.memory_space<hbm>> -> memref<32x1024xf32, #tpu.memory_space<hbm>>
    %dma_wait3A_938 = arith.constant 0 : i32
    %dma_wait3A_939 = arith.constant 0 : i32
    %dma_wait3A_940 = tpu.memref_slice %arg6[%dma_wait3A_929, %dma_wait3A_938, %dma_wait3A_939] : memref<2x32x1024xf32, #tpu.memory_space<vmem>> -> memref<1x32x1024xf32, #tpu.memory_space<vmem>>
    %dma_wait3A_941 = tpu.memref_squeeze %dma_wait3A_940 : memref<1x32x1024xf32, #tpu.memory_space<vmem>> -> memref<32x1024xf32, #tpu.memory_space<vmem>>
    tpu.wait_dma2 semaphore(%arg9 : memref<!tpu.dma_semaphore, #tpu.memory_space<semaphore_mem>>) src(%dma_wait3A_941 : memref<32x1024xf32, #tpu.memory_space<vmem>>) dst(%dma_wait3A_937 : memref<32x1024xf32, #tpu.memory_space<hbm>>)
    %dma_start3A_942 = arith.constant 2 : i32
    %dma_start3A_943 = arith.constant 0 : i32
    %dma_start3A_944 = arith.constant 0 : i32
    %dma_start3A_945 = arith.constant 0 : i32
    %dma_start3A_946 = tpu.memref_slice %arg6[%dma_start3A_943, %dma_start3A_944, %dma_start3A_945] : memref<2x32x1024xf32, #tpu.memory_space<vmem>> -> memref<1x32x1024xf32, #tpu.memory_space<vmem>>
    %dma_start3A_947 = tpu.memref_squeeze %dma_start3A_946 : memref<1x32x1024xf32, #tpu.memory_space<vmem>> -> memref<32x1024xf32, #tpu.memory_space<vmem>>
    %dma_start3A_948 = arith.constant 0 : i32
    %dma_start3A_949 = tpu.memref_slice %arg5[%dma_start3A_942, %dma_start3A_948] : memref<32x32xi32, #tpu.memory_space<vmem>> -> memref<1x32xi32, #tpu.memory_space<vmem>>
    %dma_start3A_950 = tpu.memref_squeeze %dma_start3A_949 : memref<1x32xi32, #tpu.memory_space<vmem>> -> memref<32xi32, #tpu.memory_space<vmem>>
    %dma_start3A_951 = arith.constant 0 : i32
    %dma_start3A_952 = arith.constant 0 : i32
    %dma_start3A_953 = tpu.memref_slice %arg2[%dma_start3A_951, %dma_start3A_952] : memref<32768x1024xf32, #tpu.memory_space<hbm>> -> memref<32768x1024xf32, #tpu.memory_space<hbm>>
    tpu.enqueue_indirect_dma source(%dma_start3A_953 : memref<32768x1024xf32, #tpu.memory_space<hbm>>) target(%dma_start3A_947 : memref<32x1024xf32, #tpu.memory_space<vmem>>) offsets(%dma_start3A_950 : memref<32xi32, #tpu.memory_space<vmem>>) semaphore(%arg7 : memref<!tpu.dma_semaphore, #tpu.memory_space<semaphore_mem>>)
    %dma_wait3A_954 = arith.constant 2 : i32
    %dma_wait3A_955 = arith.constant 0 : i32
    %dma_wait3A_956 = arith.constant 0 : i32
    %dma_wait3A_957 = arith.constant 0 : i32
    %dma_wait3A_958 = tpu.memref_slice %arg6[%dma_wait3A_955, %dma_wait3A_956, %dma_wait3A_957] : memref<2x32x1024xf32, #tpu.memory_space<vmem>> -> memref<1x32x1024xf32, #tpu.memory_space<vmem>>
    %dma_wait3A_959 = tpu.memref_squeeze %dma_wait3A_958 : memref<1x32x1024xf32, #tpu.memory_space<vmem>> -> memref<32x1024xf32, #tpu.memory_space<vmem>>
    %dma_wait3A_960 = arith.constant 0 : i32
    %dma_wait3A_961 = tpu.memref_slice %arg5[%dma_wait3A_954, %dma_wait3A_960] : memref<32x32xi32, #tpu.memory_space<vmem>> -> memref<1x32xi32, #tpu.memory_space<vmem>>
    %dma_wait3A_962 = tpu.memref_squeeze %dma_wait3A_961 : memref<1x32xi32, #tpu.memory_space<vmem>> -> memref<32xi32, #tpu.memory_space<vmem>>
    %dma_wait3A_963 = arith.constant 0 : i32
    %dma_wait3A_964 = arith.constant 0 : i32
    %dma_wait3A_965 = tpu.memref_slice %arg2[%dma_wait3A_963, %dma_wait3A_964] : memref<32768x1024xf32, #tpu.memory_space<hbm>> -> memref<32768x1024xf32, #tpu.memory_space<hbm>>
    tpu.wait_indirect_dma semaphore(%arg7 : memref<!tpu.dma_semaphore, #tpu.memory_space<semaphore_mem>>) src(%dma_wait3A_965 : memref<32768x1024xf32, #tpu.memory_space<hbm>>) dst(%dma_wait3A_959 : memref<32x1024xf32, #tpu.memory_space<vmem>>)
    %add3A_966 = arith.constant 64 : i32
    %add3A_967 = arith.addi %mul3A_2, %add3A_966 : i32
    %dma_start3A_968 = arith.constant 0 : i32
    %dma_start3A_969 = arith.constant 0 : i32
    %dma_start3A_970 = arith.constant 0 : i32
    %dma_start3A_971 = tpu.memref_slice %arg6[%dma_start3A_968, %dma_start3A_969, %dma_start3A_970] : memref<2x32x1024xf32, #tpu.memory_space<vmem>> -> memref<1x32x1024xf32, #tpu.memory_space<vmem>>
    %dma_start3A_972 = tpu.memref_squeeze %dma_start3A_971 : memref<1x32x1024xf32, #tpu.memory_space<vmem>> -> memref<32x1024xf32, #tpu.memory_space<vmem>>
    %dma_start3A_973 = arith.constant 0 : i32
    %dma_start3A_974 = tpu.memref_slice %arg4[%add3A_967, %dma_start3A_973] : memref<32768x1024xf32, #tpu.memory_space<hbm>> -> memref<32x1024xf32, #tpu.memory_space<hbm>>
    %dma_start3A_975 = arith.constant 0 : i32
    %dma_start3A_976 = tpu.memref_slice %arg4[%add3A_967, %dma_start3A_975] : memref<32768x1024xf32, #tpu.memory_space<hbm>> -> memref<32x1024xf32, #tpu.memory_space<hbm>>
    %dma_start3A_977 = arith.constant 0 : i32
    %dma_start3A_978 = arith.constant 0 : i32
    %dma_start3A_979 = tpu.memref_slice %arg6[%dma_start3A_968, %dma_start3A_977, %dma_start3A_978] : memref<2x32x1024xf32, #tpu.memory_space<vmem>> -> memref<1x32x1024xf32, #tpu.memory_space<vmem>>
    %dma_start3A_980 = tpu.memref_squeeze %dma_start3A_979 : memref<1x32x1024xf32, #tpu.memory_space<vmem>> -> memref<32x1024xf32, #tpu.memory_space<vmem>>
    tpu.enqueue_dma source(%dma_start3A_980 : memref<32x1024xf32, #tpu.memory_space<vmem>>) target(%dma_start3A_976 : memref<32x1024xf32, #tpu.memory_space<hbm>>) target_semaphore(%arg9 : memref<!tpu.dma_semaphore, #tpu.memory_space<semaphore_mem>>)
    %dma_wait3A_981 = arith.constant 1 : i32
    %dma_wait3A_982 = arith.constant 0 : i32
    %dma_wait3A_983 = arith.constant 0 : i32
    %dma_wait3A_984 = tpu.memref_slice %arg6[%dma_wait3A_981, %dma_wait3A_982, %dma_wait3A_983] : memref<2x32x1024xf32, #tpu.memory_space<vmem>> -> memref<1x32x1024xf32, #tpu.memory_space<vmem>>
    %dma_wait3A_985 = tpu.memref_squeeze %dma_wait3A_984 : memref<1x32x1024xf32, #tpu.memory_space<vmem>> -> memref<32x1024xf32, #tpu.memory_space<vmem>>
    %dma_wait3A_986 = arith.constant 0 : i32
    %dma_wait3A_987 = tpu.memref_slice %arg4[%add3A_915, %dma_wait3A_986] : memref<32768x1024xf32, #tpu.memory_space<hbm>> -> memref<32x1024xf32, #tpu.memory_space<hbm>>
    %dma_wait3A_988 = arith.constant 0 : i32
    %dma_wait3A_989 = tpu.memref_slice %arg4[%add3A_915, %dma_wait3A_988] : memref<32768x1024xf32, #tpu.memory_space<hbm>> -> memref<32x1024xf32, #tpu.memory_space<hbm>>
    %dma_wait3A_990 = arith.constant 0 : i32
    %dma_wait3A_991 = arith.constant 0 : i32
    %dma_wait3A_992 = tpu.memref_slice %arg6[%dma_wait3A_981, %dma_wait3A_990, %dma_wait3A_991] : memref<2x32x1024xf32, #tpu.memory_space<vmem>> -> memref<1x32x1024xf32, #tpu.memory_space<vmem>>
    %dma_wait3A_993 = tpu.memref_squeeze %dma_wait3A_992 : memref<1x32x1024xf32, #tpu.memory_space<vmem>> -> memref<32x1024xf32, #tpu.memory_space<vmem>>
    tpu.wait_dma2 semaphore(%arg10 : memref<!tpu.dma_semaphore, #tpu.memory_space<semaphore_mem>>) src(%dma_wait3A_993 : memref<32x1024xf32, #tpu.memory_space<vmem>>) dst(%dma_wait3A_989 : memref<32x1024xf32, #tpu.memory_space<hbm>>)
    %dma_start3A_994 = arith.constant 3 : i32
    %dma_start3A_995 = arith.constant 1 : i32
    %dma_start3A_996 = arith.constant 0 : i32
    %dma_start3A_997 = arith.constant 0 : i32
    %dma_start3A_998 = tpu.memref_slice %arg6[%dma_start3A_995, %dma_start3A_996, %dma_start3A_997] : memref<2x32x1024xf32, #tpu.memory_space<vmem>> -> memref<1x32x1024xf32, #tpu.memory_space<vmem>>
    %dma_start3A_999 = tpu.memref_squeeze %dma_start3A_998 : memref<1x32x1024xf32, #tpu.memory_space<vmem>> -> memref<32x1024xf32, #tpu.memory_space<vmem>>
    %dma_start3A_1000 = arith.constant 0 : i32
    %dma_start3A_1001 = tpu.memref_slice %arg5[%dma_start3A_994, %dma_start3A_1000] : memref<32x32xi32, #tpu.memory_space<vmem>> -> memref<1x32xi32, #tpu.memory_space<vmem>>
    %dma_start3A_1002 = tpu.memref_squeeze %dma_start3A_1001 : memref<1x32xi32, #tpu.memory_space<vmem>> -> memref<32xi32, #tpu.memory_space<vmem>>
    %dma_start3A_1003 = arith.constant 0 : i32
    %dma_start3A_1004 = arith.constant 0 : i32
    %dma_start3A_1005 = tpu.memref_slice %arg2[%dma_start3A_1003, %dma_start3A_1004] : memref<32768x1024xf32, #tpu.memory_space<hbm>> -> memref<32768x1024xf32, #tpu.memory_space<hbm>>
    tpu.enqueue_indirect_dma source(%dma_start3A_1005 : memref<32768x1024xf32, #tpu.memory_space<hbm>>) target(%dma_start3A_999 : memref<32x1024xf32, #tpu.memory_space<vmem>>) offsets(%dma_start3A_1002 : memref<32xi32, #tpu.memory_space<vmem>>) semaphore(%arg8 : memref<!tpu.dma_semaphore, #tpu.memory_space<semaphore_mem>>)
    %dma_wait3A_1006 = arith.constant 3 : i32
    %dma_wait3A_1007 = arith.constant 1 : i32
    %dma_wait3A_1008 = arith.constant 0 : i32
    %dma_wait3A_1009 = arith.constant 0 : i32
    %dma_wait3A_1010 = tpu.memref_slice %arg6[%dma_wait3A_1007, %dma_wait3A_1008, %dma_wait3A_1009] : memref<2x32x1024xf32, #tpu.memory_space<vmem>> -> memref<1x32x1024xf32, #tpu.memory_space<vmem>>
    %dma_wait3A_1011 = tpu.memref_squeeze %dma_wait3A_1010 : memref<1x32x1024xf32, #tpu.memory_space<vmem>> -> memref<32x1024xf32, #tpu.memory_space<vmem>>
    %dma_wait3A_1012 = arith.constant 0 : i32
    %dma_wait3A_1013 = tpu.memref_slice %arg5[%dma_wait3A_1006, %dma_wait3A_1012] : memref<32x32xi32, #tpu.memory_space<vmem>> -> memref<1x32xi32, #tpu.memory_space<vmem>>
    %dma_wait3A_1014 = tpu.memref_squeeze %dma_wait3A_1013 : memref<1x32xi32, #tpu.memory_space<vmem>> -> memref<32xi32, #tpu.memory_space<vmem>>
    %dma_wait3A_1015 = arith.constant 0 : i32
    %dma_wait3A_1016 = arith.constant 0 : i32
    %dma_wait3A_1017 = tpu.memref_slice %arg2[%dma_wait3A_1015, %dma_wait3A_1016] : memref<32768x1024xf32, #tpu.memory_space<hbm>> -> memref<32768x1024xf32, #tpu.memory_space<hbm>>
    tpu.wait_indirect_dma semaphore(%arg8 : memref<!tpu.dma_semaphore, #tpu.memory_space<semaphore_mem>>) src(%dma_wait3A_1017 : memref<32768x1024xf32, #tpu.memory_space<hbm>>) dst(%dma_wait3A_1011 : memref<32x1024xf32, #tpu.memory_space<vmem>>)
    %add3A_1018 = arith.constant 96 : i32
    %add3A_1019 = arith.addi %mul3A_2, %add3A_1018 : i32
    %dma_start3A_1020 = arith.constant 1 : i32
    %dma_start3A_1021 = arith.constant 0 : i32
    %dma_start3A_1022 = arith.constant 0 : i32
    %dma_start3A_1023 = tpu.memref_slice %arg6[%dma_start3A_1020, %dma_start3A_1021, %dma_start3A_1022] : memref<2x32x1024xf32, #tpu.memory_space<vmem>> -> memref<1x32x1024xf32, #tpu.memory_space<vmem>>
    %dma_start3A_1024 = tpu.memref_squeeze %dma_start3A_1023 : memref<1x32x1024xf32, #tpu.memory_space<vmem>> -> memref<32x1024xf32, #tpu.memory_space<vmem>>
    %dma_start3A_1025 = arith.constant 0 : i32
    %dma_start3A_1026 = tpu.memref_slice %arg4[%add3A_1019, %dma_start3A_1025] : memref<32768x1024xf32, #tpu.memory_space<hbm>> -> memref<32x1024xf32, #tpu.memory_space<hbm>>
    %dma_start3A_1027 = arith.constant 0 : i32
    %dma_start3A_1028 = tpu.memref_slice %arg4[%add3A_1019, %dma_start3A_1027] : memref<32768x1024xf32, #tpu.memory_space<hbm>> -> memref<32x1024xf32, #tpu.memory_space<hbm>>
    %dma_start3A_1029 = arith.constant 0 : i32
    %dma_start3A_1030 = arith.constant 0 : i32
    %dma_start3A_1031 = tpu.memref_slice %arg6[%dma_start3A_1020, %dma_start3A_1029, %dma_start3A_1030] : memref<2x32x1024xf32, #tpu.memory_space<vmem>> -> memref<1x32x1024xf32, #tpu.memory_space<vmem>>
    %dma_start3A_1032 = tpu.memref_squeeze %dma_start3A_1031 : memref<1x32x1024xf32, #tpu.memory_space<vmem>> -> memref<32x1024xf32, #tpu.memory_space<vmem>>
    tpu.enqueue_dma source(%dma_start3A_1032 : memref<32x1024xf32, #tpu.memory_space<vmem>>) target(%dma_start3A_1028 : memref<32x1024xf32, #tpu.memory_space<hbm>>) target_semaphore(%arg10 : memref<!tpu.dma_semaphore, #tpu.memory_space<semaphore_mem>>)
    %dma_wait3A_1033 = arith.constant 0 : i32
    %dma_wait3A_1034 = arith.constant 0 : i32
    %dma_wait3A_1035 = arith.constant 0 : i32
    %dma_wait3A_1036 = tpu.memref_slice %arg6[%dma_wait3A_1033, %dma_wait3A_1034, %dma_wait3A_1035] : memref<2x32x1024xf32, #tpu.memory_space<vmem>> -> memref<1x32x1024xf32, #tpu.memory_space<vmem>>
    %dma_wait3A_1037 = tpu.memref_squeeze %dma_wait3A_1036 : memref<1x32x1024xf32, #tpu.memory_space<vmem>> -> memref<32x1024xf32, #tpu.memory_space<vmem>>
    %dma_wait3A_1038 = arith.constant 0 : i32
    %dma_wait3A_1039 = tpu.memref_slice %arg4[%add3A_967, %dma_wait3A_1038] : memref<32768x1024xf32, #tpu.memory_space<hbm>> -> memref<32x1024xf32, #tpu.memory_space<hbm>>
    %dma_wait3A_1040 = arith.constant 0 : i32
    %dma_wait3A_1041 = tpu.memref_slice %arg4[%add3A_967, %dma_wait3A_1040] : memref<32768x1024xf32, #tpu.memory_space<hbm>> -> memref<32x1024xf32, #tpu.memory_space<hbm>>
    %dma_wait3A_1042 = arith.constant 0 : i32
    %dma_wait3A_1043 = arith.constant 0 : i32
    %dma_wait3A_1044 = tpu.memref_slice %arg6[%dma_wait3A_1033, %dma_wait3A_1042, %dma_wait3A_1043] : memref<2x32x1024xf32, #tpu.memory_space<vmem>> -> memref<1x32x1024xf32, #tpu.memory_space<vmem>>
    %dma_wait3A_1045 = tpu.memref_squeeze %dma_wait3A_1044 : memref<1x32x1024xf32, #tpu.memory_space<vmem>> -> memref<32x1024xf32, #tpu.memory_space<vmem>>
    tpu.wait_dma2 semaphore(%arg9 : memref<!tpu.dma_semaphore, #tpu.memory_space<semaphore_mem>>) src(%dma_wait3A_1045 : memref<32x1024xf32, #tpu.memory_space<vmem>>) dst(%dma_wait3A_1041 : memref<32x1024xf32, #tpu.memory_space<hbm>>)
    %dma_start3A_1046 = arith.constant 4 : i32
    %dma_start3A_1047 = arith.constant 0 : i32
    %dma_start3A_1048 = arith.constant 0 : i32
    %dma_start3A_1049 = arith.constant 0 : i32
    %dma_start3A_1050 = tpu.memref_slice %arg6[%dma_start3A_1047, %dma_start3A_1048, %dma_start3A_1049] : memref<2x32x1024xf32, #tpu.memory_space<vmem>> -> memref<1x32x1024xf32, #tpu.memory_space<vmem>>
    %dma_start3A_1051 = tpu.memref_squeeze %dma_start3A_1050 : memref<1x32x1024xf32, #tpu.memory_space<vmem>> -> memref<32x1024xf32, #tpu.memory_space<vmem>>
    %dma_start3A_1052 = arith.constant 0 : i32
    %dma_start3A_1053 = tpu.memref_slice %arg5[%dma_start3A_1046, %dma_start3A_1052] : memref<32x32xi32, #tpu.memory_space<vmem>> -> memref<1x32xi32, #tpu.memory_space<vmem>>
    %dma_start3A_1054 = tpu.memref_squeeze %dma_start3A_1053 : memref<1x32xi32, #tpu.memory_space<vmem>> -> memref<32xi32, #tpu.memory_space<vmem>>
    %dma_start3A_1055 = arith.constant 0 : i32
    %dma_start3A_1056 = arith.constant 0 : i32
    %dma_start3A_1057 = tpu.memref_slice %arg2[%dma_start3A_1055, %dma_start3A_1056] : memref<32768x1024xf32, #tpu.memory_space<hbm>> -> memref<32768x1024xf32, #tpu.memory_space<hbm>>
    tpu.enqueue_indirect_dma source(%dma_start3A_1057 : memref<32768x1024xf32, #tpu.memory_space<hbm>>) target(%dma_start3A_1051 : memref<32x1024xf32, #tpu.memory_space<vmem>>) offsets(%dma_start3A_1054 : memref<32xi32, #tpu.memory_space<vmem>>) semaphore(%arg7 : memref<!tpu.dma_semaphore, #tpu.memory_space<semaphore_mem>>)
    %dma_wait3A_1058 = arith.constant 4 : i32
    %dma_wait3A_1059 = arith.constant 0 : i32
    %dma_wait3A_1060 = arith.constant 0 : i32
    %dma_wait3A_1061 = arith.constant 0 : i32
    %dma_wait3A_1062 = tpu.memref_slice %arg6[%dma_wait3A_1059, %dma_wait3A_1060, %dma_wait3A_1061] : memref<2x32x1024xf32, #tpu.memory_space<vmem>> -> memref<1x32x1024xf32, #tpu.memory_space<vmem>>
    %dma_wait3A_1063 = tpu.memref_squeeze %dma_wait3A_1062 : memref<1x32x1024xf32, #tpu.memory_space<vmem>> -> memref<32x1024xf32, #tpu.memory_space<vmem>>
    %dma_wait3A_1064 = arith.constant 0 : i32
    %dma_wait3A_1065 = tpu.memref_slice %arg5[%dma_wait3A_1058, %dma_wait3A_1064] : memref<32x32xi32, #tpu.memory_space<vmem>> -> memref<1x32xi32, #tpu.memory_space<vmem>>
    %dma_wait3A_1066 = tpu.memref_squeeze %dma_wait3A_1065 : memref<1x32xi32, #tpu.memory_space<vmem>> -> memref<32xi32, #tpu.memory_space<vmem>>
    %dma_wait3A_1067 = arith.constant 0 : i32
    %dma_wait3A_1068 = arith.constant 0 : i32
    %dma_wait3A_1069 = tpu.memref_slice %arg2[%dma_wait3A_1067, %dma_wait3A_1068] : memref<32768x1024xf32, #tpu.memory_space<hbm>> -> memref<32768x1024xf32, #tpu.memory_space<hbm>>
    tpu.wait_indirect_dma semaphore(%arg7 : memref<!tpu.dma_semaphore, #tpu.memory_space<semaphore_mem>>) src(%dma_wait3A_1069 : memref<32768x1024xf32, #tpu.memory_space<hbm>>) dst(%dma_wait3A_1063 : memref<32x1024xf32, #tpu.memory_space<vmem>>)
    %add3A_1070 = arith.constant 128 : i32
    %add3A_1071 = arith.addi %mul3A_2, %add3A_1070 : i32
    %dma_start3A_1072 = arith.constant 0 : i32
    %dma_start3A_1073 = arith.constant 0 : i32
    %dma_start3A_1074 = arith.constant 0 : i32
    %dma_start3A_1075 = tpu.memref_slice %arg6[%dma_start3A_1072, %dma_start3A_1073, %dma_start3A_1074] : memref<2x32x1024xf32, #tpu.memory_space<vmem>> -> memref<1x32x1024xf32, #tpu.memory_space<vmem>>
    %dma_start3A_1076 = tpu.memref_squeeze %dma_start3A_1075 : memref<1x32x1024xf32, #tpu.memory_space<vmem>> -> memref<32x1024xf32, #tpu.memory_space<vmem>>
    %dma_start3A_1077 = arith.constant 0 : i32
    %dma_start3A_1078 = tpu.memref_slice %arg4[%add3A_1071, %dma_start3A_1077] : memref<32768x1024xf32, #tpu.memory_space<hbm>> -> memref<32x1024xf32, #tpu.memory_space<hbm>>
    %dma_start3A_1079 = arith.constant 0 : i32
    %dma_start3A_1080 = tpu.memref_slice %arg4[%add3A_1071, %dma_start3A_1079] : memref<32768x1024xf32, #tpu.memory_space<hbm>> -> memref<32x1024xf32, #tpu.memory_space<hbm>>
    %dma_start3A_1081 = arith.constant 0 : i32
    %dma_start3A_1082 = arith.constant 0 : i32
    %dma_start3A_1083 = tpu.memref_slice %arg6[%dma_start3A_1072, %dma_start3A_1081, %dma_start3A_1082] : memref<2x32x1024xf32, #tpu.memory_space<vmem>> -> memref<1x32x1024xf32, #tpu.memory_space<vmem>>
    %dma_start3A_1084 = tpu.memref_squeeze %dma_start3A_1083 : memref<1x32x1024xf32, #tpu.memory_space<vmem>> -> memref<32x1024xf32, #tpu.memory_space<vmem>>
    tpu.enqueue_dma source(%dma_start3A_1084 : memref<32x1024xf32, #tpu.memory_space<vmem>>) target(%dma_start3A_1080 : memref<32x1024xf32, #tpu.memory_space<hbm>>) target_semaphore(%arg9 : memref<!tpu.dma_semaphore, #tpu.memory_space<semaphore_mem>>)
    %dma_wait3A_1085 = arith.constant 1 : i32
    %dma_wait3A_1086 = arith.constant 0 : i32
    %dma_wait3A_1087 = arith.constant 0 : i32
    %dma_wait3A_1088 = tpu.memref_slice %arg6[%dma_wait3A_1085, %dma_wait3A_1086, %dma_wait3A_1087] : memref<2x32x1024xf32, #tpu.memory_space<vmem>> -> memref<1x32x1024xf32, #tpu.memory_space<vmem>>
    %dma_wait3A_1089 = tpu.memref_squeeze %dma_wait3A_1088 : memref<1x32x1024xf32, #tpu.memory_space<vmem>> -> memref<32x1024xf32, #tpu.memory_space<vmem>>
    %dma_wait3A_1090 = arith.constant 0 : i32
    %dma_wait3A_1091 = tpu.memref_slice %arg4[%add3A_1019, %dma_wait3A_1090] : memref<32768x1024xf32, #tpu.memory_space<hbm>> -> memref<32x1024xf32, #tpu.memory_space<hbm>>
    %dma_wait3A_1092 = arith.constant 0 : i32
    %dma_wait3A_1093 = tpu.memref_slice %arg4[%add3A_1019, %dma_wait3A_1092] : memref<32768x1024xf32, #tpu.memory_space<hbm>> -> memref<32x1024xf32, #tpu.memory_space<hbm>>
    %dma_wait3A_1094 = arith.constant 0 : i32
    %dma_wait3A_1095 = arith.constant 0 : i32
    %dma_wait3A_1096 = tpu.memref_slice %arg6[%dma_wait3A_1085, %dma_wait3A_1094, %dma_wait3A_1095] : memref<2x32x1024xf32, #tpu.memory_space<vmem>> -> memref<1x32x1024xf32, #tpu.memory_space<vmem>>
    %dma_wait3A_1097 = tpu.memref_squeeze %dma_wait3A_1096 : memref<1x32x1024xf32, #tpu.memory_space<vmem>> -> memref<32x1024xf32, #tpu.memory_space<vmem>>
    tpu.wait_dma2 semaphore(%arg10 : memref<!tpu.dma_semaphore, #tpu.memory_space<semaphore_mem>>) src(%dma_wait3A_1097 : memref<32x1024xf32, #tpu.memory_space<vmem>>) dst(%dma_wait3A_1093 : memref<32x1024xf32, #tpu.memory_space<hbm>>)
    %dma_start3A_1098 = arith.constant 5 : i32
    %dma_start3A_1099 = arith.constant 1 : i32
    %dma_start3A_1100 = arith.constant 0 : i32
    %dma_start3A_1101 = arith.constant 0 : i32
    %dma_start3A_1102 = tpu.memref_slice %arg6[%dma_start3A_1099, %dma_start3A_1100, %dma_start3A_1101] : memref<2x32x1024xf32, #tpu.memory_space<vmem>> -> memref<1x32x1024xf32, #tpu.memory_space<vmem>>
    %dma_start3A_1103 = tpu.memref_squeeze %dma_start3A_1102 : memref<1x32x1024xf32, #tpu.memory_space<vmem>> -> memref<32x1024xf32, #tpu.memory_space<vmem>>
    %dma_start3A_1104 = arith.constant 0 : i32
    %dma_start3A_1105 = tpu.memref_slice %arg5[%dma_start3A_1098, %dma_start3A_1104] : memref<32x32xi32, #tpu.memory_space<vmem>> -> memref<1x32xi32, #tpu.memory_space<vmem>>
    %dma_start3A_1106 = tpu.memref_squeeze %dma_start3A_1105 : memref<1x32xi32, #tpu.memory_space<vmem>> -> memref<32xi32, #tpu.memory_space<vmem>>
    %dma_start3A_1107 = arith.constant 0 : i32
    %dma_start3A_1108 = arith.constant 0 : i32
    %dma_start3A_1109 = tpu.memref_slice %arg2[%dma_start3A_1107, %dma_start3A_1108] : memref<32768x1024xf32, #tpu.memory_space<hbm>> -> memref<32768x1024xf32, #tpu.memory_space<hbm>>
    tpu.enqueue_indirect_dma source(%dma_start3A_1109 : memref<32768x1024xf32, #tpu.memory_space<hbm>>) target(%dma_start3A_1103 : memref<32x1024xf32, #tpu.memory_space<vmem>>) offsets(%dma_start3A_1106 : memref<32xi32, #tpu.memory_space<vmem>>) semaphore(%arg8 : memref<!tpu.dma_semaphore, #tpu.memory_space<semaphore_mem>>)
    %dma_wait3A_1110 = arith.constant 5 : i32
    %dma_wait3A_1111 = arith.constant 1 : i32
    %dma_wait3A_1112 = arith.constant 0 : i32
    %dma_wait3A_1113 = arith.constant 0 : i32
    %dma_wait3A_1114 = tpu.memref_slice %arg6[%dma_wait3A_1111, %dma_wait3A_1112, %dma_wait3A_1113] : memref<2x32x1024xf32, #tpu.memory_space<vmem>> -> memref<1x32x1024xf32, #tpu.memory_space<vmem>>
    %dma_wait3A_1115 = tpu.memref_squeeze %dma_wait3A_1114 : memref<1x32x1024xf32, #tpu.memory_space<vmem>> -> memref<32x1024xf32, #tpu.memory_space<vmem>>
    %dma_wait3A_1116 = arith.constant 0 : i32
    %dma_wait3A_1117 = tpu.memref_slice %arg5[%dma_wait3A_1110, %dma_wait3A_1116] : memref<32x32xi32, #tpu.memory_space<vmem>> -> memref<1x32xi32, #tpu.memory_space<vmem>>
    %dma_wait3A_1118 = tpu.memref_squeeze %dma_wait3A_1117 : memref<1x32xi32, #tpu.memory_space<vmem>> -> memref<32xi32, #tpu.memory_space<vmem>>
    %dma_wait3A_1119 = arith.constant 0 : i32
    %dma_wait3A_1120 = arith.constant 0 : i32
    %dma_wait3A_1121 = tpu.memref_slice %arg2[%dma_wait3A_1119, %dma_wait3A_1120] : memref<32768x1024xf32, #tpu.memory_space<hbm>> -> memref<32768x1024xf32, #tpu.memory_space<hbm>>
    tpu.wait_indirect_dma semaphore(%arg8 : memref<!tpu.dma_semaphore, #tpu.memory_space<semaphore_mem>>) src(%dma_wait3A_1121 : memref<32768x1024xf32, #tpu.memory_space<hbm>>) dst(%dma_wait3A_1115 : memref<32x1024xf32, #tpu.memory_space<vmem>>)
    %add3A_1122 = arith.constant 160 : i32
    %add3A_1123 = arith.addi %mul3A_2, %add3A_1122 : i32
    %dma_start3A_1124 = arith.constant 1 : i32
    %dma_start3A_1125 = arith.constant 0 : i32
    %dma_start3A_1126 = arith.constant 0 : i32
    %dma_start3A_1127 = tpu.memref_slice %arg6[%dma_start3A_1124, %dma_start3A_1125, %dma_start3A_1126] : memref<2x32x1024xf32, #tpu.memory_space<vmem>> -> memref<1x32x1024xf32, #tpu.memory_space<vmem>>
    %dma_start3A_1128 = tpu.memref_squeeze %dma_start3A_1127 : memref<1x32x1024xf32, #tpu.memory_space<vmem>> -> memref<32x1024xf32, #tpu.memory_space<vmem>>
    %dma_start3A_1129 = arith.constant 0 : i32
    %dma_start3A_1130 = tpu.memref_slice %arg4[%add3A_1123, %dma_start3A_1129] : memref<32768x1024xf32, #tpu.memory_space<hbm>> -> memref<32x1024xf32, #tpu.memory_space<hbm>>
    %dma_start3A_1131 = arith.constant 0 : i32
    %dma_start3A_1132 = tpu.memref_slice %arg4[%add3A_1123, %dma_start3A_1131] : memref<32768x1024xf32, #tpu.memory_space<hbm>> -> memref<32x1024xf32, #tpu.memory_space<hbm>>
    %dma_start3A_1133 = arith.constant 0 : i32
    %dma_start3A_1134 = arith.constant 0 : i32
    %dma_start3A_1135 = tpu.memref_slice %arg6[%dma_start3A_1124, %dma_start3A_1133, %dma_start3A_1134] : memref<2x32x1024xf32, #tpu.memory_space<vmem>> -> memref<1x32x1024xf32, #tpu.memory_space<vmem>>
    %dma_start3A_1136 = tpu.memref_squeeze %dma_start3A_1135 : memref<1x32x1024xf32, #tpu.memory_space<vmem>> -> memref<32x1024xf32, #tpu.memory_space<vmem>>
    tpu.enqueue_dma source(%dma_start3A_1136 : memref<32x1024xf32, #tpu.memory_space<vmem>>) target(%dma_start3A_1132 : memref<32x1024xf32, #tpu.memory_space<hbm>>) target_semaphore(%arg10 : memref<!tpu.dma_semaphore, #tpu.memory_space<semaphore_mem>>)
    %dma_wait3A_1137 = arith.constant 0 : i32
    %dma_wait3A_1138 = arith.constant 0 : i32
    %dma_wait3A_1139 = arith.constant 0 : i32
    %dma_wait3A_1140 = tpu.memref_slice %arg6[%dma_wait3A_1137, %dma_wait3A_1138, %dma_wait3A_1139] : memref<2x32x1024xf32, #tpu.memory_space<vmem>> -> memref<1x32x1024xf32, #tpu.memory_space<vmem>>
    %dma_wait3A_1141 = tpu.memref_squeeze %dma_wait3A_1140 : memref<1x32x1024xf32, #tpu.memory_space<vmem>> -> memref<32x1024xf32, #tpu.memory_space<vmem>>
    %dma_wait3A_1142 = arith.constant 0 : i32
    %dma_wait3A_1143 = tpu.memref_slice %arg4[%add3A_1071, %dma_wait3A_1142] : memref<32768x1024xf32, #tpu.memory_space<hbm>> -> memref<32x1024xf32, #tpu.memory_space<hbm>>
    %dma_wait3A_1144 = arith.constant 0 : i32
    %dma_wait3A_1145 = tpu.memref_slice %arg4[%add3A_1071, %dma_wait3A_1144] : memref<32768x1024xf32, #tpu.memory_space<hbm>> -> memref<32x1024xf32, #tpu.memory_space<hbm>>
    %dma_wait3A_1146 = arith.constant 0 : i32
    %dma_wait3A_1147 = arith.constant 0 : i32
    %dma_wait3A_1148 = tpu.memref_slice %arg6[%dma_wait3A_1137, %dma_wait3A_1146, %dma_wait3A_1147] : memref<2x32x1024xf32, #tpu.memory_space<vmem>> -> memref<1x32x1024xf32, #tpu.memory_space<vmem>>
    %dma_wait3A_1149 = tpu.memref_squeeze %dma_wait3A_1148 : memref<1x32x1024xf32, #tpu.memory_space<vmem>> -> memref<32x1024xf32, #tpu.memory_space<vmem>>
    tpu.wait_dma2 semaphore(%arg9 : memref<!tpu.dma_semaphore, #tpu.memory_space<semaphore_mem>>) src(%dma_wait3A_1149 : memref<32x1024xf32, #tpu.memory_space<vmem>>) dst(%dma_wait3A_1145 : memref<32x1024xf32, #tpu.memory_space<hbm>>)
    %dma_start3A_1150 = arith.constant 6 : i32
    %dma_start3A_1151 = arith.constant 0 : i32
    %dma_start3A_1152 = arith.constant 0 : i32
    %dma_start3A_1153 = arith.constant 0 : i32
    %dma_start3A_1154 = tpu.memref_slice %arg6[%dma_start3A_1151, %dma_start3A_1152, %dma_start3A_1153] : memref<2x32x1024xf32, #tpu.memory_space<vmem>> -> memref<1x32x1024xf32, #tpu.memory_space<vmem>>
    %dma_start3A_1155 = tpu.memref_squeeze %dma_start3A_1154 : memref<1x32x1024xf32, #tpu.memory_space<vmem>> -> memref<32x1024xf32, #tpu.memory_space<vmem>>
    %dma_start3A_1156 = arith.constant 0 : i32
    %dma_start3A_1157 = tpu.memref_slice %arg5[%dma_start3A_1150, %dma_start3A_1156] : memref<32x32xi32, #tpu.memory_space<vmem>> -> memref<1x32xi32, #tpu.memory_space<vmem>>
    %dma_start3A_1158 = tpu.memref_squeeze %dma_start3A_1157 : memref<1x32xi32, #tpu.memory_space<vmem>> -> memref<32xi32, #tpu.memory_space<vmem>>
    %dma_start3A_1159 = arith.constant 0 : i32
    %dma_start3A_1160 = arith.constant 0 : i32
    %dma_start3A_1161 = tpu.memref_slice %arg2[%dma_start3A_1159, %dma_start3A_1160] : memref<32768x1024xf32, #tpu.memory_space<hbm>> -> memref<32768x1024xf32, #tpu.memory_space<hbm>>
    tpu.enqueue_indirect_dma source(%dma_start3A_1161 : memref<32768x1024xf32, #tpu.memory_space<hbm>>) target(%dma_start3A_1155 : memref<32x1024xf32, #tpu.memory_space<vmem>>) offsets(%dma_start3A_1158 : memref<32xi32, #tpu.memory_space<vmem>>) semaphore(%arg7 : memref<!tpu.dma_semaphore, #tpu.memory_space<semaphore_mem>>)
    %dma_wait3A_1162 = arith.constant 6 : i32
    %dma_wait3A_1163 = arith.constant 0 : i32
    %dma_wait3A_1164 = arith.constant 0 : i32
    %dma_wait3A_1165 = arith.constant 0 : i32
    %dma_wait3A_1166 = tpu.memref_slice %arg6[%dma_wait3A_1163, %dma_wait3A_1164, %dma_wait3A_1165] : memref<2x32x1024xf32, #tpu.memory_space<vmem>> -> memref<1x32x1024xf32, #tpu.memory_space<vmem>>
    %dma_wait3A_1167 = tpu.memref_squeeze %dma_wait3A_1166 : memref<1x32x1024xf32, #tpu.memory_space<vmem>> -> memref<32x1024xf32, #tpu.memory_space<vmem>>
    %dma_wait3A_1168 = arith.constant 0 : i32
    %dma_wait3A_1169 = tpu.memref_slice %arg5[%dma_wait3A_1162, %dma_wait3A_1168] : memref<32x32xi32, #tpu.memory_space<vmem>> -> memref<1x32xi32, #tpu.memory_space<vmem>>
    %dma_wait3A_1170 = tpu.memref_squeeze %dma_wait3A_1169 : memref<1x32xi32, #tpu.memory_space<vmem>> -> memref<32xi32, #tpu.memory_space<vmem>>
    %dma_wait3A_1171 = arith.constant 0 : i32
    %dma_wait3A_1172 = arith.constant 0 : i32
    %dma_wait3A_1173 = tpu.memref_slice %arg2[%dma_wait3A_1171, %dma_wait3A_1172] : memref<32768x1024xf32, #tpu.memory_space<hbm>> -> memref<32768x1024xf32, #tpu.memory_space<hbm>>
    tpu.wait_indirect_dma semaphore(%arg7 : memref<!tpu.dma_semaphore, #tpu.memory_space<semaphore_mem>>) src(%dma_wait3A_1173 : memref<32768x1024xf32, #tpu.memory_space<hbm>>) dst(%dma_wait3A_1167 : memref<32x1024xf32, #tpu.memory_space<vmem>>)
    %add3A_1174 = arith.constant 192 : i32
    %add3A_1175 = arith.addi %mul3A_2, %add3A_1174 : i32
    %dma_start3A_1176 = arith.constant 0 : i32
    %dma_start3A_1177 = arith.constant 0 : i32
    %dma_start3A_1178 = arith.constant 0 : i32
    %dma_start3A_1179 = tpu.memref_slice %arg6[%dma_start3A_1176, %dma_start3A_1177, %dma_start3A_1178] : memref<2x32x1024xf32, #tpu.memory_space<vmem>> -> memref<1x32x1024xf32, #tpu.memory_space<vmem>>
    %dma_start3A_1180 = tpu.memref_squeeze %dma_start3A_1179 : memref<1x32x1024xf32, #tpu.memory_space<vmem>> -> memref<32x1024xf32, #tpu.memory_space<vmem>>
    %dma_start3A_1181 = arith.constant 0 : i32
    %dma_start3A_1182 = tpu.memref_slice %arg4[%add3A_1175, %dma_start3A_1181] : memref<32768x1024xf32, #tpu.memory_space<hbm>> -> memref<32x1024xf32, #tpu.memory_space<hbm>>
    %dma_start3A_1183 = arith.constant 0 : i32
    %dma_start3A_1184 = tpu.memref_slice %arg4[%add3A_1175, %dma_start3A_1183] : memref<32768x1024xf32, #tpu.memory_space<hbm>> -> memref<32x1024xf32, #tpu.memory_space<hbm>>
    %dma_start3A_1185 = arith.constant 0 : i32
    %dma_start3A_1186 = arith.constant 0 : i32
    %dma_start3A_1187 = tpu.memref_slice %arg6[%dma_start3A_1176, %dma_start3A_1185, %dma_start3A_1186] : memref<2x32x1024xf32, #tpu.memory_space<vmem>> -> memref<1x32x1024xf32, #tpu.memory_space<vmem>>
    %dma_start3A_1188 = tpu.memref_squeeze %dma_start3A_1187 : memref<1x32x1024xf32, #tpu.memory_space<vmem>> -> memref<32x1024xf32, #tpu.memory_space<vmem>>
    tpu.enqueue_dma source(%dma_start3A_1188 : memref<32x1024xf32, #tpu.memory_space<vmem>>) target(%dma_start3A_1184 : memref<32x1024xf32, #tpu.memory_space<hbm>>) target_semaphore(%arg9 : memref<!tpu.dma_semaphore, #tpu.memory_space<semaphore_mem>>)
    %dma_wait3A_1189 = arith.constant 1 : i32
    %dma_wait3A_1190 = arith.constant 0 : i32
    %dma_wait3A_1191 = arith.constant 0 : i32
    %dma_wait3A_1192 = tpu.memref_slice %arg6[%dma_wait3A_1189, %dma_wait3A_1190, %dma_wait3A_1191] : memref<2x32x1024xf32, #tpu.memory_space<vmem>> -> memref<1x32x1024xf32, #tpu.memory_space<vmem>>
    %dma_wait3A_1193 = tpu.memref_squeeze %dma_wait3A_1192 : memref<1x32x1024xf32, #tpu.memory_space<vmem>> -> memref<32x1024xf32, #tpu.memory_space<vmem>>
    %dma_wait3A_1194 = arith.constant 0 : i32
    %dma_wait3A_1195 = tpu.memref_slice %arg4[%add3A_1123, %dma_wait3A_1194] : memref<32768x1024xf32, #tpu.memory_space<hbm>> -> memref<32x1024xf32, #tpu.memory_space<hbm>>
    %dma_wait3A_1196 = arith.constant 0 : i32
    %dma_wait3A_1197 = tpu.memref_slice %arg4[%add3A_1123, %dma_wait3A_1196] : memref<32768x1024xf32, #tpu.memory_space<hbm>> -> memref<32x1024xf32, #tpu.memory_space<hbm>>
    %dma_wait3A_1198 = arith.constant 0 : i32
    %dma_wait3A_1199 = arith.constant 0 : i32
    %dma_wait3A_1200 = tpu.memref_slice %arg6[%dma_wait3A_1189, %dma_wait3A_1198, %dma_wait3A_1199] : memref<2x32x1024xf32, #tpu.memory_space<vmem>> -> memref<1x32x1024xf32, #tpu.memory_space<vmem>>
    %dma_wait3A_1201 = tpu.memref_squeeze %dma_wait3A_1200 : memref<1x32x1024xf32, #tpu.memory_space<vmem>> -> memref<32x1024xf32, #tpu.memory_space<vmem>>
    tpu.wait_dma2 semaphore(%arg10 : memref<!tpu.dma_semaphore, #tpu.memory_space<semaphore_mem>>) src(%dma_wait3A_1201 : memref<32x1024xf32, #tpu.memory_space<vmem>>) dst(%dma_wait3A_1197 : memref<32x1024xf32, #tpu.memory_space<hbm>>)
    %dma_start3A_1202 = arith.constant 7 : i32
    %dma_start3A_1203 = arith.constant 1 : i32
    %dma_start3A_1204 = arith.constant 0 : i32
    %dma_start3A_1205 = arith.constant 0 : i32
    %dma_start3A_1206 = tpu.memref_slice %arg6[%dma_start3A_1203, %dma_start3A_1204, %dma_start3A_1205] : memref<2x32x1024xf32, #tpu.memory_space<vmem>> -> memref<1x32x1024xf32, #tpu.memory_space<vmem>>
    %dma_start3A_1207 = tpu.memref_squeeze %dma_start3A_1206 : memref<1x32x1024xf32, #tpu.memory_space<vmem>> -> memref<32x1024xf32, #tpu.memory_space<vmem>>
    %dma_start3A_1208 = arith.constant 0 : i32
    %dma_start3A_1209 = tpu.memref_slice %arg5[%dma_start3A_1202, %dma_start3A_1208] : memref<32x32xi32, #tpu.memory_space<vmem>> -> memref<1x32xi32, #tpu.memory_space<vmem>>
    %dma_start3A_1210 = tpu.memref_squeeze %dma_start3A_1209 : memref<1x32xi32, #tpu.memory_space<vmem>> -> memref<32xi32, #tpu.memory_space<vmem>>
    %dma_start3A_1211 = arith.constant 0 : i32
    %dma_start3A_1212 = arith.constant 0 : i32
    %dma_start3A_1213 = tpu.memref_slice %arg2[%dma_start3A_1211, %dma_start3A_1212] : memref<32768x1024xf32, #tpu.memory_space<hbm>> -> memref<32768x1024xf32, #tpu.memory_space<hbm>>
    tpu.enqueue_indirect_dma source(%dma_start3A_1213 : memref<32768x1024xf32, #tpu.memory_space<hbm>>) target(%dma_start3A_1207 : memref<32x1024xf32, #tpu.memory_space<vmem>>) offsets(%dma_start3A_1210 : memref<32xi32, #tpu.memory_space<vmem>>) semaphore(%arg8 : memref<!tpu.dma_semaphore, #tpu.memory_space<semaphore_mem>>)
    %dma_wait3A_1214 = arith.constant 7 : i32
    %dma_wait3A_1215 = arith.constant 1 : i32
    %dma_wait3A_1216 = arith.constant 0 : i32
    %dma_wait3A_1217 = arith.constant 0 : i32
    %dma_wait3A_1218 = tpu.memref_slice %arg6[%dma_wait3A_1215, %dma_wait3A_1216, %dma_wait3A_1217] : memref<2x32x1024xf32, #tpu.memory_space<vmem>> -> memref<1x32x1024xf32, #tpu.memory_space<vmem>>
    %dma_wait3A_1219 = tpu.memref_squeeze %dma_wait3A_1218 : memref<1x32x1024xf32, #tpu.memory_space<vmem>> -> memref<32x1024xf32, #tpu.memory_space<vmem>>
    %dma_wait3A_1220 = arith.constant 0 : i32
    %dma_wait3A_1221 = tpu.memref_slice %arg5[%dma_wait3A_1214, %dma_wait3A_1220] : memref<32x32xi32, #tpu.memory_space<vmem>> -> memref<1x32xi32, #tpu.memory_space<vmem>>
    %dma_wait3A_1222 = tpu.memref_squeeze %dma_wait3A_1221 : memref<1x32xi32, #tpu.memory_space<vmem>> -> memref<32xi32, #tpu.memory_space<vmem>>
    %dma_wait3A_1223 = arith.constant 0 : i32
    %dma_wait3A_1224 = arith.constant 0 : i32
    %dma_wait3A_1225 = tpu.memref_slice %arg2[%dma_wait3A_1223, %dma_wait3A_1224] : memref<32768x1024xf32, #tpu.memory_space<hbm>> -> memref<32768x1024xf32, #tpu.memory_space<hbm>>
    tpu.wait_indirect_dma semaphore(%arg8 : memref<!tpu.dma_semaphore, #tpu.memory_space<semaphore_mem>>) src(%dma_wait3A_1225 : memref<32768x1024xf32, #tpu.memory_space<hbm>>) dst(%dma_wait3A_1219 : memref<32x1024xf32, #tpu.memory_space<vmem>>)
    %add3A_1226 = arith.constant 224 : i32
    %add3A_1227 = arith.addi %mul3A_2, %add3A_1226 : i32
    %dma_start3A_1228 = arith.constant 1 : i32
    %dma_start3A_1229 = arith.constant 0 : i32
    %dma_start3A_1230 = arith.constant 0 : i32
    %dma_start3A_1231 = tpu.memref_slice %arg6[%dma_start3A_1228, %dma_start3A_1229, %dma_start3A_1230] : memref<2x32x1024xf32, #tpu.memory_space<vmem>> -> memref<1x32x1024xf32, #tpu.memory_space<vmem>>
    %dma_start3A_1232 = tpu.memref_squeeze %dma_start3A_1231 : memref<1x32x1024xf32, #tpu.memory_space<vmem>> -> memref<32x1024xf32, #tpu.memory_space<vmem>>
    %dma_start3A_1233 = arith.constant 0 : i32
    %dma_start3A_1234 = tpu.memref_slice %arg4[%add3A_1227, %dma_start3A_1233] : memref<32768x1024xf32, #tpu.memory_space<hbm>> -> memref<32x1024xf32, #tpu.memory_space<hbm>>
    %dma_start3A_1235 = arith.constant 0 : i32
    %dma_start3A_1236 = tpu.memref_slice %arg4[%add3A_1227, %dma_start3A_1235] : memref<32768x1024xf32, #tpu.memory_space<hbm>> -> memref<32x1024xf32, #tpu.memory_space<hbm>>
    %dma_start3A_1237 = arith.constant 0 : i32
    %dma_start3A_1238 = arith.constant 0 : i32
    %dma_start3A_1239 = tpu.memref_slice %arg6[%dma_start3A_1228, %dma_start3A_1237, %dma_start3A_1238] : memref<2x32x1024xf32, #tpu.memory_space<vmem>> -> memref<1x32x1024xf32, #tpu.memory_space<vmem>>
    %dma_start3A_1240 = tpu.memref_squeeze %dma_start3A_1239 : memref<1x32x1024xf32, #tpu.memory_space<vmem>> -> memref<32x1024xf32, #tpu.memory_space<vmem>>
    tpu.enqueue_dma source(%dma_start3A_1240 : memref<32x1024xf32, #tpu.memory_space<vmem>>) target(%dma_start3A_1236 : memref<32x1024xf32, #tpu.memory_space<hbm>>) target_semaphore(%arg10 : memref<!tpu.dma_semaphore, #tpu.memory_space<semaphore_mem>>)
    %dma_wait3A_1241 = arith.constant 0 : i32
    %dma_wait3A_1242 = arith.constant 0 : i32
    %dma_wait3A_1243 = arith.constant 0 : i32
    %dma_wait3A_1244 = tpu.memref_slice %arg6[%dma_wait3A_1241, %dma_wait3A_1242, %dma_wait3A_1243] : memref<2x32x1024xf32, #tpu.memory_space<vmem>> -> memref<1x32x1024xf32, #tpu.memory_space<vmem>>
    %dma_wait3A_1245 = tpu.memref_squeeze %dma_wait3A_1244 : memref<1x32x1024xf32, #tpu.memory_space<vmem>> -> memref<32x1024xf32, #tpu.memory_space<vmem>>
    %dma_wait3A_1246 = arith.constant 0 : i32
    %dma_wait3A_1247 = tpu.memref_slice %arg4[%add3A_1175, %dma_wait3A_1246] : memref<32768x1024xf32, #tpu.memory_space<hbm>> -> memref<32x1024xf32, #tpu.memory_space<hbm>>
    %dma_wait3A_1248 = arith.constant 0 : i32
    %dma_wait3A_1249 = tpu.memref_slice %arg4[%add3A_1175, %dma_wait3A_1248] : memref<32768x1024xf32, #tpu.memory_space<hbm>> -> memref<32x1024xf32, #tpu.memory_space<hbm>>
    %dma_wait3A_1250 = arith.constant 0 : i32
    %dma_wait3A_1251 = arith.constant 0 : i32
    %dma_wait3A_1252 = tpu.memref_slice %arg6[%dma_wait3A_1241, %dma_wait3A_1250, %dma_wait3A_1251] : memref<2x32x1024xf32, #tpu.memory_space<vmem>> -> memref<1x32x1024xf32, #tpu.memory_space<vmem>>
    %dma_wait3A_1253 = tpu.memref_squeeze %dma_wait3A_1252 : memref<1x32x1024xf32, #tpu.memory_space<vmem>> -> memref<32x1024xf32, #tpu.memory_space<vmem>>
    tpu.wait_dma2 semaphore(%arg9 : memref<!tpu.dma_semaphore, #tpu.memory_space<semaphore_mem>>) src(%dma_wait3A_1253 : memref<32x1024xf32, #tpu.memory_space<vmem>>) dst(%dma_wait3A_1249 : memref<32x1024xf32, #tpu.memory_space<hbm>>)
    %dma_start3A_1254 = arith.constant 8 : i32
    %dma_start3A_1255 = arith.constant 0 : i32
    %dma_start3A_1256 = arith.constant 0 : i32
    %dma_start3A_1257 = arith.constant 0 : i32
    %dma_start3A_1258 = tpu.memref_slice %arg6[%dma_start3A_1255, %dma_start3A_1256, %dma_start3A_1257] : memref<2x32x1024xf32, #tpu.memory_space<vmem>> -> memref<1x32x1024xf32, #tpu.memory_space<vmem>>
    %dma_start3A_1259 = tpu.memref_squeeze %dma_start3A_1258 : memref<1x32x1024xf32, #tpu.memory_space<vmem>> -> memref<32x1024xf32, #tpu.memory_space<vmem>>
    %dma_start3A_1260 = arith.constant 0 : i32
    %dma_start3A_1261 = tpu.memref_slice %arg5[%dma_start3A_1254, %dma_start3A_1260] : memref<32x32xi32, #tpu.memory_space<vmem>> -> memref<1x32xi32, #tpu.memory_space<vmem>>
    %dma_start3A_1262 = tpu.memref_squeeze %dma_start3A_1261 : memref<1x32xi32, #tpu.memory_space<vmem>> -> memref<32xi32, #tpu.memory_space<vmem>>
    %dma_start3A_1263 = arith.constant 0 : i32
    %dma_start3A_1264 = arith.constant 0 : i32
    %dma_start3A_1265 = tpu.memref_slice %arg2[%dma_start3A_1263, %dma_start3A_1264] : memref<32768x1024xf32, #tpu.memory_space<hbm>> -> memref<32768x1024xf32, #tpu.memory_space<hbm>>
    tpu.enqueue_indirect_dma source(%dma_start3A_1265 : memref<32768x1024xf32, #tpu.memory_space<hbm>>) target(%dma_start3A_1259 : memref<32x1024xf32, #tpu.memory_space<vmem>>) offsets(%dma_start3A_1262 : memref<32xi32, #tpu.memory_space<vmem>>) semaphore(%arg7 : memref<!tpu.dma_semaphore, #tpu.memory_space<semaphore_mem>>)
    %dma_wait3A_1266 = arith.constant 8 : i32
    %dma_wait3A_1267 = arith.constant 0 : i32
    %dma_wait3A_1268 = arith.constant 0 : i32
    %dma_wait3A_1269 = arith.constant 0 : i32
    %dma_wait3A_1270 = tpu.memref_slice %arg6[%dma_wait3A_1267, %dma_wait3A_1268, %dma_wait3A_1269] : memref<2x32x1024xf32, #tpu.memory_space<vmem>> -> memref<1x32x1024xf32, #tpu.memory_space<vmem>>
    %dma_wait3A_1271 = tpu.memref_squeeze %dma_wait3A_1270 : memref<1x32x1024xf32, #tpu.memory_space<vmem>> -> memref<32x1024xf32, #tpu.memory_space<vmem>>
    %dma_wait3A_1272 = arith.constant 0 : i32
    %dma_wait3A_1273 = tpu.memref_slice %arg5[%dma_wait3A_1266, %dma_wait3A_1272] : memref<32x32xi32, #tpu.memory_space<vmem>> -> memref<1x32xi32, #tpu.memory_space<vmem>>
    %dma_wait3A_1274 = tpu.memref_squeeze %dma_wait3A_1273 : memref<1x32xi32, #tpu.memory_space<vmem>> -> memref<32xi32, #tpu.memory_space<vmem>>
    %dma_wait3A_1275 = arith.constant 0 : i32
    %dma_wait3A_1276 = arith.constant 0 : i32
    %dma_wait3A_1277 = tpu.memref_slice %arg2[%dma_wait3A_1275, %dma_wait3A_1276] : memref<32768x1024xf32, #tpu.memory_space<hbm>> -> memref<32768x1024xf32, #tpu.memory_space<hbm>>
    tpu.wait_indirect_dma semaphore(%arg7 : memref<!tpu.dma_semaphore, #tpu.memory_space<semaphore_mem>>) src(%dma_wait3A_1277 : memref<32768x1024xf32, #tpu.memory_space<hbm>>) dst(%dma_wait3A_1271 : memref<32x1024xf32, #tpu.memory_space<vmem>>)
    %add3A_1278 = arith.constant 256 : i32
    %add3A_1279 = arith.addi %mul3A_2, %add3A_1278 : i32
    %dma_start3A_1280 = arith.constant 0 : i32
    %dma_start3A_1281 = arith.constant 0 : i32
    %dma_start3A_1282 = arith.constant 0 : i32
    %dma_start3A_1283 = tpu.memref_slice %arg6[%dma_start3A_1280, %dma_start3A_1281, %dma_start3A_1282] : memref<2x32x1024xf32, #tpu.memory_space<vmem>> -> memref<1x32x1024xf32, #tpu.memory_space<vmem>>
    %dma_start3A_1284 = tpu.memref_squeeze %dma_start3A_1283 : memref<1x32x1024xf32, #tpu.memory_space<vmem>> -> memref<32x1024xf32, #tpu.memory_space<vmem>>
    %dma_start3A_1285 = arith.constant 0 : i32
    %dma_start3A_1286 = tpu.memref_slice %arg4[%add3A_1279, %dma_start3A_1285] : memref<32768x1024xf32, #tpu.memory_space<hbm>> -> memref<32x1024xf32, #tpu.memory_space<hbm>>
    %dma_start3A_1287 = arith.constant 0 : i32
    %dma_start3A_1288 = tpu.memref_slice %arg4[%add3A_1279, %dma_start3A_1287] : memref<32768x1024xf32, #tpu.memory_space<hbm>> -> memref<32x1024xf32, #tpu.memory_space<hbm>>
    %dma_start3A_1289 = arith.constant 0 : i32
    %dma_start3A_1290 = arith.constant 0 : i32
    %dma_start3A_1291 = tpu.memref_slice %arg6[%dma_start3A_1280, %dma_start3A_1289, %dma_start3A_1290] : memref<2x32x1024xf32, #tpu.memory_space<vmem>> -> memref<1x32x1024xf32, #tpu.memory_space<vmem>>
    %dma_start3A_1292 = tpu.memref_squeeze %dma_start3A_1291 : memref<1x32x1024xf32, #tpu.memory_space<vmem>> -> memref<32x1024xf32, #tpu.memory_space<vmem>>
    tpu.enqueue_dma source(%dma_start3A_1292 : memref<32x1024xf32, #tpu.memory_space<vmem>>) target(%dma_start3A_1288 : memref<32x1024xf32, #tpu.memory_space<hbm>>) target_semaphore(%arg9 : memref<!tpu.dma_semaphore, #tpu.memory_space<semaphore_mem>>)
    %dma_wait3A_1293 = arith.constant 1 : i32
    %dma_wait3A_1294 = arith.constant 0 : i32
    %dma_wait3A_1295 = arith.constant 0 : i32
    %dma_wait3A_1296 = tpu.memref_slice %arg6[%dma_wait3A_1293, %dma_wait3A_1294, %dma_wait3A_1295] : memref<2x32x1024xf32, #tpu.memory_space<vmem>> -> memref<1x32x1024xf32, #tpu.memory_space<vmem>>
    %dma_wait3A_1297 = tpu.memref_squeeze %dma_wait3A_1296 : memref<1x32x1024xf32, #tpu.memory_space<vmem>> -> memref<32x1024xf32, #tpu.memory_space<vmem>>
    %dma_wait3A_1298 = arith.constant 0 : i32
    %dma_wait3A_1299 = tpu.memref_slice %arg4[%add3A_1227, %dma_wait3A_1298] : memref<32768x1024xf32, #tpu.memory_space<hbm>> -> memref<32x1024xf32, #tpu.memory_space<hbm>>
    %dma_wait3A_1300 = arith.constant 0 : i32
    %dma_wait3A_1301 = tpu.memref_slice %arg4[%add3A_1227, %dma_wait3A_1300] : memref<32768x1024xf32, #tpu.memory_space<hbm>> -> memref<32x1024xf32, #tpu.memory_space<hbm>>
    %dma_wait3A_1302 = arith.constant 0 : i32
    %dma_wait3A_1303 = arith.constant 0 : i32
    %dma_wait3A_1304 = tpu.memref_slice %arg6[%dma_wait3A_1293, %dma_wait3A_1302, %dma_wait3A_1303] : memref<2x32x1024xf32, #tpu.memory_space<vmem>> -> memref<1x32x1024xf32, #tpu.memory_space<vmem>>
    %dma_wait3A_1305 = tpu.memref_squeeze %dma_wait3A_1304 : memref<1x32x1024xf32, #tpu.memory_space<vmem>> -> memref<32x1024xf32, #tpu.memory_space<vmem>>
    tpu.wait_dma2 semaphore(%arg10 : memref<!tpu.dma_semaphore, #tpu.memory_space<semaphore_mem>>) src(%dma_wait3A_1305 : memref<32x1024xf32, #tpu.memory_space<vmem>>) dst(%dma_wait3A_1301 : memref<32x1024xf32, #tpu.memory_space<hbm>>)
    %dma_start3A_1306 = arith.constant 9 : i32
    %dma_start3A_1307 = arith.constant 1 : i32
    %dma_start3A_1308 = arith.constant 0 : i32
    %dma_start3A_1309 = arith.constant 0 : i32
    %dma_start3A_1310 = tpu.memref_slice %arg6[%dma_start3A_1307, %dma_start3A_1308, %dma_start3A_1309] : memref<2x32x1024xf32, #tpu.memory_space<vmem>> -> memref<1x32x1024xf32, #tpu.memory_space<vmem>>
    %dma_start3A_1311 = tpu.memref_squeeze %dma_start3A_1310 : memref<1x32x1024xf32, #tpu.memory_space<vmem>> -> memref<32x1024xf32, #tpu.memory_space<vmem>>
    %dma_start3A_1312 = arith.constant 0 : i32
    %dma_start3A_1313 = tpu.memref_slice %arg5[%dma_start3A_1306, %dma_start3A_1312] : memref<32x32xi32, #tpu.memory_space<vmem>> -> memref<1x32xi32, #tpu.memory_space<vmem>>
    %dma_start3A_1314 = tpu.memref_squeeze %dma_start3A_1313 : memref<1x32xi32, #tpu.memory_space<vmem>> -> memref<32xi32, #tpu.memory_space<vmem>>
    %dma_start3A_1315 = arith.constant 0 : i32
    %dma_start3A_1316 = arith.constant 0 : i32
    %dma_start3A_1317 = tpu.memref_slice %arg2[%dma_start3A_1315, %dma_start3A_1316] : memref<32768x1024xf32, #tpu.memory_space<hbm>> -> memref<32768x1024xf32, #tpu.memory_space<hbm>>
    tpu.enqueue_indirect_dma source(%dma_start3A_1317 : memref<32768x1024xf32, #tpu.memory_space<hbm>>) target(%dma_start3A_1311 : memref<32x1024xf32, #tpu.memory_space<vmem>>) offsets(%dma_start3A_1314 : memref<32xi32, #tpu.memory_space<vmem>>) semaphore(%arg8 : memref<!tpu.dma_semaphore, #tpu.memory_space<semaphore_mem>>)
    %dma_wait3A_1318 = arith.constant 9 : i32
    %dma_wait3A_1319 = arith.constant 1 : i32
    %dma_wait3A_1320 = arith.constant 0 : i32
    %dma_wait3A_1321 = arith.constant 0 : i32
    %dma_wait3A_1322 = tpu.memref_slice %arg6[%dma_wait3A_1319, %dma_wait3A_1320, %dma_wait3A_1321] : memref<2x32x1024xf32, #tpu.memory_space<vmem>> -> memref<1x32x1024xf32, #tpu.memory_space<vmem>>
    %dma_wait3A_1323 = tpu.memref_squeeze %dma_wait3A_1322 : memref<1x32x1024xf32, #tpu.memory_space<vmem>> -> memref<32x1024xf32, #tpu.memory_space<vmem>>
    %dma_wait3A_1324 = arith.constant 0 : i32
    %dma_wait3A_1325 = tpu.memref_slice %arg5[%dma_wait3A_1318, %dma_wait3A_1324] : memref<32x32xi32, #tpu.memory_space<vmem>> -> memref<1x32xi32, #tpu.memory_space<vmem>>
    %dma_wait3A_1326 = tpu.memref_squeeze %dma_wait3A_1325 : memref<1x32xi32, #tpu.memory_space<vmem>> -> memref<32xi32, #tpu.memory_space<vmem>>
    %dma_wait3A_1327 = arith.constant 0 : i32
    %dma_wait3A_1328 = arith.constant 0 : i32
    %dma_wait3A_1329 = tpu.memref_slice %arg2[%dma_wait3A_1327, %dma_wait3A_1328] : memref<32768x1024xf32, #tpu.memory_space<hbm>> -> memref<32768x1024xf32, #tpu.memory_space<hbm>>
    tpu.wait_indirect_dma semaphore(%arg8 : memref<!tpu.dma_semaphore, #tpu.memory_space<semaphore_mem>>) src(%dma_wait3A_1329 : memref<32768x1024xf32, #tpu.memory_space<hbm>>) dst(%dma_wait3A_1323 : memref<32x1024xf32, #tpu.memory_space<vmem>>)
    %add3A_1330 = arith.constant 288 : i32
    %add3A_1331 = arith.addi %mul3A_2, %add3A_1330 : i32
    %dma_start3A_1332 = arith.constant 1 : i32
    %dma_start3A_1333 = arith.constant 0 : i32
    %dma_start3A_1334 = arith.constant 0 : i32
    %dma_start3A_1335 = tpu.memref_slice %arg6[%dma_start3A_1332, %dma_start3A_1333, %dma_start3A_1334] : memref<2x32x1024xf32, #tpu.memory_space<vmem>> -> memref<1x32x1024xf32, #tpu.memory_space<vmem>>
    %dma_start3A_1336 = tpu.memref_squeeze %dma_start3A_1335 : memref<1x32x1024xf32, #tpu.memory_space<vmem>> -> memref<32x1024xf32, #tpu.memory_space<vmem>>
    %dma_start3A_1337 = arith.constant 0 : i32
    %dma_start3A_1338 = tpu.memref_slice %arg4[%add3A_1331, %dma_start3A_1337] : memref<32768x1024xf32, #tpu.memory_space<hbm>> -> memref<32x1024xf32, #tpu.memory_space<hbm>>
    %dma_start3A_1339 = arith.constant 0 : i32
    %dma_start3A_1340 = tpu.memref_slice %arg4[%add3A_1331, %dma_start3A_1339] : memref<32768x1024xf32, #tpu.memory_space<hbm>> -> memref<32x1024xf32, #tpu.memory_space<hbm>>
    %dma_start3A_1341 = arith.constant 0 : i32
    %dma_start3A_1342 = arith.constant 0 : i32
    %dma_start3A_1343 = tpu.memref_slice %arg6[%dma_start3A_1332, %dma_start3A_1341, %dma_start3A_1342] : memref<2x32x1024xf32, #tpu.memory_space<vmem>> -> memref<1x32x1024xf32, #tpu.memory_space<vmem>>
    %dma_start3A_1344 = tpu.memref_squeeze %dma_start3A_1343 : memref<1x32x1024xf32, #tpu.memory_space<vmem>> -> memref<32x1024xf32, #tpu.memory_space<vmem>>
    tpu.enqueue_dma source(%dma_start3A_1344 : memref<32x1024xf32, #tpu.memory_space<vmem>>) target(%dma_start3A_1340 : memref<32x1024xf32, #tpu.memory_space<hbm>>) target_semaphore(%arg10 : memref<!tpu.dma_semaphore, #tpu.memory_space<semaphore_mem>>)
    %dma_wait3A_1345 = arith.constant 0 : i32
    %dma_wait3A_1346 = arith.constant 0 : i32
    %dma_wait3A_1347 = arith.constant 0 : i32
    %dma_wait3A_1348 = tpu.memref_slice %arg6[%dma_wait3A_1345, %dma_wait3A_1346, %dma_wait3A_1347] : memref<2x32x1024xf32, #tpu.memory_space<vmem>> -> memref<1x32x1024xf32, #tpu.memory_space<vmem>>
    %dma_wait3A_1349 = tpu.memref_squeeze %dma_wait3A_1348 : memref<1x32x1024xf32, #tpu.memory_space<vmem>> -> memref<32x1024xf32, #tpu.memory_space<vmem>>
    %dma_wait3A_1350 = arith.constant 0 : i32
    %dma_wait3A_1351 = tpu.memref_slice %arg4[%add3A_1279, %dma_wait3A_1350] : memref<32768x1024xf32, #tpu.memory_space<hbm>> -> memref<32x1024xf32, #tpu.memory_space<hbm>>
    %dma_wait3A_1352 = arith.constant 0 : i32
    %dma_wait3A_1353 = tpu.memref_slice %arg4[%add3A_1279, %dma_wait3A_1352] : memref<32768x1024xf32, #tpu.memory_space<hbm>> -> memref<32x1024xf32, #tpu.memory_space<hbm>>
    %dma_wait3A_1354 = arith.constant 0 : i32
    %dma_wait3A_1355 = arith.constant 0 : i32
    %dma_wait3A_1356 = tpu.memref_slice %arg6[%dma_wait3A_1345, %dma_wait3A_1354, %dma_wait3A_1355] : memref<2x32x1024xf32, #tpu.memory_space<vmem>> -> memref<1x32x1024xf32, #tpu.memory_space<vmem>>
    %dma_wait3A_1357 = tpu.memref_squeeze %dma_wait3A_1356 : memref<1x32x1024xf32, #tpu.memory_space<vmem>> -> memref<32x1024xf32, #tpu.memory_space<vmem>>
    tpu.wait_dma2 semaphore(%arg9 : memref<!tpu.dma_semaphore, #tpu.memory_space<semaphore_mem>>) src(%dma_wait3A_1357 : memref<32x1024xf32, #tpu.memory_space<vmem>>) dst(%dma_wait3A_1353 : memref<32x1024xf32, #tpu.memory_space<hbm>>)
    %dma_start3A_1358 = arith.constant 10 : i32
    %dma_start3A_1359 = arith.constant 0 : i32
    %dma_start3A_1360 = arith.constant 0 : i32
    %dma_start3A_1361 = arith.constant 0 : i32
    %dma_start3A_1362 = tpu.memref_slice %arg6[%dma_start3A_1359, %dma_start3A_1360, %dma_start3A_1361] : memref<2x32x1024xf32, #tpu.memory_space<vmem>> -> memref<1x32x1024xf32, #tpu.memory_space<vmem>>
    %dma_start3A_1363 = tpu.memref_squeeze %dma_start3A_1362 : memref<1x32x1024xf32, #tpu.memory_space<vmem>> -> memref<32x1024xf32, #tpu.memory_space<vmem>>
    %dma_start3A_1364 = arith.constant 0 : i32
    %dma_start3A_1365 = tpu.memref_slice %arg5[%dma_start3A_1358, %dma_start3A_1364] : memref<32x32xi32, #tpu.memory_space<vmem>> -> memref<1x32xi32, #tpu.memory_space<vmem>>
    %dma_start3A_1366 = tpu.memref_squeeze %dma_start3A_1365 : memref<1x32xi32, #tpu.memory_space<vmem>> -> memref<32xi32, #tpu.memory_space<vmem>>
    %dma_start3A_1367 = arith.constant 0 : i32
    %dma_start3A_1368 = arith.constant 0 : i32
    %dma_start3A_1369 = tpu.memref_slice %arg2[%dma_start3A_1367, %dma_start3A_1368] : memref<32768x1024xf32, #tpu.memory_space<hbm>> -> memref<32768x1024xf32, #tpu.memory_space<hbm>>
    tpu.enqueue_indirect_dma source(%dma_start3A_1369 : memref<32768x1024xf32, #tpu.memory_space<hbm>>) target(%dma_start3A_1363 : memref<32x1024xf32, #tpu.memory_space<vmem>>) offsets(%dma_start3A_1366 : memref<32xi32, #tpu.memory_space<vmem>>) semaphore(%arg7 : memref<!tpu.dma_semaphore, #tpu.memory_space<semaphore_mem>>)
    %dma_wait3A_1370 = arith.constant 10 : i32
    %dma_wait3A_1371 = arith.constant 0 : i32
    %dma_wait3A_1372 = arith.constant 0 : i32
    %dma_wait3A_1373 = arith.constant 0 : i32
    %dma_wait3A_1374 = tpu.memref_slice %arg6[%dma_wait3A_1371, %dma_wait3A_1372, %dma_wait3A_1373] : memref<2x32x1024xf32, #tpu.memory_space<vmem>> -> memref<1x32x1024xf32, #tpu.memory_space<vmem>>
    %dma_wait3A_1375 = tpu.memref_squeeze %dma_wait3A_1374 : memref<1x32x1024xf32, #tpu.memory_space<vmem>> -> memref<32x1024xf32, #tpu.memory_space<vmem>>
    %dma_wait3A_1376 = arith.constant 0 : i32
    %dma_wait3A_1377 = tpu.memref_slice %arg5[%dma_wait3A_1370, %dma_wait3A_1376] : memref<32x32xi32, #tpu.memory_space<vmem>> -> memref<1x32xi32, #tpu.memory_space<vmem>>
    %dma_wait3A_1378 = tpu.memref_squeeze %dma_wait3A_1377 : memref<1x32xi32, #tpu.memory_space<vmem>> -> memref<32xi32, #tpu.memory_space<vmem>>
    %dma_wait3A_1379 = arith.constant 0 : i32
    %dma_wait3A_1380 = arith.constant 0 : i32
    %dma_wait3A_1381 = tpu.memref_slice %arg2[%dma_wait3A_1379, %dma_wait3A_1380] : memref<32768x1024xf32, #tpu.memory_space<hbm>> -> memref<32768x1024xf32, #tpu.memory_space<hbm>>
    tpu.wait_indirect_dma semaphore(%arg7 : memref<!tpu.dma_semaphore, #tpu.memory_space<semaphore_mem>>) src(%dma_wait3A_1381 : memref<32768x1024xf32, #tpu.memory_space<hbm>>) dst(%dma_wait3A_1375 : memref<32x1024xf32, #tpu.memory_space<vmem>>)
    %add3A_1382 = arith.constant 320 : i32
    %add3A_1383 = arith.addi %mul3A_2, %add3A_1382 : i32
    %dma_start3A_1384 = arith.constant 0 : i32
    %dma_start3A_1385 = arith.constant 0 : i32
    %dma_start3A_1386 = arith.constant 0 : i32
    %dma_start3A_1387 = tpu.memref_slice %arg6[%dma_start3A_1384, %dma_start3A_1385, %dma_start3A_1386] : memref<2x32x1024xf32, #tpu.memory_space<vmem>> -> memref<1x32x1024xf32, #tpu.memory_space<vmem>>
    %dma_start3A_1388 = tpu.memref_squeeze %dma_start3A_1387 : memref<1x32x1024xf32, #tpu.memory_space<vmem>> -> memref<32x1024xf32, #tpu.memory_space<vmem>>
    %dma_start3A_1389 = arith.constant 0 : i32
    %dma_start3A_1390 = tpu.memref_slice %arg4[%add3A_1383, %dma_start3A_1389] : memref<32768x1024xf32, #tpu.memory_space<hbm>> -> memref<32x1024xf32, #tpu.memory_space<hbm>>
    %dma_start3A_1391 = arith.constant 0 : i32
    %dma_start3A_1392 = tpu.memref_slice %arg4[%add3A_1383, %dma_start3A_1391] : memref<32768x1024xf32, #tpu.memory_space<hbm>> -> memref<32x1024xf32, #tpu.memory_space<hbm>>
    %dma_start3A_1393 = arith.constant 0 : i32
    %dma_start3A_1394 = arith.constant 0 : i32
    %dma_start3A_1395 = tpu.memref_slice %arg6[%dma_start3A_1384, %dma_start3A_1393, %dma_start3A_1394] : memref<2x32x1024xf32, #tpu.memory_space<vmem>> -> memref<1x32x1024xf32, #tpu.memory_space<vmem>>
    %dma_start3A_1396 = tpu.memref_squeeze %dma_start3A_1395 : memref<1x32x1024xf32, #tpu.memory_space<vmem>> -> memref<32x1024xf32, #tpu.memory_space<vmem>>
    tpu.enqueue_dma source(%dma_start3A_1396 : memref<32x1024xf32, #tpu.memory_space<vmem>>) target(%dma_start3A_1392 : memref<32x1024xf32, #tpu.memory_space<hbm>>) target_semaphore(%arg9 : memref<!tpu.dma_semaphore, #tpu.memory_space<semaphore_mem>>)
    %dma_wait3A_1397 = arith.constant 1 : i32
    %dma_wait3A_1398 = arith.constant 0 : i32
    %dma_wait3A_1399 = arith.constant 0 : i32
    %dma_wait3A_1400 = tpu.memref_slice %arg6[%dma_wait3A_1397, %dma_wait3A_1398, %dma_wait3A_1399] : memref<2x32x1024xf32, #tpu.memory_space<vmem>> -> memref<1x32x1024xf32, #tpu.memory_space<vmem>>
    %dma_wait3A_1401 = tpu.memref_squeeze %dma_wait3A_1400 : memref<1x32x1024xf32, #tpu.memory_space<vmem>> -> memref<32x1024xf32, #tpu.memory_space<vmem>>
    %dma_wait3A_1402 = arith.constant 0 : i32
    %dma_wait3A_1403 = tpu.memref_slice %arg4[%add3A_1331, %dma_wait3A_1402] : memref<32768x1024xf32, #tpu.memory_space<hbm>> -> memref<32x1024xf32, #tpu.memory_space<hbm>>
    %dma_wait3A_1404 = arith.constant 0 : i32
    %dma_wait3A_1405 = tpu.memref_slice %arg4[%add3A_1331, %dma_wait3A_1404] : memref<32768x1024xf32, #tpu.memory_space<hbm>> -> memref<32x1024xf32, #tpu.memory_space<hbm>>
    %dma_wait3A_1406 = arith.constant 0 : i32
    %dma_wait3A_1407 = arith.constant 0 : i32
    %dma_wait3A_1408 = tpu.memref_slice %arg6[%dma_wait3A_1397, %dma_wait3A_1406, %dma_wait3A_1407] : memref<2x32x1024xf32, #tpu.memory_space<vmem>> -> memref<1x32x1024xf32, #tpu.memory_space<vmem>>
    %dma_wait3A_1409 = tpu.memref_squeeze %dma_wait3A_1408 : memref<1x32x1024xf32, #tpu.memory_space<vmem>> -> memref<32x1024xf32, #tpu.memory_space<vmem>>
    tpu.wait_dma2 semaphore(%arg10 : memref<!tpu.dma_semaphore, #tpu.memory_space<semaphore_mem>>) src(%dma_wait3A_1409 : memref<32x1024xf32, #tpu.memory_space<vmem>>) dst(%dma_wait3A_1405 : memref<32x1024xf32, #tpu.memory_space<hbm>>)
    %dma_start3A_1410 = arith.constant 11 : i32
    %dma_start3A_1411 = arith.constant 1 : i32
    %dma_start3A_1412 = arith.constant 0 : i32
    %dma_start3A_1413 = arith.constant 0 : i32
    %dma_start3A_1414 = tpu.memref_slice %arg6[%dma_start3A_1411, %dma_start3A_1412, %dma_start3A_1413] : memref<2x32x1024xf32, #tpu.memory_space<vmem>> -> memref<1x32x1024xf32, #tpu.memory_space<vmem>>
    %dma_start3A_1415 = tpu.memref_squeeze %dma_start3A_1414 : memref<1x32x1024xf32, #tpu.memory_space<vmem>> -> memref<32x1024xf32, #tpu.memory_space<vmem>>
    %dma_start3A_1416 = arith.constant 0 : i32
    %dma_start3A_1417 = tpu.memref_slice %arg5[%dma_start3A_1410, %dma_start3A_1416] : memref<32x32xi32, #tpu.memory_space<vmem>> -> memref<1x32xi32, #tpu.memory_space<vmem>>
    %dma_start3A_1418 = tpu.memref_squeeze %dma_start3A_1417 : memref<1x32xi32, #tpu.memory_space<vmem>> -> memref<32xi32, #tpu.memory_space<vmem>>
    %dma_start3A_1419 = arith.constant 0 : i32
    %dma_start3A_1420 = arith.constant 0 : i32
    %dma_start3A_1421 = tpu.memref_slice %arg2[%dma_start3A_1419, %dma_start3A_1420] : memref<32768x1024xf32, #tpu.memory_space<hbm>> -> memref<32768x1024xf32, #tpu.memory_space<hbm>>
    tpu.enqueue_indirect_dma source(%dma_start3A_1421 : memref<32768x1024xf32, #tpu.memory_space<hbm>>) target(%dma_start3A_1415 : memref<32x1024xf32, #tpu.memory_space<vmem>>) offsets(%dma_start3A_1418 : memref<32xi32, #tpu.memory_space<vmem>>) semaphore(%arg8 : memref<!tpu.dma_semaphore, #tpu.memory_space<semaphore_mem>>)
    %dma_wait3A_1422 = arith.constant 11 : i32
    %dma_wait3A_1423 = arith.constant 1 : i32
    %dma_wait3A_1424 = arith.constant 0 : i32
    %dma_wait3A_1425 = arith.constant 0 : i32
    %dma_wait3A_1426 = tpu.memref_slice %arg6[%dma_wait3A_1423, %dma_wait3A_1424, %dma_wait3A_1425] : memref<2x32x1024xf32, #tpu.memory_space<vmem>> -> memref<1x32x1024xf32, #tpu.memory_space<vmem>>
    %dma_wait3A_1427 = tpu.memref_squeeze %dma_wait3A_1426 : memref<1x32x1024xf32, #tpu.memory_space<vmem>> -> memref<32x1024xf32, #tpu.memory_space<vmem>>
    %dma_wait3A_1428 = arith.constant 0 : i32
    %dma_wait3A_1429 = tpu.memref_slice %arg5[%dma_wait3A_1422, %dma_wait3A_1428] : memref<32x32xi32, #tpu.memory_space<vmem>> -> memref<1x32xi32, #tpu.memory_space<vmem>>
    %dma_wait3A_1430 = tpu.memref_squeeze %dma_wait3A_1429 : memref<1x32xi32, #tpu.memory_space<vmem>> -> memref<32xi32, #tpu.memory_space<vmem>>
    %dma_wait3A_1431 = arith.constant 0 : i32
    %dma_wait3A_1432 = arith.constant 0 : i32
    %dma_wait3A_1433 = tpu.memref_slice %arg2[%dma_wait3A_1431, %dma_wait3A_1432] : memref<32768x1024xf32, #tpu.memory_space<hbm>> -> memref<32768x1024xf32, #tpu.memory_space<hbm>>
    tpu.wait_indirect_dma semaphore(%arg8 : memref<!tpu.dma_semaphore, #tpu.memory_space<semaphore_mem>>) src(%dma_wait3A_1433 : memref<32768x1024xf32, #tpu.memory_space<hbm>>) dst(%dma_wait3A_1427 : memref<32x1024xf32, #tpu.memory_space<vmem>>)
    %add3A_1434 = arith.constant 352 : i32
    %add3A_1435 = arith.addi %mul3A_2, %add3A_1434 : i32
    %dma_start3A_1436 = arith.constant 1 : i32
    %dma_start3A_1437 = arith.constant 0 : i32
    %dma_start3A_1438 = arith.constant 0 : i32
    %dma_start3A_1439 = tpu.memref_slice %arg6[%dma_start3A_1436, %dma_start3A_1437, %dma_start3A_1438] : memref<2x32x1024xf32, #tpu.memory_space<vmem>> -> memref<1x32x1024xf32, #tpu.memory_space<vmem>>
    %dma_start3A_1440 = tpu.memref_squeeze %dma_start3A_1439 : memref<1x32x1024xf32, #tpu.memory_space<vmem>> -> memref<32x1024xf32, #tpu.memory_space<vmem>>
    %dma_start3A_1441 = arith.constant 0 : i32
    %dma_start3A_1442 = tpu.memref_slice %arg4[%add3A_1435, %dma_start3A_1441] : memref<32768x1024xf32, #tpu.memory_space<hbm>> -> memref<32x1024xf32, #tpu.memory_space<hbm>>
    %dma_start3A_1443 = arith.constant 0 : i32
    %dma_start3A_1444 = tpu.memref_slice %arg4[%add3A_1435, %dma_start3A_1443] : memref<32768x1024xf32, #tpu.memory_space<hbm>> -> memref<32x1024xf32, #tpu.memory_space<hbm>>
    %dma_start3A_1445 = arith.constant 0 : i32
    %dma_start3A_1446 = arith.constant 0 : i32
    %dma_start3A_1447 = tpu.memref_slice %arg6[%dma_start3A_1436, %dma_start3A_1445, %dma_start3A_1446] : memref<2x32x1024xf32, #tpu.memory_space<vmem>> -> memref<1x32x1024xf32, #tpu.memory_space<vmem>>
    %dma_start3A_1448 = tpu.memref_squeeze %dma_start3A_1447 : memref<1x32x1024xf32, #tpu.memory_space<vmem>> -> memref<32x1024xf32, #tpu.memory_space<vmem>>
    tpu.enqueue_dma source(%dma_start3A_1448 : memref<32x1024xf32, #tpu.memory_space<vmem>>) target(%dma_start3A_1444 : memref<32x1024xf32, #tpu.memory_space<hbm>>) target_semaphore(%arg10 : memref<!tpu.dma_semaphore, #tpu.memory_space<semaphore_mem>>)
    %dma_wait3A_1449 = arith.constant 0 : i32
    %dma_wait3A_1450 = arith.constant 0 : i32
    %dma_wait3A_1451 = arith.constant 0 : i32
    %dma_wait3A_1452 = tpu.memref_slice %arg6[%dma_wait3A_1449, %dma_wait3A_1450, %dma_wait3A_1451] : memref<2x32x1024xf32, #tpu.memory_space<vmem>> -> memref<1x32x1024xf32, #tpu.memory_space<vmem>>
    %dma_wait3A_1453 = tpu.memref_squeeze %dma_wait3A_1452 : memref<1x32x1024xf32, #tpu.memory_space<vmem>> -> memref<32x1024xf32, #tpu.memory_space<vmem>>
    %dma_wait3A_1454 = arith.constant 0 : i32
    %dma_wait3A_1455 = tpu.memref_slice %arg4[%add3A_1383, %dma_wait3A_1454] : memref<32768x1024xf32, #tpu.memory_space<hbm>> -> memref<32x1024xf32, #tpu.memory_space<hbm>>
    %dma_wait3A_1456 = arith.constant 0 : i32
    %dma_wait3A_1457 = tpu.memref_slice %arg4[%add3A_1383, %dma_wait3A_1456] : memref<32768x1024xf32, #tpu.memory_space<hbm>> -> memref<32x1024xf32, #tpu.memory_space<hbm>>
    %dma_wait3A_1458 = arith.constant 0 : i32
    %dma_wait3A_1459 = arith.constant 0 : i32
    %dma_wait3A_1460 = tpu.memref_slice %arg6[%dma_wait3A_1449, %dma_wait3A_1458, %dma_wait3A_1459] : memref<2x32x1024xf32, #tpu.memory_space<vmem>> -> memref<1x32x1024xf32, #tpu.memory_space<vmem>>
    %dma_wait3A_1461 = tpu.memref_squeeze %dma_wait3A_1460 : memref<1x32x1024xf32, #tpu.memory_space<vmem>> -> memref<32x1024xf32, #tpu.memory_space<vmem>>
    tpu.wait_dma2 semaphore(%arg9 : memref<!tpu.dma_semaphore, #tpu.memory_space<semaphore_mem>>) src(%dma_wait3A_1461 : memref<32x1024xf32, #tpu.memory_space<vmem>>) dst(%dma_wait3A_1457 : memref<32x1024xf32, #tpu.memory_space<hbm>>)
    %dma_start3A_1462 = arith.constant 12 : i32
    %dma_start3A_1463 = arith.constant 0 : i32
    %dma_start3A_1464 = arith.constant 0 : i32
    %dma_start3A_1465 = arith.constant 0 : i32
    %dma_start3A_1466 = tpu.memref_slice %arg6[%dma_start3A_1463, %dma_start3A_1464, %dma_start3A_1465] : memref<2x32x1024xf32, #tpu.memory_space<vmem>> -> memref<1x32x1024xf32, #tpu.memory_space<vmem>>
    %dma_start3A_1467 = tpu.memref_squeeze %dma_start3A_1466 : memref<1x32x1024xf32, #tpu.memory_space<vmem>> -> memref<32x1024xf32, #tpu.memory_space<vmem>>
    %dma_start3A_1468 = arith.constant 0 : i32
    %dma_start3A_1469 = tpu.memref_slice %arg5[%dma_start3A_1462, %dma_start3A_1468] : memref<32x32xi32, #tpu.memory_space<vmem>> -> memref<1x32xi32, #tpu.memory_space<vmem>>
    %dma_start3A_1470 = tpu.memref_squeeze %dma_start3A_1469 : memref<1x32xi32, #tpu.memory_space<vmem>> -> memref<32xi32, #tpu.memory_space<vmem>>
    %dma_start3A_1471 = arith.constant 0 : i32
    %dma_start3A_1472 = arith.constant 0 : i32
    %dma_start3A_1473 = tpu.memref_slice %arg2[%dma_start3A_1471, %dma_start3A_1472] : memref<32768x1024xf32, #tpu.memory_space<hbm>> -> memref<32768x1024xf32, #tpu.memory_space<hbm>>
    tpu.enqueue_indirect_dma source(%dma_start3A_1473 : memref<32768x1024xf32, #tpu.memory_space<hbm>>) target(%dma_start3A_1467 : memref<32x1024xf32, #tpu.memory_space<vmem>>) offsets(%dma_start3A_1470 : memref<32xi32, #tpu.memory_space<vmem>>) semaphore(%arg7 : memref<!tpu.dma_semaphore, #tpu.memory_space<semaphore_mem>>)
    %dma_wait3A_1474 = arith.constant 12 : i32
    %dma_wait3A_1475 = arith.constant 0 : i32
    %dma_wait3A_1476 = arith.constant 0 : i32
    %dma_wait3A_1477 = arith.constant 0 : i32
    %dma_wait3A_1478 = tpu.memref_slice %arg6[%dma_wait3A_1475, %dma_wait3A_1476, %dma_wait3A_1477] : memref<2x32x1024xf32, #tpu.memory_space<vmem>> -> memref<1x32x1024xf32, #tpu.memory_space<vmem>>
    %dma_wait3A_1479 = tpu.memref_squeeze %dma_wait3A_1478 : memref<1x32x1024xf32, #tpu.memory_space<vmem>> -> memref<32x1024xf32, #tpu.memory_space<vmem>>
    %dma_wait3A_1480 = arith.constant 0 : i32
    %dma_wait3A_1481 = tpu.memref_slice %arg5[%dma_wait3A_1474, %dma_wait3A_1480] : memref<32x32xi32, #tpu.memory_space<vmem>> -> memref<1x32xi32, #tpu.memory_space<vmem>>
    %dma_wait3A_1482 = tpu.memref_squeeze %dma_wait3A_1481 : memref<1x32xi32, #tpu.memory_space<vmem>> -> memref<32xi32, #tpu.memory_space<vmem>>
    %dma_wait3A_1483 = arith.constant 0 : i32
    %dma_wait3A_1484 = arith.constant 0 : i32
    %dma_wait3A_1485 = tpu.memref_slice %arg2[%dma_wait3A_1483, %dma_wait3A_1484] : memref<32768x1024xf32, #tpu.memory_space<hbm>> -> memref<32768x1024xf32, #tpu.memory_space<hbm>>
    tpu.wait_indirect_dma semaphore(%arg7 : memref<!tpu.dma_semaphore, #tpu.memory_space<semaphore_mem>>) src(%dma_wait3A_1485 : memref<32768x1024xf32, #tpu.memory_space<hbm>>) dst(%dma_wait3A_1479 : memref<32x1024xf32, #tpu.memory_space<vmem>>)
    %add3A_1486 = arith.constant 384 : i32
    %add3A_1487 = arith.addi %mul3A_2, %add3A_1486 : i32
    %dma_start3A_1488 = arith.constant 0 : i32
    %dma_start3A_1489 = arith.constant 0 : i32
    %dma_start3A_1490 = arith.constant 0 : i32
    %dma_start3A_1491 = tpu.memref_slice %arg6[%dma_start3A_1488, %dma_start3A_1489, %dma_start3A_1490] : memref<2x32x1024xf32, #tpu.memory_space<vmem>> -> memref<1x32x1024xf32, #tpu.memory_space<vmem>>
    %dma_start3A_1492 = tpu.memref_squeeze %dma_start3A_1491 : memref<1x32x1024xf32, #tpu.memory_space<vmem>> -> memref<32x1024xf32, #tpu.memory_space<vmem>>
    %dma_start3A_1493 = arith.constant 0 : i32
    %dma_start3A_1494 = tpu.memref_slice %arg4[%add3A_1487, %dma_start3A_1493] : memref<32768x1024xf32, #tpu.memory_space<hbm>> -> memref<32x1024xf32, #tpu.memory_space<hbm>>
    %dma_start3A_1495 = arith.constant 0 : i32
    %dma_start3A_1496 = tpu.memref_slice %arg4[%add3A_1487, %dma_start3A_1495] : memref<32768x1024xf32, #tpu.memory_space<hbm>> -> memref<32x1024xf32, #tpu.memory_space<hbm>>
    %dma_start3A_1497 = arith.constant 0 : i32
    %dma_start3A_1498 = arith.constant 0 : i32
    %dma_start3A_1499 = tpu.memref_slice %arg6[%dma_start3A_1488, %dma_start3A_1497, %dma_start3A_1498] : memref<2x32x1024xf32, #tpu.memory_space<vmem>> -> memref<1x32x1024xf32, #tpu.memory_space<vmem>>
    %dma_start3A_1500 = tpu.memref_squeeze %dma_start3A_1499 : memref<1x32x1024xf32, #tpu.memory_space<vmem>> -> memref<32x1024xf32, #tpu.memory_space<vmem>>
    tpu.enqueue_dma source(%dma_start3A_1500 : memref<32x1024xf32, #tpu.memory_space<vmem>>) target(%dma_start3A_1496 : memref<32x1024xf32, #tpu.memory_space<hbm>>) target_semaphore(%arg9 : memref<!tpu.dma_semaphore, #tpu.memory_space<semaphore_mem>>)
    %dma_wait3A_1501 = arith.constant 1 : i32
    %dma_wait3A_1502 = arith.constant 0 : i32
    %dma_wait3A_1503 = arith.constant 0 : i32
    %dma_wait3A_1504 = tpu.memref_slice %arg6[%dma_wait3A_1501, %dma_wait3A_1502, %dma_wait3A_1503] : memref<2x32x1024xf32, #tpu.memory_space<vmem>> -> memref<1x32x1024xf32, #tpu.memory_space<vmem>>
    %dma_wait3A_1505 = tpu.memref_squeeze %dma_wait3A_1504 : memref<1x32x1024xf32, #tpu.memory_space<vmem>> -> memref<32x1024xf32, #tpu.memory_space<vmem>>
    %dma_wait3A_1506 = arith.constant 0 : i32
    %dma_wait3A_1507 = tpu.memref_slice %arg4[%add3A_1435, %dma_wait3A_1506] : memref<32768x1024xf32, #tpu.memory_space<hbm>> -> memref<32x1024xf32, #tpu.memory_space<hbm>>
    %dma_wait3A_1508 = arith.constant 0 : i32
    %dma_wait3A_1509 = tpu.memref_slice %arg4[%add3A_1435, %dma_wait3A_1508] : memref<32768x1024xf32, #tpu.memory_space<hbm>> -> memref<32x1024xf32, #tpu.memory_space<hbm>>
    %dma_wait3A_1510 = arith.constant 0 : i32
    %dma_wait3A_1511 = arith.constant 0 : i32
    %dma_wait3A_1512 = tpu.memref_slice %arg6[%dma_wait3A_1501, %dma_wait3A_1510, %dma_wait3A_1511] : memref<2x32x1024xf32, #tpu.memory_space<vmem>> -> memref<1x32x1024xf32, #tpu.memory_space<vmem>>
    %dma_wait3A_1513 = tpu.memref_squeeze %dma_wait3A_1512 : memref<1x32x1024xf32, #tpu.memory_space<vmem>> -> memref<32x1024xf32, #tpu.memory_space<vmem>>
    tpu.wait_dma2 semaphore(%arg10 : memref<!tpu.dma_semaphore, #tpu.memory_space<semaphore_mem>>) src(%dma_wait3A_1513 : memref<32x1024xf32, #tpu.memory_space<vmem>>) dst(%dma_wait3A_1509 : memref<32x1024xf32, #tpu.memory_space<hbm>>)
    %dma_start3A_1514 = arith.constant 13 : i32
    %dma_start3A_1515 = arith.constant 1 : i32
    %dma_start3A_1516 = arith.constant 0 : i32
    %dma_start3A_1517 = arith.constant 0 : i32
    %dma_start3A_1518 = tpu.memref_slice %arg6[%dma_start3A_1515, %dma_start3A_1516, %dma_start3A_1517] : memref<2x32x1024xf32, #tpu.memory_space<vmem>> -> memref<1x32x1024xf32, #tpu.memory_space<vmem>>
    %dma_start3A_1519 = tpu.memref_squeeze %dma_start3A_1518 : memref<1x32x1024xf32, #tpu.memory_space<vmem>> -> memref<32x1024xf32, #tpu.memory_space<vmem>>
    %dma_start3A_1520 = arith.constant 0 : i32
    %dma_start3A_1521 = tpu.memref_slice %arg5[%dma_start3A_1514, %dma_start3A_1520] : memref<32x32xi32, #tpu.memory_space<vmem>> -> memref<1x32xi32, #tpu.memory_space<vmem>>
    %dma_start3A_1522 = tpu.memref_squeeze %dma_start3A_1521 : memref<1x32xi32, #tpu.memory_space<vmem>> -> memref<32xi32, #tpu.memory_space<vmem>>
    %dma_start3A_1523 = arith.constant 0 : i32
    %dma_start3A_1524 = arith.constant 0 : i32
    %dma_start3A_1525 = tpu.memref_slice %arg2[%dma_start3A_1523, %dma_start3A_1524] : memref<32768x1024xf32, #tpu.memory_space<hbm>> -> memref<32768x1024xf32, #tpu.memory_space<hbm>>
    tpu.enqueue_indirect_dma source(%dma_start3A_1525 : memref<32768x1024xf32, #tpu.memory_space<hbm>>) target(%dma_start3A_1519 : memref<32x1024xf32, #tpu.memory_space<vmem>>) offsets(%dma_start3A_1522 : memref<32xi32, #tpu.memory_space<vmem>>) semaphore(%arg8 : memref<!tpu.dma_semaphore, #tpu.memory_space<semaphore_mem>>)
    %dma_wait3A_1526 = arith.constant 13 : i32
    %dma_wait3A_1527 = arith.constant 1 : i32
    %dma_wait3A_1528 = arith.constant 0 : i32
    %dma_wait3A_1529 = arith.constant 0 : i32
    %dma_wait3A_1530 = tpu.memref_slice %arg6[%dma_wait3A_1527, %dma_wait3A_1528, %dma_wait3A_1529] : memref<2x32x1024xf32, #tpu.memory_space<vmem>> -> memref<1x32x1024xf32, #tpu.memory_space<vmem>>
    %dma_wait3A_1531 = tpu.memref_squeeze %dma_wait3A_1530 : memref<1x32x1024xf32, #tpu.memory_space<vmem>> -> memref<32x1024xf32, #tpu.memory_space<vmem>>
    %dma_wait3A_1532 = arith.constant 0 : i32
    %dma_wait3A_1533 = tpu.memref_slice %arg5[%dma_wait3A_1526, %dma_wait3A_1532] : memref<32x32xi32, #tpu.memory_space<vmem>> -> memref<1x32xi32, #tpu.memory_space<vmem>>
    %dma_wait3A_1534 = tpu.memref_squeeze %dma_wait3A_1533 : memref<1x32xi32, #tpu.memory_space<vmem>> -> memref<32xi32, #tpu.memory_space<vmem>>
    %dma_wait3A_1535 = arith.constant 0 : i32
    %dma_wait3A_1536 = arith.constant 0 : i32
    %dma_wait3A_1537 = tpu.memref_slice %arg2[%dma_wait3A_1535, %dma_wait3A_1536] : memref<32768x1024xf32, #tpu.memory_space<hbm>> -> memref<32768x1024xf32, #tpu.memory_space<hbm>>
    tpu.wait_indirect_dma semaphore(%arg8 : memref<!tpu.dma_semaphore, #tpu.memory_space<semaphore_mem>>) src(%dma_wait3A_1537 : memref<32768x1024xf32, #tpu.memory_space<hbm>>) dst(%dma_wait3A_1531 : memref<32x1024xf32, #tpu.memory_space<vmem>>)
    %add3A_1538 = arith.constant 416 : i32
    %add3A_1539 = arith.addi %mul3A_2, %add3A_1538 : i32
    %dma_start3A_1540 = arith.constant 1 : i32
    %dma_start3A_1541 = arith.constant 0 : i32
    %dma_start3A_1542 = arith.constant 0 : i32
    %dma_start3A_1543 = tpu.memref_slice %arg6[%dma_start3A_1540, %dma_start3A_1541, %dma_start3A_1542] : memref<2x32x1024xf32, #tpu.memory_space<vmem>> -> memref<1x32x1024xf32, #tpu.memory_space<vmem>>
    %dma_start3A_1544 = tpu.memref_squeeze %dma_start3A_1543 : memref<1x32x1024xf32, #tpu.memory_space<vmem>> -> memref<32x1024xf32, #tpu.memory_space<vmem>>
    %dma_start3A_1545 = arith.constant 0 : i32
    %dma_start3A_1546 = tpu.memref_slice %arg4[%add3A_1539, %dma_start3A_1545] : memref<32768x1024xf32, #tpu.memory_space<hbm>> -> memref<32x1024xf32, #tpu.memory_space<hbm>>
    %dma_start3A_1547 = arith.constant 0 : i32
    %dma_start3A_1548 = tpu.memref_slice %arg4[%add3A_1539, %dma_start3A_1547] : memref<32768x1024xf32, #tpu.memory_space<hbm>> -> memref<32x1024xf32, #tpu.memory_space<hbm>>
    %dma_start3A_1549 = arith.constant 0 : i32
    %dma_start3A_1550 = arith.constant 0 : i32
    %dma_start3A_1551 = tpu.memref_slice %arg6[%dma_start3A_1540, %dma_start3A_1549, %dma_start3A_1550] : memref<2x32x1024xf32, #tpu.memory_space<vmem>> -> memref<1x32x1024xf32, #tpu.memory_space<vmem>>
    %dma_start3A_1552 = tpu.memref_squeeze %dma_start3A_1551 : memref<1x32x1024xf32, #tpu.memory_space<vmem>> -> memref<32x1024xf32, #tpu.memory_space<vmem>>
    tpu.enqueue_dma source(%dma_start3A_1552 : memref<32x1024xf32, #tpu.memory_space<vmem>>) target(%dma_start3A_1548 : memref<32x1024xf32, #tpu.memory_space<hbm>>) target_semaphore(%arg10 : memref<!tpu.dma_semaphore, #tpu.memory_space<semaphore_mem>>)
    %dma_wait3A_1553 = arith.constant 0 : i32
    %dma_wait3A_1554 = arith.constant 0 : i32
    %dma_wait3A_1555 = arith.constant 0 : i32
    %dma_wait3A_1556 = tpu.memref_slice %arg6[%dma_wait3A_1553, %dma_wait3A_1554, %dma_wait3A_1555] : memref<2x32x1024xf32, #tpu.memory_space<vmem>> -> memref<1x32x1024xf32, #tpu.memory_space<vmem>>
    %dma_wait3A_1557 = tpu.memref_squeeze %dma_wait3A_1556 : memref<1x32x1024xf32, #tpu.memory_space<vmem>> -> memref<32x1024xf32, #tpu.memory_space<vmem>>
    %dma_wait3A_1558 = arith.constant 0 : i32
    %dma_wait3A_1559 = tpu.memref_slice %arg4[%add3A_1487, %dma_wait3A_1558] : memref<32768x1024xf32, #tpu.memory_space<hbm>> -> memref<32x1024xf32, #tpu.memory_space<hbm>>
    %dma_wait3A_1560 = arith.constant 0 : i32
    %dma_wait3A_1561 = tpu.memref_slice %arg4[%add3A_1487, %dma_wait3A_1560] : memref<32768x1024xf32, #tpu.memory_space<hbm>> -> memref<32x1024xf32, #tpu.memory_space<hbm>>
    %dma_wait3A_1562 = arith.constant 0 : i32
    %dma_wait3A_1563 = arith.constant 0 : i32
    %dma_wait3A_1564 = tpu.memref_slice %arg6[%dma_wait3A_1553, %dma_wait3A_1562, %dma_wait3A_1563] : memref<2x32x1024xf32, #tpu.memory_space<vmem>> -> memref<1x32x1024xf32, #tpu.memory_space<vmem>>
    %dma_wait3A_1565 = tpu.memref_squeeze %dma_wait3A_1564 : memref<1x32x1024xf32, #tpu.memory_space<vmem>> -> memref<32x1024xf32, #tpu.memory_space<vmem>>
    tpu.wait_dma2 semaphore(%arg9 : memref<!tpu.dma_semaphore, #tpu.memory_space<semaphore_mem>>) src(%dma_wait3A_1565 : memref<32x1024xf32, #tpu.memory_space<vmem>>) dst(%dma_wait3A_1561 : memref<32x1024xf32, #tpu.memory_space<hbm>>)
    %dma_start3A_1566 = arith.constant 14 : i32
    %dma_start3A_1567 = arith.constant 0 : i32
    %dma_start3A_1568 = arith.constant 0 : i32
    %dma_start3A_1569 = arith.constant 0 : i32
    %dma_start3A_1570 = tpu.memref_slice %arg6[%dma_start3A_1567, %dma_start3A_1568, %dma_start3A_1569] : memref<2x32x1024xf32, #tpu.memory_space<vmem>> -> memref<1x32x1024xf32, #tpu.memory_space<vmem>>
    %dma_start3A_1571 = tpu.memref_squeeze %dma_start3A_1570 : memref<1x32x1024xf32, #tpu.memory_space<vmem>> -> memref<32x1024xf32, #tpu.memory_space<vmem>>
    %dma_start3A_1572 = arith.constant 0 : i32
    %dma_start3A_1573 = tpu.memref_slice %arg5[%dma_start3A_1566, %dma_start3A_1572] : memref<32x32xi32, #tpu.memory_space<vmem>> -> memref<1x32xi32, #tpu.memory_space<vmem>>
    %dma_start3A_1574 = tpu.memref_squeeze %dma_start3A_1573 : memref<1x32xi32, #tpu.memory_space<vmem>> -> memref<32xi32, #tpu.memory_space<vmem>>
    %dma_start3A_1575 = arith.constant 0 : i32
    %dma_start3A_1576 = arith.constant 0 : i32
    %dma_start3A_1577 = tpu.memref_slice %arg2[%dma_start3A_1575, %dma_start3A_1576] : memref<32768x1024xf32, #tpu.memory_space<hbm>> -> memref<32768x1024xf32, #tpu.memory_space<hbm>>
    tpu.enqueue_indirect_dma source(%dma_start3A_1577 : memref<32768x1024xf32, #tpu.memory_space<hbm>>) target(%dma_start3A_1571 : memref<32x1024xf32, #tpu.memory_space<vmem>>) offsets(%dma_start3A_1574 : memref<32xi32, #tpu.memory_space<vmem>>) semaphore(%arg7 : memref<!tpu.dma_semaphore, #tpu.memory_space<semaphore_mem>>)
    %dma_wait3A_1578 = arith.constant 14 : i32
    %dma_wait3A_1579 = arith.constant 0 : i32
    %dma_wait3A_1580 = arith.constant 0 : i32
    %dma_wait3A_1581 = arith.constant 0 : i32
    %dma_wait3A_1582 = tpu.memref_slice %arg6[%dma_wait3A_1579, %dma_wait3A_1580, %dma_wait3A_1581] : memref<2x32x1024xf32, #tpu.memory_space<vmem>> -> memref<1x32x1024xf32, #tpu.memory_space<vmem>>
    %dma_wait3A_1583 = tpu.memref_squeeze %dma_wait3A_1582 : memref<1x32x1024xf32, #tpu.memory_space<vmem>> -> memref<32x1024xf32, #tpu.memory_space<vmem>>
    %dma_wait3A_1584 = arith.constant 0 : i32
    %dma_wait3A_1585 = tpu.memref_slice %arg5[%dma_wait3A_1578, %dma_wait3A_1584] : memref<32x32xi32, #tpu.memory_space<vmem>> -> memref<1x32xi32, #tpu.memory_space<vmem>>
    %dma_wait3A_1586 = tpu.memref_squeeze %dma_wait3A_1585 : memref<1x32xi32, #tpu.memory_space<vmem>> -> memref<32xi32, #tpu.memory_space<vmem>>
    %dma_wait3A_1587 = arith.constant 0 : i32
    %dma_wait3A_1588 = arith.constant 0 : i32
    %dma_wait3A_1589 = tpu.memref_slice %arg2[%dma_wait3A_1587, %dma_wait3A_1588] : memref<32768x1024xf32, #tpu.memory_space<hbm>> -> memref<32768x1024xf32, #tpu.memory_space<hbm>>
    tpu.wait_indirect_dma semaphore(%arg7 : memref<!tpu.dma_semaphore, #tpu.memory_space<semaphore_mem>>) src(%dma_wait3A_1589 : memref<32768x1024xf32, #tpu.memory_space<hbm>>) dst(%dma_wait3A_1583 : memref<32x1024xf32, #tpu.memory_space<vmem>>)
    %add3A_1590 = arith.constant 448 : i32
    %add3A_1591 = arith.addi %mul3A_2, %add3A_1590 : i32
    %dma_start3A_1592 = arith.constant 0 : i32
    %dma_start3A_1593 = arith.constant 0 : i32
    %dma_start3A_1594 = arith.constant 0 : i32
    %dma_start3A_1595 = tpu.memref_slice %arg6[%dma_start3A_1592, %dma_start3A_1593, %dma_start3A_1594] : memref<2x32x1024xf32, #tpu.memory_space<vmem>> -> memref<1x32x1024xf32, #tpu.memory_space<vmem>>
    %dma_start3A_1596 = tpu.memref_squeeze %dma_start3A_1595 : memref<1x32x1024xf32, #tpu.memory_space<vmem>> -> memref<32x1024xf32, #tpu.memory_space<vmem>>
    %dma_start3A_1597 = arith.constant 0 : i32
    %dma_start3A_1598 = tpu.memref_slice %arg4[%add3A_1591, %dma_start3A_1597] : memref<32768x1024xf32, #tpu.memory_space<hbm>> -> memref<32x1024xf32, #tpu.memory_space<hbm>>
    %dma_start3A_1599 = arith.constant 0 : i32
    %dma_start3A_1600 = tpu.memref_slice %arg4[%add3A_1591, %dma_start3A_1599] : memref<32768x1024xf32, #tpu.memory_space<hbm>> -> memref<32x1024xf32, #tpu.memory_space<hbm>>
    %dma_start3A_1601 = arith.constant 0 : i32
    %dma_start3A_1602 = arith.constant 0 : i32
    %dma_start3A_1603 = tpu.memref_slice %arg6[%dma_start3A_1592, %dma_start3A_1601, %dma_start3A_1602] : memref<2x32x1024xf32, #tpu.memory_space<vmem>> -> memref<1x32x1024xf32, #tpu.memory_space<vmem>>
    %dma_start3A_1604 = tpu.memref_squeeze %dma_start3A_1603 : memref<1x32x1024xf32, #tpu.memory_space<vmem>> -> memref<32x1024xf32, #tpu.memory_space<vmem>>
    tpu.enqueue_dma source(%dma_start3A_1604 : memref<32x1024xf32, #tpu.memory_space<vmem>>) target(%dma_start3A_1600 : memref<32x1024xf32, #tpu.memory_space<hbm>>) target_semaphore(%arg9 : memref<!tpu.dma_semaphore, #tpu.memory_space<semaphore_mem>>)
    %dma_wait3A_1605 = arith.constant 1 : i32
    %dma_wait3A_1606 = arith.constant 0 : i32
    %dma_wait3A_1607 = arith.constant 0 : i32
    %dma_wait3A_1608 = tpu.memref_slice %arg6[%dma_wait3A_1605, %dma_wait3A_1606, %dma_wait3A_1607] : memref<2x32x1024xf32, #tpu.memory_space<vmem>> -> memref<1x32x1024xf32, #tpu.memory_space<vmem>>
    %dma_wait3A_1609 = tpu.memref_squeeze %dma_wait3A_1608 : memref<1x32x1024xf32, #tpu.memory_space<vmem>> -> memref<32x1024xf32, #tpu.memory_space<vmem>>
    %dma_wait3A_1610 = arith.constant 0 : i32
    %dma_wait3A_1611 = tpu.memref_slice %arg4[%add3A_1539, %dma_wait3A_1610] : memref<32768x1024xf32, #tpu.memory_space<hbm>> -> memref<32x1024xf32, #tpu.memory_space<hbm>>
    %dma_wait3A_1612 = arith.constant 0 : i32
    %dma_wait3A_1613 = tpu.memref_slice %arg4[%add3A_1539, %dma_wait3A_1612] : memref<32768x1024xf32, #tpu.memory_space<hbm>> -> memref<32x1024xf32, #tpu.memory_space<hbm>>
    %dma_wait3A_1614 = arith.constant 0 : i32
    %dma_wait3A_1615 = arith.constant 0 : i32
    %dma_wait3A_1616 = tpu.memref_slice %arg6[%dma_wait3A_1605, %dma_wait3A_1614, %dma_wait3A_1615] : memref<2x32x1024xf32, #tpu.memory_space<vmem>> -> memref<1x32x1024xf32, #tpu.memory_space<vmem>>
    %dma_wait3A_1617 = tpu.memref_squeeze %dma_wait3A_1616 : memref<1x32x1024xf32, #tpu.memory_space<vmem>> -> memref<32x1024xf32, #tpu.memory_space<vmem>>
    tpu.wait_dma2 semaphore(%arg10 : memref<!tpu.dma_semaphore, #tpu.memory_space<semaphore_mem>>) src(%dma_wait3A_1617 : memref<32x1024xf32, #tpu.memory_space<vmem>>) dst(%dma_wait3A_1613 : memref<32x1024xf32, #tpu.memory_space<hbm>>)
    %dma_start3A_1618 = arith.constant 15 : i32
    %dma_start3A_1619 = arith.constant 1 : i32
    %dma_start3A_1620 = arith.constant 0 : i32
    %dma_start3A_1621 = arith.constant 0 : i32
    %dma_start3A_1622 = tpu.memref_slice %arg6[%dma_start3A_1619, %dma_start3A_1620, %dma_start3A_1621] : memref<2x32x1024xf32, #tpu.memory_space<vmem>> -> memref<1x32x1024xf32, #tpu.memory_space<vmem>>
    %dma_start3A_1623 = tpu.memref_squeeze %dma_start3A_1622 : memref<1x32x1024xf32, #tpu.memory_space<vmem>> -> memref<32x1024xf32, #tpu.memory_space<vmem>>
    %dma_start3A_1624 = arith.constant 0 : i32
    %dma_start3A_1625 = tpu.memref_slice %arg5[%dma_start3A_1618, %dma_start3A_1624] : memref<32x32xi32, #tpu.memory_space<vmem>> -> memref<1x32xi32, #tpu.memory_space<vmem>>
    %dma_start3A_1626 = tpu.memref_squeeze %dma_start3A_1625 : memref<1x32xi32, #tpu.memory_space<vmem>> -> memref<32xi32, #tpu.memory_space<vmem>>
    %dma_start3A_1627 = arith.constant 0 : i32
    %dma_start3A_1628 = arith.constant 0 : i32
    %dma_start3A_1629 = tpu.memref_slice %arg2[%dma_start3A_1627, %dma_start3A_1628] : memref<32768x1024xf32, #tpu.memory_space<hbm>> -> memref<32768x1024xf32, #tpu.memory_space<hbm>>
    tpu.enqueue_indirect_dma source(%dma_start3A_1629 : memref<32768x1024xf32, #tpu.memory_space<hbm>>) target(%dma_start3A_1623 : memref<32x1024xf32, #tpu.memory_space<vmem>>) offsets(%dma_start3A_1626 : memref<32xi32, #tpu.memory_space<vmem>>) semaphore(%arg8 : memref<!tpu.dma_semaphore, #tpu.memory_space<semaphore_mem>>)
    %dma_wait3A_1630 = arith.constant 15 : i32
    %dma_wait3A_1631 = arith.constant 1 : i32
    %dma_wait3A_1632 = arith.constant 0 : i32
    %dma_wait3A_1633 = arith.constant 0 : i32
    %dma_wait3A_1634 = tpu.memref_slice %arg6[%dma_wait3A_1631, %dma_wait3A_1632, %dma_wait3A_1633] : memref<2x32x1024xf32, #tpu.memory_space<vmem>> -> memref<1x32x1024xf32, #tpu.memory_space<vmem>>
    %dma_wait3A_1635 = tpu.memref_squeeze %dma_wait3A_1634 : memref<1x32x1024xf32, #tpu.memory_space<vmem>> -> memref<32x1024xf32, #tpu.memory_space<vmem>>
    %dma_wait3A_1636 = arith.constant 0 : i32
    %dma_wait3A_1637 = tpu.memref_slice %arg5[%dma_wait3A_1630, %dma_wait3A_1636] : memref<32x32xi32, #tpu.memory_space<vmem>> -> memref<1x32xi32, #tpu.memory_space<vmem>>
    %dma_wait3A_1638 = tpu.memref_squeeze %dma_wait3A_1637 : memref<1x32xi32, #tpu.memory_space<vmem>> -> memref<32xi32, #tpu.memory_space<vmem>>
    %dma_wait3A_1639 = arith.constant 0 : i32
    %dma_wait3A_1640 = arith.constant 0 : i32
    %dma_wait3A_1641 = tpu.memref_slice %arg2[%dma_wait3A_1639, %dma_wait3A_1640] : memref<32768x1024xf32, #tpu.memory_space<hbm>> -> memref<32768x1024xf32, #tpu.memory_space<hbm>>
    tpu.wait_indirect_dma semaphore(%arg8 : memref<!tpu.dma_semaphore, #tpu.memory_space<semaphore_mem>>) src(%dma_wait3A_1641 : memref<32768x1024xf32, #tpu.memory_space<hbm>>) dst(%dma_wait3A_1635 : memref<32x1024xf32, #tpu.memory_space<vmem>>)
    %add3A_1642 = arith.constant 480 : i32
    %add3A_1643 = arith.addi %mul3A_2, %add3A_1642 : i32
    %dma_start3A_1644 = arith.constant 1 : i32
    %dma_start3A_1645 = arith.constant 0 : i32
    %dma_start3A_1646 = arith.constant 0 : i32
    %dma_start3A_1647 = tpu.memref_slice %arg6[%dma_start3A_1644, %dma_start3A_1645, %dma_start3A_1646] : memref<2x32x1024xf32, #tpu.memory_space<vmem>> -> memref<1x32x1024xf32, #tpu.memory_space<vmem>>
    %dma_start3A_1648 = tpu.memref_squeeze %dma_start3A_1647 : memref<1x32x1024xf32, #tpu.memory_space<vmem>> -> memref<32x1024xf32, #tpu.memory_space<vmem>>
    %dma_start3A_1649 = arith.constant 0 : i32
    %dma_start3A_1650 = tpu.memref_slice %arg4[%add3A_1643, %dma_start3A_1649] : memref<32768x1024xf32, #tpu.memory_space<hbm>> -> memref<32x1024xf32, #tpu.memory_space<hbm>>
    %dma_start3A_1651 = arith.constant 0 : i32
    %dma_start3A_1652 = tpu.memref_slice %arg4[%add3A_1643, %dma_start3A_1651] : memref<32768x1024xf32, #tpu.memory_space<hbm>> -> memref<32x1024xf32, #tpu.memory_space<hbm>>
    %dma_start3A_1653 = arith.constant 0 : i32
    %dma_start3A_1654 = arith.constant 0 : i32
    %dma_start3A_1655 = tpu.memref_slice %arg6[%dma_start3A_1644, %dma_start3A_1653, %dma_start3A_1654] : memref<2x32x1024xf32, #tpu.memory_space<vmem>> -> memref<1x32x1024xf32, #tpu.memory_space<vmem>>
    %dma_start3A_1656 = tpu.memref_squeeze %dma_start3A_1655 : memref<1x32x1024xf32, #tpu.memory_space<vmem>> -> memref<32x1024xf32, #tpu.memory_space<vmem>>
    tpu.enqueue_dma source(%dma_start3A_1656 : memref<32x1024xf32, #tpu.memory_space<vmem>>) target(%dma_start3A_1652 : memref<32x1024xf32, #tpu.memory_space<hbm>>) target_semaphore(%arg10 : memref<!tpu.dma_semaphore, #tpu.memory_space<semaphore_mem>>)
    %dma_wait3A_1657 = arith.constant 0 : i32
    %dma_wait3A_1658 = arith.constant 0 : i32
    %dma_wait3A_1659 = arith.constant 0 : i32
    %dma_wait3A_1660 = tpu.memref_slice %arg6[%dma_wait3A_1657, %dma_wait3A_1658, %dma_wait3A_1659] : memref<2x32x1024xf32, #tpu.memory_space<vmem>> -> memref<1x32x1024xf32, #tpu.memory_space<vmem>>
    %dma_wait3A_1661 = tpu.memref_squeeze %dma_wait3A_1660 : memref<1x32x1024xf32, #tpu.memory_space<vmem>> -> memref<32x1024xf32, #tpu.memory_space<vmem>>
    %dma_wait3A_1662 = arith.constant 0 : i32
    %dma_wait3A_1663 = tpu.memref_slice %arg4[%add3A_1591, %dma_wait3A_1662] : memref<32768x1024xf32, #tpu.memory_space<hbm>> -> memref<32x1024xf32, #tpu.memory_space<hbm>>
    %dma_wait3A_1664 = arith.constant 0 : i32
    %dma_wait3A_1665 = tpu.memref_slice %arg4[%add3A_1591, %dma_wait3A_1664] : memref<32768x1024xf32, #tpu.memory_space<hbm>> -> memref<32x1024xf32, #tpu.memory_space<hbm>>
    %dma_wait3A_1666 = arith.constant 0 : i32
    %dma_wait3A_1667 = arith.constant 0 : i32
    %dma_wait3A_1668 = tpu.memref_slice %arg6[%dma_wait3A_1657, %dma_wait3A_1666, %dma_wait3A_1667] : memref<2x32x1024xf32, #tpu.memory_space<vmem>> -> memref<1x32x1024xf32, #tpu.memory_space<vmem>>
    %dma_wait3A_1669 = tpu.memref_squeeze %dma_wait3A_1668 : memref<1x32x1024xf32, #tpu.memory_space<vmem>> -> memref<32x1024xf32, #tpu.memory_space<vmem>>
    tpu.wait_dma2 semaphore(%arg9 : memref<!tpu.dma_semaphore, #tpu.memory_space<semaphore_mem>>) src(%dma_wait3A_1669 : memref<32x1024xf32, #tpu.memory_space<vmem>>) dst(%dma_wait3A_1665 : memref<32x1024xf32, #tpu.memory_space<hbm>>)
    %dma_start3A_1670 = arith.constant 16 : i32
    %dma_start3A_1671 = arith.constant 0 : i32
    %dma_start3A_1672 = arith.constant 0 : i32
    %dma_start3A_1673 = arith.constant 0 : i32
    %dma_start3A_1674 = tpu.memref_slice %arg6[%dma_start3A_1671, %dma_start3A_1672, %dma_start3A_1673] : memref<2x32x1024xf32, #tpu.memory_space<vmem>> -> memref<1x32x1024xf32, #tpu.memory_space<vmem>>
    %dma_start3A_1675 = tpu.memref_squeeze %dma_start3A_1674 : memref<1x32x1024xf32, #tpu.memory_space<vmem>> -> memref<32x1024xf32, #tpu.memory_space<vmem>>
    %dma_start3A_1676 = arith.constant 0 : i32
    %dma_start3A_1677 = tpu.memref_slice %arg5[%dma_start3A_1670, %dma_start3A_1676] : memref<32x32xi32, #tpu.memory_space<vmem>> -> memref<1x32xi32, #tpu.memory_space<vmem>>
    %dma_start3A_1678 = tpu.memref_squeeze %dma_start3A_1677 : memref<1x32xi32, #tpu.memory_space<vmem>> -> memref<32xi32, #tpu.memory_space<vmem>>
    %dma_start3A_1679 = arith.constant 0 : i32
    %dma_start3A_1680 = arith.constant 0 : i32
    %dma_start3A_1681 = tpu.memref_slice %arg2[%dma_start3A_1679, %dma_start3A_1680] : memref<32768x1024xf32, #tpu.memory_space<hbm>> -> memref<32768x1024xf32, #tpu.memory_space<hbm>>
    tpu.enqueue_indirect_dma source(%dma_start3A_1681 : memref<32768x1024xf32, #tpu.memory_space<hbm>>) target(%dma_start3A_1675 : memref<32x1024xf32, #tpu.memory_space<vmem>>) offsets(%dma_start3A_1678 : memref<32xi32, #tpu.memory_space<vmem>>) semaphore(%arg7 : memref<!tpu.dma_semaphore, #tpu.memory_space<semaphore_mem>>)
    %dma_wait3A_1682 = arith.constant 16 : i32
    %dma_wait3A_1683 = arith.constant 0 : i32
    %dma_wait3A_1684 = arith.constant 0 : i32
    %dma_wait3A_1685 = arith.constant 0 : i32
    %dma_wait3A_1686 = tpu.memref_slice %arg6[%dma_wait3A_1683, %dma_wait3A_1684, %dma_wait3A_1685] : memref<2x32x1024xf32, #tpu.memory_space<vmem>> -> memref<1x32x1024xf32, #tpu.memory_space<vmem>>
    %dma_wait3A_1687 = tpu.memref_squeeze %dma_wait3A_1686 : memref<1x32x1024xf32, #tpu.memory_space<vmem>> -> memref<32x1024xf32, #tpu.memory_space<vmem>>
    %dma_wait3A_1688 = arith.constant 0 : i32
    %dma_wait3A_1689 = tpu.memref_slice %arg5[%dma_wait3A_1682, %dma_wait3A_1688] : memref<32x32xi32, #tpu.memory_space<vmem>> -> memref<1x32xi32, #tpu.memory_space<vmem>>
    %dma_wait3A_1690 = tpu.memref_squeeze %dma_wait3A_1689 : memref<1x32xi32, #tpu.memory_space<vmem>> -> memref<32xi32, #tpu.memory_space<vmem>>
    %dma_wait3A_1691 = arith.constant 0 : i32
    %dma_wait3A_1692 = arith.constant 0 : i32
    %dma_wait3A_1693 = tpu.memref_slice %arg2[%dma_wait3A_1691, %dma_wait3A_1692] : memref<32768x1024xf32, #tpu.memory_space<hbm>> -> memref<32768x1024xf32, #tpu.memory_space<hbm>>
    tpu.wait_indirect_dma semaphore(%arg7 : memref<!tpu.dma_semaphore, #tpu.memory_space<semaphore_mem>>) src(%dma_wait3A_1693 : memref<32768x1024xf32, #tpu.memory_space<hbm>>) dst(%dma_wait3A_1687 : memref<32x1024xf32, #tpu.memory_space<vmem>>)
    %add3A_1694 = arith.constant 512 : i32
    %add3A_1695 = arith.addi %mul3A_2, %add3A_1694 : i32
    %dma_start3A_1696 = arith.constant 0 : i32
    %dma_start3A_1697 = arith.constant 0 : i32
    %dma_start3A_1698 = arith.constant 0 : i32
    %dma_start3A_1699 = tpu.memref_slice %arg6[%dma_start3A_1696, %dma_start3A_1697, %dma_start3A_1698] : memref<2x32x1024xf32, #tpu.memory_space<vmem>> -> memref<1x32x1024xf32, #tpu.memory_space<vmem>>
    %dma_start3A_1700 = tpu.memref_squeeze %dma_start3A_1699 : memref<1x32x1024xf32, #tpu.memory_space<vmem>> -> memref<32x1024xf32, #tpu.memory_space<vmem>>
    %dma_start3A_1701 = arith.constant 0 : i32
    %dma_start3A_1702 = tpu.memref_slice %arg4[%add3A_1695, %dma_start3A_1701] : memref<32768x1024xf32, #tpu.memory_space<hbm>> -> memref<32x1024xf32, #tpu.memory_space<hbm>>
    %dma_start3A_1703 = arith.constant 0 : i32
    %dma_start3A_1704 = tpu.memref_slice %arg4[%add3A_1695, %dma_start3A_1703] : memref<32768x1024xf32, #tpu.memory_space<hbm>> -> memref<32x1024xf32, #tpu.memory_space<hbm>>
    %dma_start3A_1705 = arith.constant 0 : i32
    %dma_start3A_1706 = arith.constant 0 : i32
    %dma_start3A_1707 = tpu.memref_slice %arg6[%dma_start3A_1696, %dma_start3A_1705, %dma_start3A_1706] : memref<2x32x1024xf32, #tpu.memory_space<vmem>> -> memref<1x32x1024xf32, #tpu.memory_space<vmem>>
    %dma_start3A_1708 = tpu.memref_squeeze %dma_start3A_1707 : memref<1x32x1024xf32, #tpu.memory_space<vmem>> -> memref<32x1024xf32, #tpu.memory_space<vmem>>
    tpu.enqueue_dma source(%dma_start3A_1708 : memref<32x1024xf32, #tpu.memory_space<vmem>>) target(%dma_start3A_1704 : memref<32x1024xf32, #tpu.memory_space<hbm>>) target_semaphore(%arg9 : memref<!tpu.dma_semaphore, #tpu.memory_space<semaphore_mem>>)
    %dma_wait3A_1709 = arith.constant 1 : i32
    %dma_wait3A_1710 = arith.constant 0 : i32
    %dma_wait3A_1711 = arith.constant 0 : i32
    %dma_wait3A_1712 = tpu.memref_slice %arg6[%dma_wait3A_1709, %dma_wait3A_1710, %dma_wait3A_1711] : memref<2x32x1024xf32, #tpu.memory_space<vmem>> -> memref<1x32x1024xf32, #tpu.memory_space<vmem>>
    %dma_wait3A_1713 = tpu.memref_squeeze %dma_wait3A_1712 : memref<1x32x1024xf32, #tpu.memory_space<vmem>> -> memref<32x1024xf32, #tpu.memory_space<vmem>>
    %dma_wait3A_1714 = arith.constant 0 : i32
    %dma_wait3A_1715 = tpu.memref_slice %arg4[%add3A_1643, %dma_wait3A_1714] : memref<32768x1024xf32, #tpu.memory_space<hbm>> -> memref<32x1024xf32, #tpu.memory_space<hbm>>
    %dma_wait3A_1716 = arith.constant 0 : i32
    %dma_wait3A_1717 = tpu.memref_slice %arg4[%add3A_1643, %dma_wait3A_1716] : memref<32768x1024xf32, #tpu.memory_space<hbm>> -> memref<32x1024xf32, #tpu.memory_space<hbm>>
    %dma_wait3A_1718 = arith.constant 0 : i32
    %dma_wait3A_1719 = arith.constant 0 : i32
    %dma_wait3A_1720 = tpu.memref_slice %arg6[%dma_wait3A_1709, %dma_wait3A_1718, %dma_wait3A_1719] : memref<2x32x1024xf32, #tpu.memory_space<vmem>> -> memref<1x32x1024xf32, #tpu.memory_space<vmem>>
    %dma_wait3A_1721 = tpu.memref_squeeze %dma_wait3A_1720 : memref<1x32x1024xf32, #tpu.memory_space<vmem>> -> memref<32x1024xf32, #tpu.memory_space<vmem>>
    tpu.wait_dma2 semaphore(%arg10 : memref<!tpu.dma_semaphore, #tpu.memory_space<semaphore_mem>>) src(%dma_wait3A_1721 : memref<32x1024xf32, #tpu.memory_space<vmem>>) dst(%dma_wait3A_1717 : memref<32x1024xf32, #tpu.memory_space<hbm>>)
    %dma_start3A_1722 = arith.constant 17 : i32
    %dma_start3A_1723 = arith.constant 1 : i32
    %dma_start3A_1724 = arith.constant 0 : i32
    %dma_start3A_1725 = arith.constant 0 : i32
    %dma_start3A_1726 = tpu.memref_slice %arg6[%dma_start3A_1723, %dma_start3A_1724, %dma_start3A_1725] : memref<2x32x1024xf32, #tpu.memory_space<vmem>> -> memref<1x32x1024xf32, #tpu.memory_space<vmem>>
    %dma_start3A_1727 = tpu.memref_squeeze %dma_start3A_1726 : memref<1x32x1024xf32, #tpu.memory_space<vmem>> -> memref<32x1024xf32, #tpu.memory_space<vmem>>
    %dma_start3A_1728 = arith.constant 0 : i32
    %dma_start3A_1729 = tpu.memref_slice %arg5[%dma_start3A_1722, %dma_start3A_1728] : memref<32x32xi32, #tpu.memory_space<vmem>> -> memref<1x32xi32, #tpu.memory_space<vmem>>
    %dma_start3A_1730 = tpu.memref_squeeze %dma_start3A_1729 : memref<1x32xi32, #tpu.memory_space<vmem>> -> memref<32xi32, #tpu.memory_space<vmem>>
    %dma_start3A_1731 = arith.constant 0 : i32
    %dma_start3A_1732 = arith.constant 0 : i32
    %dma_start3A_1733 = tpu.memref_slice %arg2[%dma_start3A_1731, %dma_start3A_1732] : memref<32768x1024xf32, #tpu.memory_space<hbm>> -> memref<32768x1024xf32, #tpu.memory_space<hbm>>
    tpu.enqueue_indirect_dma source(%dma_start3A_1733 : memref<32768x1024xf32, #tpu.memory_space<hbm>>) target(%dma_start3A_1727 : memref<32x1024xf32, #tpu.memory_space<vmem>>) offsets(%dma_start3A_1730 : memref<32xi32, #tpu.memory_space<vmem>>) semaphore(%arg8 : memref<!tpu.dma_semaphore, #tpu.memory_space<semaphore_mem>>)
    %dma_wait3A_1734 = arith.constant 17 : i32
    %dma_wait3A_1735 = arith.constant 1 : i32
    %dma_wait3A_1736 = arith.constant 0 : i32
    %dma_wait3A_1737 = arith.constant 0 : i32
    %dma_wait3A_1738 = tpu.memref_slice %arg6[%dma_wait3A_1735, %dma_wait3A_1736, %dma_wait3A_1737] : memref<2x32x1024xf32, #tpu.memory_space<vmem>> -> memref<1x32x1024xf32, #tpu.memory_space<vmem>>
    %dma_wait3A_1739 = tpu.memref_squeeze %dma_wait3A_1738 : memref<1x32x1024xf32, #tpu.memory_space<vmem>> -> memref<32x1024xf32, #tpu.memory_space<vmem>>
    %dma_wait3A_1740 = arith.constant 0 : i32
    %dma_wait3A_1741 = tpu.memref_slice %arg5[%dma_wait3A_1734, %dma_wait3A_1740] : memref<32x32xi32, #tpu.memory_space<vmem>> -> memref<1x32xi32, #tpu.memory_space<vmem>>
    %dma_wait3A_1742 = tpu.memref_squeeze %dma_wait3A_1741 : memref<1x32xi32, #tpu.memory_space<vmem>> -> memref<32xi32, #tpu.memory_space<vmem>>
    %dma_wait3A_1743 = arith.constant 0 : i32
    %dma_wait3A_1744 = arith.constant 0 : i32
    %dma_wait3A_1745 = tpu.memref_slice %arg2[%dma_wait3A_1743, %dma_wait3A_1744] : memref<32768x1024xf32, #tpu.memory_space<hbm>> -> memref<32768x1024xf32, #tpu.memory_space<hbm>>
    tpu.wait_indirect_dma semaphore(%arg8 : memref<!tpu.dma_semaphore, #tpu.memory_space<semaphore_mem>>) src(%dma_wait3A_1745 : memref<32768x1024xf32, #tpu.memory_space<hbm>>) dst(%dma_wait3A_1739 : memref<32x1024xf32, #tpu.memory_space<vmem>>)
    %add3A_1746 = arith.constant 544 : i32
    %add3A_1747 = arith.addi %mul3A_2, %add3A_1746 : i32
    %dma_start3A_1748 = arith.constant 1 : i32
    %dma_start3A_1749 = arith.constant 0 : i32
    %dma_start3A_1750 = arith.constant 0 : i32
    %dma_start3A_1751 = tpu.memref_slice %arg6[%dma_start3A_1748, %dma_start3A_1749, %dma_start3A_1750] : memref<2x32x1024xf32, #tpu.memory_space<vmem>> -> memref<1x32x1024xf32, #tpu.memory_space<vmem>>
    %dma_start3A_1752 = tpu.memref_squeeze %dma_start3A_1751 : memref<1x32x1024xf32, #tpu.memory_space<vmem>> -> memref<32x1024xf32, #tpu.memory_space<vmem>>
    %dma_start3A_1753 = arith.constant 0 : i32
    %dma_start3A_1754 = tpu.memref_slice %arg4[%add3A_1747, %dma_start3A_1753] : memref<32768x1024xf32, #tpu.memory_space<hbm>> -> memref<32x1024xf32, #tpu.memory_space<hbm>>
    %dma_start3A_1755 = arith.constant 0 : i32
    %dma_start3A_1756 = tpu.memref_slice %arg4[%add3A_1747, %dma_start3A_1755] : memref<32768x1024xf32, #tpu.memory_space<hbm>> -> memref<32x1024xf32, #tpu.memory_space<hbm>>
    %dma_start3A_1757 = arith.constant 0 : i32
    %dma_start3A_1758 = arith.constant 0 : i32
    %dma_start3A_1759 = tpu.memref_slice %arg6[%dma_start3A_1748, %dma_start3A_1757, %dma_start3A_1758] : memref<2x32x1024xf32, #tpu.memory_space<vmem>> -> memref<1x32x1024xf32, #tpu.memory_space<vmem>>
    %dma_start3A_1760 = tpu.memref_squeeze %dma_start3A_1759 : memref<1x32x1024xf32, #tpu.memory_space<vmem>> -> memref<32x1024xf32, #tpu.memory_space<vmem>>
    tpu.enqueue_dma source(%dma_start3A_1760 : memref<32x1024xf32, #tpu.memory_space<vmem>>) target(%dma_start3A_1756 : memref<32x1024xf32, #tpu.memory_space<hbm>>) target_semaphore(%arg10 : memref<!tpu.dma_semaphore, #tpu.memory_space<semaphore_mem>>)
    %dma_wait3A_1761 = arith.constant 0 : i32
    %dma_wait3A_1762 = arith.constant 0 : i32
    %dma_wait3A_1763 = arith.constant 0 : i32
    %dma_wait3A_1764 = tpu.memref_slice %arg6[%dma_wait3A_1761, %dma_wait3A_1762, %dma_wait3A_1763] : memref<2x32x1024xf32, #tpu.memory_space<vmem>> -> memref<1x32x1024xf32, #tpu.memory_space<vmem>>
    %dma_wait3A_1765 = tpu.memref_squeeze %dma_wait3A_1764 : memref<1x32x1024xf32, #tpu.memory_space<vmem>> -> memref<32x1024xf32, #tpu.memory_space<vmem>>
    %dma_wait3A_1766 = arith.constant 0 : i32
    %dma_wait3A_1767 = tpu.memref_slice %arg4[%add3A_1695, %dma_wait3A_1766] : memref<32768x1024xf32, #tpu.memory_space<hbm>> -> memref<32x1024xf32, #tpu.memory_space<hbm>>
    %dma_wait3A_1768 = arith.constant 0 : i32
    %dma_wait3A_1769 = tpu.memref_slice %arg4[%add3A_1695, %dma_wait3A_1768] : memref<32768x1024xf32, #tpu.memory_space<hbm>> -> memref<32x1024xf32, #tpu.memory_space<hbm>>
    %dma_wait3A_1770 = arith.constant 0 : i32
    %dma_wait3A_1771 = arith.constant 0 : i32
    %dma_wait3A_1772 = tpu.memref_slice %arg6[%dma_wait3A_1761, %dma_wait3A_1770, %dma_wait3A_1771] : memref<2x32x1024xf32, #tpu.memory_space<vmem>> -> memref<1x32x1024xf32, #tpu.memory_space<vmem>>
    %dma_wait3A_1773 = tpu.memref_squeeze %dma_wait3A_1772 : memref<1x32x1024xf32, #tpu.memory_space<vmem>> -> memref<32x1024xf32, #tpu.memory_space<vmem>>
    tpu.wait_dma2 semaphore(%arg9 : memref<!tpu.dma_semaphore, #tpu.memory_space<semaphore_mem>>) src(%dma_wait3A_1773 : memref<32x1024xf32, #tpu.memory_space<vmem>>) dst(%dma_wait3A_1769 : memref<32x1024xf32, #tpu.memory_space<hbm>>)
    %dma_start3A_1774 = arith.constant 18 : i32
    %dma_start3A_1775 = arith.constant 0 : i32
    %dma_start3A_1776 = arith.constant 0 : i32
    %dma_start3A_1777 = arith.constant 0 : i32
    %dma_start3A_1778 = tpu.memref_slice %arg6[%dma_start3A_1775, %dma_start3A_1776, %dma_start3A_1777] : memref<2x32x1024xf32, #tpu.memory_space<vmem>> -> memref<1x32x1024xf32, #tpu.memory_space<vmem>>
    %dma_start3A_1779 = tpu.memref_squeeze %dma_start3A_1778 : memref<1x32x1024xf32, #tpu.memory_space<vmem>> -> memref<32x1024xf32, #tpu.memory_space<vmem>>
    %dma_start3A_1780 = arith.constant 0 : i32
    %dma_start3A_1781 = tpu.memref_slice %arg5[%dma_start3A_1774, %dma_start3A_1780] : memref<32x32xi32, #tpu.memory_space<vmem>> -> memref<1x32xi32, #tpu.memory_space<vmem>>
    %dma_start3A_1782 = tpu.memref_squeeze %dma_start3A_1781 : memref<1x32xi32, #tpu.memory_space<vmem>> -> memref<32xi32, #tpu.memory_space<vmem>>
    %dma_start3A_1783 = arith.constant 0 : i32
    %dma_start3A_1784 = arith.constant 0 : i32
    %dma_start3A_1785 = tpu.memref_slice %arg2[%dma_start3A_1783, %dma_start3A_1784] : memref<32768x1024xf32, #tpu.memory_space<hbm>> -> memref<32768x1024xf32, #tpu.memory_space<hbm>>
    tpu.enqueue_indirect_dma source(%dma_start3A_1785 : memref<32768x1024xf32, #tpu.memory_space<hbm>>) target(%dma_start3A_1779 : memref<32x1024xf32, #tpu.memory_space<vmem>>) offsets(%dma_start3A_1782 : memref<32xi32, #tpu.memory_space<vmem>>) semaphore(%arg7 : memref<!tpu.dma_semaphore, #tpu.memory_space<semaphore_mem>>)
    %dma_wait3A_1786 = arith.constant 18 : i32
    %dma_wait3A_1787 = arith.constant 0 : i32
    %dma_wait3A_1788 = arith.constant 0 : i32
    %dma_wait3A_1789 = arith.constant 0 : i32
    %dma_wait3A_1790 = tpu.memref_slice %arg6[%dma_wait3A_1787, %dma_wait3A_1788, %dma_wait3A_1789] : memref<2x32x1024xf32, #tpu.memory_space<vmem>> -> memref<1x32x1024xf32, #tpu.memory_space<vmem>>
    %dma_wait3A_1791 = tpu.memref_squeeze %dma_wait3A_1790 : memref<1x32x1024xf32, #tpu.memory_space<vmem>> -> memref<32x1024xf32, #tpu.memory_space<vmem>>
    %dma_wait3A_1792 = arith.constant 0 : i32
    %dma_wait3A_1793 = tpu.memref_slice %arg5[%dma_wait3A_1786, %dma_wait3A_1792] : memref<32x32xi32, #tpu.memory_space<vmem>> -> memref<1x32xi32, #tpu.memory_space<vmem>>
    %dma_wait3A_1794 = tpu.memref_squeeze %dma_wait3A_1793 : memref<1x32xi32, #tpu.memory_space<vmem>> -> memref<32xi32, #tpu.memory_space<vmem>>
    %dma_wait3A_1795 = arith.constant 0 : i32
    %dma_wait3A_1796 = arith.constant 0 : i32
    %dma_wait3A_1797 = tpu.memref_slice %arg2[%dma_wait3A_1795, %dma_wait3A_1796] : memref<32768x1024xf32, #tpu.memory_space<hbm>> -> memref<32768x1024xf32, #tpu.memory_space<hbm>>
    tpu.wait_indirect_dma semaphore(%arg7 : memref<!tpu.dma_semaphore, #tpu.memory_space<semaphore_mem>>) src(%dma_wait3A_1797 : memref<32768x1024xf32, #tpu.memory_space<hbm>>) dst(%dma_wait3A_1791 : memref<32x1024xf32, #tpu.memory_space<vmem>>)
    %add3A_1798 = arith.constant 576 : i32
    %add3A_1799 = arith.addi %mul3A_2, %add3A_1798 : i32
    %dma_start3A_1800 = arith.constant 0 : i32
    %dma_start3A_1801 = arith.constant 0 : i32
    %dma_start3A_1802 = arith.constant 0 : i32
    %dma_start3A_1803 = tpu.memref_slice %arg6[%dma_start3A_1800, %dma_start3A_1801, %dma_start3A_1802] : memref<2x32x1024xf32, #tpu.memory_space<vmem>> -> memref<1x32x1024xf32, #tpu.memory_space<vmem>>
    %dma_start3A_1804 = tpu.memref_squeeze %dma_start3A_1803 : memref<1x32x1024xf32, #tpu.memory_space<vmem>> -> memref<32x1024xf32, #tpu.memory_space<vmem>>
    %dma_start3A_1805 = arith.constant 0 : i32
    %dma_start3A_1806 = tpu.memref_slice %arg4[%add3A_1799, %dma_start3A_1805] : memref<32768x1024xf32, #tpu.memory_space<hbm>> -> memref<32x1024xf32, #tpu.memory_space<hbm>>
    %dma_start3A_1807 = arith.constant 0 : i32
    %dma_start3A_1808 = tpu.memref_slice %arg4[%add3A_1799, %dma_start3A_1807] : memref<32768x1024xf32, #tpu.memory_space<hbm>> -> memref<32x1024xf32, #tpu.memory_space<hbm>>
    %dma_start3A_1809 = arith.constant 0 : i32
    %dma_start3A_1810 = arith.constant 0 : i32
    %dma_start3A_1811 = tpu.memref_slice %arg6[%dma_start3A_1800, %dma_start3A_1809, %dma_start3A_1810] : memref<2x32x1024xf32, #tpu.memory_space<vmem>> -> memref<1x32x1024xf32, #tpu.memory_space<vmem>>
    %dma_start3A_1812 = tpu.memref_squeeze %dma_start3A_1811 : memref<1x32x1024xf32, #tpu.memory_space<vmem>> -> memref<32x1024xf32, #tpu.memory_space<vmem>>
    tpu.enqueue_dma source(%dma_start3A_1812 : memref<32x1024xf32, #tpu.memory_space<vmem>>) target(%dma_start3A_1808 : memref<32x1024xf32, #tpu.memory_space<hbm>>) target_semaphore(%arg9 : memref<!tpu.dma_semaphore, #tpu.memory_space<semaphore_mem>>)
    %dma_wait3A_1813 = arith.constant 1 : i32
    %dma_wait3A_1814 = arith.constant 0 : i32
    %dma_wait3A_1815 = arith.constant 0 : i32
    %dma_wait3A_1816 = tpu.memref_slice %arg6[%dma_wait3A_1813, %dma_wait3A_1814, %dma_wait3A_1815] : memref<2x32x1024xf32, #tpu.memory_space<vmem>> -> memref<1x32x1024xf32, #tpu.memory_space<vmem>>
    %dma_wait3A_1817 = tpu.memref_squeeze %dma_wait3A_1816 : memref<1x32x1024xf32, #tpu.memory_space<vmem>> -> memref<32x1024xf32, #tpu.memory_space<vmem>>
    %dma_wait3A_1818 = arith.constant 0 : i32
    %dma_wait3A_1819 = tpu.memref_slice %arg4[%add3A_1747, %dma_wait3A_1818] : memref<32768x1024xf32, #tpu.memory_space<hbm>> -> memref<32x1024xf32, #tpu.memory_space<hbm>>
    %dma_wait3A_1820 = arith.constant 0 : i32
    %dma_wait3A_1821 = tpu.memref_slice %arg4[%add3A_1747, %dma_wait3A_1820] : memref<32768x1024xf32, #tpu.memory_space<hbm>> -> memref<32x1024xf32, #tpu.memory_space<hbm>>
    %dma_wait3A_1822 = arith.constant 0 : i32
    %dma_wait3A_1823 = arith.constant 0 : i32
    %dma_wait3A_1824 = tpu.memref_slice %arg6[%dma_wait3A_1813, %dma_wait3A_1822, %dma_wait3A_1823] : memref<2x32x1024xf32, #tpu.memory_space<vmem>> -> memref<1x32x1024xf32, #tpu.memory_space<vmem>>
    %dma_wait3A_1825 = tpu.memref_squeeze %dma_wait3A_1824 : memref<1x32x1024xf32, #tpu.memory_space<vmem>> -> memref<32x1024xf32, #tpu.memory_space<vmem>>
    tpu.wait_dma2 semaphore(%arg10 : memref<!tpu.dma_semaphore, #tpu.memory_space<semaphore_mem>>) src(%dma_wait3A_1825 : memref<32x1024xf32, #tpu.memory_space<vmem>>) dst(%dma_wait3A_1821 : memref<32x1024xf32, #tpu.memory_space<hbm>>)
    %dma_start3A_1826 = arith.constant 19 : i32
    %dma_start3A_1827 = arith.constant 1 : i32
    %dma_start3A_1828 = arith.constant 0 : i32
    %dma_start3A_1829 = arith.constant 0 : i32
    %dma_start3A_1830 = tpu.memref_slice %arg6[%dma_start3A_1827, %dma_start3A_1828, %dma_start3A_1829] : memref<2x32x1024xf32, #tpu.memory_space<vmem>> -> memref<1x32x1024xf32, #tpu.memory_space<vmem>>
    %dma_start3A_1831 = tpu.memref_squeeze %dma_start3A_1830 : memref<1x32x1024xf32, #tpu.memory_space<vmem>> -> memref<32x1024xf32, #tpu.memory_space<vmem>>
    %dma_start3A_1832 = arith.constant 0 : i32
    %dma_start3A_1833 = tpu.memref_slice %arg5[%dma_start3A_1826, %dma_start3A_1832] : memref<32x32xi32, #tpu.memory_space<vmem>> -> memref<1x32xi32, #tpu.memory_space<vmem>>
    %dma_start3A_1834 = tpu.memref_squeeze %dma_start3A_1833 : memref<1x32xi32, #tpu.memory_space<vmem>> -> memref<32xi32, #tpu.memory_space<vmem>>
    %dma_start3A_1835 = arith.constant 0 : i32
    %dma_start3A_1836 = arith.constant 0 : i32
    %dma_start3A_1837 = tpu.memref_slice %arg2[%dma_start3A_1835, %dma_start3A_1836] : memref<32768x1024xf32, #tpu.memory_space<hbm>> -> memref<32768x1024xf32, #tpu.memory_space<hbm>>
    tpu.enqueue_indirect_dma source(%dma_start3A_1837 : memref<32768x1024xf32, #tpu.memory_space<hbm>>) target(%dma_start3A_1831 : memref<32x1024xf32, #tpu.memory_space<vmem>>) offsets(%dma_start3A_1834 : memref<32xi32, #tpu.memory_space<vmem>>) semaphore(%arg8 : memref<!tpu.dma_semaphore, #tpu.memory_space<semaphore_mem>>)
    %dma_wait3A_1838 = arith.constant 19 : i32
    %dma_wait3A_1839 = arith.constant 1 : i32
    %dma_wait3A_1840 = arith.constant 0 : i32
    %dma_wait3A_1841 = arith.constant 0 : i32
    %dma_wait3A_1842 = tpu.memref_slice %arg6[%dma_wait3A_1839, %dma_wait3A_1840, %dma_wait3A_1841] : memref<2x32x1024xf32, #tpu.memory_space<vmem>> -> memref<1x32x1024xf32, #tpu.memory_space<vmem>>
    %dma_wait3A_1843 = tpu.memref_squeeze %dma_wait3A_1842 : memref<1x32x1024xf32, #tpu.memory_space<vmem>> -> memref<32x1024xf32, #tpu.memory_space<vmem>>
    %dma_wait3A_1844 = arith.constant 0 : i32
    %dma_wait3A_1845 = tpu.memref_slice %arg5[%dma_wait3A_1838, %dma_wait3A_1844] : memref<32x32xi32, #tpu.memory_space<vmem>> -> memref<1x32xi32, #tpu.memory_space<vmem>>
    %dma_wait3A_1846 = tpu.memref_squeeze %dma_wait3A_1845 : memref<1x32xi32, #tpu.memory_space<vmem>> -> memref<32xi32, #tpu.memory_space<vmem>>
    %dma_wait3A_1847 = arith.constant 0 : i32
    %dma_wait3A_1848 = arith.constant 0 : i32
    %dma_wait3A_1849 = tpu.memref_slice %arg2[%dma_wait3A_1847, %dma_wait3A_1848] : memref<32768x1024xf32, #tpu.memory_space<hbm>> -> memref<32768x1024xf32, #tpu.memory_space<hbm>>
    tpu.wait_indirect_dma semaphore(%arg8 : memref<!tpu.dma_semaphore, #tpu.memory_space<semaphore_mem>>) src(%dma_wait3A_1849 : memref<32768x1024xf32, #tpu.memory_space<hbm>>) dst(%dma_wait3A_1843 : memref<32x1024xf32, #tpu.memory_space<vmem>>)
    %add3A_1850 = arith.constant 608 : i32
    %add3A_1851 = arith.addi %mul3A_2, %add3A_1850 : i32
    %dma_start3A_1852 = arith.constant 1 : i32
    %dma_start3A_1853 = arith.constant 0 : i32
    %dma_start3A_1854 = arith.constant 0 : i32
    %dma_start3A_1855 = tpu.memref_slice %arg6[%dma_start3A_1852, %dma_start3A_1853, %dma_start3A_1854] : memref<2x32x1024xf32, #tpu.memory_space<vmem>> -> memref<1x32x1024xf32, #tpu.memory_space<vmem>>
    %dma_start3A_1856 = tpu.memref_squeeze %dma_start3A_1855 : memref<1x32x1024xf32, #tpu.memory_space<vmem>> -> memref<32x1024xf32, #tpu.memory_space<vmem>>
    %dma_start3A_1857 = arith.constant 0 : i32
    %dma_start3A_1858 = tpu.memref_slice %arg4[%add3A_1851, %dma_start3A_1857] : memref<32768x1024xf32, #tpu.memory_space<hbm>> -> memref<32x1024xf32, #tpu.memory_space<hbm>>
    %dma_start3A_1859 = arith.constant 0 : i32
    %dma_start3A_1860 = tpu.memref_slice %arg4[%add3A_1851, %dma_start3A_1859] : memref<32768x1024xf32, #tpu.memory_space<hbm>> -> memref<32x1024xf32, #tpu.memory_space<hbm>>
    %dma_start3A_1861 = arith.constant 0 : i32
    %dma_start3A_1862 = arith.constant 0 : i32
    %dma_start3A_1863 = tpu.memref_slice %arg6[%dma_start3A_1852, %dma_start3A_1861, %dma_start3A_1862] : memref<2x32x1024xf32, #tpu.memory_space<vmem>> -> memref<1x32x1024xf32, #tpu.memory_space<vmem>>
    %dma_start3A_1864 = tpu.memref_squeeze %dma_start3A_1863 : memref<1x32x1024xf32, #tpu.memory_space<vmem>> -> memref<32x1024xf32, #tpu.memory_space<vmem>>
    tpu.enqueue_dma source(%dma_start3A_1864 : memref<32x1024xf32, #tpu.memory_space<vmem>>) target(%dma_start3A_1860 : memref<32x1024xf32, #tpu.memory_space<hbm>>) target_semaphore(%arg10 : memref<!tpu.dma_semaphore, #tpu.memory_space<semaphore_mem>>)
    %dma_wait3A_1865 = arith.constant 0 : i32
    %dma_wait3A_1866 = arith.constant 0 : i32
    %dma_wait3A_1867 = arith.constant 0 : i32
    %dma_wait3A_1868 = tpu.memref_slice %arg6[%dma_wait3A_1865, %dma_wait3A_1866, %dma_wait3A_1867] : memref<2x32x1024xf32, #tpu.memory_space<vmem>> -> memref<1x32x1024xf32, #tpu.memory_space<vmem>>
    %dma_wait3A_1869 = tpu.memref_squeeze %dma_wait3A_1868 : memref<1x32x1024xf32, #tpu.memory_space<vmem>> -> memref<32x1024xf32, #tpu.memory_space<vmem>>
    %dma_wait3A_1870 = arith.constant 0 : i32
    %dma_wait3A_1871 = tpu.memref_slice %arg4[%add3A_1799, %dma_wait3A_1870] : memref<32768x1024xf32, #tpu.memory_space<hbm>> -> memref<32x1024xf32, #tpu.memory_space<hbm>>
    %dma_wait3A_1872 = arith.constant 0 : i32
    %dma_wait3A_1873 = tpu.memref_slice %arg4[%add3A_1799, %dma_wait3A_1872] : memref<32768x1024xf32, #tpu.memory_space<hbm>> -> memref<32x1024xf32, #tpu.memory_space<hbm>>
    %dma_wait3A_1874 = arith.constant 0 : i32
    %dma_wait3A_1875 = arith.constant 0 : i32
    %dma_wait3A_1876 = tpu.memref_slice %arg6[%dma_wait3A_1865, %dma_wait3A_1874, %dma_wait3A_1875] : memref<2x32x1024xf32, #tpu.memory_space<vmem>> -> memref<1x32x1024xf32, #tpu.memory_space<vmem>>
    %dma_wait3A_1877 = tpu.memref_squeeze %dma_wait3A_1876 : memref<1x32x1024xf32, #tpu.memory_space<vmem>> -> memref<32x1024xf32, #tpu.memory_space<vmem>>
    tpu.wait_dma2 semaphore(%arg9 : memref<!tpu.dma_semaphore, #tpu.memory_space<semaphore_mem>>) src(%dma_wait3A_1877 : memref<32x1024xf32, #tpu.memory_space<vmem>>) dst(%dma_wait3A_1873 : memref<32x1024xf32, #tpu.memory_space<hbm>>)
    %dma_start3A_1878 = arith.constant 20 : i32
    %dma_start3A_1879 = arith.constant 0 : i32
    %dma_start3A_1880 = arith.constant 0 : i32
    %dma_start3A_1881 = arith.constant 0 : i32
    %dma_start3A_1882 = tpu.memref_slice %arg6[%dma_start3A_1879, %dma_start3A_1880, %dma_start3A_1881] : memref<2x32x1024xf32, #tpu.memory_space<vmem>> -> memref<1x32x1024xf32, #tpu.memory_space<vmem>>
    %dma_start3A_1883 = tpu.memref_squeeze %dma_start3A_1882 : memref<1x32x1024xf32, #tpu.memory_space<vmem>> -> memref<32x1024xf32, #tpu.memory_space<vmem>>
    %dma_start3A_1884 = arith.constant 0 : i32
    %dma_start3A_1885 = tpu.memref_slice %arg5[%dma_start3A_1878, %dma_start3A_1884] : memref<32x32xi32, #tpu.memory_space<vmem>> -> memref<1x32xi32, #tpu.memory_space<vmem>>
    %dma_start3A_1886 = tpu.memref_squeeze %dma_start3A_1885 : memref<1x32xi32, #tpu.memory_space<vmem>> -> memref<32xi32, #tpu.memory_space<vmem>>
    %dma_start3A_1887 = arith.constant 0 : i32
    %dma_start3A_1888 = arith.constant 0 : i32
    %dma_start3A_1889 = tpu.memref_slice %arg2[%dma_start3A_1887, %dma_start3A_1888] : memref<32768x1024xf32, #tpu.memory_space<hbm>> -> memref<32768x1024xf32, #tpu.memory_space<hbm>>
    tpu.enqueue_indirect_dma source(%dma_start3A_1889 : memref<32768x1024xf32, #tpu.memory_space<hbm>>) target(%dma_start3A_1883 : memref<32x1024xf32, #tpu.memory_space<vmem>>) offsets(%dma_start3A_1886 : memref<32xi32, #tpu.memory_space<vmem>>) semaphore(%arg7 : memref<!tpu.dma_semaphore, #tpu.memory_space<semaphore_mem>>)
    %dma_wait3A_1890 = arith.constant 20 : i32
    %dma_wait3A_1891 = arith.constant 0 : i32
    %dma_wait3A_1892 = arith.constant 0 : i32
    %dma_wait3A_1893 = arith.constant 0 : i32
    %dma_wait3A_1894 = tpu.memref_slice %arg6[%dma_wait3A_1891, %dma_wait3A_1892, %dma_wait3A_1893] : memref<2x32x1024xf32, #tpu.memory_space<vmem>> -> memref<1x32x1024xf32, #tpu.memory_space<vmem>>
    %dma_wait3A_1895 = tpu.memref_squeeze %dma_wait3A_1894 : memref<1x32x1024xf32, #tpu.memory_space<vmem>> -> memref<32x1024xf32, #tpu.memory_space<vmem>>
    %dma_wait3A_1896 = arith.constant 0 : i32
    %dma_wait3A_1897 = tpu.memref_slice %arg5[%dma_wait3A_1890, %dma_wait3A_1896] : memref<32x32xi32, #tpu.memory_space<vmem>> -> memref<1x32xi32, #tpu.memory_space<vmem>>
    %dma_wait3A_1898 = tpu.memref_squeeze %dma_wait3A_1897 : memref<1x32xi32, #tpu.memory_space<vmem>> -> memref<32xi32, #tpu.memory_space<vmem>>
    %dma_wait3A_1899 = arith.constant 0 : i32
    %dma_wait3A_1900 = arith.constant 0 : i32
    %dma_wait3A_1901 = tpu.memref_slice %arg2[%dma_wait3A_1899, %dma_wait3A_1900] : memref<32768x1024xf32, #tpu.memory_space<hbm>> -> memref<32768x1024xf32, #tpu.memory_space<hbm>>
    tpu.wait_indirect_dma semaphore(%arg7 : memref<!tpu.dma_semaphore, #tpu.memory_space<semaphore_mem>>) src(%dma_wait3A_1901 : memref<32768x1024xf32, #tpu.memory_space<hbm>>) dst(%dma_wait3A_1895 : memref<32x1024xf32, #tpu.memory_space<vmem>>)
    %add3A_1902 = arith.constant 640 : i32
    %add3A_1903 = arith.addi %mul3A_2, %add3A_1902 : i32
    %dma_start3A_1904 = arith.constant 0 : i32
    %dma_start3A_1905 = arith.constant 0 : i32
    %dma_start3A_1906 = arith.constant 0 : i32
    %dma_start3A_1907 = tpu.memref_slice %arg6[%dma_start3A_1904, %dma_start3A_1905, %dma_start3A_1906] : memref<2x32x1024xf32, #tpu.memory_space<vmem>> -> memref<1x32x1024xf32, #tpu.memory_space<vmem>>
    %dma_start3A_1908 = tpu.memref_squeeze %dma_start3A_1907 : memref<1x32x1024xf32, #tpu.memory_space<vmem>> -> memref<32x1024xf32, #tpu.memory_space<vmem>>
    %dma_start3A_1909 = arith.constant 0 : i32
    %dma_start3A_1910 = tpu.memref_slice %arg4[%add3A_1903, %dma_start3A_1909] : memref<32768x1024xf32, #tpu.memory_space<hbm>> -> memref<32x1024xf32, #tpu.memory_space<hbm>>
    %dma_start3A_1911 = arith.constant 0 : i32
    %dma_start3A_1912 = tpu.memref_slice %arg4[%add3A_1903, %dma_start3A_1911] : memref<32768x1024xf32, #tpu.memory_space<hbm>> -> memref<32x1024xf32, #tpu.memory_space<hbm>>
    %dma_start3A_1913 = arith.constant 0 : i32
    %dma_start3A_1914 = arith.constant 0 : i32
    %dma_start3A_1915 = tpu.memref_slice %arg6[%dma_start3A_1904, %dma_start3A_1913, %dma_start3A_1914] : memref<2x32x1024xf32, #tpu.memory_space<vmem>> -> memref<1x32x1024xf32, #tpu.memory_space<vmem>>
    %dma_start3A_1916 = tpu.memref_squeeze %dma_start3A_1915 : memref<1x32x1024xf32, #tpu.memory_space<vmem>> -> memref<32x1024xf32, #tpu.memory_space<vmem>>
    tpu.enqueue_dma source(%dma_start3A_1916 : memref<32x1024xf32, #tpu.memory_space<vmem>>) target(%dma_start3A_1912 : memref<32x1024xf32, #tpu.memory_space<hbm>>) target_semaphore(%arg9 : memref<!tpu.dma_semaphore, #tpu.memory_space<semaphore_mem>>)
    %dma_wait3A_1917 = arith.constant 1 : i32
    %dma_wait3A_1918 = arith.constant 0 : i32
    %dma_wait3A_1919 = arith.constant 0 : i32
    %dma_wait3A_1920 = tpu.memref_slice %arg6[%dma_wait3A_1917, %dma_wait3A_1918, %dma_wait3A_1919] : memref<2x32x1024xf32, #tpu.memory_space<vmem>> -> memref<1x32x1024xf32, #tpu.memory_space<vmem>>
    %dma_wait3A_1921 = tpu.memref_squeeze %dma_wait3A_1920 : memref<1x32x1024xf32, #tpu.memory_space<vmem>> -> memref<32x1024xf32, #tpu.memory_space<vmem>>
    %dma_wait3A_1922 = arith.constant 0 : i32
    %dma_wait3A_1923 = tpu.memref_slice %arg4[%add3A_1851, %dma_wait3A_1922] : memref<32768x1024xf32, #tpu.memory_space<hbm>> -> memref<32x1024xf32, #tpu.memory_space<hbm>>
    %dma_wait3A_1924 = arith.constant 0 : i32
    %dma_wait3A_1925 = tpu.memref_slice %arg4[%add3A_1851, %dma_wait3A_1924] : memref<32768x1024xf32, #tpu.memory_space<hbm>> -> memref<32x1024xf32, #tpu.memory_space<hbm>>
    %dma_wait3A_1926 = arith.constant 0 : i32
    %dma_wait3A_1927 = arith.constant 0 : i32
    %dma_wait3A_1928 = tpu.memref_slice %arg6[%dma_wait3A_1917, %dma_wait3A_1926, %dma_wait3A_1927] : memref<2x32x1024xf32, #tpu.memory_space<vmem>> -> memref<1x32x1024xf32, #tpu.memory_space<vmem>>
    %dma_wait3A_1929 = tpu.memref_squeeze %dma_wait3A_1928 : memref<1x32x1024xf32, #tpu.memory_space<vmem>> -> memref<32x1024xf32, #tpu.memory_space<vmem>>
    tpu.wait_dma2 semaphore(%arg10 : memref<!tpu.dma_semaphore, #tpu.memory_space<semaphore_mem>>) src(%dma_wait3A_1929 : memref<32x1024xf32, #tpu.memory_space<vmem>>) dst(%dma_wait3A_1925 : memref<32x1024xf32, #tpu.memory_space<hbm>>)
    %dma_start3A_1930 = arith.constant 21 : i32
    %dma_start3A_1931 = arith.constant 1 : i32
    %dma_start3A_1932 = arith.constant 0 : i32
    %dma_start3A_1933 = arith.constant 0 : i32
    %dma_start3A_1934 = tpu.memref_slice %arg6[%dma_start3A_1931, %dma_start3A_1932, %dma_start3A_1933] : memref<2x32x1024xf32, #tpu.memory_space<vmem>> -> memref<1x32x1024xf32, #tpu.memory_space<vmem>>
    %dma_start3A_1935 = tpu.memref_squeeze %dma_start3A_1934 : memref<1x32x1024xf32, #tpu.memory_space<vmem>> -> memref<32x1024xf32, #tpu.memory_space<vmem>>
    %dma_start3A_1936 = arith.constant 0 : i32
    %dma_start3A_1937 = tpu.memref_slice %arg5[%dma_start3A_1930, %dma_start3A_1936] : memref<32x32xi32, #tpu.memory_space<vmem>> -> memref<1x32xi32, #tpu.memory_space<vmem>>
    %dma_start3A_1938 = tpu.memref_squeeze %dma_start3A_1937 : memref<1x32xi32, #tpu.memory_space<vmem>> -> memref<32xi32, #tpu.memory_space<vmem>>
    %dma_start3A_1939 = arith.constant 0 : i32
    %dma_start3A_1940 = arith.constant 0 : i32
    %dma_start3A_1941 = tpu.memref_slice %arg2[%dma_start3A_1939, %dma_start3A_1940] : memref<32768x1024xf32, #tpu.memory_space<hbm>> -> memref<32768x1024xf32, #tpu.memory_space<hbm>>
    tpu.enqueue_indirect_dma source(%dma_start3A_1941 : memref<32768x1024xf32, #tpu.memory_space<hbm>>) target(%dma_start3A_1935 : memref<32x1024xf32, #tpu.memory_space<vmem>>) offsets(%dma_start3A_1938 : memref<32xi32, #tpu.memory_space<vmem>>) semaphore(%arg8 : memref<!tpu.dma_semaphore, #tpu.memory_space<semaphore_mem>>)
    %dma_wait3A_1942 = arith.constant 21 : i32
    %dma_wait3A_1943 = arith.constant 1 : i32
    %dma_wait3A_1944 = arith.constant 0 : i32
    %dma_wait3A_1945 = arith.constant 0 : i32
    %dma_wait3A_1946 = tpu.memref_slice %arg6[%dma_wait3A_1943, %dma_wait3A_1944, %dma_wait3A_1945] : memref<2x32x1024xf32, #tpu.memory_space<vmem>> -> memref<1x32x1024xf32, #tpu.memory_space<vmem>>
    %dma_wait3A_1947 = tpu.memref_squeeze %dma_wait3A_1946 : memref<1x32x1024xf32, #tpu.memory_space<vmem>> -> memref<32x1024xf32, #tpu.memory_space<vmem>>
    %dma_wait3A_1948 = arith.constant 0 : i32
    %dma_wait3A_1949 = tpu.memref_slice %arg5[%dma_wait3A_1942, %dma_wait3A_1948] : memref<32x32xi32, #tpu.memory_space<vmem>> -> memref<1x32xi32, #tpu.memory_space<vmem>>
    %dma_wait3A_1950 = tpu.memref_squeeze %dma_wait3A_1949 : memref<1x32xi32, #tpu.memory_space<vmem>> -> memref<32xi32, #tpu.memory_space<vmem>>
    %dma_wait3A_1951 = arith.constant 0 : i32
    %dma_wait3A_1952 = arith.constant 0 : i32
    %dma_wait3A_1953 = tpu.memref_slice %arg2[%dma_wait3A_1951, %dma_wait3A_1952] : memref<32768x1024xf32, #tpu.memory_space<hbm>> -> memref<32768x1024xf32, #tpu.memory_space<hbm>>
    tpu.wait_indirect_dma semaphore(%arg8 : memref<!tpu.dma_semaphore, #tpu.memory_space<semaphore_mem>>) src(%dma_wait3A_1953 : memref<32768x1024xf32, #tpu.memory_space<hbm>>) dst(%dma_wait3A_1947 : memref<32x1024xf32, #tpu.memory_space<vmem>>)
    %add3A_1954 = arith.constant 672 : i32
    %add3A_1955 = arith.addi %mul3A_2, %add3A_1954 : i32
    %dma_start3A_1956 = arith.constant 1 : i32
    %dma_start3A_1957 = arith.constant 0 : i32
    %dma_start3A_1958 = arith.constant 0 : i32
    %dma_start3A_1959 = tpu.memref_slice %arg6[%dma_start3A_1956, %dma_start3A_1957, %dma_start3A_1958] : memref<2x32x1024xf32, #tpu.memory_space<vmem>> -> memref<1x32x1024xf32, #tpu.memory_space<vmem>>
    %dma_start3A_1960 = tpu.memref_squeeze %dma_start3A_1959 : memref<1x32x1024xf32, #tpu.memory_space<vmem>> -> memref<32x1024xf32, #tpu.memory_space<vmem>>
    %dma_start3A_1961 = arith.constant 0 : i32
    %dma_start3A_1962 = tpu.memref_slice %arg4[%add3A_1955, %dma_start3A_1961] : memref<32768x1024xf32, #tpu.memory_space<hbm>> -> memref<32x1024xf32, #tpu.memory_space<hbm>>
    %dma_start3A_1963 = arith.constant 0 : i32
    %dma_start3A_1964 = tpu.memref_slice %arg4[%add3A_1955, %dma_start3A_1963] : memref<32768x1024xf32, #tpu.memory_space<hbm>> -> memref<32x1024xf32, #tpu.memory_space<hbm>>
    %dma_start3A_1965 = arith.constant 0 : i32
    %dma_start3A_1966 = arith.constant 0 : i32
    %dma_start3A_1967 = tpu.memref_slice %arg6[%dma_start3A_1956, %dma_start3A_1965, %dma_start3A_1966] : memref<2x32x1024xf32, #tpu.memory_space<vmem>> -> memref<1x32x1024xf32, #tpu.memory_space<vmem>>
    %dma_start3A_1968 = tpu.memref_squeeze %dma_start3A_1967 : memref<1x32x1024xf32, #tpu.memory_space<vmem>> -> memref<32x1024xf32, #tpu.memory_space<vmem>>
    tpu.enqueue_dma source(%dma_start3A_1968 : memref<32x1024xf32, #tpu.memory_space<vmem>>) target(%dma_start3A_1964 : memref<32x1024xf32, #tpu.memory_space<hbm>>) target_semaphore(%arg10 : memref<!tpu.dma_semaphore, #tpu.memory_space<semaphore_mem>>)
    %dma_wait3A_1969 = arith.constant 0 : i32
    %dma_wait3A_1970 = arith.constant 0 : i32
    %dma_wait3A_1971 = arith.constant 0 : i32
    %dma_wait3A_1972 = tpu.memref_slice %arg6[%dma_wait3A_1969, %dma_wait3A_1970, %dma_wait3A_1971] : memref<2x32x1024xf32, #tpu.memory_space<vmem>> -> memref<1x32x1024xf32, #tpu.memory_space<vmem>>
    %dma_wait3A_1973 = tpu.memref_squeeze %dma_wait3A_1972 : memref<1x32x1024xf32, #tpu.memory_space<vmem>> -> memref<32x1024xf32, #tpu.memory_space<vmem>>
    %dma_wait3A_1974 = arith.constant 0 : i32
    %dma_wait3A_1975 = tpu.memref_slice %arg4[%add3A_1903, %dma_wait3A_1974] : memref<32768x1024xf32, #tpu.memory_space<hbm>> -> memref<32x1024xf32, #tpu.memory_space<hbm>>
    %dma_wait3A_1976 = arith.constant 0 : i32
    %dma_wait3A_1977 = tpu.memref_slice %arg4[%add3A_1903, %dma_wait3A_1976] : memref<32768x1024xf32, #tpu.memory_space<hbm>> -> memref<32x1024xf32, #tpu.memory_space<hbm>>
    %dma_wait3A_1978 = arith.constant 0 : i32
    %dma_wait3A_1979 = arith.constant 0 : i32
    %dma_wait3A_1980 = tpu.memref_slice %arg6[%dma_wait3A_1969, %dma_wait3A_1978, %dma_wait3A_1979] : memref<2x32x1024xf32, #tpu.memory_space<vmem>> -> memref<1x32x1024xf32, #tpu.memory_space<vmem>>
    %dma_wait3A_1981 = tpu.memref_squeeze %dma_wait3A_1980 : memref<1x32x1024xf32, #tpu.memory_space<vmem>> -> memref<32x1024xf32, #tpu.memory_space<vmem>>
    tpu.wait_dma2 semaphore(%arg9 : memref<!tpu.dma_semaphore, #tpu.memory_space<semaphore_mem>>) src(%dma_wait3A_1981 : memref<32x1024xf32, #tpu.memory_space<vmem>>) dst(%dma_wait3A_1977 : memref<32x1024xf32, #tpu.memory_space<hbm>>)
    %dma_start3A_1982 = arith.constant 22 : i32
    %dma_start3A_1983 = arith.constant 0 : i32
    %dma_start3A_1984 = arith.constant 0 : i32
    %dma_start3A_1985 = arith.constant 0 : i32
    %dma_start3A_1986 = tpu.memref_slice %arg6[%dma_start3A_1983, %dma_start3A_1984, %dma_start3A_1985] : memref<2x32x1024xf32, #tpu.memory_space<vmem>> -> memref<1x32x1024xf32, #tpu.memory_space<vmem>>
    %dma_start3A_1987 = tpu.memref_squeeze %dma_start3A_1986 : memref<1x32x1024xf32, #tpu.memory_space<vmem>> -> memref<32x1024xf32, #tpu.memory_space<vmem>>
    %dma_start3A_1988 = arith.constant 0 : i32
    %dma_start3A_1989 = tpu.memref_slice %arg5[%dma_start3A_1982, %dma_start3A_1988] : memref<32x32xi32, #tpu.memory_space<vmem>> -> memref<1x32xi32, #tpu.memory_space<vmem>>
    %dma_start3A_1990 = tpu.memref_squeeze %dma_start3A_1989 : memref<1x32xi32, #tpu.memory_space<vmem>> -> memref<32xi32, #tpu.memory_space<vmem>>
    %dma_start3A_1991 = arith.constant 0 : i32
    %dma_start3A_1992 = arith.constant 0 : i32
    %dma_start3A_1993 = tpu.memref_slice %arg2[%dma_start3A_1991, %dma_start3A_1992] : memref<32768x1024xf32, #tpu.memory_space<hbm>> -> memref<32768x1024xf32, #tpu.memory_space<hbm>>
    tpu.enqueue_indirect_dma source(%dma_start3A_1993 : memref<32768x1024xf32, #tpu.memory_space<hbm>>) target(%dma_start3A_1987 : memref<32x1024xf32, #tpu.memory_space<vmem>>) offsets(%dma_start3A_1990 : memref<32xi32, #tpu.memory_space<vmem>>) semaphore(%arg7 : memref<!tpu.dma_semaphore, #tpu.memory_space<semaphore_mem>>)
    %dma_wait3A_1994 = arith.constant 22 : i32
    %dma_wait3A_1995 = arith.constant 0 : i32
    %dma_wait3A_1996 = arith.constant 0 : i32
    %dma_wait3A_1997 = arith.constant 0 : i32
    %dma_wait3A_1998 = tpu.memref_slice %arg6[%dma_wait3A_1995, %dma_wait3A_1996, %dma_wait3A_1997] : memref<2x32x1024xf32, #tpu.memory_space<vmem>> -> memref<1x32x1024xf32, #tpu.memory_space<vmem>>
    %dma_wait3A_1999 = tpu.memref_squeeze %dma_wait3A_1998 : memref<1x32x1024xf32, #tpu.memory_space<vmem>> -> memref<32x1024xf32, #tpu.memory_space<vmem>>
    %dma_wait3A_2000 = arith.constant 0 : i32
    %dma_wait3A_2001 = tpu.memref_slice %arg5[%dma_wait3A_1994, %dma_wait3A_2000] : memref<32x32xi32, #tpu.memory_space<vmem>> -> memref<1x32xi32, #tpu.memory_space<vmem>>
    %dma_wait3A_2002 = tpu.memref_squeeze %dma_wait3A_2001 : memref<1x32xi32, #tpu.memory_space<vmem>> -> memref<32xi32, #tpu.memory_space<vmem>>
    %dma_wait3A_2003 = arith.constant 0 : i32
    %dma_wait3A_2004 = arith.constant 0 : i32
    %dma_wait3A_2005 = tpu.memref_slice %arg2[%dma_wait3A_2003, %dma_wait3A_2004] : memref<32768x1024xf32, #tpu.memory_space<hbm>> -> memref<32768x1024xf32, #tpu.memory_space<hbm>>
    tpu.wait_indirect_dma semaphore(%arg7 : memref<!tpu.dma_semaphore, #tpu.memory_space<semaphore_mem>>) src(%dma_wait3A_2005 : memref<32768x1024xf32, #tpu.memory_space<hbm>>) dst(%dma_wait3A_1999 : memref<32x1024xf32, #tpu.memory_space<vmem>>)
    %add3A_2006 = arith.constant 704 : i32
    %add3A_2007 = arith.addi %mul3A_2, %add3A_2006 : i32
    %dma_start3A_2008 = arith.constant 0 : i32
    %dma_start3A_2009 = arith.constant 0 : i32
    %dma_start3A_2010 = arith.constant 0 : i32
    %dma_start3A_2011 = tpu.memref_slice %arg6[%dma_start3A_2008, %dma_start3A_2009, %dma_start3A_2010] : memref<2x32x1024xf32, #tpu.memory_space<vmem>> -> memref<1x32x1024xf32, #tpu.memory_space<vmem>>
    %dma_start3A_2012 = tpu.memref_squeeze %dma_start3A_2011 : memref<1x32x1024xf32, #tpu.memory_space<vmem>> -> memref<32x1024xf32, #tpu.memory_space<vmem>>
    %dma_start3A_2013 = arith.constant 0 : i32
    %dma_start3A_2014 = tpu.memref_slice %arg4[%add3A_2007, %dma_start3A_2013] : memref<32768x1024xf32, #tpu.memory_space<hbm>> -> memref<32x1024xf32, #tpu.memory_space<hbm>>
    %dma_start3A_2015 = arith.constant 0 : i32
    %dma_start3A_2016 = tpu.memref_slice %arg4[%add3A_2007, %dma_start3A_2015] : memref<32768x1024xf32, #tpu.memory_space<hbm>> -> memref<32x1024xf32, #tpu.memory_space<hbm>>
    %dma_start3A_2017 = arith.constant 0 : i32
    %dma_start3A_2018 = arith.constant 0 : i32
    %dma_start3A_2019 = tpu.memref_slice %arg6[%dma_start3A_2008, %dma_start3A_2017, %dma_start3A_2018] : memref<2x32x1024xf32, #tpu.memory_space<vmem>> -> memref<1x32x1024xf32, #tpu.memory_space<vmem>>
    %dma_start3A_2020 = tpu.memref_squeeze %dma_start3A_2019 : memref<1x32x1024xf32, #tpu.memory_space<vmem>> -> memref<32x1024xf32, #tpu.memory_space<vmem>>
    tpu.enqueue_dma source(%dma_start3A_2020 : memref<32x1024xf32, #tpu.memory_space<vmem>>) target(%dma_start3A_2016 : memref<32x1024xf32, #tpu.memory_space<hbm>>) target_semaphore(%arg9 : memref<!tpu.dma_semaphore, #tpu.memory_space<semaphore_mem>>)
    %dma_wait3A_2021 = arith.constant 1 : i32
    %dma_wait3A_2022 = arith.constant 0 : i32
    %dma_wait3A_2023 = arith.constant 0 : i32
    %dma_wait3A_2024 = tpu.memref_slice %arg6[%dma_wait3A_2021, %dma_wait3A_2022, %dma_wait3A_2023] : memref<2x32x1024xf32, #tpu.memory_space<vmem>> -> memref<1x32x1024xf32, #tpu.memory_space<vmem>>
    %dma_wait3A_2025 = tpu.memref_squeeze %dma_wait3A_2024 : memref<1x32x1024xf32, #tpu.memory_space<vmem>> -> memref<32x1024xf32, #tpu.memory_space<vmem>>
    %dma_wait3A_2026 = arith.constant 0 : i32
    %dma_wait3A_2027 = tpu.memref_slice %arg4[%add3A_1955, %dma_wait3A_2026] : memref<32768x1024xf32, #tpu.memory_space<hbm>> -> memref<32x1024xf32, #tpu.memory_space<hbm>>
    %dma_wait3A_2028 = arith.constant 0 : i32
    %dma_wait3A_2029 = tpu.memref_slice %arg4[%add3A_1955, %dma_wait3A_2028] : memref<32768x1024xf32, #tpu.memory_space<hbm>> -> memref<32x1024xf32, #tpu.memory_space<hbm>>
    %dma_wait3A_2030 = arith.constant 0 : i32
    %dma_wait3A_2031 = arith.constant 0 : i32
    %dma_wait3A_2032 = tpu.memref_slice %arg6[%dma_wait3A_2021, %dma_wait3A_2030, %dma_wait3A_2031] : memref<2x32x1024xf32, #tpu.memory_space<vmem>> -> memref<1x32x1024xf32, #tpu.memory_space<vmem>>
    %dma_wait3A_2033 = tpu.memref_squeeze %dma_wait3A_2032 : memref<1x32x1024xf32, #tpu.memory_space<vmem>> -> memref<32x1024xf32, #tpu.memory_space<vmem>>
    tpu.wait_dma2 semaphore(%arg10 : memref<!tpu.dma_semaphore, #tpu.memory_space<semaphore_mem>>) src(%dma_wait3A_2033 : memref<32x1024xf32, #tpu.memory_space<vmem>>) dst(%dma_wait3A_2029 : memref<32x1024xf32, #tpu.memory_space<hbm>>)
    %dma_start3A_2034 = arith.constant 23 : i32
    %dma_start3A_2035 = arith.constant 1 : i32
    %dma_start3A_2036 = arith.constant 0 : i32
    %dma_start3A_2037 = arith.constant 0 : i32
    %dma_start3A_2038 = tpu.memref_slice %arg6[%dma_start3A_2035, %dma_start3A_2036, %dma_start3A_2037] : memref<2x32x1024xf32, #tpu.memory_space<vmem>> -> memref<1x32x1024xf32, #tpu.memory_space<vmem>>
    %dma_start3A_2039 = tpu.memref_squeeze %dma_start3A_2038 : memref<1x32x1024xf32, #tpu.memory_space<vmem>> -> memref<32x1024xf32, #tpu.memory_space<vmem>>
    %dma_start3A_2040 = arith.constant 0 : i32
    %dma_start3A_2041 = tpu.memref_slice %arg5[%dma_start3A_2034, %dma_start3A_2040] : memref<32x32xi32, #tpu.memory_space<vmem>> -> memref<1x32xi32, #tpu.memory_space<vmem>>
    %dma_start3A_2042 = tpu.memref_squeeze %dma_start3A_2041 : memref<1x32xi32, #tpu.memory_space<vmem>> -> memref<32xi32, #tpu.memory_space<vmem>>
    %dma_start3A_2043 = arith.constant 0 : i32
    %dma_start3A_2044 = arith.constant 0 : i32
    %dma_start3A_2045 = tpu.memref_slice %arg2[%dma_start3A_2043, %dma_start3A_2044] : memref<32768x1024xf32, #tpu.memory_space<hbm>> -> memref<32768x1024xf32, #tpu.memory_space<hbm>>
    tpu.enqueue_indirect_dma source(%dma_start3A_2045 : memref<32768x1024xf32, #tpu.memory_space<hbm>>) target(%dma_start3A_2039 : memref<32x1024xf32, #tpu.memory_space<vmem>>) offsets(%dma_start3A_2042 : memref<32xi32, #tpu.memory_space<vmem>>) semaphore(%arg8 : memref<!tpu.dma_semaphore, #tpu.memory_space<semaphore_mem>>)
    %dma_wait3A_2046 = arith.constant 23 : i32
    %dma_wait3A_2047 = arith.constant 1 : i32
    %dma_wait3A_2048 = arith.constant 0 : i32
    %dma_wait3A_2049 = arith.constant 0 : i32
    %dma_wait3A_2050 = tpu.memref_slice %arg6[%dma_wait3A_2047, %dma_wait3A_2048, %dma_wait3A_2049] : memref<2x32x1024xf32, #tpu.memory_space<vmem>> -> memref<1x32x1024xf32, #tpu.memory_space<vmem>>
    %dma_wait3A_2051 = tpu.memref_squeeze %dma_wait3A_2050 : memref<1x32x1024xf32, #tpu.memory_space<vmem>> -> memref<32x1024xf32, #tpu.memory_space<vmem>>
    %dma_wait3A_2052 = arith.constant 0 : i32
    %dma_wait3A_2053 = tpu.memref_slice %arg5[%dma_wait3A_2046, %dma_wait3A_2052] : memref<32x32xi32, #tpu.memory_space<vmem>> -> memref<1x32xi32, #tpu.memory_space<vmem>>
    %dma_wait3A_2054 = tpu.memref_squeeze %dma_wait3A_2053 : memref<1x32xi32, #tpu.memory_space<vmem>> -> memref<32xi32, #tpu.memory_space<vmem>>
    %dma_wait3A_2055 = arith.constant 0 : i32
    %dma_wait3A_2056 = arith.constant 0 : i32
    %dma_wait3A_2057 = tpu.memref_slice %arg2[%dma_wait3A_2055, %dma_wait3A_2056] : memref<32768x1024xf32, #tpu.memory_space<hbm>> -> memref<32768x1024xf32, #tpu.memory_space<hbm>>
    tpu.wait_indirect_dma semaphore(%arg8 : memref<!tpu.dma_semaphore, #tpu.memory_space<semaphore_mem>>) src(%dma_wait3A_2057 : memref<32768x1024xf32, #tpu.memory_space<hbm>>) dst(%dma_wait3A_2051 : memref<32x1024xf32, #tpu.memory_space<vmem>>)
    %add3A_2058 = arith.constant 736 : i32
    %add3A_2059 = arith.addi %mul3A_2, %add3A_2058 : i32
    %dma_start3A_2060 = arith.constant 1 : i32
    %dma_start3A_2061 = arith.constant 0 : i32
    %dma_start3A_2062 = arith.constant 0 : i32
    %dma_start3A_2063 = tpu.memref_slice %arg6[%dma_start3A_2060, %dma_start3A_2061, %dma_start3A_2062] : memref<2x32x1024xf32, #tpu.memory_space<vmem>> -> memref<1x32x1024xf32, #tpu.memory_space<vmem>>
    %dma_start3A_2064 = tpu.memref_squeeze %dma_start3A_2063 : memref<1x32x1024xf32, #tpu.memory_space<vmem>> -> memref<32x1024xf32, #tpu.memory_space<vmem>>
    %dma_start3A_2065 = arith.constant 0 : i32
    %dma_start3A_2066 = tpu.memref_slice %arg4[%add3A_2059, %dma_start3A_2065] : memref<32768x1024xf32, #tpu.memory_space<hbm>> -> memref<32x1024xf32, #tpu.memory_space<hbm>>
    %dma_start3A_2067 = arith.constant 0 : i32
    %dma_start3A_2068 = tpu.memref_slice %arg4[%add3A_2059, %dma_start3A_2067] : memref<32768x1024xf32, #tpu.memory_space<hbm>> -> memref<32x1024xf32, #tpu.memory_space<hbm>>
    %dma_start3A_2069 = arith.constant 0 : i32
    %dma_start3A_2070 = arith.constant 0 : i32
    %dma_start3A_2071 = tpu.memref_slice %arg6[%dma_start3A_2060, %dma_start3A_2069, %dma_start3A_2070] : memref<2x32x1024xf32, #tpu.memory_space<vmem>> -> memref<1x32x1024xf32, #tpu.memory_space<vmem>>
    %dma_start3A_2072 = tpu.memref_squeeze %dma_start3A_2071 : memref<1x32x1024xf32, #tpu.memory_space<vmem>> -> memref<32x1024xf32, #tpu.memory_space<vmem>>
    tpu.enqueue_dma source(%dma_start3A_2072 : memref<32x1024xf32, #tpu.memory_space<vmem>>) target(%dma_start3A_2068 : memref<32x1024xf32, #tpu.memory_space<hbm>>) target_semaphore(%arg10 : memref<!tpu.dma_semaphore, #tpu.memory_space<semaphore_mem>>)
    %dma_wait3A_2073 = arith.constant 0 : i32
    %dma_wait3A_2074 = arith.constant 0 : i32
    %dma_wait3A_2075 = arith.constant 0 : i32
    %dma_wait3A_2076 = tpu.memref_slice %arg6[%dma_wait3A_2073, %dma_wait3A_2074, %dma_wait3A_2075] : memref<2x32x1024xf32, #tpu.memory_space<vmem>> -> memref<1x32x1024xf32, #tpu.memory_space<vmem>>
    %dma_wait3A_2077 = tpu.memref_squeeze %dma_wait3A_2076 : memref<1x32x1024xf32, #tpu.memory_space<vmem>> -> memref<32x1024xf32, #tpu.memory_space<vmem>>
    %dma_wait3A_2078 = arith.constant 0 : i32
    %dma_wait3A_2079 = tpu.memref_slice %arg4[%add3A_2007, %dma_wait3A_2078] : memref<32768x1024xf32, #tpu.memory_space<hbm>> -> memref<32x1024xf32, #tpu.memory_space<hbm>>
    %dma_wait3A_2080 = arith.constant 0 : i32
    %dma_wait3A_2081 = tpu.memref_slice %arg4[%add3A_2007, %dma_wait3A_2080] : memref<32768x1024xf32, #tpu.memory_space<hbm>> -> memref<32x1024xf32, #tpu.memory_space<hbm>>
    %dma_wait3A_2082 = arith.constant 0 : i32
    %dma_wait3A_2083 = arith.constant 0 : i32
    %dma_wait3A_2084 = tpu.memref_slice %arg6[%dma_wait3A_2073, %dma_wait3A_2082, %dma_wait3A_2083] : memref<2x32x1024xf32, #tpu.memory_space<vmem>> -> memref<1x32x1024xf32, #tpu.memory_space<vmem>>
    %dma_wait3A_2085 = tpu.memref_squeeze %dma_wait3A_2084 : memref<1x32x1024xf32, #tpu.memory_space<vmem>> -> memref<32x1024xf32, #tpu.memory_space<vmem>>
    tpu.wait_dma2 semaphore(%arg9 : memref<!tpu.dma_semaphore, #tpu.memory_space<semaphore_mem>>) src(%dma_wait3A_2085 : memref<32x1024xf32, #tpu.memory_space<vmem>>) dst(%dma_wait3A_2081 : memref<32x1024xf32, #tpu.memory_space<hbm>>)
    %dma_start3A_2086 = arith.constant 24 : i32
    %dma_start3A_2087 = arith.constant 0 : i32
    %dma_start3A_2088 = arith.constant 0 : i32
    %dma_start3A_2089 = arith.constant 0 : i32
    %dma_start3A_2090 = tpu.memref_slice %arg6[%dma_start3A_2087, %dma_start3A_2088, %dma_start3A_2089] : memref<2x32x1024xf32, #tpu.memory_space<vmem>> -> memref<1x32x1024xf32, #tpu.memory_space<vmem>>
    %dma_start3A_2091 = tpu.memref_squeeze %dma_start3A_2090 : memref<1x32x1024xf32, #tpu.memory_space<vmem>> -> memref<32x1024xf32, #tpu.memory_space<vmem>>
    %dma_start3A_2092 = arith.constant 0 : i32
    %dma_start3A_2093 = tpu.memref_slice %arg5[%dma_start3A_2086, %dma_start3A_2092] : memref<32x32xi32, #tpu.memory_space<vmem>> -> memref<1x32xi32, #tpu.memory_space<vmem>>
    %dma_start3A_2094 = tpu.memref_squeeze %dma_start3A_2093 : memref<1x32xi32, #tpu.memory_space<vmem>> -> memref<32xi32, #tpu.memory_space<vmem>>
    %dma_start3A_2095 = arith.constant 0 : i32
    %dma_start3A_2096 = arith.constant 0 : i32
    %dma_start3A_2097 = tpu.memref_slice %arg2[%dma_start3A_2095, %dma_start3A_2096] : memref<32768x1024xf32, #tpu.memory_space<hbm>> -> memref<32768x1024xf32, #tpu.memory_space<hbm>>
    tpu.enqueue_indirect_dma source(%dma_start3A_2097 : memref<32768x1024xf32, #tpu.memory_space<hbm>>) target(%dma_start3A_2091 : memref<32x1024xf32, #tpu.memory_space<vmem>>) offsets(%dma_start3A_2094 : memref<32xi32, #tpu.memory_space<vmem>>) semaphore(%arg7 : memref<!tpu.dma_semaphore, #tpu.memory_space<semaphore_mem>>)
    %dma_wait3A_2098 = arith.constant 24 : i32
    %dma_wait3A_2099 = arith.constant 0 : i32
    %dma_wait3A_2100 = arith.constant 0 : i32
    %dma_wait3A_2101 = arith.constant 0 : i32
    %dma_wait3A_2102 = tpu.memref_slice %arg6[%dma_wait3A_2099, %dma_wait3A_2100, %dma_wait3A_2101] : memref<2x32x1024xf32, #tpu.memory_space<vmem>> -> memref<1x32x1024xf32, #tpu.memory_space<vmem>>
    %dma_wait3A_2103 = tpu.memref_squeeze %dma_wait3A_2102 : memref<1x32x1024xf32, #tpu.memory_space<vmem>> -> memref<32x1024xf32, #tpu.memory_space<vmem>>
    %dma_wait3A_2104 = arith.constant 0 : i32
    %dma_wait3A_2105 = tpu.memref_slice %arg5[%dma_wait3A_2098, %dma_wait3A_2104] : memref<32x32xi32, #tpu.memory_space<vmem>> -> memref<1x32xi32, #tpu.memory_space<vmem>>
    %dma_wait3A_2106 = tpu.memref_squeeze %dma_wait3A_2105 : memref<1x32xi32, #tpu.memory_space<vmem>> -> memref<32xi32, #tpu.memory_space<vmem>>
    %dma_wait3A_2107 = arith.constant 0 : i32
    %dma_wait3A_2108 = arith.constant 0 : i32
    %dma_wait3A_2109 = tpu.memref_slice %arg2[%dma_wait3A_2107, %dma_wait3A_2108] : memref<32768x1024xf32, #tpu.memory_space<hbm>> -> memref<32768x1024xf32, #tpu.memory_space<hbm>>
    tpu.wait_indirect_dma semaphore(%arg7 : memref<!tpu.dma_semaphore, #tpu.memory_space<semaphore_mem>>) src(%dma_wait3A_2109 : memref<32768x1024xf32, #tpu.memory_space<hbm>>) dst(%dma_wait3A_2103 : memref<32x1024xf32, #tpu.memory_space<vmem>>)
    %add3A_2110 = arith.constant 768 : i32
    %add3A_2111 = arith.addi %mul3A_2, %add3A_2110 : i32
    %dma_start3A_2112 = arith.constant 0 : i32
    %dma_start3A_2113 = arith.constant 0 : i32
    %dma_start3A_2114 = arith.constant 0 : i32
    %dma_start3A_2115 = tpu.memref_slice %arg6[%dma_start3A_2112, %dma_start3A_2113, %dma_start3A_2114] : memref<2x32x1024xf32, #tpu.memory_space<vmem>> -> memref<1x32x1024xf32, #tpu.memory_space<vmem>>
    %dma_start3A_2116 = tpu.memref_squeeze %dma_start3A_2115 : memref<1x32x1024xf32, #tpu.memory_space<vmem>> -> memref<32x1024xf32, #tpu.memory_space<vmem>>
    %dma_start3A_2117 = arith.constant 0 : i32
    %dma_start3A_2118 = tpu.memref_slice %arg4[%add3A_2111, %dma_start3A_2117] : memref<32768x1024xf32, #tpu.memory_space<hbm>> -> memref<32x1024xf32, #tpu.memory_space<hbm>>
    %dma_start3A_2119 = arith.constant 0 : i32
    %dma_start3A_2120 = tpu.memref_slice %arg4[%add3A_2111, %dma_start3A_2119] : memref<32768x1024xf32, #tpu.memory_space<hbm>> -> memref<32x1024xf32, #tpu.memory_space<hbm>>
    %dma_start3A_2121 = arith.constant 0 : i32
    %dma_start3A_2122 = arith.constant 0 : i32
    %dma_start3A_2123 = tpu.memref_slice %arg6[%dma_start3A_2112, %dma_start3A_2121, %dma_start3A_2122] : memref<2x32x1024xf32, #tpu.memory_space<vmem>> -> memref<1x32x1024xf32, #tpu.memory_space<vmem>>
    %dma_start3A_2124 = tpu.memref_squeeze %dma_start3A_2123 : memref<1x32x1024xf32, #tpu.memory_space<vmem>> -> memref<32x1024xf32, #tpu.memory_space<vmem>>
    tpu.enqueue_dma source(%dma_start3A_2124 : memref<32x1024xf32, #tpu.memory_space<vmem>>) target(%dma_start3A_2120 : memref<32x1024xf32, #tpu.memory_space<hbm>>) target_semaphore(%arg9 : memref<!tpu.dma_semaphore, #tpu.memory_space<semaphore_mem>>)
    %dma_wait3A_2125 = arith.constant 1 : i32
    %dma_wait3A_2126 = arith.constant 0 : i32
    %dma_wait3A_2127 = arith.constant 0 : i32
    %dma_wait3A_2128 = tpu.memref_slice %arg6[%dma_wait3A_2125, %dma_wait3A_2126, %dma_wait3A_2127] : memref<2x32x1024xf32, #tpu.memory_space<vmem>> -> memref<1x32x1024xf32, #tpu.memory_space<vmem>>
    %dma_wait3A_2129 = tpu.memref_squeeze %dma_wait3A_2128 : memref<1x32x1024xf32, #tpu.memory_space<vmem>> -> memref<32x1024xf32, #tpu.memory_space<vmem>>
    %dma_wait3A_2130 = arith.constant 0 : i32
    %dma_wait3A_2131 = tpu.memref_slice %arg4[%add3A_2059, %dma_wait3A_2130] : memref<32768x1024xf32, #tpu.memory_space<hbm>> -> memref<32x1024xf32, #tpu.memory_space<hbm>>
    %dma_wait3A_2132 = arith.constant 0 : i32
    %dma_wait3A_2133 = tpu.memref_slice %arg4[%add3A_2059, %dma_wait3A_2132] : memref<32768x1024xf32, #tpu.memory_space<hbm>> -> memref<32x1024xf32, #tpu.memory_space<hbm>>
    %dma_wait3A_2134 = arith.constant 0 : i32
    %dma_wait3A_2135 = arith.constant 0 : i32
    %dma_wait3A_2136 = tpu.memref_slice %arg6[%dma_wait3A_2125, %dma_wait3A_2134, %dma_wait3A_2135] : memref<2x32x1024xf32, #tpu.memory_space<vmem>> -> memref<1x32x1024xf32, #tpu.memory_space<vmem>>
    %dma_wait3A_2137 = tpu.memref_squeeze %dma_wait3A_2136 : memref<1x32x1024xf32, #tpu.memory_space<vmem>> -> memref<32x1024xf32, #tpu.memory_space<vmem>>
    tpu.wait_dma2 semaphore(%arg10 : memref<!tpu.dma_semaphore, #tpu.memory_space<semaphore_mem>>) src(%dma_wait3A_2137 : memref<32x1024xf32, #tpu.memory_space<vmem>>) dst(%dma_wait3A_2133 : memref<32x1024xf32, #tpu.memory_space<hbm>>)
    %dma_start3A_2138 = arith.constant 25 : i32
    %dma_start3A_2139 = arith.constant 1 : i32
    %dma_start3A_2140 = arith.constant 0 : i32
    %dma_start3A_2141 = arith.constant 0 : i32
    %dma_start3A_2142 = tpu.memref_slice %arg6[%dma_start3A_2139, %dma_start3A_2140, %dma_start3A_2141] : memref<2x32x1024xf32, #tpu.memory_space<vmem>> -> memref<1x32x1024xf32, #tpu.memory_space<vmem>>
    %dma_start3A_2143 = tpu.memref_squeeze %dma_start3A_2142 : memref<1x32x1024xf32, #tpu.memory_space<vmem>> -> memref<32x1024xf32, #tpu.memory_space<vmem>>
    %dma_start3A_2144 = arith.constant 0 : i32
    %dma_start3A_2145 = tpu.memref_slice %arg5[%dma_start3A_2138, %dma_start3A_2144] : memref<32x32xi32, #tpu.memory_space<vmem>> -> memref<1x32xi32, #tpu.memory_space<vmem>>
    %dma_start3A_2146 = tpu.memref_squeeze %dma_start3A_2145 : memref<1x32xi32, #tpu.memory_space<vmem>> -> memref<32xi32, #tpu.memory_space<vmem>>
    %dma_start3A_2147 = arith.constant 0 : i32
    %dma_start3A_2148 = arith.constant 0 : i32
    %dma_start3A_2149 = tpu.memref_slice %arg2[%dma_start3A_2147, %dma_start3A_2148] : memref<32768x1024xf32, #tpu.memory_space<hbm>> -> memref<32768x1024xf32, #tpu.memory_space<hbm>>
    tpu.enqueue_indirect_dma source(%dma_start3A_2149 : memref<32768x1024xf32, #tpu.memory_space<hbm>>) target(%dma_start3A_2143 : memref<32x1024xf32, #tpu.memory_space<vmem>>) offsets(%dma_start3A_2146 : memref<32xi32, #tpu.memory_space<vmem>>) semaphore(%arg8 : memref<!tpu.dma_semaphore, #tpu.memory_space<semaphore_mem>>)
    %dma_wait3A_2150 = arith.constant 25 : i32
    %dma_wait3A_2151 = arith.constant 1 : i32
    %dma_wait3A_2152 = arith.constant 0 : i32
    %dma_wait3A_2153 = arith.constant 0 : i32
    %dma_wait3A_2154 = tpu.memref_slice %arg6[%dma_wait3A_2151, %dma_wait3A_2152, %dma_wait3A_2153] : memref<2x32x1024xf32, #tpu.memory_space<vmem>> -> memref<1x32x1024xf32, #tpu.memory_space<vmem>>
    %dma_wait3A_2155 = tpu.memref_squeeze %dma_wait3A_2154 : memref<1x32x1024xf32, #tpu.memory_space<vmem>> -> memref<32x1024xf32, #tpu.memory_space<vmem>>
    %dma_wait3A_2156 = arith.constant 0 : i32
    %dma_wait3A_2157 = tpu.memref_slice %arg5[%dma_wait3A_2150, %dma_wait3A_2156] : memref<32x32xi32, #tpu.memory_space<vmem>> -> memref<1x32xi32, #tpu.memory_space<vmem>>
    %dma_wait3A_2158 = tpu.memref_squeeze %dma_wait3A_2157 : memref<1x32xi32, #tpu.memory_space<vmem>> -> memref<32xi32, #tpu.memory_space<vmem>>
    %dma_wait3A_2159 = arith.constant 0 : i32
    %dma_wait3A_2160 = arith.constant 0 : i32
    %dma_wait3A_2161 = tpu.memref_slice %arg2[%dma_wait3A_2159, %dma_wait3A_2160] : memref<32768x1024xf32, #tpu.memory_space<hbm>> -> memref<32768x1024xf32, #tpu.memory_space<hbm>>
    tpu.wait_indirect_dma semaphore(%arg8 : memref<!tpu.dma_semaphore, #tpu.memory_space<semaphore_mem>>) src(%dma_wait3A_2161 : memref<32768x1024xf32, #tpu.memory_space<hbm>>) dst(%dma_wait3A_2155 : memref<32x1024xf32, #tpu.memory_space<vmem>>)
    %add3A_2162 = arith.constant 800 : i32
    %add3A_2163 = arith.addi %mul3A_2, %add3A_2162 : i32
    %dma_start3A_2164 = arith.constant 1 : i32
    %dma_start3A_2165 = arith.constant 0 : i32
    %dma_start3A_2166 = arith.constant 0 : i32
    %dma_start3A_2167 = tpu.memref_slice %arg6[%dma_start3A_2164, %dma_start3A_2165, %dma_start3A_2166] : memref<2x32x1024xf32, #tpu.memory_space<vmem>> -> memref<1x32x1024xf32, #tpu.memory_space<vmem>>
    %dma_start3A_2168 = tpu.memref_squeeze %dma_start3A_2167 : memref<1x32x1024xf32, #tpu.memory_space<vmem>> -> memref<32x1024xf32, #tpu.memory_space<vmem>>
    %dma_start3A_2169 = arith.constant 0 : i32
    %dma_start3A_2170 = tpu.memref_slice %arg4[%add3A_2163, %dma_start3A_2169] : memref<32768x1024xf32, #tpu.memory_space<hbm>> -> memref<32x1024xf32, #tpu.memory_space<hbm>>
    %dma_start3A_2171 = arith.constant 0 : i32
    %dma_start3A_2172 = tpu.memref_slice %arg4[%add3A_2163, %dma_start3A_2171] : memref<32768x1024xf32, #tpu.memory_space<hbm>> -> memref<32x1024xf32, #tpu.memory_space<hbm>>
    %dma_start3A_2173 = arith.constant 0 : i32
    %dma_start3A_2174 = arith.constant 0 : i32
    %dma_start3A_2175 = tpu.memref_slice %arg6[%dma_start3A_2164, %dma_start3A_2173, %dma_start3A_2174] : memref<2x32x1024xf32, #tpu.memory_space<vmem>> -> memref<1x32x1024xf32, #tpu.memory_space<vmem>>
    %dma_start3A_2176 = tpu.memref_squeeze %dma_start3A_2175 : memref<1x32x1024xf32, #tpu.memory_space<vmem>> -> memref<32x1024xf32, #tpu.memory_space<vmem>>
    tpu.enqueue_dma source(%dma_start3A_2176 : memref<32x1024xf32, #tpu.memory_space<vmem>>) target(%dma_start3A_2172 : memref<32x1024xf32, #tpu.memory_space<hbm>>) target_semaphore(%arg10 : memref<!tpu.dma_semaphore, #tpu.memory_space<semaphore_mem>>)
    %dma_wait3A_2177 = arith.constant 0 : i32
    %dma_wait3A_2178 = arith.constant 0 : i32
    %dma_wait3A_2179 = arith.constant 0 : i32
    %dma_wait3A_2180 = tpu.memref_slice %arg6[%dma_wait3A_2177, %dma_wait3A_2178, %dma_wait3A_2179] : memref<2x32x1024xf32, #tpu.memory_space<vmem>> -> memref<1x32x1024xf32, #tpu.memory_space<vmem>>
    %dma_wait3A_2181 = tpu.memref_squeeze %dma_wait3A_2180 : memref<1x32x1024xf32, #tpu.memory_space<vmem>> -> memref<32x1024xf32, #tpu.memory_space<vmem>>
    %dma_wait3A_2182 = arith.constant 0 : i32
    %dma_wait3A_2183 = tpu.memref_slice %arg4[%add3A_2111, %dma_wait3A_2182] : memref<32768x1024xf32, #tpu.memory_space<hbm>> -> memref<32x1024xf32, #tpu.memory_space<hbm>>
    %dma_wait3A_2184 = arith.constant 0 : i32
    %dma_wait3A_2185 = tpu.memref_slice %arg4[%add3A_2111, %dma_wait3A_2184] : memref<32768x1024xf32, #tpu.memory_space<hbm>> -> memref<32x1024xf32, #tpu.memory_space<hbm>>
    %dma_wait3A_2186 = arith.constant 0 : i32
    %dma_wait3A_2187 = arith.constant 0 : i32
    %dma_wait3A_2188 = tpu.memref_slice %arg6[%dma_wait3A_2177, %dma_wait3A_2186, %dma_wait3A_2187] : memref<2x32x1024xf32, #tpu.memory_space<vmem>> -> memref<1x32x1024xf32, #tpu.memory_space<vmem>>
    %dma_wait3A_2189 = tpu.memref_squeeze %dma_wait3A_2188 : memref<1x32x1024xf32, #tpu.memory_space<vmem>> -> memref<32x1024xf32, #tpu.memory_space<vmem>>
    tpu.wait_dma2 semaphore(%arg9 : memref<!tpu.dma_semaphore, #tpu.memory_space<semaphore_mem>>) src(%dma_wait3A_2189 : memref<32x1024xf32, #tpu.memory_space<vmem>>) dst(%dma_wait3A_2185 : memref<32x1024xf32, #tpu.memory_space<hbm>>)
    %dma_start3A_2190 = arith.constant 26 : i32
    %dma_start3A_2191 = arith.constant 0 : i32
    %dma_start3A_2192 = arith.constant 0 : i32
    %dma_start3A_2193 = arith.constant 0 : i32
    %dma_start3A_2194 = tpu.memref_slice %arg6[%dma_start3A_2191, %dma_start3A_2192, %dma_start3A_2193] : memref<2x32x1024xf32, #tpu.memory_space<vmem>> -> memref<1x32x1024xf32, #tpu.memory_space<vmem>>
    %dma_start3A_2195 = tpu.memref_squeeze %dma_start3A_2194 : memref<1x32x1024xf32, #tpu.memory_space<vmem>> -> memref<32x1024xf32, #tpu.memory_space<vmem>>
    %dma_start3A_2196 = arith.constant 0 : i32
    %dma_start3A_2197 = tpu.memref_slice %arg5[%dma_start3A_2190, %dma_start3A_2196] : memref<32x32xi32, #tpu.memory_space<vmem>> -> memref<1x32xi32, #tpu.memory_space<vmem>>
    %dma_start3A_2198 = tpu.memref_squeeze %dma_start3A_2197 : memref<1x32xi32, #tpu.memory_space<vmem>> -> memref<32xi32, #tpu.memory_space<vmem>>
    %dma_start3A_2199 = arith.constant 0 : i32
    %dma_start3A_2200 = arith.constant 0 : i32
    %dma_start3A_2201 = tpu.memref_slice %arg2[%dma_start3A_2199, %dma_start3A_2200] : memref<32768x1024xf32, #tpu.memory_space<hbm>> -> memref<32768x1024xf32, #tpu.memory_space<hbm>>
    tpu.enqueue_indirect_dma source(%dma_start3A_2201 : memref<32768x1024xf32, #tpu.memory_space<hbm>>) target(%dma_start3A_2195 : memref<32x1024xf32, #tpu.memory_space<vmem>>) offsets(%dma_start3A_2198 : memref<32xi32, #tpu.memory_space<vmem>>) semaphore(%arg7 : memref<!tpu.dma_semaphore, #tpu.memory_space<semaphore_mem>>)
    %dma_wait3A_2202 = arith.constant 26 : i32
    %dma_wait3A_2203 = arith.constant 0 : i32
    %dma_wait3A_2204 = arith.constant 0 : i32
    %dma_wait3A_2205 = arith.constant 0 : i32
    %dma_wait3A_2206 = tpu.memref_slice %arg6[%dma_wait3A_2203, %dma_wait3A_2204, %dma_wait3A_2205] : memref<2x32x1024xf32, #tpu.memory_space<vmem>> -> memref<1x32x1024xf32, #tpu.memory_space<vmem>>
    %dma_wait3A_2207 = tpu.memref_squeeze %dma_wait3A_2206 : memref<1x32x1024xf32, #tpu.memory_space<vmem>> -> memref<32x1024xf32, #tpu.memory_space<vmem>>
    %dma_wait3A_2208 = arith.constant 0 : i32
    %dma_wait3A_2209 = tpu.memref_slice %arg5[%dma_wait3A_2202, %dma_wait3A_2208] : memref<32x32xi32, #tpu.memory_space<vmem>> -> memref<1x32xi32, #tpu.memory_space<vmem>>
    %dma_wait3A_2210 = tpu.memref_squeeze %dma_wait3A_2209 : memref<1x32xi32, #tpu.memory_space<vmem>> -> memref<32xi32, #tpu.memory_space<vmem>>
    %dma_wait3A_2211 = arith.constant 0 : i32
    %dma_wait3A_2212 = arith.constant 0 : i32
    %dma_wait3A_2213 = tpu.memref_slice %arg2[%dma_wait3A_2211, %dma_wait3A_2212] : memref<32768x1024xf32, #tpu.memory_space<hbm>> -> memref<32768x1024xf32, #tpu.memory_space<hbm>>
    tpu.wait_indirect_dma semaphore(%arg7 : memref<!tpu.dma_semaphore, #tpu.memory_space<semaphore_mem>>) src(%dma_wait3A_2213 : memref<32768x1024xf32, #tpu.memory_space<hbm>>) dst(%dma_wait3A_2207 : memref<32x1024xf32, #tpu.memory_space<vmem>>)
    %add3A_2214 = arith.constant 832 : i32
    %add3A_2215 = arith.addi %mul3A_2, %add3A_2214 : i32
    %dma_start3A_2216 = arith.constant 0 : i32
    %dma_start3A_2217 = arith.constant 0 : i32
    %dma_start3A_2218 = arith.constant 0 : i32
    %dma_start3A_2219 = tpu.memref_slice %arg6[%dma_start3A_2216, %dma_start3A_2217, %dma_start3A_2218] : memref<2x32x1024xf32, #tpu.memory_space<vmem>> -> memref<1x32x1024xf32, #tpu.memory_space<vmem>>
    %dma_start3A_2220 = tpu.memref_squeeze %dma_start3A_2219 : memref<1x32x1024xf32, #tpu.memory_space<vmem>> -> memref<32x1024xf32, #tpu.memory_space<vmem>>
    %dma_start3A_2221 = arith.constant 0 : i32
    %dma_start3A_2222 = tpu.memref_slice %arg4[%add3A_2215, %dma_start3A_2221] : memref<32768x1024xf32, #tpu.memory_space<hbm>> -> memref<32x1024xf32, #tpu.memory_space<hbm>>
    %dma_start3A_2223 = arith.constant 0 : i32
    %dma_start3A_2224 = tpu.memref_slice %arg4[%add3A_2215, %dma_start3A_2223] : memref<32768x1024xf32, #tpu.memory_space<hbm>> -> memref<32x1024xf32, #tpu.memory_space<hbm>>
    %dma_start3A_2225 = arith.constant 0 : i32
    %dma_start3A_2226 = arith.constant 0 : i32
    %dma_start3A_2227 = tpu.memref_slice %arg6[%dma_start3A_2216, %dma_start3A_2225, %dma_start3A_2226] : memref<2x32x1024xf32, #tpu.memory_space<vmem>> -> memref<1x32x1024xf32, #tpu.memory_space<vmem>>
    %dma_start3A_2228 = tpu.memref_squeeze %dma_start3A_2227 : memref<1x32x1024xf32, #tpu.memory_space<vmem>> -> memref<32x1024xf32, #tpu.memory_space<vmem>>
    tpu.enqueue_dma source(%dma_start3A_2228 : memref<32x1024xf32, #tpu.memory_space<vmem>>) target(%dma_start3A_2224 : memref<32x1024xf32, #tpu.memory_space<hbm>>) target_semaphore(%arg9 : memref<!tpu.dma_semaphore, #tpu.memory_space<semaphore_mem>>)
    %dma_wait3A_2229 = arith.constant 1 : i32
    %dma_wait3A_2230 = arith.constant 0 : i32
    %dma_wait3A_2231 = arith.constant 0 : i32
    %dma_wait3A_2232 = tpu.memref_slice %arg6[%dma_wait3A_2229, %dma_wait3A_2230, %dma_wait3A_2231] : memref<2x32x1024xf32, #tpu.memory_space<vmem>> -> memref<1x32x1024xf32, #tpu.memory_space<vmem>>
    %dma_wait3A_2233 = tpu.memref_squeeze %dma_wait3A_2232 : memref<1x32x1024xf32, #tpu.memory_space<vmem>> -> memref<32x1024xf32, #tpu.memory_space<vmem>>
    %dma_wait3A_2234 = arith.constant 0 : i32
    %dma_wait3A_2235 = tpu.memref_slice %arg4[%add3A_2163, %dma_wait3A_2234] : memref<32768x1024xf32, #tpu.memory_space<hbm>> -> memref<32x1024xf32, #tpu.memory_space<hbm>>
    %dma_wait3A_2236 = arith.constant 0 : i32
    %dma_wait3A_2237 = tpu.memref_slice %arg4[%add3A_2163, %dma_wait3A_2236] : memref<32768x1024xf32, #tpu.memory_space<hbm>> -> memref<32x1024xf32, #tpu.memory_space<hbm>>
    %dma_wait3A_2238 = arith.constant 0 : i32
    %dma_wait3A_2239 = arith.constant 0 : i32
    %dma_wait3A_2240 = tpu.memref_slice %arg6[%dma_wait3A_2229, %dma_wait3A_2238, %dma_wait3A_2239] : memref<2x32x1024xf32, #tpu.memory_space<vmem>> -> memref<1x32x1024xf32, #tpu.memory_space<vmem>>
    %dma_wait3A_2241 = tpu.memref_squeeze %dma_wait3A_2240 : memref<1x32x1024xf32, #tpu.memory_space<vmem>> -> memref<32x1024xf32, #tpu.memory_space<vmem>>
    tpu.wait_dma2 semaphore(%arg10 : memref<!tpu.dma_semaphore, #tpu.memory_space<semaphore_mem>>) src(%dma_wait3A_2241 : memref<32x1024xf32, #tpu.memory_space<vmem>>) dst(%dma_wait3A_2237 : memref<32x1024xf32, #tpu.memory_space<hbm>>)
    %dma_start3A_2242 = arith.constant 27 : i32
    %dma_start3A_2243 = arith.constant 1 : i32
    %dma_start3A_2244 = arith.constant 0 : i32
    %dma_start3A_2245 = arith.constant 0 : i32
    %dma_start3A_2246 = tpu.memref_slice %arg6[%dma_start3A_2243, %dma_start3A_2244, %dma_start3A_2245] : memref<2x32x1024xf32, #tpu.memory_space<vmem>> -> memref<1x32x1024xf32, #tpu.memory_space<vmem>>
    %dma_start3A_2247 = tpu.memref_squeeze %dma_start3A_2246 : memref<1x32x1024xf32, #tpu.memory_space<vmem>> -> memref<32x1024xf32, #tpu.memory_space<vmem>>
    %dma_start3A_2248 = arith.constant 0 : i32
    %dma_start3A_2249 = tpu.memref_slice %arg5[%dma_start3A_2242, %dma_start3A_2248] : memref<32x32xi32, #tpu.memory_space<vmem>> -> memref<1x32xi32, #tpu.memory_space<vmem>>
    %dma_start3A_2250 = tpu.memref_squeeze %dma_start3A_2249 : memref<1x32xi32, #tpu.memory_space<vmem>> -> memref<32xi32, #tpu.memory_space<vmem>>
    %dma_start3A_2251 = arith.constant 0 : i32
    %dma_start3A_2252 = arith.constant 0 : i32
    %dma_start3A_2253 = tpu.memref_slice %arg2[%dma_start3A_2251, %dma_start3A_2252] : memref<32768x1024xf32, #tpu.memory_space<hbm>> -> memref<32768x1024xf32, #tpu.memory_space<hbm>>
    tpu.enqueue_indirect_dma source(%dma_start3A_2253 : memref<32768x1024xf32, #tpu.memory_space<hbm>>) target(%dma_start3A_2247 : memref<32x1024xf32, #tpu.memory_space<vmem>>) offsets(%dma_start3A_2250 : memref<32xi32, #tpu.memory_space<vmem>>) semaphore(%arg8 : memref<!tpu.dma_semaphore, #tpu.memory_space<semaphore_mem>>)
    %dma_wait3A_2254 = arith.constant 27 : i32
    %dma_wait3A_2255 = arith.constant 1 : i32
    %dma_wait3A_2256 = arith.constant 0 : i32
    %dma_wait3A_2257 = arith.constant 0 : i32
    %dma_wait3A_2258 = tpu.memref_slice %arg6[%dma_wait3A_2255, %dma_wait3A_2256, %dma_wait3A_2257] : memref<2x32x1024xf32, #tpu.memory_space<vmem>> -> memref<1x32x1024xf32, #tpu.memory_space<vmem>>
    %dma_wait3A_2259 = tpu.memref_squeeze %dma_wait3A_2258 : memref<1x32x1024xf32, #tpu.memory_space<vmem>> -> memref<32x1024xf32, #tpu.memory_space<vmem>>
    %dma_wait3A_2260 = arith.constant 0 : i32
    %dma_wait3A_2261 = tpu.memref_slice %arg5[%dma_wait3A_2254, %dma_wait3A_2260] : memref<32x32xi32, #tpu.memory_space<vmem>> -> memref<1x32xi32, #tpu.memory_space<vmem>>
    %dma_wait3A_2262 = tpu.memref_squeeze %dma_wait3A_2261 : memref<1x32xi32, #tpu.memory_space<vmem>> -> memref<32xi32, #tpu.memory_space<vmem>>
    %dma_wait3A_2263 = arith.constant 0 : i32
    %dma_wait3A_2264 = arith.constant 0 : i32
    %dma_wait3A_2265 = tpu.memref_slice %arg2[%dma_wait3A_2263, %dma_wait3A_2264] : memref<32768x1024xf32, #tpu.memory_space<hbm>> -> memref<32768x1024xf32, #tpu.memory_space<hbm>>
    tpu.wait_indirect_dma semaphore(%arg8 : memref<!tpu.dma_semaphore, #tpu.memory_space<semaphore_mem>>) src(%dma_wait3A_2265 : memref<32768x1024xf32, #tpu.memory_space<hbm>>) dst(%dma_wait3A_2259 : memref<32x1024xf32, #tpu.memory_space<vmem>>)
    %add3A_2266 = arith.constant 864 : i32
    %add3A_2267 = arith.addi %mul3A_2, %add3A_2266 : i32
    %dma_start3A_2268 = arith.constant 1 : i32
    %dma_start3A_2269 = arith.constant 0 : i32
    %dma_start3A_2270 = arith.constant 0 : i32
    %dma_start3A_2271 = tpu.memref_slice %arg6[%dma_start3A_2268, %dma_start3A_2269, %dma_start3A_2270] : memref<2x32x1024xf32, #tpu.memory_space<vmem>> -> memref<1x32x1024xf32, #tpu.memory_space<vmem>>
    %dma_start3A_2272 = tpu.memref_squeeze %dma_start3A_2271 : memref<1x32x1024xf32, #tpu.memory_space<vmem>> -> memref<32x1024xf32, #tpu.memory_space<vmem>>
    %dma_start3A_2273 = arith.constant 0 : i32
    %dma_start3A_2274 = tpu.memref_slice %arg4[%add3A_2267, %dma_start3A_2273] : memref<32768x1024xf32, #tpu.memory_space<hbm>> -> memref<32x1024xf32, #tpu.memory_space<hbm>>
    %dma_start3A_2275 = arith.constant 0 : i32
    %dma_start3A_2276 = tpu.memref_slice %arg4[%add3A_2267, %dma_start3A_2275] : memref<32768x1024xf32, #tpu.memory_space<hbm>> -> memref<32x1024xf32, #tpu.memory_space<hbm>>
    %dma_start3A_2277 = arith.constant 0 : i32
    %dma_start3A_2278 = arith.constant 0 : i32
    %dma_start3A_2279 = tpu.memref_slice %arg6[%dma_start3A_2268, %dma_start3A_2277, %dma_start3A_2278] : memref<2x32x1024xf32, #tpu.memory_space<vmem>> -> memref<1x32x1024xf32, #tpu.memory_space<vmem>>
    %dma_start3A_2280 = tpu.memref_squeeze %dma_start3A_2279 : memref<1x32x1024xf32, #tpu.memory_space<vmem>> -> memref<32x1024xf32, #tpu.memory_space<vmem>>
    tpu.enqueue_dma source(%dma_start3A_2280 : memref<32x1024xf32, #tpu.memory_space<vmem>>) target(%dma_start3A_2276 : memref<32x1024xf32, #tpu.memory_space<hbm>>) target_semaphore(%arg10 : memref<!tpu.dma_semaphore, #tpu.memory_space<semaphore_mem>>)
    %dma_wait3A_2281 = arith.constant 0 : i32
    %dma_wait3A_2282 = arith.constant 0 : i32
    %dma_wait3A_2283 = arith.constant 0 : i32
    %dma_wait3A_2284 = tpu.memref_slice %arg6[%dma_wait3A_2281, %dma_wait3A_2282, %dma_wait3A_2283] : memref<2x32x1024xf32, #tpu.memory_space<vmem>> -> memref<1x32x1024xf32, #tpu.memory_space<vmem>>
    %dma_wait3A_2285 = tpu.memref_squeeze %dma_wait3A_2284 : memref<1x32x1024xf32, #tpu.memory_space<vmem>> -> memref<32x1024xf32, #tpu.memory_space<vmem>>
    %dma_wait3A_2286 = arith.constant 0 : i32
    %dma_wait3A_2287 = tpu.memref_slice %arg4[%add3A_2215, %dma_wait3A_2286] : memref<32768x1024xf32, #tpu.memory_space<hbm>> -> memref<32x1024xf32, #tpu.memory_space<hbm>>
    %dma_wait3A_2288 = arith.constant 0 : i32
    %dma_wait3A_2289 = tpu.memref_slice %arg4[%add3A_2215, %dma_wait3A_2288] : memref<32768x1024xf32, #tpu.memory_space<hbm>> -> memref<32x1024xf32, #tpu.memory_space<hbm>>
    %dma_wait3A_2290 = arith.constant 0 : i32
    %dma_wait3A_2291 = arith.constant 0 : i32
    %dma_wait3A_2292 = tpu.memref_slice %arg6[%dma_wait3A_2281, %dma_wait3A_2290, %dma_wait3A_2291] : memref<2x32x1024xf32, #tpu.memory_space<vmem>> -> memref<1x32x1024xf32, #tpu.memory_space<vmem>>
    %dma_wait3A_2293 = tpu.memref_squeeze %dma_wait3A_2292 : memref<1x32x1024xf32, #tpu.memory_space<vmem>> -> memref<32x1024xf32, #tpu.memory_space<vmem>>
    tpu.wait_dma2 semaphore(%arg9 : memref<!tpu.dma_semaphore, #tpu.memory_space<semaphore_mem>>) src(%dma_wait3A_2293 : memref<32x1024xf32, #tpu.memory_space<vmem>>) dst(%dma_wait3A_2289 : memref<32x1024xf32, #tpu.memory_space<hbm>>)
    %dma_start3A_2294 = arith.constant 28 : i32
    %dma_start3A_2295 = arith.constant 0 : i32
    %dma_start3A_2296 = arith.constant 0 : i32
    %dma_start3A_2297 = arith.constant 0 : i32
    %dma_start3A_2298 = tpu.memref_slice %arg6[%dma_start3A_2295, %dma_start3A_2296, %dma_start3A_2297] : memref<2x32x1024xf32, #tpu.memory_space<vmem>> -> memref<1x32x1024xf32, #tpu.memory_space<vmem>>
    %dma_start3A_2299 = tpu.memref_squeeze %dma_start3A_2298 : memref<1x32x1024xf32, #tpu.memory_space<vmem>> -> memref<32x1024xf32, #tpu.memory_space<vmem>>
    %dma_start3A_2300 = arith.constant 0 : i32
    %dma_start3A_2301 = tpu.memref_slice %arg5[%dma_start3A_2294, %dma_start3A_2300] : memref<32x32xi32, #tpu.memory_space<vmem>> -> memref<1x32xi32, #tpu.memory_space<vmem>>
    %dma_start3A_2302 = tpu.memref_squeeze %dma_start3A_2301 : memref<1x32xi32, #tpu.memory_space<vmem>> -> memref<32xi32, #tpu.memory_space<vmem>>
    %dma_start3A_2303 = arith.constant 0 : i32
    %dma_start3A_2304 = arith.constant 0 : i32
    %dma_start3A_2305 = tpu.memref_slice %arg2[%dma_start3A_2303, %dma_start3A_2304] : memref<32768x1024xf32, #tpu.memory_space<hbm>> -> memref<32768x1024xf32, #tpu.memory_space<hbm>>
    tpu.enqueue_indirect_dma source(%dma_start3A_2305 : memref<32768x1024xf32, #tpu.memory_space<hbm>>) target(%dma_start3A_2299 : memref<32x1024xf32, #tpu.memory_space<vmem>>) offsets(%dma_start3A_2302 : memref<32xi32, #tpu.memory_space<vmem>>) semaphore(%arg7 : memref<!tpu.dma_semaphore, #tpu.memory_space<semaphore_mem>>)
    %dma_wait3A_2306 = arith.constant 28 : i32
    %dma_wait3A_2307 = arith.constant 0 : i32
    %dma_wait3A_2308 = arith.constant 0 : i32
    %dma_wait3A_2309 = arith.constant 0 : i32
    %dma_wait3A_2310 = tpu.memref_slice %arg6[%dma_wait3A_2307, %dma_wait3A_2308, %dma_wait3A_2309] : memref<2x32x1024xf32, #tpu.memory_space<vmem>> -> memref<1x32x1024xf32, #tpu.memory_space<vmem>>
    %dma_wait3A_2311 = tpu.memref_squeeze %dma_wait3A_2310 : memref<1x32x1024xf32, #tpu.memory_space<vmem>> -> memref<32x1024xf32, #tpu.memory_space<vmem>>
    %dma_wait3A_2312 = arith.constant 0 : i32
    %dma_wait3A_2313 = tpu.memref_slice %arg5[%dma_wait3A_2306, %dma_wait3A_2312] : memref<32x32xi32, #tpu.memory_space<vmem>> -> memref<1x32xi32, #tpu.memory_space<vmem>>
    %dma_wait3A_2314 = tpu.memref_squeeze %dma_wait3A_2313 : memref<1x32xi32, #tpu.memory_space<vmem>> -> memref<32xi32, #tpu.memory_space<vmem>>
    %dma_wait3A_2315 = arith.constant 0 : i32
    %dma_wait3A_2316 = arith.constant 0 : i32
    %dma_wait3A_2317 = tpu.memref_slice %arg2[%dma_wait3A_2315, %dma_wait3A_2316] : memref<32768x1024xf32, #tpu.memory_space<hbm>> -> memref<32768x1024xf32, #tpu.memory_space<hbm>>
    tpu.wait_indirect_dma semaphore(%arg7 : memref<!tpu.dma_semaphore, #tpu.memory_space<semaphore_mem>>) src(%dma_wait3A_2317 : memref<32768x1024xf32, #tpu.memory_space<hbm>>) dst(%dma_wait3A_2311 : memref<32x1024xf32, #tpu.memory_space<vmem>>)
    %add3A_2318 = arith.constant 896 : i32
    %add3A_2319 = arith.addi %mul3A_2, %add3A_2318 : i32
    %dma_start3A_2320 = arith.constant 0 : i32
    %dma_start3A_2321 = arith.constant 0 : i32
    %dma_start3A_2322 = arith.constant 0 : i32
    %dma_start3A_2323 = tpu.memref_slice %arg6[%dma_start3A_2320, %dma_start3A_2321, %dma_start3A_2322] : memref<2x32x1024xf32, #tpu.memory_space<vmem>> -> memref<1x32x1024xf32, #tpu.memory_space<vmem>>
    %dma_start3A_2324 = tpu.memref_squeeze %dma_start3A_2323 : memref<1x32x1024xf32, #tpu.memory_space<vmem>> -> memref<32x1024xf32, #tpu.memory_space<vmem>>
    %dma_start3A_2325 = arith.constant 0 : i32
    %dma_start3A_2326 = tpu.memref_slice %arg4[%add3A_2319, %dma_start3A_2325] : memref<32768x1024xf32, #tpu.memory_space<hbm>> -> memref<32x1024xf32, #tpu.memory_space<hbm>>
    %dma_start3A_2327 = arith.constant 0 : i32
    %dma_start3A_2328 = tpu.memref_slice %arg4[%add3A_2319, %dma_start3A_2327] : memref<32768x1024xf32, #tpu.memory_space<hbm>> -> memref<32x1024xf32, #tpu.memory_space<hbm>>
    %dma_start3A_2329 = arith.constant 0 : i32
    %dma_start3A_2330 = arith.constant 0 : i32
    %dma_start3A_2331 = tpu.memref_slice %arg6[%dma_start3A_2320, %dma_start3A_2329, %dma_start3A_2330] : memref<2x32x1024xf32, #tpu.memory_space<vmem>> -> memref<1x32x1024xf32, #tpu.memory_space<vmem>>
    %dma_start3A_2332 = tpu.memref_squeeze %dma_start3A_2331 : memref<1x32x1024xf32, #tpu.memory_space<vmem>> -> memref<32x1024xf32, #tpu.memory_space<vmem>>
    tpu.enqueue_dma source(%dma_start3A_2332 : memref<32x1024xf32, #tpu.memory_space<vmem>>) target(%dma_start3A_2328 : memref<32x1024xf32, #tpu.memory_space<hbm>>) target_semaphore(%arg9 : memref<!tpu.dma_semaphore, #tpu.memory_space<semaphore_mem>>)
    %dma_wait3A_2333 = arith.constant 1 : i32
    %dma_wait3A_2334 = arith.constant 0 : i32
    %dma_wait3A_2335 = arith.constant 0 : i32
    %dma_wait3A_2336 = tpu.memref_slice %arg6[%dma_wait3A_2333, %dma_wait3A_2334, %dma_wait3A_2335] : memref<2x32x1024xf32, #tpu.memory_space<vmem>> -> memref<1x32x1024xf32, #tpu.memory_space<vmem>>
    %dma_wait3A_2337 = tpu.memref_squeeze %dma_wait3A_2336 : memref<1x32x1024xf32, #tpu.memory_space<vmem>> -> memref<32x1024xf32, #tpu.memory_space<vmem>>
    %dma_wait3A_2338 = arith.constant 0 : i32
    %dma_wait3A_2339 = tpu.memref_slice %arg4[%add3A_2267, %dma_wait3A_2338] : memref<32768x1024xf32, #tpu.memory_space<hbm>> -> memref<32x1024xf32, #tpu.memory_space<hbm>>
    %dma_wait3A_2340 = arith.constant 0 : i32
    %dma_wait3A_2341 = tpu.memref_slice %arg4[%add3A_2267, %dma_wait3A_2340] : memref<32768x1024xf32, #tpu.memory_space<hbm>> -> memref<32x1024xf32, #tpu.memory_space<hbm>>
    %dma_wait3A_2342 = arith.constant 0 : i32
    %dma_wait3A_2343 = arith.constant 0 : i32
    %dma_wait3A_2344 = tpu.memref_slice %arg6[%dma_wait3A_2333, %dma_wait3A_2342, %dma_wait3A_2343] : memref<2x32x1024xf32, #tpu.memory_space<vmem>> -> memref<1x32x1024xf32, #tpu.memory_space<vmem>>
    %dma_wait3A_2345 = tpu.memref_squeeze %dma_wait3A_2344 : memref<1x32x1024xf32, #tpu.memory_space<vmem>> -> memref<32x1024xf32, #tpu.memory_space<vmem>>
    tpu.wait_dma2 semaphore(%arg10 : memref<!tpu.dma_semaphore, #tpu.memory_space<semaphore_mem>>) src(%dma_wait3A_2345 : memref<32x1024xf32, #tpu.memory_space<vmem>>) dst(%dma_wait3A_2341 : memref<32x1024xf32, #tpu.memory_space<hbm>>)
    %dma_start3A_2346 = arith.constant 29 : i32
    %dma_start3A_2347 = arith.constant 1 : i32
    %dma_start3A_2348 = arith.constant 0 : i32
    %dma_start3A_2349 = arith.constant 0 : i32
    %dma_start3A_2350 = tpu.memref_slice %arg6[%dma_start3A_2347, %dma_start3A_2348, %dma_start3A_2349] : memref<2x32x1024xf32, #tpu.memory_space<vmem>> -> memref<1x32x1024xf32, #tpu.memory_space<vmem>>
    %dma_start3A_2351 = tpu.memref_squeeze %dma_start3A_2350 : memref<1x32x1024xf32, #tpu.memory_space<vmem>> -> memref<32x1024xf32, #tpu.memory_space<vmem>>
    %dma_start3A_2352 = arith.constant 0 : i32
    %dma_start3A_2353 = tpu.memref_slice %arg5[%dma_start3A_2346, %dma_start3A_2352] : memref<32x32xi32, #tpu.memory_space<vmem>> -> memref<1x32xi32, #tpu.memory_space<vmem>>
    %dma_start3A_2354 = tpu.memref_squeeze %dma_start3A_2353 : memref<1x32xi32, #tpu.memory_space<vmem>> -> memref<32xi32, #tpu.memory_space<vmem>>
    %dma_start3A_2355 = arith.constant 0 : i32
    %dma_start3A_2356 = arith.constant 0 : i32
    %dma_start3A_2357 = tpu.memref_slice %arg2[%dma_start3A_2355, %dma_start3A_2356] : memref<32768x1024xf32, #tpu.memory_space<hbm>> -> memref<32768x1024xf32, #tpu.memory_space<hbm>>
    tpu.enqueue_indirect_dma source(%dma_start3A_2357 : memref<32768x1024xf32, #tpu.memory_space<hbm>>) target(%dma_start3A_2351 : memref<32x1024xf32, #tpu.memory_space<vmem>>) offsets(%dma_start3A_2354 : memref<32xi32, #tpu.memory_space<vmem>>) semaphore(%arg8 : memref<!tpu.dma_semaphore, #tpu.memory_space<semaphore_mem>>)
    %dma_wait3A_2358 = arith.constant 29 : i32
    %dma_wait3A_2359 = arith.constant 1 : i32
    %dma_wait3A_2360 = arith.constant 0 : i32
    %dma_wait3A_2361 = arith.constant 0 : i32
    %dma_wait3A_2362 = tpu.memref_slice %arg6[%dma_wait3A_2359, %dma_wait3A_2360, %dma_wait3A_2361] : memref<2x32x1024xf32, #tpu.memory_space<vmem>> -> memref<1x32x1024xf32, #tpu.memory_space<vmem>>
    %dma_wait3A_2363 = tpu.memref_squeeze %dma_wait3A_2362 : memref<1x32x1024xf32, #tpu.memory_space<vmem>> -> memref<32x1024xf32, #tpu.memory_space<vmem>>
    %dma_wait3A_2364 = arith.constant 0 : i32
    %dma_wait3A_2365 = tpu.memref_slice %arg5[%dma_wait3A_2358, %dma_wait3A_2364] : memref<32x32xi32, #tpu.memory_space<vmem>> -> memref<1x32xi32, #tpu.memory_space<vmem>>
    %dma_wait3A_2366 = tpu.memref_squeeze %dma_wait3A_2365 : memref<1x32xi32, #tpu.memory_space<vmem>> -> memref<32xi32, #tpu.memory_space<vmem>>
    %dma_wait3A_2367 = arith.constant 0 : i32
    %dma_wait3A_2368 = arith.constant 0 : i32
    %dma_wait3A_2369 = tpu.memref_slice %arg2[%dma_wait3A_2367, %dma_wait3A_2368] : memref<32768x1024xf32, #tpu.memory_space<hbm>> -> memref<32768x1024xf32, #tpu.memory_space<hbm>>
    tpu.wait_indirect_dma semaphore(%arg8 : memref<!tpu.dma_semaphore, #tpu.memory_space<semaphore_mem>>) src(%dma_wait3A_2369 : memref<32768x1024xf32, #tpu.memory_space<hbm>>) dst(%dma_wait3A_2363 : memref<32x1024xf32, #tpu.memory_space<vmem>>)
    %add3A_2370 = arith.constant 928 : i32
    %add3A_2371 = arith.addi %mul3A_2, %add3A_2370 : i32
    %dma_start3A_2372 = arith.constant 1 : i32
    %dma_start3A_2373 = arith.constant 0 : i32
    %dma_start3A_2374 = arith.constant 0 : i32
    %dma_start3A_2375 = tpu.memref_slice %arg6[%dma_start3A_2372, %dma_start3A_2373, %dma_start3A_2374] : memref<2x32x1024xf32, #tpu.memory_space<vmem>> -> memref<1x32x1024xf32, #tpu.memory_space<vmem>>
    %dma_start3A_2376 = tpu.memref_squeeze %dma_start3A_2375 : memref<1x32x1024xf32, #tpu.memory_space<vmem>> -> memref<32x1024xf32, #tpu.memory_space<vmem>>
    %dma_start3A_2377 = arith.constant 0 : i32
    %dma_start3A_2378 = tpu.memref_slice %arg4[%add3A_2371, %dma_start3A_2377] : memref<32768x1024xf32, #tpu.memory_space<hbm>> -> memref<32x1024xf32, #tpu.memory_space<hbm>>
    %dma_start3A_2379 = arith.constant 0 : i32
    %dma_start3A_2380 = tpu.memref_slice %arg4[%add3A_2371, %dma_start3A_2379] : memref<32768x1024xf32, #tpu.memory_space<hbm>> -> memref<32x1024xf32, #tpu.memory_space<hbm>>
    %dma_start3A_2381 = arith.constant 0 : i32
    %dma_start3A_2382 = arith.constant 0 : i32
    %dma_start3A_2383 = tpu.memref_slice %arg6[%dma_start3A_2372, %dma_start3A_2381, %dma_start3A_2382] : memref<2x32x1024xf32, #tpu.memory_space<vmem>> -> memref<1x32x1024xf32, #tpu.memory_space<vmem>>
    %dma_start3A_2384 = tpu.memref_squeeze %dma_start3A_2383 : memref<1x32x1024xf32, #tpu.memory_space<vmem>> -> memref<32x1024xf32, #tpu.memory_space<vmem>>
    tpu.enqueue_dma source(%dma_start3A_2384 : memref<32x1024xf32, #tpu.memory_space<vmem>>) target(%dma_start3A_2380 : memref<32x1024xf32, #tpu.memory_space<hbm>>) target_semaphore(%arg10 : memref<!tpu.dma_semaphore, #tpu.memory_space<semaphore_mem>>)
    %dma_wait3A_2385 = arith.constant 0 : i32
    %dma_wait3A_2386 = arith.constant 0 : i32
    %dma_wait3A_2387 = arith.constant 0 : i32
    %dma_wait3A_2388 = tpu.memref_slice %arg6[%dma_wait3A_2385, %dma_wait3A_2386, %dma_wait3A_2387] : memref<2x32x1024xf32, #tpu.memory_space<vmem>> -> memref<1x32x1024xf32, #tpu.memory_space<vmem>>
    %dma_wait3A_2389 = tpu.memref_squeeze %dma_wait3A_2388 : memref<1x32x1024xf32, #tpu.memory_space<vmem>> -> memref<32x1024xf32, #tpu.memory_space<vmem>>
    %dma_wait3A_2390 = arith.constant 0 : i32
    %dma_wait3A_2391 = tpu.memref_slice %arg4[%add3A_2319, %dma_wait3A_2390] : memref<32768x1024xf32, #tpu.memory_space<hbm>> -> memref<32x1024xf32, #tpu.memory_space<hbm>>
    %dma_wait3A_2392 = arith.constant 0 : i32
    %dma_wait3A_2393 = tpu.memref_slice %arg4[%add3A_2319, %dma_wait3A_2392] : memref<32768x1024xf32, #tpu.memory_space<hbm>> -> memref<32x1024xf32, #tpu.memory_space<hbm>>
    %dma_wait3A_2394 = arith.constant 0 : i32
    %dma_wait3A_2395 = arith.constant 0 : i32
    %dma_wait3A_2396 = tpu.memref_slice %arg6[%dma_wait3A_2385, %dma_wait3A_2394, %dma_wait3A_2395] : memref<2x32x1024xf32, #tpu.memory_space<vmem>> -> memref<1x32x1024xf32, #tpu.memory_space<vmem>>
    %dma_wait3A_2397 = tpu.memref_squeeze %dma_wait3A_2396 : memref<1x32x1024xf32, #tpu.memory_space<vmem>> -> memref<32x1024xf32, #tpu.memory_space<vmem>>
    tpu.wait_dma2 semaphore(%arg9 : memref<!tpu.dma_semaphore, #tpu.memory_space<semaphore_mem>>) src(%dma_wait3A_2397 : memref<32x1024xf32, #tpu.memory_space<vmem>>) dst(%dma_wait3A_2393 : memref<32x1024xf32, #tpu.memory_space<hbm>>)
    %dma_start3A_2398 = arith.constant 30 : i32
    %dma_start3A_2399 = arith.constant 0 : i32
    %dma_start3A_2400 = arith.constant 0 : i32
    %dma_start3A_2401 = arith.constant 0 : i32
    %dma_start3A_2402 = tpu.memref_slice %arg6[%dma_start3A_2399, %dma_start3A_2400, %dma_start3A_2401] : memref<2x32x1024xf32, #tpu.memory_space<vmem>> -> memref<1x32x1024xf32, #tpu.memory_space<vmem>>
    %dma_start3A_2403 = tpu.memref_squeeze %dma_start3A_2402 : memref<1x32x1024xf32, #tpu.memory_space<vmem>> -> memref<32x1024xf32, #tpu.memory_space<vmem>>
    %dma_start3A_2404 = arith.constant 0 : i32
    %dma_start3A_2405 = tpu.memref_slice %arg5[%dma_start3A_2398, %dma_start3A_2404] : memref<32x32xi32, #tpu.memory_space<vmem>> -> memref<1x32xi32, #tpu.memory_space<vmem>>
    %dma_start3A_2406 = tpu.memref_squeeze %dma_start3A_2405 : memref<1x32xi32, #tpu.memory_space<vmem>> -> memref<32xi32, #tpu.memory_space<vmem>>
    %dma_start3A_2407 = arith.constant 0 : i32
    %dma_start3A_2408 = arith.constant 0 : i32
    %dma_start3A_2409 = tpu.memref_slice %arg2[%dma_start3A_2407, %dma_start3A_2408] : memref<32768x1024xf32, #tpu.memory_space<hbm>> -> memref<32768x1024xf32, #tpu.memory_space<hbm>>
    tpu.enqueue_indirect_dma source(%dma_start3A_2409 : memref<32768x1024xf32, #tpu.memory_space<hbm>>) target(%dma_start3A_2403 : memref<32x1024xf32, #tpu.memory_space<vmem>>) offsets(%dma_start3A_2406 : memref<32xi32, #tpu.memory_space<vmem>>) semaphore(%arg7 : memref<!tpu.dma_semaphore, #tpu.memory_space<semaphore_mem>>)
    %dma_wait3A_2410 = arith.constant 30 : i32
    %dma_wait3A_2411 = arith.constant 0 : i32
    %dma_wait3A_2412 = arith.constant 0 : i32
    %dma_wait3A_2413 = arith.constant 0 : i32
    %dma_wait3A_2414 = tpu.memref_slice %arg6[%dma_wait3A_2411, %dma_wait3A_2412, %dma_wait3A_2413] : memref<2x32x1024xf32, #tpu.memory_space<vmem>> -> memref<1x32x1024xf32, #tpu.memory_space<vmem>>
    %dma_wait3A_2415 = tpu.memref_squeeze %dma_wait3A_2414 : memref<1x32x1024xf32, #tpu.memory_space<vmem>> -> memref<32x1024xf32, #tpu.memory_space<vmem>>
    %dma_wait3A_2416 = arith.constant 0 : i32
    %dma_wait3A_2417 = tpu.memref_slice %arg5[%dma_wait3A_2410, %dma_wait3A_2416] : memref<32x32xi32, #tpu.memory_space<vmem>> -> memref<1x32xi32, #tpu.memory_space<vmem>>
    %dma_wait3A_2418 = tpu.memref_squeeze %dma_wait3A_2417 : memref<1x32xi32, #tpu.memory_space<vmem>> -> memref<32xi32, #tpu.memory_space<vmem>>
    %dma_wait3A_2419 = arith.constant 0 : i32
    %dma_wait3A_2420 = arith.constant 0 : i32
    %dma_wait3A_2421 = tpu.memref_slice %arg2[%dma_wait3A_2419, %dma_wait3A_2420] : memref<32768x1024xf32, #tpu.memory_space<hbm>> -> memref<32768x1024xf32, #tpu.memory_space<hbm>>
    tpu.wait_indirect_dma semaphore(%arg7 : memref<!tpu.dma_semaphore, #tpu.memory_space<semaphore_mem>>) src(%dma_wait3A_2421 : memref<32768x1024xf32, #tpu.memory_space<hbm>>) dst(%dma_wait3A_2415 : memref<32x1024xf32, #tpu.memory_space<vmem>>)
    %add3A_2422 = arith.constant 960 : i32
    %add3A_2423 = arith.addi %mul3A_2, %add3A_2422 : i32
    %dma_start3A_2424 = arith.constant 0 : i32
    %dma_start3A_2425 = arith.constant 0 : i32
    %dma_start3A_2426 = arith.constant 0 : i32
    %dma_start3A_2427 = tpu.memref_slice %arg6[%dma_start3A_2424, %dma_start3A_2425, %dma_start3A_2426] : memref<2x32x1024xf32, #tpu.memory_space<vmem>> -> memref<1x32x1024xf32, #tpu.memory_space<vmem>>
    %dma_start3A_2428 = tpu.memref_squeeze %dma_start3A_2427 : memref<1x32x1024xf32, #tpu.memory_space<vmem>> -> memref<32x1024xf32, #tpu.memory_space<vmem>>
    %dma_start3A_2429 = arith.constant 0 : i32
    %dma_start3A_2430 = tpu.memref_slice %arg4[%add3A_2423, %dma_start3A_2429] : memref<32768x1024xf32, #tpu.memory_space<hbm>> -> memref<32x1024xf32, #tpu.memory_space<hbm>>
    %dma_start3A_2431 = arith.constant 0 : i32
    %dma_start3A_2432 = tpu.memref_slice %arg4[%add3A_2423, %dma_start3A_2431] : memref<32768x1024xf32, #tpu.memory_space<hbm>> -> memref<32x1024xf32, #tpu.memory_space<hbm>>
    %dma_start3A_2433 = arith.constant 0 : i32
    %dma_start3A_2434 = arith.constant 0 : i32
    %dma_start3A_2435 = tpu.memref_slice %arg6[%dma_start3A_2424, %dma_start3A_2433, %dma_start3A_2434] : memref<2x32x1024xf32, #tpu.memory_space<vmem>> -> memref<1x32x1024xf32, #tpu.memory_space<vmem>>
    %dma_start3A_2436 = tpu.memref_squeeze %dma_start3A_2435 : memref<1x32x1024xf32, #tpu.memory_space<vmem>> -> memref<32x1024xf32, #tpu.memory_space<vmem>>
    tpu.enqueue_dma source(%dma_start3A_2436 : memref<32x1024xf32, #tpu.memory_space<vmem>>) target(%dma_start3A_2432 : memref<32x1024xf32, #tpu.memory_space<hbm>>) target_semaphore(%arg9 : memref<!tpu.dma_semaphore, #tpu.memory_space<semaphore_mem>>)
    %dma_wait3A_2437 = arith.constant 1 : i32
    %dma_wait3A_2438 = arith.constant 0 : i32
    %dma_wait3A_2439 = arith.constant 0 : i32
    %dma_wait3A_2440 = tpu.memref_slice %arg6[%dma_wait3A_2437, %dma_wait3A_2438, %dma_wait3A_2439] : memref<2x32x1024xf32, #tpu.memory_space<vmem>> -> memref<1x32x1024xf32, #tpu.memory_space<vmem>>
    %dma_wait3A_2441 = tpu.memref_squeeze %dma_wait3A_2440 : memref<1x32x1024xf32, #tpu.memory_space<vmem>> -> memref<32x1024xf32, #tpu.memory_space<vmem>>
    %dma_wait3A_2442 = arith.constant 0 : i32
    %dma_wait3A_2443 = tpu.memref_slice %arg4[%add3A_2371, %dma_wait3A_2442] : memref<32768x1024xf32, #tpu.memory_space<hbm>> -> memref<32x1024xf32, #tpu.memory_space<hbm>>
    %dma_wait3A_2444 = arith.constant 0 : i32
    %dma_wait3A_2445 = tpu.memref_slice %arg4[%add3A_2371, %dma_wait3A_2444] : memref<32768x1024xf32, #tpu.memory_space<hbm>> -> memref<32x1024xf32, #tpu.memory_space<hbm>>
    %dma_wait3A_2446 = arith.constant 0 : i32
    %dma_wait3A_2447 = arith.constant 0 : i32
    %dma_wait3A_2448 = tpu.memref_slice %arg6[%dma_wait3A_2437, %dma_wait3A_2446, %dma_wait3A_2447] : memref<2x32x1024xf32, #tpu.memory_space<vmem>> -> memref<1x32x1024xf32, #tpu.memory_space<vmem>>
    %dma_wait3A_2449 = tpu.memref_squeeze %dma_wait3A_2448 : memref<1x32x1024xf32, #tpu.memory_space<vmem>> -> memref<32x1024xf32, #tpu.memory_space<vmem>>
    tpu.wait_dma2 semaphore(%arg10 : memref<!tpu.dma_semaphore, #tpu.memory_space<semaphore_mem>>) src(%dma_wait3A_2449 : memref<32x1024xf32, #tpu.memory_space<vmem>>) dst(%dma_wait3A_2445 : memref<32x1024xf32, #tpu.memory_space<hbm>>)
    %dma_start3A_2450 = arith.constant 31 : i32
    %dma_start3A_2451 = arith.constant 1 : i32
    %dma_start3A_2452 = arith.constant 0 : i32
    %dma_start3A_2453 = arith.constant 0 : i32
    %dma_start3A_2454 = tpu.memref_slice %arg6[%dma_start3A_2451, %dma_start3A_2452, %dma_start3A_2453] : memref<2x32x1024xf32, #tpu.memory_space<vmem>> -> memref<1x32x1024xf32, #tpu.memory_space<vmem>>
    %dma_start3A_2455 = tpu.memref_squeeze %dma_start3A_2454 : memref<1x32x1024xf32, #tpu.memory_space<vmem>> -> memref<32x1024xf32, #tpu.memory_space<vmem>>
    %dma_start3A_2456 = arith.constant 0 : i32
    %dma_start3A_2457 = tpu.memref_slice %arg5[%dma_start3A_2450, %dma_start3A_2456] : memref<32x32xi32, #tpu.memory_space<vmem>> -> memref<1x32xi32, #tpu.memory_space<vmem>>
    %dma_start3A_2458 = tpu.memref_squeeze %dma_start3A_2457 : memref<1x32xi32, #tpu.memory_space<vmem>> -> memref<32xi32, #tpu.memory_space<vmem>>
    %dma_start3A_2459 = arith.constant 0 : i32
    %dma_start3A_2460 = arith.constant 0 : i32
    %dma_start3A_2461 = tpu.memref_slice %arg2[%dma_start3A_2459, %dma_start3A_2460] : memref<32768x1024xf32, #tpu.memory_space<hbm>> -> memref<32768x1024xf32, #tpu.memory_space<hbm>>
    tpu.enqueue_indirect_dma source(%dma_start3A_2461 : memref<32768x1024xf32, #tpu.memory_space<hbm>>) target(%dma_start3A_2455 : memref<32x1024xf32, #tpu.memory_space<vmem>>) offsets(%dma_start3A_2458 : memref<32xi32, #tpu.memory_space<vmem>>) semaphore(%arg8 : memref<!tpu.dma_semaphore, #tpu.memory_space<semaphore_mem>>)
    %dma_wait3A_2462 = arith.constant 31 : i32
    %dma_wait3A_2463 = arith.constant 1 : i32
    %dma_wait3A_2464 = arith.constant 0 : i32
    %dma_wait3A_2465 = arith.constant 0 : i32
    %dma_wait3A_2466 = tpu.memref_slice %arg6[%dma_wait3A_2463, %dma_wait3A_2464, %dma_wait3A_2465] : memref<2x32x1024xf32, #tpu.memory_space<vmem>> -> memref<1x32x1024xf32, #tpu.memory_space<vmem>>
    %dma_wait3A_2467 = tpu.memref_squeeze %dma_wait3A_2466 : memref<1x32x1024xf32, #tpu.memory_space<vmem>> -> memref<32x1024xf32, #tpu.memory_space<vmem>>
    %dma_wait3A_2468 = arith.constant 0 : i32
    %dma_wait3A_2469 = tpu.memref_slice %arg5[%dma_wait3A_2462, %dma_wait3A_2468] : memref<32x32xi32, #tpu.memory_space<vmem>> -> memref<1x32xi32, #tpu.memory_space<vmem>>
    %dma_wait3A_2470 = tpu.memref_squeeze %dma_wait3A_2469 : memref<1x32xi32, #tpu.memory_space<vmem>> -> memref<32xi32, #tpu.memory_space<vmem>>
    %dma_wait3A_2471 = arith.constant 0 : i32
    %dma_wait3A_2472 = arith.constant 0 : i32
    %dma_wait3A_2473 = tpu.memref_slice %arg2[%dma_wait3A_2471, %dma_wait3A_2472] : memref<32768x1024xf32, #tpu.memory_space<hbm>> -> memref<32768x1024xf32, #tpu.memory_space<hbm>>
    tpu.wait_indirect_dma semaphore(%arg8 : memref<!tpu.dma_semaphore, #tpu.memory_space<semaphore_mem>>) src(%dma_wait3A_2473 : memref<32768x1024xf32, #tpu.memory_space<hbm>>) dst(%dma_wait3A_2467 : memref<32x1024xf32, #tpu.memory_space<vmem>>)
    %add3A_2474 = arith.constant 992 : i32
    %add3A_2475 = arith.addi %mul3A_2, %add3A_2474 : i32
    %dma_start3A_2476 = arith.constant 1 : i32
    %dma_start3A_2477 = arith.constant 0 : i32
    %dma_start3A_2478 = arith.constant 0 : i32
    %dma_start3A_2479 = tpu.memref_slice %arg6[%dma_start3A_2476, %dma_start3A_2477, %dma_start3A_2478] : memref<2x32x1024xf32, #tpu.memory_space<vmem>> -> memref<1x32x1024xf32, #tpu.memory_space<vmem>>
    %dma_start3A_2480 = tpu.memref_squeeze %dma_start3A_2479 : memref<1x32x1024xf32, #tpu.memory_space<vmem>> -> memref<32x1024xf32, #tpu.memory_space<vmem>>
    %dma_start3A_2481 = arith.constant 0 : i32
    %dma_start3A_2482 = tpu.memref_slice %arg4[%add3A_2475, %dma_start3A_2481] : memref<32768x1024xf32, #tpu.memory_space<hbm>> -> memref<32x1024xf32, #tpu.memory_space<hbm>>
    %dma_start3A_2483 = arith.constant 0 : i32
    %dma_start3A_2484 = tpu.memref_slice %arg4[%add3A_2475, %dma_start3A_2483] : memref<32768x1024xf32, #tpu.memory_space<hbm>> -> memref<32x1024xf32, #tpu.memory_space<hbm>>
    %dma_start3A_2485 = arith.constant 0 : i32
    %dma_start3A_2486 = arith.constant 0 : i32
    %dma_start3A_2487 = tpu.memref_slice %arg6[%dma_start3A_2476, %dma_start3A_2485, %dma_start3A_2486] : memref<2x32x1024xf32, #tpu.memory_space<vmem>> -> memref<1x32x1024xf32, #tpu.memory_space<vmem>>
    %dma_start3A_2488 = tpu.memref_squeeze %dma_start3A_2487 : memref<1x32x1024xf32, #tpu.memory_space<vmem>> -> memref<32x1024xf32, #tpu.memory_space<vmem>>
    tpu.enqueue_dma source(%dma_start3A_2488 : memref<32x1024xf32, #tpu.memory_space<vmem>>) target(%dma_start3A_2484 : memref<32x1024xf32, #tpu.memory_space<hbm>>) target_semaphore(%arg10 : memref<!tpu.dma_semaphore, #tpu.memory_space<semaphore_mem>>)
    %dma_wait3A_2489 = arith.constant 1 : i32
    %dma_wait3A_2490 = arith.constant 0 : i32
    %dma_wait3A_2491 = arith.constant 0 : i32
    %dma_wait3A_2492 = tpu.memref_slice %arg6[%dma_wait3A_2489, %dma_wait3A_2490, %dma_wait3A_2491] : memref<2x32x1024xf32, #tpu.memory_space<vmem>> -> memref<1x32x1024xf32, #tpu.memory_space<vmem>>
    %dma_wait3A_2493 = tpu.memref_squeeze %dma_wait3A_2492 : memref<1x32x1024xf32, #tpu.memory_space<vmem>> -> memref<32x1024xf32, #tpu.memory_space<vmem>>
    %dma_wait3A_2494 = arith.constant 0 : i32
    %dma_wait3A_2495 = tpu.memref_slice %arg4[%add3A_2475, %dma_wait3A_2494] : memref<32768x1024xf32, #tpu.memory_space<hbm>> -> memref<32x1024xf32, #tpu.memory_space<hbm>>
    %dma_wait3A_2496 = arith.constant 0 : i32
    %dma_wait3A_2497 = tpu.memref_slice %arg4[%add3A_2475, %dma_wait3A_2496] : memref<32768x1024xf32, #tpu.memory_space<hbm>> -> memref<32x1024xf32, #tpu.memory_space<hbm>>
    %dma_wait3A_2498 = arith.constant 0 : i32
    %dma_wait3A_2499 = arith.constant 0 : i32
    %dma_wait3A_2500 = tpu.memref_slice %arg6[%dma_wait3A_2489, %dma_wait3A_2498, %dma_wait3A_2499] : memref<2x32x1024xf32, #tpu.memory_space<vmem>> -> memref<1x32x1024xf32, #tpu.memory_space<vmem>>
    %dma_wait3A_2501 = tpu.memref_squeeze %dma_wait3A_2500 : memref<1x32x1024xf32, #tpu.memory_space<vmem>> -> memref<32x1024xf32, #tpu.memory_space<vmem>>
    tpu.wait_dma2 semaphore(%arg10 : memref<!tpu.dma_semaphore, #tpu.memory_space<semaphore_mem>>) src(%dma_wait3A_2501 : memref<32x1024xf32, #tpu.memory_space<vmem>>) dst(%dma_wait3A_2497 : memref<32x1024xf32, #tpu.memory_space<hbm>>)
    %dma_wait3A_2502 = arith.constant 0 : i32
    %dma_wait3A_2503 = arith.constant 0 : i32
    %dma_wait3A_2504 = arith.constant 0 : i32
    %dma_wait3A_2505 = tpu.memref_slice %arg6[%dma_wait3A_2502, %dma_wait3A_2503, %dma_wait3A_2504] : memref<2x32x1024xf32, #tpu.memory_space<vmem>> -> memref<1x32x1024xf32, #tpu.memory_space<vmem>>
    %dma_wait3A_2506 = tpu.memref_squeeze %dma_wait3A_2505 : memref<1x32x1024xf32, #tpu.memory_space<vmem>> -> memref<32x1024xf32, #tpu.memory_space<vmem>>
    %dma_wait3A_2507 = arith.constant 0 : i32
    %dma_wait3A_2508 = tpu.memref_slice %arg4[%add3A_2423, %dma_wait3A_2507] : memref<32768x1024xf32, #tpu.memory_space<hbm>> -> memref<32x1024xf32, #tpu.memory_space<hbm>>
    %dma_wait3A_2509 = arith.constant 0 : i32
    %dma_wait3A_2510 = tpu.memref_slice %arg4[%add3A_2423, %dma_wait3A_2509] : memref<32768x1024xf32, #tpu.memory_space<hbm>> -> memref<32x1024xf32, #tpu.memory_space<hbm>>
    %dma_wait3A_2511 = arith.constant 0 : i32
    %dma_wait3A_2512 = arith.constant 0 : i32
    %dma_wait3A_2513 = tpu.memref_slice %arg6[%dma_wait3A_2502, %dma_wait3A_2511, %dma_wait3A_2512] : memref<2x32x1024xf32, #tpu.memory_space<vmem>> -> memref<1x32x1024xf32, #tpu.memory_space<vmem>>
    %dma_wait3A_2514 = tpu.memref_squeeze %dma_wait3A_2513 : memref<1x32x1024xf32, #tpu.memory_space<vmem>> -> memref<32x1024xf32, #tpu.memory_space<vmem>>
    tpu.wait_dma2 semaphore(%arg9 : memref<!tpu.dma_semaphore, #tpu.memory_space<semaphore_mem>>) src(%dma_wait3A_2514 : memref<32x1024xf32, #tpu.memory_space<vmem>>) dst(%dma_wait3A_2510 : memref<32x1024xf32, #tpu.memory_space<hbm>>)
    return
  }
}

module attributes {stable_mosaic.version = 14 : i64} {
  func.func @_mlp_body(%arg0: i32, %arg1: memref<256x2048xf32, #tpu.memory_space<vmem>>, %arg2: memref<256x1xf32, #tpu.memory_space<vmem>>, %arg3: memref<256x1xf32, #tpu.memory_space<vmem>>, %arg4: memref<1024x2048xbf16, #tpu.memory_space<vmem>>, %arg5: memref<1x2048xf32, #tpu.memory_space<vmem>>, %arg6: memref<2048x128xbf16, #tpu.memory_space<vmem>>, %arg7: memref<1x128xf32, #tpu.memory_space<vmem>>, %arg8: memref<256x128xf32, #tpu.memory_space<vmem>>) attributes {dimension_semantics = [#tpu.dimension_semantics<arbitrary>], iteration_bounds = array<i64: 64>, scalar_prefetch = 0 : i64, scratch_operands = 0 : i64, tpu.core_type = #tpu.core_type<tc>, window_params = [{transform_indices = @transform_0, window_bounds = array<i64: 256, 2048>}, {transform_indices = @transform_1, window_bounds = array<i64: 256, 1>}, {transform_indices = @transform_2, window_bounds = array<i64: 256, 1>}, {pipeline_mode = #tpu.pipeline_mode<synchronous>, transform_indices = @transform_3, window_bounds = array<i64: 1024, 2048>}, {pipeline_mode = #tpu.pipeline_mode<synchronous>, transform_indices = @transform_4, window_bounds = array<i64: 1, 2048>}, {pipeline_mode = #tpu.pipeline_mode<synchronous>, transform_indices = @transform_5, window_bounds = array<i64: 2048, 128>}, {pipeline_mode = #tpu.pipeline_mode<synchronous>, transform_indices = @transform_6, window_bounds = array<i64: 1, 128>}, {transform_indices = @transform_7, window_bounds = array<i64: 256, 128>}]} {
    %get3A = arith.constant 0 : index
    %get3A_0 = arith.constant 0 : index
    %get3A_1 = vector.load %arg1[%get3A, %get3A_0] : memref<256x2048xf32, #tpu.memory_space<vmem>>, vector<256x2048xf32>
    %slice3A = vector.extract_strided_slice %get3A_1 {offsets = [0, 0], sizes = [256, 1024], strides = [1, 1]} : vector<256x2048xf32> to vector<256x1024xf32>
    %get3A_2 = arith.constant 0 : index
    %get3A_3 = arith.constant 0 : index
    %get3A_4 = vector.load %arg2[%get3A_2, %get3A_3] : memref<256x1xf32, #tpu.memory_space<vmem>>, vector<256x1xf32>
    %mul3A = vector.broadcast %get3A_4 : vector<256x1xf32> to vector<256x1024xf32>
    %mul3A_5 = arith.mulf %slice3A, %mul3A : vector<256x1024xf32>
    %slice3A_6 = vector.extract_strided_slice %get3A_1 {offsets = [0, 1024], sizes = [256, 1024], strides = [1, 1]} : vector<256x2048xf32> to vector<256x1024xf32>
    %get3A_7 = arith.constant 0 : index
    %get3A_8 = arith.constant 0 : index
    %get3A_9 = vector.load %arg3[%get3A_7, %get3A_8] : memref<256x1xf32, #tpu.memory_space<vmem>>, vector<256x1xf32>
    %mul3A_10 = vector.broadcast %get3A_9 : vector<256x1xf32> to vector<256x1024xf32>
    %mul3A_11 = arith.mulf %slice3A_6, %mul3A_10 : vector<256x1024xf32>
    %add3A = arith.addf %mul3A_5, %mul3A_11 : vector<256x1024xf32>
    %convert_element_type3A = arith.truncf %add3A : vector<256x1024xf32> to vector<256x1024xbf16>
    %get3A_12 = arith.constant 0 : index
    %get3A_13 = arith.constant 0 : index
    %get3A_14 = vector.load %arg4[%get3A_12, %get3A_13] : memref<1024x2048xbf16, #tpu.memory_space<vmem>>, vector<1024x2048xbf16>
    %dot_general3A = arith.constant dense<0.000000e+00> : vector<256x2048xf32>
    %dot_general3A_15 = tpu.matmul %convert_element_type3A, %get3A_14, %dot_general3A {dimension_numbers = #tpu.dot_dimension_numbers<[1], [0], [0], [1], [0, 0, 1, 1], [], []>, transpose_lhs_hint = false} : vector<256x1024xbf16>, vector<1024x2048xbf16>, vector<256x2048xf32> -> vector<256x2048xf32>
    %get3A_16 = arith.constant 0 : index
    %get3A_17 = arith.constant 0 : index
    %get3A_18 = vector.load %arg5[%get3A_16, %get3A_17] : memref<1x2048xf32, #tpu.memory_space<vmem>>, vector<1x2048xf32>
    %add3A_19 = vector.broadcast %get3A_18 : vector<1x2048xf32> to vector<256x2048xf32>
    %add3A_20 = arith.addf %dot_general3A_15, %add3A_19 : vector<256x2048xf32>
    %max3A = arith.constant 0.000000e+00 : f32
    %max3A_21 = vector.broadcast %max3A : f32 to vector<256x2048xf32>
    %max3A_22 = arith.maximumf %add3A_20, %max3A_21 : vector<256x2048xf32>
    %convert_element_type3A_23 = arith.truncf %max3A_22 : vector<256x2048xf32> to vector<256x2048xbf16>
    %get3A_24 = arith.constant 0 : index
    %get3A_25 = arith.constant 0 : index
    %get3A_26 = vector.load %arg6[%get3A_24, %get3A_25] : memref<2048x128xbf16, #tpu.memory_space<vmem>>, vector<2048x128xbf16>
    %dot_general3A_27 = arith.constant dense<0.000000e+00> : vector<256x128xf32>
    %dot_general3A_28 = tpu.matmul %convert_element_type3A_23, %get3A_26, %dot_general3A_27 {dimension_numbers = #tpu.dot_dimension_numbers<[1], [0], [0], [1], [0, 0, 1, 1], [], []>, transpose_lhs_hint = false} : vector<256x2048xbf16>, vector<2048x128xbf16>, vector<256x128xf32> -> vector<256x128xf32>
    %get3A_29 = arith.constant 0 : index
    %get3A_30 = arith.constant 0 : index
    %get3A_31 = vector.load %arg7[%get3A_29, %get3A_30] : memref<1x128xf32, #tpu.memory_space<vmem>>, vector<1x128xf32>
    %add3A_32 = vector.broadcast %get3A_31 : vector<1x128xf32> to vector<256x128xf32>
    %add3A_33 = arith.addf %dot_general3A_28, %add3A_32 : vector<256x128xf32>
    %exp3A = math.exp %add3A_33 : vector<256x128xf32>
    %swap3A = arith.constant 0 : index
    %swap3A_34 = arith.constant 0 : index
    %swap3A_35 = vector.load %arg8[%swap3A, %swap3A_34] : memref<256x128xf32, #tpu.memory_space<vmem>>, vector<256x128xf32>
    tpu.vector_store %arg8[%swap3A, %swap3A_34], %exp3A {strides = array<i32>} : memref<256x128xf32, #tpu.memory_space<vmem>>, vector<256x128xf32>,
    return
  }
  func.func @transform_0(%arg0: i32) -> (i32, i32) {
    %c0_i32 = arith.constant 0 : i32
    %c0_i32_0 = arith.constant 0 : i32
    return %arg0, %c0_i32 : i32, i32
  }
  func.func @transform_1(%arg0: i32) -> (i32, i32) {
    %c0_i32 = arith.constant 0 : i32
    %c0_i32_0 = arith.constant 0 : i32
    return %arg0, %c0_i32 : i32, i32
  }
  func.func @transform_2(%arg0: i32) -> (i32, i32) {
    %c0_i32 = arith.constant 0 : i32
    %c0_i32_0 = arith.constant 0 : i32
    return %arg0, %c0_i32 : i32, i32
  }
  func.func @transform_3(%arg0: i32) -> (i32, i32) {
    %c0_i32 = arith.constant 0 : i32
    %c0_i32_0 = arith.constant 0 : i32
    %c0_i32_1 = arith.constant 0 : i32
    return %c0_i32, %c0_i32_0 : i32, i32
  }
  func.func @transform_4(%arg0: i32) -> (i32, i32) {
    %c0_i32 = arith.constant 0 : i32
    %c0_i32_0 = arith.constant 0 : i32
    %c0_i32_1 = arith.constant 0 : i32
    return %c0_i32, %c0_i32_0 : i32, i32
  }
  func.func @transform_5(%arg0: i32) -> (i32, i32) {
    %c0_i32 = arith.constant 0 : i32
    %c0_i32_0 = arith.constant 0 : i32
    %c0_i32_1 = arith.constant 0 : i32
    return %c0_i32, %c0_i32_0 : i32, i32
  }
  func.func @transform_6(%arg0: i32) -> (i32, i32) {
    %c0_i32 = arith.constant 0 : i32
    %c0_i32_0 = arith.constant 0 : i32
    %c0_i32_1 = arith.constant 0 : i32
    return %c0_i32, %c0_i32_0 : i32, i32
  }
  func.func @transform_7(%arg0: i32) -> (i32, i32) {
    %c0_i32 = arith.constant 0 : i32
    %c0_i32_0 = arith.constant 0 : i32
    return %arg0, %c0_i32 : i32, i32
  }
}

module attributes {stable_mosaic.version = 14 : i64} {
  func.func @_crf_body(%arg0: memref<1024x16x128xf32, #tpu.memory_space<vmem>>, %arg1: memref<128x128xf32, #tpu.memory_space<vmem>>, %arg2: memref<1x128xf32, #tpu.memory_space<vmem>>, %arg3: memref<1x128xf32, #tpu.memory_space<vmem>>, %arg4: memref<16x1xf32, #tpu.memory_space<vmem>>, %arg5: memref<16x1xf32, #tpu.memory_space<vmem>>) attributes {dimension_semantics = [], scalar_prefetch = 0 : i64, scratch_operands = 0 : i64, tpu.core_type = #tpu.core_type<tc>} {
    %iota3A = tpu.iota {dimensions = array<i32: 0>} : vector<128x128xi32>
    %iota3A_0 = tpu.iota {dimensions = array<i32: 1>} : vector<128x128xi32>
    %lt3A = arith.constant 67 : i32
    %lt3A_1 = vector.broadcast %lt3A : i32 to vector<128x128xi32>
    %lt3A_2 = arith.cmpi slt, %iota3A, %lt3A_1 : vector<128x128xi32>
    %lt3A_3 = arith.constant 67 : i32
    %lt3A_4 = vector.broadcast %lt3A_3 : i32 to vector<128x128xi32>
    %lt3A_5 = arith.cmpi slt, %iota3A_0, %lt3A_4 : vector<128x128xi32>
    %and3A = arith.andi %lt3A_2, %lt3A_5 : vector<128x128xi1>
    %get3A = arith.constant 0 : index
    %get3A_6 = arith.constant 0 : index
    %get3A_7 = vector.load %arg1[%get3A, %get3A_6] : memref<128x128xf32, #tpu.memory_space<vmem>>, vector<128x128xf32>
    %exp3A = math.exp %get3A_7 : vector<128x128xf32>
    %jit3A = arith.constant 0.000000e+00 : f32
    %broadcast_in_dim3A = vector.broadcast %jit3A : f32 to vector<128x128xf32>
    %select_n3A = arith.select %and3A, %exp3A, %broadcast_in_dim3A : vector<128x128xi1>, vector<128x128xf32>
    %get3A_8 = arith.constant 0 : index
    %get3A_9 = arith.constant 0 : index
    %get3A_10 = vector.load %arg4[%get3A_8, %get3A_9] : memref<16x1xf32, #tpu.memory_space<vmem>>, vector<16x1xf32>
    %get3A_11 = arith.constant 0 : index
    %get3A_12 = arith.constant 0 : index
    %get3A_13 = vector.load %arg2[%get3A_11, %get3A_12] : memref<1x128xf32, #tpu.memory_space<vmem>>, vector<1x128xf32>
    %exp3A_14 = math.exp %get3A_13 : vector<1x128xf32>
    %get3A_15 = arith.constant 0 : index
    %get3A_16 = arith.constant 0 : index
    %get3A_17 = arith.constant 0 : index
    %get3A_18 = vector.load %arg0[%get3A_15, %get3A_16, %get3A_17] : memref<1024x16x128xf32, #tpu.memory_space<vmem>>, vector<1x16x128xf32>
    %get3A_19 = vector.shape_cast %get3A_18 : vector<1x16x128xf32> to vector<16x128xf32>
    %mul3A = vector.broadcast %exp3A_14 : vector<1x128xf32> to vector<16x128xf32>
    %mul3A_20 = arith.mulf %mul3A, %get3A_19 : vector<16x128xf32>
    %broadcast_in_dim3A_21 = arith.constant 0.000000e+00 : f32
    %broadcast_in_dim3A_22 = vector.broadcast %broadcast_in_dim3A_21 : f32 to vector<16x1xf32>
    %scan3A = arith.constant 0 : i32
    %scan3A_23 = arith.constant 256 : i32
    %scan3A_24 = arith.addi %scan3A, %scan3A_23 : i32
    %scan3A_25 = arith.constant 1 : i32
    %scan3A_26:2 = scf.for %scan3A_38 = %scan3A to %scan3A_24 step %scan3A_25 iter_args(%scan3A_39 = %mul3A_20, %scan3A_40 = %broadcast_in_dim3A_22) -> (vector<16x128xf32>, vector<16x1xf32>)  : i32 {
      %mul3A_41 = arith.constant 4 : i32
      %mul3A_42 = arith.muli %scan3A_38, %mul3A_41 : i32
      %add3A_43 = arith.constant 1 : i32
      %add3A_44 = arith.addi %add3A_43, %mul3A_42 : i32
      %add3A_45 = arith.constant 0 : i32
      %add3A_46 = arith.addi %add3A_44, %add3A_45 : i32
      %min3A = arith.constant 1023 : i32
      %min3A_47 = arith.minsi %add3A_46, %min3A : i32
      %dot_general3A = arith.constant dense<0.000000e+00> : vector<16x128xf32>
      %dot_general3A_48 = tpu.matmul %scan3A_39, %select_n3A, %dot_general3A {dimension_numbers = #tpu.dot_dimension_numbers<[1], [0], [0], [1], [0, 0, 1, 1], [], []>, transpose_lhs_hint = false} : vector<16x128xf32>, vector<128x128xf32>, vector<16x128xf32> -> vector<16x128xf32>
      %get3A_49 = arith.index_cast %min3A_47 : i32 to index
      %get3A_50 = arith.constant 0 : index
      %get3A_51 = arith.constant 0 : index
      %get3A_52 = vector.load %arg0[%get3A_49, %get3A_50, %get3A_51] : memref<1024x16x128xf32, #tpu.memory_space<vmem>>, vector<1x16x128xf32>
      %get3A_53 = vector.shape_cast %get3A_52 : vector<1x16x128xf32> to vector<16x128xf32>
      %mul3A_54 = arith.mulf %dot_general3A_48, %get3A_53 : vector<16x128xf32>
      %add3A_55 = arith.constant 0 : i32
      %add3A_56 = arith.addi %add3A_44, %add3A_55 : i32
      %convert_element_type3A = arith.sitofp %add3A_56 : i32 to f32
      %lt3A_57 = vector.broadcast %convert_element_type3A : f32 to vector<16x1xf32>
      %lt3A_58 = arith.cmpf olt, %lt3A_57, %get3A_10 : vector<16x1xf32>
      %broadcast_in_dim3A_59 = vector.shape_cast %lt3A_58 : vector<16x1xi1> to vector<16x1xi1>
      %broadcast_in_dim3A_60 = vector.broadcast %broadcast_in_dim3A_59 : vector<16x1xi1> to vector<16x128xi1>
      %select_n3A_61 = arith.select %broadcast_in_dim3A_60, %mul3A_54, %scan3A_39 : vector<16x128xi1>, vector<16x128xf32>
      %add3A_62 = arith.constant 1 : i32
      %add3A_63 = arith.addi %add3A_44, %add3A_62 : i32
      %min3A_64 = arith.constant 1023 : i32
      %min3A_65 = arith.minsi %add3A_63, %min3A_64 : i32
      %dot_general3A_66 = arith.constant dense<0.000000e+00> : vector<16x128xf32>
      %dot_general3A_67 = tpu.matmul %select_n3A_61, %select_n3A, %dot_general3A_66 {dimension_numbers = #tpu.dot_dimension_numbers<[1], [0], [0], [1], [0, 0, 1, 1], [], []>, transpose_lhs_hint = false} : vector<16x128xf32>, vector<128x128xf32>, vector<16x128xf32> -> vector<16x128xf32>
      %get3A_68 = arith.index_cast %min3A_65 : i32 to index
      %get3A_69 = arith.constant 0 : index
      %get3A_70 = arith.constant 0 : index
      %get3A_71 = vector.load %arg0[%get3A_68, %get3A_69, %get3A_70] : memref<1024x16x128xf32, #tpu.memory_space<vmem>>, vector<1x16x128xf32>
      %get3A_72 = vector.shape_cast %get3A_71 : vector<1x16x128xf32> to vector<16x128xf32>
      %mul3A_73 = arith.mulf %dot_general3A_67, %get3A_72 : vector<16x128xf32>
      %add3A_74 = arith.constant 1 : i32
      %add3A_75 = arith.addi %add3A_44, %add3A_74 : i32
      %convert_element_type3A_76 = arith.sitofp %add3A_75 : i32 to f32
      %lt3A_77 = vector.broadcast %convert_element_type3A_76 : f32 to vector<16x1xf32>
      %lt3A_78 = arith.cmpf olt, %lt3A_77, %get3A_10 : vector<16x1xf32>
      %broadcast_in_dim3A_79 = vector.shape_cast %lt3A_78 : vector<16x1xi1> to vector<16x1xi1>
      %broadcast_in_dim3A_80 = vector.broadcast %broadcast_in_dim3A_79 : vector<16x1xi1> to vector<16x128xi1>
      %select_n3A_81 = arith.select %broadcast_in_dim3A_80, %mul3A_73, %select_n3A_61 : vector<16x128xi1>, vector<16x128xf32>
      %add3A_82 = arith.constant 2 : i32
      %add3A_83 = arith.addi %add3A_44, %add3A_82 : i32
      %min3A_84 = arith.constant 1023 : i32
      %min3A_85 = arith.minsi %add3A_83, %min3A_84 : i32
      %dot_general3A_86 = arith.constant dense<0.000000e+00> : vector<16x128xf32>
      %dot_general3A_87 = tpu.matmul %select_n3A_81, %select_n3A, %dot_general3A_86 {dimension_numbers = #tpu.dot_dimension_numbers<[1], [0], [0], [1], [0, 0, 1, 1], [], []>, transpose_lhs_hint = false} : vector<16x128xf32>, vector<128x128xf32>, vector<16x128xf32> -> vector<16x128xf32>
      %get3A_88 = arith.index_cast %min3A_85 : i32 to index
      %get3A_89 = arith.constant 0 : index
      %get3A_90 = arith.constant 0 : index
      %get3A_91 = vector.load %arg0[%get3A_88, %get3A_89, %get3A_90] : memref<1024x16x128xf32, #tpu.memory_space<vmem>>, vector<1x16x128xf32>
      %get3A_92 = vector.shape_cast %get3A_91 : vector<1x16x128xf32> to vector<16x128xf32>
      %mul3A_93 = arith.mulf %dot_general3A_87, %get3A_92 : vector<16x128xf32>
      %add3A_94 = arith.constant 2 : i32
      %add3A_95 = arith.addi %add3A_44, %add3A_94 : i32
      %convert_element_type3A_96 = arith.sitofp %add3A_95 : i32 to f32
      %lt3A_97 = vector.broadcast %convert_element_type3A_96 : f32 to vector<16x1xf32>
      %lt3A_98 = arith.cmpf olt, %lt3A_97, %get3A_10 : vector<16x1xf32>
      %broadcast_in_dim3A_99 = vector.shape_cast %lt3A_98 : vector<16x1xi1> to vector<16x1xi1>
      %broadcast_in_dim3A_100 = vector.broadcast %broadcast_in_dim3A_99 : vector<16x1xi1> to vector<16x128xi1>
      %select_n3A_101 = arith.select %broadcast_in_dim3A_100, %mul3A_93, %select_n3A_81 : vector<16x128xi1>, vector<16x128xf32>
      %add3A_102 = arith.constant 3 : i32
      %add3A_103 = arith.addi %add3A_44, %add3A_102 : i32
      %min3A_104 = arith.constant 1023 : i32
      %min3A_105 = arith.minsi %add3A_103, %min3A_104 : i32
      %dot_general3A_106 = arith.constant dense<0.000000e+00> : vector<16x128xf32>
      %dot_general3A_107 = tpu.matmul %select_n3A_101, %select_n3A, %dot_general3A_106 {dimension_numbers = #tpu.dot_dimension_numbers<[1], [0], [0], [1], [0, 0, 1, 1], [], []>, transpose_lhs_hint = false} : vector<16x128xf32>, vector<128x128xf32>, vector<16x128xf32> -> vector<16x128xf32>
      %get3A_108 = arith.index_cast %min3A_105 : i32 to index
      %get3A_109 = arith.constant 0 : index
      %get3A_110 = arith.constant 0 : index
      %get3A_111 = vector.load %arg0[%get3A_108, %get3A_109, %get3A_110] : memref<1024x16x128xf32, #tpu.memory_space<vmem>>, vector<1x16x128xf32>
      %get3A_112 = vector.shape_cast %get3A_111 : vector<1x16x128xf32> to vector<16x128xf32>
      %mul3A_113 = arith.mulf %dot_general3A_107, %get3A_112 : vector<16x128xf32>
      %add3A_114 = arith.constant 3 : i32
      %add3A_115 = arith.addi %add3A_44, %add3A_114 : i32
      %convert_element_type3A_116 = arith.sitofp %add3A_115 : i32 to f32
      %lt3A_117 = vector.broadcast %convert_element_type3A_116 : f32 to vector<16x1xf32>
      %lt3A_118 = arith.cmpf olt, %lt3A_117, %get3A_10 : vector<16x1xf32>
      %broadcast_in_dim3A_119 = vector.shape_cast %lt3A_118 : vector<16x1xi1> to vector<16x1xi1>
      %broadcast_in_dim3A_120 = vector.broadcast %broadcast_in_dim3A_119 : vector<16x1xi1> to vector<16x128xi1>
      %select_n3A_121 = arith.select %broadcast_in_dim3A_120, %mul3A_113, %select_n3A_101 : vector<16x128xi1>, vector<16x128xf32>
      %reduce_max3A = arith.constant dense<0xFF800000> : vector<16xf32>
      %reduce_max3A_122 = vector.multi_reduction <maximumf>, %select_n3A_121, %reduce_max3A [1] : vector<16x128xf32> to vector<16xf32>
      %broadcast_in_dim3A_123 = vector.shape_cast %reduce_max3A_122 : vector<16xf32> to vector<16x1xf32>
      %div3A = vector.broadcast %broadcast_in_dim3A_123 : vector<16x1xf32> to vector<16x128xf32>
      %div3A_124 = arith.divf %select_n3A_121, %div3A : vector<16x128xf32>
      %log3A_125 = math.log %broadcast_in_dim3A_123 : vector<16x1xf32>
      %add3A_126 = arith.addf %scan3A_40, %log3A_125 : vector<16x1xf32>
      scf.yield %div3A_124, %add3A_126 : vector<16x128xf32>, vector<16x1xf32>
    }
    %scan3A_27 = arith.constant 256 : i32
    %get3A_28 = arith.constant 0 : index
    %get3A_29 = arith.constant 0 : index
    %get3A_30 = vector.load %arg3[%get3A_28, %get3A_29] : memref<1x128xf32, #tpu.memory_space<vmem>>, vector<1x128xf32>
    %exp3A_31 = math.exp %get3A_30 : vector<1x128xf32>
    %mul3A_32 = vector.broadcast %exp3A_31 : vector<1x128xf32> to vector<16x128xf32>
    %mul3A_33 = arith.mulf %scan3A_26#0, %mul3A_32 : vector<16x128xf32>
    %reduce_sum3A = arith.constant dense<0.000000e+00> : vector<16xf32>
    %reduce_sum3A_34 = vector.multi_reduction <add>, %mul3A_33, %reduce_sum3A [1] : vector<16x128xf32> to vector<16xf32>
    %broadcast_in_dim3A_35 = vector.shape_cast %reduce_sum3A_34 : vector<16xf32> to vector<16x1xf32>
    %log3A = math.log %broadcast_in_dim3A_35 : vector<16x1xf32>
    %add3A = arith.addf %scan3A_26#1, %log3A : vector<16x1xf32>
    %swap3A = arith.constant 0 : index
    %swap3A_36 = arith.constant 0 : index
    %swap3A_37 = vector.load %arg5[%swap3A, %swap3A_36] : memref<16x1xf32, #tpu.memory_space<vmem>>, vector<16x1xf32>
    tpu.vector_store %arg5[%swap3A, %swap3A_36], %add3A {strides = array<i32>} : memref<16x1xf32, #tpu.memory_space<vmem>>, vector<16x1xf32>,
    return
  }
}

</mosaic_0001>

<sc_bundles>
// kernel: kernel.5.cloned.1.call-start
scs
__scs_entry_jumppad:
0x0: {  	(pc) =	sbr.rel $0x88, $3  }
0x1: {  	(tag) =	ssettag $0x0;
	lr =	simm.s32 $0x1  }
0x2: {  	[smem:$0x3F96] =	sst lr;
	_ =	strace $0xD0000000  }
0x3: {  	_ = 	snop  }
0x4: {  	_ = 	snop  }
0x5: {  	_ = 	snop  }
0x6: {  	_ = 	snop  }
0x7: {  	_ = 	snop  }
__scs_overlays_trampoline_lowered:
0x8: {  	[smem:$0x3FA5] =	sst s0  }
0x9: {  	[smem:$0x3FA6] =	sst s1  }
0xa: {  	[smem:$0x3FA7] =	sst s2  }
0xb: {  	[smem:$0x3FA8] =	sst s3  }
0xc: {  	[smem:$0x3FA9] =	sst s4  }
0xd: {  	[smem:$0x3FAA] =	sst s5  }
0xe: {  	[smem:$0x3FAB] =	sst s6  }
0xf: {  	[smem:$0x3FAC] =	sst s7  }
0x10: {  	[smem:$0x3FAD] =	sst s8  }
0x11: {  	[smem:$0x3FAE] =	sst s9;
	s0 =	simm.s32 @!p0 $0x0  }
0x12: {  	s1 =	sld [smem:$0x3F94];
	s0 =	simm.s32 @p0 $0x1  }
0x13: {  	[smem:$0x3FAF] =	sst s0;
	s0 =	simm.s32 @!p1 $0x0  }
0x14: {  	s2 =	sld [smem:$0x3F93];
	s0 =	simm.s32 @p1 $0x1  }
0x15: {  	[smem:$0x3FB0] =	sst s0;
	s0 =	simm.s32 @!p2 $0x0  }
0x16: {  	s3 =	sld [smem:$0x3FDB];
	s0 =	simm.s32 @p2 $0x1  }
0x17: {  	s4 =	simm.s32 $0x1BF5;
	[smem:$0x3FB2] =	sst s0  }
0x18: {  	s0 =	sld [smem:$0x3F95];
	_ =	swait.ge [sflag:s4], $0x0  }
0x19: {  	s7 =	sld [smem:$0x3F96]  }
0x1a: {  	s8 =	sadd.s32 $0xFFFFE003, lr  }
0x1b: {  	s9 =	sadd.s32 $0xFFFFFEF7, lr;
	s5 =	simm.s32 $0xFFFFFFFF;
	p2 =	slt.u32 s8, $0xFFFFF086  }
0x1c: {  	p1 =	slt.u32 s9, $0xF7A;
	s5 =	simm.s32 @!p2 $0x0  }
0x1d: {  	s5 =	simm.s32 @p1 $0x1;
	p0 =	seq.s32 s7, s2  }
0x1e: {  	s7 =	smul.u32 @!p0 $0xF7A, s2;
	p2 =	seq.s32 @!p0 s5, $0x0  }
0x1f: {  	s9 =	smul.u32 $0xF7A, s1;
	s8 =	simm.s32 @!p0 $0x1BF5;
	p2 =	por !p2, p0  }
0x20: {  	[sflag:s8] =	ssyncset.s32 @!p0 $0xFFFFF086;
	s6 =	sadd.s32 @!p0 s3, s7;
	s7 =	simm.s32 @!p0 $0x108  }
0x21: {  	s3 =	sadd.s32 s3, s9;
	s6 =	sadd.s32 @!p0 $0x88, s6;
	s7 =	simm.s32 @p2 $0x1082  }
0x22: {  	[simem:s7], [sflag:s8] =	dma.local @!p0 [hbm:s6], $0xF7A  }
0x23: {  	s9 =	sor.u32 $0xD0000000, s2;
	s6 =	simm.s32 $0x108;
	_ =	swait.ge @!p0 [sflag:s8], $0x0  }
0x24: {  	s3 =	sadd.s32 $0x88, s3;
	s6 =	simm.s32 @!p1 $0x1082;
	[sflag:s4] =	ssyncset.s32 $0xFFFFF086  }
0x25: {  	[simem:s6], [sflag:s4] =	dma.local [hbm:s3], $0xF7A  }
0x26: {  	[smem:$0x3F96] =	sst s1;
	(tag) =	ssettag s2;
	_ =	strace s9  }
0x27: {  	s1 =	sld [smem:$0x3FA6]  }
0x28: {  	s2 =	sld [smem:$0x3FA7]  }
0x29: {  	s4 =	sld [smem:$0x3FA9]  }
0x2a: {  	p0 =	seq.s32 s5, $0x0;
	s5 =	sld [smem:$0x3FAA]  }
0x2b: {  	s6 =	sld [smem:$0x3FAB]  }
0x2c: {  	s7 =	sld [smem:$0x3FAC]  }
0x2d: {  	s3 =	simm.s32 $0x108;
	s8 =	sld [smem:$0x3FAD]  }
0x2e: {  	s3 =	simm.s32 @!p0 $0x1082;
	s9 =	sld [smem:$0x3FAE]  }
0x2f: {  	lr =	sadd.s32 s0, s3;
	s0 =	sld [smem:$0x3FA5]  }
0x30: {  	s3 =	sld [smem:$0x3FA8]  }
0x31: {  	[smem:$0x3FB1] =	sst s10  }
0x32: {  	s10 =	sld [smem:$0x3FAF];
	_ =	sdelay $0x3  }
0x33: {  	p0 =	seq.s32 s10, $0x1;
	s10 =	sld [smem:$0x3FB1];
	_ =	sdelay $0x3  }
0x34: {  	[smem:$0x3FB1] =	sst s10  }
0x35: {  	s10 =	sld [smem:$0x3FB0];
	_ =	sdelay $0x3  }
0x36: {  	p1 =	seq.s32 s10, $0x1;
	s10 =	sld [smem:$0x3FB1];
	_ =	sdelay $0x3  }
0x37: {  	[smem:$0x3FB1] =	sst s10  }
0x38: {  	s10 =	sld [smem:$0x3FB2]  }
0x39: {  	_ = 	snop;
	(pc) =	sbr.ind lr, $3  }
0x3a: {  	_ = 	snop  }
0x3b: {  	_ = 	snop  }
0x3c: {  	p2 =	seq.s32 s10, $0x1;
	s10 =	sld [smem:$0x3FB1]  }
0x3d: {  	_ =	shalt  }
0x3e: {  	_ =	shalt  }
0x3f: {  	_ =	shalt  }
0x40: {  	_ =	shalt  }
0x41: {  	_ =	shalt  }
0x42: {  	_ =	shalt  }
0x43: {  	_ =	shalt  }
0x44: {  	_ =	shalt  }
0x45: {  	_ =	shalt  }
0x46: {  	_ =	shalt  }
0x47: {  	_ =	shalt  }
0x48: {  	_ =	shalt  }
0x49: {  	_ =	shalt  }
0x4a: {  	_ =	shalt  }
0x4b: {  	_ =	shalt  }
0x4c: {  	_ =	shalt  }
0x4d: {  	_ =	shalt  }
0x4e: {  	_ =	shalt  }
0x4f: {  	_ =	shalt  }
0x50: {  	_ =	shalt  }
0x51: {  	_ =	shalt  }
0x52: {  	_ =	shalt  }
0x53: {  	_ =	shalt  }
0x54: {  	_ =	shalt  }
0x55: {  	_ =	shalt  }
0x56: {  	_ =	shalt  }
0x57: {  	_ =	shalt  }
0x58: {  	_ =	shalt  }
0x59: {  	_ =	shalt  }
0x5a: {  	_ =	shalt  }
0x5b: {  	_ =	shalt  }
0x5c: {  	_ =	shalt  }
0x5d: {  	_ =	shalt  }
0x5e: {  	_ =	shalt  }
0x5f: {  	_ =	shalt  }
0x60: {  	_ =	shalt  }
0x61: {  	_ =	shalt  }
0x62: {  	_ =	shalt  }
0x63: {  	_ =	shalt  }
0x64: {  	_ =	shalt  }
0x65: {  	_ =	shalt  }
0x66: {  	_ =	shalt  }
0x67: {  	_ =	shalt  }
0x68: {  	_ =	shalt  }
0x69: {  	_ =	shalt  }
0x6a: {  	_ =	shalt  }
0x6b: {  	_ =	shalt  }
0x6c: {  	_ =	shalt  }
0x6d: {  	_ =	shalt  }
0x6e: {  	_ =	shalt  }
0x6f: {  	_ =	shalt  }
0x70: {  	_ =	shalt  }
0x71: {  	_ =	shalt  }
0x72: {  	_ =	shalt  }
0x73: {  	_ =	shalt  }
0x74: {  	_ =	shalt  }
0x75: {  	_ =	shalt  }
0x76: {  	_ =	shalt  }
0x77: {  	_ =	shalt  }
0x78: {  	_ =	shalt  }
0x79: {  	_ =	shalt  }
0x7a: {  	_ =	shalt  }
0x7b: {  	_ =	shalt  }
0x7c: {  	_ =	shalt  }
0x7d: {  	_ =	shalt  }
0x7e: {  	_ =	shalt  }
0x7f: {  	_ =	shalt  }
0x80: {  	_ =	shalt  }
0x81: {  	_ =	shalt  }
0x82: {  	_ =	shalt  }
0x83: {  	_ =	shalt  }
0x84: {  	_ =	shalt  }
0x85: {  	_ =	shalt  }
0x86: {  	_ =	shalt  }
0x87: {  	_ =	shalt  }
.Lfunc_end0:
.L_simem_size_0:
called_computation_lowered:
.L_overlay_start_0:
0x88: {  	s2 =	sld [smem:$0x3FD9]  }
0x89: {  	s3 =	sld [smem:$0x3FFE];
	_ =	sdelay $0x1  }
0x8a: {  	s1 =	srdreg.scid  }
0x8b: {  	s0 =	sand.u32 $0x1, s1  }
0x8c: {  	s17 =	sshll.u32 s0, $0xA;
	s2 =	sadd.s32 s3, s2  }
0x8d: {  	s2 =	sadd.s32 s2, s17  }
0x8e: {  	[smem:$0x3FBD] =	sst s2  }
0x8f: {  	_ = 	snop  }
0x90: {  	s2 =	sld [smem:$0x3FC9];
	(tm) =	ssettm $0x1  }
0x91: {  	s18 =	sld [smem:$0x3FFB];
	_ =	sdelay $0x3  }
0x92: {  	_ =	strace s18  }
0x93: {  	s3 =	sld [smem:$0x3FFC];
	_ =	sdelay $0x3  }
0x94: {  	_ =	strace s3  }
0x95: {  	s3 =	sld [smem:$0x3FFD];
	_ =	sdelay $0x3  }
0x96: {  	_ =	strace s3  }
0x97: {  	_ =	strace $0x8FFFFFFF  }
0x98: {  	s19 =	sld [smem:$0x3FDB];
	_ =	sdelay $0x1  }
0x99: {  	s4 =	simm.s32 $_scs_section_size  }
0x9a: {  	s5 =	simm.s32 $_size__tile_overlayer_lowered;
	s6 =	simm.s32 $_tile_overlayer_lowered  }
0x9b: {  	s22 =	simm.s32 $0x1BFF;
	s21 =	sshll.u32 s6, $0x1;
	s3 =	sadd.s32 s4, s19  }
0x9c: {  	s7 =	simm.s32 $0x0;
	s20 =	sshll.u32 s5, $0x1;
	s5 =	sadd.s32 s21, s3  }
0x9d: {  	[timem:s7], [sflag:s22] =	dma.local [hbm:s5], s20  }
0x9e: {  	_ =	swait.ge [sflag:s22], s20  }
0x9f: {  	s4 =	ssub.s32 $0x0, s20;
	[sflag:s22] =	ssyncset.done $0x0  }
0xa0: {  	[sflag:s22] =	ssyncadd.s32 s4;
	_ =	sdelay $0x1  }
0xa1: {  	s23 =	simm.s32 $0x1B8B  }
0xa2: {  	_ =	swait.ge [sflag:s23], $0x1  }
0xa3: {  	[sflag:s23] =	ssyncset.done $0x0  }
0xa4: {  	s25 =	simm.s32 $0x1B8E;
	s24 =	sld [smem:$0x3FFE];
	[sflag:s23] =	ssyncadd.s32 $0xFFFFFFFF  }
0xa5: {  	s26 =	simm.s32 $execute0_lowered;
	[smem:$0x3FD2] =	sst s25  }
0xa6: {  	s5 =	sshll.u32 s26, $0x1;
	_ =	strace $0x80000046;
	[dreg:$0x1] =	wrdreg $0xFFFFFFFF  }
0xa7: {  	s28 =	simm.s32 $_size_execute0_lowered;
	s3 =	sadd.s32 s3, s5;
	[dreg:$0x0] =	wrdreg $0x0  }
0xa8: {  	s5 =	sshll.u32 s28, $0x1;
	[dreg:$0x2] =	wrdreg s3  }
0xa9: {  	[dreg:$0x3] =	wrdreg s5  }
0xaa: {  	[dreg:$0x4] =	wrdreg $0xC0  }
0xab: {  	_ =	task [dreg:s7], $0x5FFFF  }
0xac: {  	[dreg:$0x1] =	wrdreg $0xFFFFFFFF  }
0xad: {  	[dreg:$0x0] =	wrdreg $0x60  }
0xae: {  	[dreg:$0x2] =	wrdreg s2  }
0xaf: {  	[dreg:$0x3] =	wrdreg s24  }
0xb0: {  	[dreg:$0x4] =	wrdreg $0x9  }
0xb1: {  	_ =	task.clear_ibuf [dreg:s7], $0x5FFFF;
	_ =	strace $0x90000046  }
0xb2: {  	s29 =	simm.s32 $0x9;
	_ =	strace $0x80000048  }
0xb3: {  	_ =	swait.ge [sflag:s29], $0x1  }
0xb4: {  	[sflag:s29] =	ssyncadd.s32 $0xFFFFFFFF  }
0xb5: {  	_ =	strace $0x90000048  }
0xb6: {  	_ =	sfence  }
0xb7: {  	s30 =	sld [smem:$0x0];
	_ =	sdelay $0x2  }
0xb8: {  	s31 =	sshll.u32 s1, $0xD;
	s1 =	sshrl.u32 s1, $0x2  }
0xb9: {  	s3 =	sand.u32 $0x4000, s31;
	s1 =	sadd.s32 s1, s30  }
0xba: {  	s0 =	sor.u32 s3, s0;
	s1 =	sshll.u32 s1, $0x11  }
0xbb: {  	s0 =	sor.u32 s1, s0  }
0xbc: {  	s0 =	sadd.s32 $0x8F2B, s0  }
0xbd: {  	[sflag:s0] =	ssyncadd.remote.s32 $0x1  }
0xbe: {  	_ =	sfence.sel $0xFFFF  }
0xbf: {  	[dreg:$0x0] =	wrdreg $0xFFFFFFFF;
	(pc) =	sbr.abs _section_cstart, $3  }
0xc0: {  	[dreg:$0x1] =	wrdreg $0xFFFFFFFF  }
0xc1: {  	_ =	task.clear_ibuf [dreg:s7], $0x2FFFF;
	_ =	strace $0x9FFFFFFF  }
0xc2: {  	(tm) =	ssettm $0x7FFFFFFF  }
0xc3: {  	_ =	shalt  }
tec
execute0_lowered:
.L_overlay_start_1:
0x0: {  	(tag) =	ssettag $0x1  }
0x1: {  	s0 =	srdreg.scid;
	s9 =	stileid.u32  }
0x2: {  	s1 =	sand.u32 $0x1, s0;
	s18 =	sshll.u32 s9, $0x1  }
0x3: {  	s2 =	rddreg [dreg:$0x0];
	s5 =	sor.u32 s1, s18  }
0x4: {  	s4 =	rddreg [dreg:$0x1];
	s0 =	sshll.u32 s5, $0x9  }
0x5: {  	s3 =	simm.s32 $0x0;
	s19 =	sshll.u32 s5, $0x11;
	s6 =	sadd.s32 s0, s4  }
0x6: {  	[smem:$0x7FF] =	sst s3;
	s0 =	sadd.s32 s19, s4;
	s20 =	sadd.s32 $0x1600, s6  }
0x7: {  	_ =	strace $0x80000047;
	s21 =	sadd.s32 $0x5600, s0;
	[dreg:$0x3] =	wrdreg s20  }
0x8: {  	s22 =	sadd.s32 $0x6600, s0;
	[dreg:$0x4] =	wrdreg s21  }
0x9: {  	s23 =	sadd.s32 $0x7600, s0;
	[dreg:$0x5] =	wrdreg s22  }
0xa: {  	s24 =	sadd.s32 $0x8600, s0;
	[dreg:$0x6] =	wrdreg s23  }
0xb: {  	s25 =	sadd.s32 $0x9600, s0;
	[dreg:$0x7] =	wrdreg s24  }
0xc: {  	s26 =	sadd.s32 $0xA600, s0;
	[dreg:$0x8] =	wrdreg s25  }
0xd: {  	s28 =	sadd.s32 $0xB600, s0;
	[dreg:$0x9] =	wrdreg s26  }
0xe: {  	s30 =	sadd.s32 $0xC600, s0;
	[dreg:$0xa] =	wrdreg s28  }
0xf: {  	s31 =	sadd.s32 $0xD600, s0;
	[dreg:$0xb] =	wrdreg s30  }
0x10: {  	s6 =	sadd.s32 $0xE600, s0;
	[dreg:$0xc] =	wrdreg s31  }
0x11: {  	s7 =	sadd.s32 $0xF600, s0;
	[dreg:$0xd] =	wrdreg s6  }
0x12: {  	s8 =	sadd.s32 $0x10600, s0;
	[dreg:$0xe] =	wrdreg s7  }
0x13: {  	s10 =	sadd.s32 $0x11600, s0;
	[dreg:$0xf] =	wrdreg s8  }
0x14: {  	s11 =	sadd.s32 $0x12600, s0;
	[dreg:$0x10] =	wrdreg s10  }
0x15: {  	s12 =	sadd.s32 $0x13600, s0;
	[dreg:$0x11] =	wrdreg s11  }
0x16: {  	s13 =	sadd.s32 $0x14600, s0;
	[dreg:$0x12] =	wrdreg s12  }
0x17: {  	s29 =	simm.s32 $0x1000;
	s14 =	sadd.s32 $0x15600, s0;
	[dreg:$0x13] =	wrdreg s13  }
0x18: {  	s16 =	ssub.s32 $0x2, s1;
	s15 =	sadd.s32 $0x16600, s0;
	[dreg:$0x14] =	wrdreg s14  }
0x19: {  	p1 =	seq.s32 s1, $0x1;
	s17 =	sadd.s32 $0x17600, s0;
	[dreg:$0x15] =	wrdreg s15  }
0x1a: {  	p0 =	seq.s32 s5, $0x0;
	s18 =	sadd.s32 $0x18600, s0;
	[dreg:$0x16] =	wrdreg s17  }
0x1b: {  	s5 =	simm.s32 $0x1;
	s19 =	sadd.s32 $0x19600, s0;
	[dreg:$0x17] =	wrdreg s18  }
0x1c: {  	p0 =	por !p0, !p1;
	[dreg:$0x18] =	wrdreg s19;
	s20 =	sadd.s32 $0x1A600, s0  }
0x1d: {  	s4 =	simm.s32 $0x1;
	s21 =	sadd.s32 $0x1B600, s0;
	[dreg:$0x19] =	wrdreg s20  }
0x1e: {  	p0 =	por !p0, !p0;
	s22 =	sadd.s32 $0x1C600, s0;
	[dreg:$0x1a] =	wrdreg s21  }
0x1f: {  	s7 =	sshrl.u32 s16, $0x1;
	s23 =	sadd.s32 $0x1D600, s0;
	[dreg:$0x1b] =	wrdreg s22  }
0x20: {  	s24 =	sadd.s32 $0x1E600, s0;
	s25 =	sadd.s32 $0x1F600, s0;
	[dreg:$0x1c] =	wrdreg s23  }
0x21: {  	s5 =	simm.s32 @!p0 $0x0;
	s26 =	sadd.s32 $0x20600, s0;
	[dreg:$0x1d] =	wrdreg s24  }
0x22: {  	s28 =	sadd.s32 $0x21600, s0;
	s30 =	sadd.s32 $0x22600, s0;
	[dreg:$0x1e] =	wrdreg s25  }
0x23: {  	s31 =	sadd.s32 $0x23600, s0;
	s6 =	sadd.s32 $0x200, s2;
	[dreg:$0x1f] =	wrdreg s26  }
0x24: {  	s0 =	sadd.s32 $0x24600, s0;
	s18 =	simm.s32 $0x2;
	[smem:$0x7FA] =	sst s28  }
0x25: {  	s19 =	simm.s32 $0x3;
	s8 =	ssub.s32 s16, s7;
	[smem:$0x7FB] =	sst s30  }
0x26: {  	v3 =	vlaneseq.u32;
	s5 =	ssub.s32 s9, s5;
	[smem:$0x7FC] =	sst s31;
	s7 =	sadd.s32 $0x300, s2  }
0x27: {  	vm0 =	vmmov $0xffff;
	v1 =	vand.u32 $0x7, v3;
	v2 =	vshrl.u32 v3, $0x3;
	[smem:$0x7FD] =	sst s0;
	s26 =	simm.s32 $0x9000;
	s15 =	sshll.u32 s5, $0xB  }
0x28: {  	v3 =	vor.u32 $0x8, v3;
	v2 =	vmul.u32 $0x8, v2;
	s20 =	simm.s32 $0x4;
	s5 =	sadd.s32 $0x100, s2;
	s21 =	smax.u32 s8, $0x1;
	v0 =	vmov s15  }
.LBB2_1:
0x29: {  	[smem:$0x7F9] =	sst s21  }
0x2a: {  	s16 =	rddreg [dreg:$0x3];
	s17 =	simm.s32 $0x5  }
0x2b: {  	[tilespmem:s3], [sflag:$0x5] =	stream.linear.gather [hbm4b:s16+s3], $0x1000, $0x38;
	[tilespmem:$0x11000] =	vst v63  }
0x2c: {  	_ =	swait.ge [sflag:s17], $0x1000  }
0x2d: {  	[sflag:s17] =	ssyncset.done $0x0  }
0x2e: {  	[sflag:s17] =	ssyncadd.s32 $0xFFFFF000  }
0x2f: {  	v4 =	vld [tilespmem:$0x0]  }
0x30: {  	v6 =	vld [tilespmem:$0x10]  }
0x31: {  	v7 =	vld [tilespmem:$0x80]  }
0x32: {  	v8 =	vld [tilespmem:$0x90]  }
0x33: {  	v9 =	vld [tilespmem:$0x100]  }
0x34: {  	v10 =	vld [tilespmem:$0x110];
	v5 =	vadd.s32 v0, v4  }
0x35: {  	v11 =	vld [tilespmem:$0x180];
	v6 =	vadd.s32 v0, v6;
	[tilespmem:$0x0] =	vst v5  }
0x36: {  	v55 =	vld [tilespmem:$0x190];
	v54 =	vadd.s32 v0, v7;
	[tilespmem:$0x10] =	vst v6  }
0x37: {  	v57 =	vld [tilespmem:$0x200];
	v56 =	vadd.s32 v0, v8;
	[tilespmem:$0x80] =	vst v54  }
0x38: {  	v59 =	vld [tilespmem:$0x210];
	v58 =	vadd.s32 v0, v9;
	[tilespmem:$0x90] =	vst v56  }
0x39: {  	v61 =	vld [tilespmem:$0x280];
	v60 =	vadd.s32 v0, v10;
	[tilespmem:$0x100] =	vst v58  }
0x3a: {  	v63 =	vld [tilespmem:$0x290];
	v62 =	vadd.s32 v0, v11;
	[tilespmem:$0x110] =	vst v60  }
0x3b: {  	v13 =	vld [tilespmem:$0x300];
	v12 =	vadd.s32 v0, v55;
	[tilespmem:$0x180] =	vst v62  }
0x3c: {  	v15 =	vld [tilespmem:$0x310];
	v14 =	vadd.s32 v0, v57;
	[tilespmem:$0x190] =	vst v12  }
0x3d: {  	v17 =	vld [tilespmem:$0x380];
	v16 =	vadd.s32 v0, v59;
	[tilespmem:$0x200] =	vst v14  }
0x3e: {  	v19 =	vld [tilespmem:$0x390];
	v18 =	vadd.s32 v0, v61;
	[tilespmem:$0x210] =	vst v16  }
0x3f: {  	v21 =	vld [tilespmem:$0x400];
	v20 =	vadd.s32 v0, v63;
	[tilespmem:$0x280] =	vst v18  }
0x40: {  	v23 =	vld [tilespmem:$0x410];
	v22 =	vadd.s32 v0, v13;
	[tilespmem:$0x290] =	vst v20  }
0x41: {  	v25 =	vld [tilespmem:$0x480];
	v24 =	vadd.s32 v0, v15;
	[tilespmem:$0x300] =	vst v22  }
0x42: {  	v27 =	vld [tilespmem:$0x490];
	v26 =	vadd.s32 v0, v17;
	[tilespmem:$0x310] =	vst v24  }
0x43: {  	v29 =	vld [tilespmem:$0x500];
	v28 =	vadd.s32 v0, v19;
	[tilespmem:$0x380] =	vst v26  }
0x44: {  	v31 =	vld [tilespmem:$0x510];
	v30 =	vadd.s32 v0, v21;
	[tilespmem:$0x390] =	vst v28  }
0x45: {  	v33 =	vld [tilespmem:$0x580];
	v32 =	vadd.s32 v0, v23;
	[tilespmem:$0x400] =	vst v30  }
0x46: {  	v35 =	vld [tilespmem:$0x590];
	v34 =	vadd.s32 v0, v25;
	[tilespmem:$0x410] =	vst v32  }
0x47: {  	v37 =	vld [tilespmem:$0x600];
	v36 =	vadd.s32 v0, v27;
	[tilespmem:$0x480] =	vst v34  }
0x48: {  	v39 =	vld [tilespmem:$0x610];
	v38 =	vadd.s32 v0, v29;
	[tilespmem:$0x490] =	vst v36  }
0x49: {  	v41 =	vld [tilespmem:$0x680];
	v40 =	vadd.s32 v0, v31;
	[tilespmem:$0x500] =	vst v38  }
0x4a: {  	v43 =	vld [tilespmem:$0x690];
	v42 =	vadd.s32 v0, v33;
	[tilespmem:$0x510] =	vst v40  }
0x4b: {  	v45 =	vld [tilespmem:$0x700];
	v44 =	vadd.s32 v0, v35;
	[tilespmem:$0x580] =	vst v42  }
0x4c: {  	v47 =	vld [tilespmem:$0x710];
	v46 =	vadd.s32 v0, v37;
	[tilespmem:$0x590] =	vst v44  }
0x4d: {  	v49 =	vld [tilespmem:$0x780];
	v48 =	vadd.s32 v0, v39;
	[tilespmem:$0x600] =	vst v46  }
0x4e: {  	v51 =	vld [tilespmem:$0x790];
	v50 =	vadd.s32 v0, v41;
	[tilespmem:$0x610] =	vst v48  }
0x4f: {  	v53 =	vld [tilespmem:$0x800];
	v52 =	vadd.s32 v0, v43;
	[tilespmem:$0x680] =	vst v50  }
0x50: {  	v55 =	vld [tilespmem:$0x810];
	[tilespmem:$0x690] =	vst v52;
	v54 =	vadd.s32 v0, v45  }
0x51: {  	v57 =	vld [tilespmem:$0x880];
	v56 =	vadd.s32 v0, v47;
	[tilespmem:$0x700] =	vst v54  }
0x52: {  	v59 =	vld [tilespmem:$0x890];
	v58 =	vadd.s32 v0, v49;
	[tilespmem:$0x710] =	vst v56  }
0x53: {  	v61 =	vld [tilespmem:$0x900];
	v60 =	vadd.s32 v0, v51;
	[tilespmem:$0x780] =	vst v58  }
0x54: {  	v63 =	vld [tilespmem:$0x910];
	v62 =	vadd.s32 v0, v53;
	[tilespmem:$0x790] =	vst v60  }
0x55: {  	v13 =	vld [tilespmem:$0x980];
	[tilespmem:$0x800] =	vst v62;
	v12 =	vadd.s32 v0, v55  }
0x56: {  	v15 =	vld [tilespmem:$0x990];
	v14 =	vadd.s32 v0, v57;
	[tilespmem:$0x810] =	vst v12  }
0x57: {  	v17 =	vld [tilespmem:$0xA00];
	v16 =	vadd.s32 v0, v59;
	[tilespmem:$0x880] =	vst v14  }
0x58: {  	v19 =	vld [tilespmem:$0xA10];
	v18 =	vadd.s32 v0, v61;
	[tilespmem:$0x890] =	vst v16  }
0x59: {  	v21 =	vld [tilespmem:$0xA80];
	v20 =	vadd.s32 v0, v63;
	[tilespmem:$0x900] =	vst v18  }
0x5a: {  	v23 =	vld [tilespmem:$0xA90];
	v22 =	vadd.s32 v0, v13;
	[tilespmem:$0x910] =	vst v20  }
0x5b: {  	v25 =	vld [tilespmem:$0xB00];
	v24 =	vadd.s32 v0, v15;
	[tilespmem:$0x980] =	vst v22  }
0x5c: {  	v27 =	vld [tilespmem:$0xB10];
	v26 =	vadd.s32 v0, v17;
	[tilespmem:$0x990] =	vst v24  }
0x5d: {  	v29 =	vld [tilespmem:$0xB80];
	v28 =	vadd.s32 v0, v19;
	[tilespmem:$0xA00] =	vst v26  }
0x5e: {  	v31 =	vld [tilespmem:$0xB90];
	v30 =	vadd.s32 v0, v21;
	[tilespmem:$0xA10] =	vst v28  }
0x5f: {  	v33 =	vld [tilespmem:$0xC00];
	v32 =	vadd.s32 v0, v23;
	[tilespmem:$0xA80] =	vst v30  }
0x60: {  	v35 =	vld [tilespmem:$0xC10];
	v34 =	vadd.s32 v0, v25;
	[tilespmem:$0xA90] =	vst v32  }
0x61: {  	v37 =	vld [tilespmem:$0xC80];
	v36 =	vadd.s32 v0, v27;
	[tilespmem:$0xB00] =	vst v34  }
0x62: {  	v39 =	vld [tilespmem:$0xC90];
	v38 =	vadd.s32 v0, v29;
	[tilespmem:$0xB10] =	vst v36  }
0x63: {  	v41 =	vld [tilespmem:$0xD00];
	v40 =	vadd.s32 v0, v31;
	[tilespmem:$0xB80] =	vst v38  }
0x64: {  	v43 =	vld [tilespmem:$0xD10];
	v42 =	vadd.s32 v0, v33;
	[tilespmem:$0xB90] =	vst v40  }
0x65: {  	v45 =	vld [tilespmem:$0xD80];
	v44 =	vadd.s32 v0, v35;
	[tilespmem:$0xC00] =	vst v42  }
0x66: {  	v47 =	vld [tilespmem:$0xD90];
	v46 =	vadd.s32 v0, v37;
	[tilespmem:$0xC10] =	vst v44  }
0x67: {  	v49 =	vld [tilespmem:$0xE00];
	v48 =	vadd.s32 v0, v39;
	[tilespmem:$0xC80] =	vst v46  }
0x68: {  	v51 =	vld [tilespmem:$0xE10];
	v50 =	vadd.s32 v0, v41;
	[tilespmem:$0xC90] =	vst v48  }
0x69: {  	v53 =	vld [tilespmem:$0xE80];
	v52 =	vadd.s32 v0, v43;
	[tilespmem:$0xD00] =	vst v50  }
0x6a: {  	v55 =	vld [tilespmem:$0xE90];
	[tilespmem:$0xD10] =	vst v52;
	v54 =	vadd.s32 v0, v45  }
0x6b: {  	v5 =	vshll.u32 v5, $0x3;
	v57 =	vld [tilespmem:$0xF00];
	v56 =	vadd.s32 v0, v47;
	[tilespmem:$0xD80] =	vst v54  }
0x6c: {  	v4 =	vand.u32 $0x7, v4;
	v5 =	vand.u32 $0xFFFFFFC0, v5;
	v59 =	vld [tilespmem:$0xF10];
	v58 =	vadd.s32 v0, v49;
	[tilespmem:$0xD90] =	vst v56  }
0x6d: {  	v4 =	vor.u32 v4, v5;
	v61 =	vld [tilespmem:$0xF80];
	v60 =	vadd.s32 v0, v51;
	[tilespmem:$0xE00] =	vst v58  }
0x6e: {  	v62 =	vld [tilespmem:$0xF90];
	v63 =	vperm.xlane v4, v1;
	v5 =	vadd.s32 v0, v53;
	[tilespmem:$0xE10] =	vst v60  }
0x6f: {  	[tilespmem:$0xE80] =	vst v5;
	v5 =	vadd.s32 v0, v55  }
0x70: {  	v8 =	vadd.s32 v2, v63;
	[tilespmem:$0xE90] =	vst v5;
	v5 =	vadd.s32 v0, v57  }
0x71: {  	[tilespmem:$0xF00] =	vst v5;
	v5 =	vadd.s32 v0, v59  }
0x72: {  	[tilespmem:$0xF10] =	vst v5;
	v5 =	vadd.s32 v0, v61  }
0x73: {  	[tilespmem:$0xF80] =	vst v5;
	v5 =	vadd.s32 v0, v62  }
0x74: {  	[tilespmem:$0xF90] =	vst v5  }
0x75: {  	[tilespmem:s29], [sflag:$0x1] =	stream.indirect_vreg.gather [hbm4b:s2+s3], $0x80, v8, vm0, $0xb8;
	[tilespmem:$0x11000] =	vst v63  }
0x76: {  	s0 =	simm.s32 $0x1800;
	v4 =	vperm.xlane v4, v3  }
0x77: {  	[tilespmem:s0], [sflag:$0x1] =	stream.indirect_vreg.gather [hbm4b:s5+s3], $0x80, v8, vm0, $0xb8;
	[tilespmem:$0x11000] =	vst v63  }
0x78: {  	s22 =	simm.s32 $0x2000;
	v4 =	vadd.s32 v2, v4  }
0x79: {  	[tilespmem:s22], [sflag:$0x1] =	stream.indirect_vreg.gather [hbm4b:s6+s3], $0x80, v8, vm0, $0xb8;
	[tilespmem:$0x11000] =	vst v63  }
0x7a: {  	s23 =	simm.s32 $0x2800  }
0x7b: {  	[tilespmem:s23], [sflag:$0x1] =	stream.indirect_vreg.gather [hbm4b:s7+s3], $0x80, v8, vm0, $0xb8;
	[tilespmem:$0x11000] =	vst v63  }
0x7c: {  	s24 =	simm.s32 $0x3000  }
0x7d: {  	[tilespmem:s24], [sflag:$0x1] =	stream.indirect_vreg.gather [hbm4b:s2+s3], $0x80, v4, vm0, $0xb8;
	[tilespmem:$0x11000] =	vst v63  }
0x7e: {  	s25 =	simm.s32 $0x3800  }
0x7f: {  	[tilespmem:s25], [sflag:$0x1] =	stream.indirect_vreg.gather [hbm4b:s5+s3], $0x80, v4, vm0, $0xb8;
	[tilespmem:$0x11000] =	vst v63  }
0x80: {  	s28 =	simm.s32 $0x4000  }
0x81: {  	[tilespmem:s28], [sflag:$0x1] =	stream.indirect_vreg.gather [hbm4b:s6+s3], $0x80, v4, vm0, $0xb8;
	[tilespmem:$0x11000] =	vst v63  }
0x82: {  	s30 =	simm.s32 $0x4800  }
0x83: {  	[tilespmem:s30], [sflag:$0x1] =	stream.indirect_vreg.gather [hbm4b:s7+s3], $0x80, v4, vm0, $0xb8;
	[tilespmem:$0x11000] =	vst v63  }
0x84: {  	v4 =	vld [tilespmem:$0x10];
	_ =	sdelay $0x4  }
0x85: {  	v5 =	vshll.u32 v4, $0x3  }
0x86: {  	v4 =	vand.u32 $0x7, v4;
	v5 =	vand.u32 $0xFFFFFFC0, v5  }
0x87: {  	v4 =	vor.u32 v4, v5  }
0x88: {  	v5 =	vperm.xlane v4, v1;
	_ =	sdelay $0x1  }
0x89: {  	v5 =	vadd.s32 v2, v5;
	_ =	sdelay $0x3  }
0x8a: {  	s31 =	simm.s32 $0x5000  }
0x8b: {  	[tilespmem:s31], [sflag:$0x1] =	stream.indirect_vreg.gather [hbm4b:s2+s3], $0x80, v5, vm0, $0xb8;
	[tilespmem:$0x11000] =	vst v63  }
0x8c: {  	s1 =	simm.s32 $0x5800;
	v4 =	vperm.xlane v4, v3  }
0x8d: {  	[tilespmem:s1], [sflag:$0x1] =	stream.indirect_vreg.gather [hbm4b:s5+s3], $0x80, v5, vm0, $0xb8;
	[tilespmem:$0x11000] =	vst v63  }
0x8e: {  	s9 =	simm.s32 $0x6000;
	v4 =	vadd.s32 v2, v4  }
0x8f: {  	[tilespmem:s9], [sflag:$0x1] =	stream.indirect_vreg.gather [hbm4b:s6+s3], $0x80, v5, vm0, $0xb8;
	[tilespmem:$0x11000] =	vst v63  }
0x90: {  	s16 =	simm.s32 $0x6800  }
0x91: {  	[tilespmem:s16], [sflag:$0x1] =	stream.indirect_vreg.gather [hbm4b:s7+s3], $0x80, v5, vm0, $0xb8;
	[tilespmem:$0x11000] =	vst v63  }
0x92: {  	s17 =	simm.s32 $0x7000  }
0x93: {  	[tilespmem:s17], [sflag:$0x1] =	stream.indirect_vreg.gather [hbm4b:s2+s3], $0x80, v4, vm0, $0xb8;
	[tilespmem:$0x11000] =	vst v63  }
0x94: {  	s21 =	simm.s32 $0x7800  }
0x95: {  	[tilespmem:s21], [sflag:$0x1] =	stream.indirect_vreg.gather [hbm4b:s5+s3], $0x80, v4, vm0, $0xb8;
	[tilespmem:$0x11000] =	vst v63  }
0x96: {  	s22 =	simm.s32 $0x8000  }
0x97: {  	[tilespmem:s22], [sflag:$0x1] =	stream.indirect_vreg.gather [hbm4b:s6+s3], $0x80, v4, vm0, $0xb8;
	[tilespmem:$0x11000] =	vst v63  }
0x98: {  	s23 =	simm.s32 $0x8800  }
0x99: {  	[tilespmem:s23], [sflag:$0x1] =	stream.indirect_vreg.gather [hbm4b:s7+s3], $0x80, v4, vm0, $0xb8;
	[tilespmem:$0x11000] =	vst v63  }
0x9a: {  	_ =	swait.ge [sflag:s4], $0x8000  }
0x9b: {  	[sflag:s4] =	ssyncset.done $0x0  }
0x9c: {  	s24 =	rddreg [dreg:$0x4];
	[sflag:s4] =	ssyncadd.s32 $0xFFFF8000  }
0x9d: {  	[hbm4b:s24+s3] =	stream.linear.scatter [tilespmem:s29], [sflag:$0x3], $0x8000, $0x38;
	[tilespmem:$0x11000] =	vst v63  }
0x9e: {  	v4 =	vld [tilespmem:$0x80];
	_ =	sdelay $0x4  }
0x9f: {  	v5 =	vshll.u32 v4, $0x3  }
0xa0: {  	v4 =	vand.u32 $0x7, v4;
	v5 =	vand.u32 $0xFFFFFFC0, v5  }
0xa1: {  	v4 =	vor.u32 v4, v5  }
0xa2: {  	v5 =	vperm.xlane v4, v1;
	_ =	sdelay $0x1  }
0xa3: {  	v5 =	vadd.s32 v2, v5;
	_ =	sdelay $0x4  }
0xa4: {  	[tilespmem:s26], [sflag:$0x2] =	stream.indirect_vreg.gather [hbm4b:s2+s3], $0x80, v5, vm0, $0xb8;
	[tilespmem:$0x11000] =	vst v63  }
0xa5: {  	s25 =	simm.s32 $0x9800;
	v4 =	vperm.xlane v4, v3  }
0xa6: {  	[tilespmem:s25], [sflag:$0x2] =	stream.indirect_vreg.gather [hbm4b:s5+s3], $0x80, v5, vm0, $0xb8;
	[tilespmem:$0x11000] =	vst v63  }
0xa7: {  	s28 =	simm.s32 $0xA000;
	v4 =	vadd.s32 v2, v4  }
0xa8: {  	[tilespmem:s28], [sflag:$0x2] =	stream.indirect_vreg.gather [hbm4b:s6+s3], $0x80, v5, vm0, $0xb8;
	[tilespmem:$0x11000] =	vst v63  }
0xa9: {  	s30 =	simm.s32 $0xA800  }
0xaa: {  	[tilespmem:s30], [sflag:$0x2] =	stream.indirect_vreg.gather [hbm4b:s7+s3], $0x80, v5, vm0, $0xb8;
	[tilespmem:$0x11000] =	vst v63  }
0xab: {  	s31 =	simm.s32 $0xB000  }
0xac: {  	[tilespmem:s31], [sflag:$0x2] =	stream.indirect_vreg.gather [hbm4b:s2+s3], $0x80, v4, vm0, $0xb8;
	[tilespmem:$0x11000] =	vst v63  }
0xad: {  	s9 =	simm.s32 $0xB800  }
0xae: {  	[tilespmem:s9], [sflag:$0x2] =	stream.indirect_vreg.gather [hbm4b:s5+s3], $0x80, v4, vm0, $0xb8;
	[tilespmem:$0x11000] =	vst v63  }
0xaf: {  	s16 =	simm.s32 $0xC000  }
0xb0: {  	[tilespmem:s16], [sflag:$0x2] =	stream.indirect_vreg.gather [hbm4b:s6+s3], $0x80, v4, vm0, $0xb8;
	[tilespmem:$0x11000] =	vst v63  }
0xb1: {  	s17 =	simm.s32 $0xC800  }
0xb2: {  	[tilespmem:s17], [sflag:$0x2] =	stream.indirect_vreg.gather [hbm4b:s7+s3], $0x80, v4, vm0, $0xb8;
	[tilespmem:$0x11000] =	vst v63  }
0xb3: {  	v4 =	vld [tilespmem:$0x90];
	_ =	sdelay $0x4  }
0xb4: {  	v5 =	vshll.u32 v4, $0x3  }
0xb5: {  	v4 =	vand.u32 $0x7, v4;
	v5 =	vand.u32 $0xFFFFFFC0, v5  }
0xb6: {  	v4 =	vor.u32 v4, v5  }
0xb7: {  	v5 =	vperm.xlane v4, v1;
	_ =	sdelay $0x1  }
0xb8: {  	v5 =	vadd.s32 v2, v5;
	_ =	sdelay $0x3  }
0xb9: {  	s22 =	simm.s32 $0xD000  }
0xba: {  	[tilespmem:s22], [sflag:$0x2] =	stream.indirect_vreg.gather [hbm4b:s2+s3], $0x80, v5, vm0, $0xb8;
	[tilespmem:$0x11000] =	vst v63  }
0xbb: {  	s23 =	simm.s32 $0xD800;
	v4 =	vperm.xlane v4, v3  }
0xbc: {  	[tilespmem:s23], [sflag:$0x2] =	stream.indirect_vreg.gather [hbm4b:s5+s3], $0x80, v5, vm0, $0xb8;
	[tilespmem:$0x11000] =	vst v63  }
0xbd: {  	s24 =	simm.s32 $0xE000;
	v4 =	vadd.s32 v2, v4  }
0xbe: {  	[tilespmem:s24], [sflag:$0x2] =	stream.indirect_vreg.gather [hbm4b:s6+s3], $0x80, v5, vm0, $0xb8;
	[tilespmem:$0x11000] =	vst v63  }
0xbf: {  	s25 =	simm.s32 $0xE800  }
0xc0: {  	[tilespmem:s25], [sflag:$0x2] =	stream.indirect_vreg.gather [hbm4b:s7+s3], $0x80, v5, vm0, $0xb8;
	[tilespmem:$0x11000] =	vst v63  }
0xc1: {  	s0 =	simm.s32 $0xF000  }
0xc2: {  	[tilespmem:s0], [sflag:$0x2] =	stream.indirect_vreg.gather [hbm4b:s2+s3], $0x80, v4, vm0, $0xb8;
	[tilespmem:$0x11000] =	vst v63  }
0xc3: {  	s9 =	simm.s32 $0xF800  }
0xc4: {  	[tilespmem:s9], [sflag:$0x2] =	stream.indirect_vreg.gather [hbm4b:s5+s3], $0x80, v4, vm0, $0xb8;
	[tilespmem:$0x11000] =	vst v63  }
0xc5: {  	s16 =	simm.s32 $0x10000  }
0xc6: {  	[tilespmem:s16], [sflag:$0x2] =	stream.indirect_vreg.gather [hbm4b:s6+s3], $0x80, v4, vm0, $0xb8;
	[tilespmem:$0x11000] =	vst v63  }
0xc7: {  	s24 =	simm.s32 $0x10800  }
0xc8: {  	[tilespmem:s24], [sflag:$0x2] =	stream.indirect_vreg.gather [hbm4b:s7+s3], $0x80, v4, vm0, $0xb8;
	[tilespmem:$0x11000] =	vst v63  }
0xc9: {  	_ =	swait.ge [sflag:s18], $0x8000  }
0xca: {  	[sflag:s18] =	ssyncset.done $0x0  }
0xcb: {  	s25 =	rddreg [dreg:$0x5];
	[sflag:s18] =	ssyncadd.s32 $0xFFFF8000  }
0xcc: {  	[hbm4b:s25+s3] =	stream.linear.scatter [tilespmem:s26], [sflag:$0x4], $0x8000, $0x38;
	[tilespmem:$0x11000] =	vst v63  }
0xcd: {  	_ =	swait.ge [sflag:s19], $0x8000  }
0xce: {  	[sflag:s19] =	ssyncset.done $0x0  }
0xcf: {  	[sflag:s19] =	ssyncadd.s32 $0xFFFF8000  }
0xd0: {  	v4 =	vld [tilespmem:$0x100];
	_ =	sdelay $0x4  }
0xd1: {  	v5 =	vshll.u32 v4, $0x3  }
0xd2: {  	v4 =	vand.u32 $0x7, v4;
	v5 =	vand.u32 $0xFFFFFFC0, v5  }
0xd3: {  	v4 =	vor.u32 v4, v5  }
0xd4: {  	v5 =	vperm.xlane v4, v1;
	_ =	sdelay $0x1  }
0xd5: {  	v5 =	vadd.s32 v2, v5;
	_ =	sdelay $0x4  }
0xd6: {  	[tilespmem:s29], [sflag:$0x1] =	stream.indirect_vreg.gather [hbm4b:s2+s3], $0x80, v5, vm0, $0xb8;
	[tilespmem:$0x11000] =	vst v63  }
0xd7: {  	s8 =	simm.s32 $0x1800;
	v4 =	vperm.xlane v4, v3  }
0xd8: {  	[tilespmem:s8], [sflag:$0x1] =	stream.indirect_vreg.gather [hbm4b:s5+s3], $0x80, v5, vm0, $0xb8;
	[tilespmem:$0x11000] =	vst v63  }
0xd9: {  	v4 =	vadd.s32 v2, v4;
	s8 =	simm.s32 $0x2000  }
0xda: {  	[tilespmem:s8], [sflag:$0x1] =	stream.indirect_vreg.gather [hbm4b:s6+s3], $0x80, v5, vm0, $0xb8;
	[tilespmem:$0x11000] =	vst v63  }
0xdb: {  	s9 =	simm.s32 $0x2800  }
0xdc: {  	[tilespmem:s9], [sflag:$0x1] =	stream.indirect_vreg.gather [hbm4b:s7+s3], $0x80, v5, vm0, $0xb8;
	[tilespmem:$0x11000] =	vst v63  }
0xdd: {  	s10 =	simm.s32 $0x3000  }
0xde: {  	[tilespmem:s10], [sflag:$0x1] =	stream.indirect_vreg.gather [hbm4b:s2+s3], $0x80, v4, vm0, $0xb8;
	[tilespmem:$0x11000] =	vst v63  }
0xdf: {  	s11 =	simm.s32 $0x3800  }
0xe0: {  	[tilespmem:s11], [sflag:$0x1] =	stream.indirect_vreg.gather [hbm4b:s5+s3], $0x80, v4, vm0, $0xb8;
	[tilespmem:$0x11000] =	vst v63  }
0xe1: {  	s12 =	simm.s32 $0x4000  }
0xe2: {  	[tilespmem:s12], [sflag:$0x1] =	stream.indirect_vreg.gather [hbm4b:s6+s3], $0x80, v4, vm0, $0xb8;
	[tilespmem:$0x11000] =	vst v63  }
0xe3: {  	s14 =	simm.s32 $0x4800  }
0xe4: {  	[tilespmem:s14], [sflag:$0x1] =	stream.indirect_vreg.gather [hbm4b:s7+s3], $0x80, v4, vm0, $0xb8;
	[tilespmem:$0x11000] =	vst v63  }
0xe5: {  	v4 =	vld [tilespmem:$0x110];
	_ =	sdelay $0x4  }
0xe6: {  	v5 =	vshll.u32 v4, $0x3  }
0xe7: {  	v4 =	vand.u32 $0x7, v4;
	v5 =	vand.u32 $0xFFFFFFC0, v5  }
0xe8: {  	v4 =	vor.u32 v4, v5  }
0xe9: {  	v5 =	vperm.xlane v4, v1;
	_ =	sdelay $0x1  }
0xea: {  	v5 =	vadd.s32 v2, v5;
	_ =	sdelay $0x3  }
0xeb: {  	s15 =	simm.s32 $0x5000  }
0xec: {  	[tilespmem:s15], [sflag:$0x1] =	stream.indirect_vreg.gather [hbm4b:s2+s3], $0x80, v5, vm0, $0xb8;
	[tilespmem:$0x11000] =	vst v63  }
0xed: {  	s13 =	simm.s32 $0x5800;
	v4 =	vperm.xlane v4, v3  }
0xee: {  	[tilespmem:s13], [sflag:$0x1] =	stream.indirect_vreg.gather [hbm4b:s5+s3], $0x80, v5, vm0, $0xb8;
	[tilespmem:$0x11000] =	vst v63  }
0xef: {  	s10 =	simm.s32 $0x6000;
	v4 =	vadd.s32 v2, v4  }
0xf0: {  	[tilespmem:s10], [sflag:$0x1] =	stream.indirect_vreg.gather [hbm4b:s6+s3], $0x80, v5, vm0, $0xb8;
	[tilespmem:$0x11000] =	vst v63  }
0xf1: {  	s11 =	simm.s32 $0x6800  }
0xf2: {  	[tilespmem:s11], [sflag:$0x1] =	stream.indirect_vreg.gather [hbm4b:s7+s3], $0x80, v5, vm0, $0xb8;
	[tilespmem:$0x11000] =	vst v63  }
0xf3: {  	s12 =	simm.s32 $0x7000  }
0xf4: {  	[tilespmem:s12], [sflag:$0x1] =	stream.indirect_vreg.gather [hbm4b:s2+s3], $0x80, v4, vm0, $0xb8;
	[tilespmem:$0x11000] =	vst v63  }
0xf5: {  	s13 =	simm.s32 $0x7800  }
0xf6: {  	[tilespmem:s13], [sflag:$0x1] =	stream.indirect_vreg.gather [hbm4b:s5+s3], $0x80, v4, vm0, $0xb8;
	[tilespmem:$0x11000] =	vst v63  }
0xf7: {  	s14 =	simm.s32 $0x8000  }
0xf8: {  	[tilespmem:s14], [sflag:$0x1] =	stream.indirect_vreg.gather [hbm4b:s6+s3], $0x80, v4, vm0, $0xb8;
	[tilespmem:$0x11000] =	vst v63  }
0xf9: {  	s15 =	simm.s32 $0x8800  }
0xfa: {  	[tilespmem:s15], [sflag:$0x1] =	stream.indirect_vreg.gather [hbm4b:s7+s3], $0x80, v4, vm0, $0xb8;
	[tilespmem:$0x11000] =	vst v63  }
0xfb: {  	_ =	swait.ge [sflag:s4], $0x8000  }
0xfc: {  	[sflag:s4] =	ssyncset.done $0x0  }
0xfd: {  	s0 =	rddreg [dreg:$0x6];
	[sflag:s4] =	ssyncadd.s32 $0xFFFF8000  }
0xfe: {  	[hbm4b:s0+s3] =	stream.linear.scatter [tilespmem:s29], [sflag:$0x3], $0x8000, $0x38;
	[tilespmem:$0x11000] =	vst v63  }
0xff: {  	_ =	swait.ge [sflag:s20], $0x8000  }
0x100: {  	[sflag:s20] =	ssyncset.done $0x0  }
0x101: {  	[sflag:s20] =	ssyncadd.s32 $0xFFFF8000  }
0x102: {  	v4 =	vld [tilespmem:$0x180];
	_ =	sdelay $0x4  }
0x103: {  	v5 =	vshll.u32 v4, $0x3  }
0x104: {  	v4 =	vand.u32 $0x7, v4;
	v5 =	vand.u32 $0xFFFFFFC0, v5  }
0x105: {  	v4 =	vor.u32 v4, v5  }
0x106: {  	v5 =	vperm.xlane v4, v1;
	_ =	sdelay $0x1  }
0x107: {  	v5 =	vadd.s32 v2, v5;
	_ =	sdelay $0x4  }
0x108: {  	[tilespmem:s26], [sflag:$0x2] =	stream.indirect_vreg.gather [hbm4b:s2+s3], $0x80, v5, vm0, $0xb8;
	[tilespmem:$0x11000] =	vst v63  }
0x109: {  	s1 =	simm.s32 $0x9800;
	v4 =	vperm.xlane v4, v3  }
0x10a: {  	[tilespmem:s1], [sflag:$0x2] =	stream.indirect_vreg.gather [hbm4b:s5+s3], $0x80, v5, vm0, $0xb8;
	[tilespmem:$0x11000] =	vst v63  }
0x10b: {  	s0 =	simm.s32 $0xA000;
	v4 =	vadd.s32 v2, v4  }
0x10c: {  	[tilespmem:s0], [sflag:$0x2] =	stream.indirect_vreg.gather [hbm4b:s6+s3], $0x80, v5, vm0, $0xb8;
	[tilespmem:$0x11000] =	vst v63  }
0x10d: {  	s1 =	simm.s32 $0xA800  }
0x10e: {  	[tilespmem:s1], [sflag:$0x2] =	stream.indirect_vreg.gather [hbm4b:s7+s3], $0x80, v5, vm0, $0xb8;
	[tilespmem:$0x11000] =	vst v63  }
0x10f: {  	s31 =	simm.s32 $0xB000  }
0x110: {  	[tilespmem:s31], [sflag:$0x2] =	stream.indirect_vreg.gather [hbm4b:s2+s3], $0x80, v4, vm0, $0xb8;
	[tilespmem:$0x11000] =	vst v63  }
0x111: {  	s28 =	simm.s32 $0xB800  }
0x112: {  	[tilespmem:s28], [sflag:$0x2] =	stream.indirect_vreg.gather [hbm4b:s5+s3], $0x80, v4, vm0, $0xb8;
	[tilespmem:$0x11000] =	vst v63  }
0x113: {  	s30 =	simm.s32 $0xC000  }
0x114: {  	[tilespmem:s30], [sflag:$0x2] =	stream.indirect_vreg.gather [hbm4b:s6+s3], $0x80, v4, vm0, $0xb8;
	[tilespmem:$0x11000] =	vst v63  }
0x115: {  	s17 =	simm.s32 $0xC800  }
0x116: {  	[tilespmem:s17], [sflag:$0x2] =	stream.indirect_vreg.gather [hbm4b:s7+s3], $0x80, v4, vm0, $0xb8;
	[tilespmem:$0x11000] =	vst v63  }
0x117: {  	v4 =	vld [tilespmem:$0x190];
	_ =	sdelay $0x4  }
0x118: {  	v5 =	vshll.u32 v4, $0x3  }
0x119: {  	v4 =	vand.u32 $0x7, v4;
	v5 =	vand.u32 $0xFFFFFFC0, v5  }
0x11a: {  	v4 =	vor.u32 v4, v5  }
0x11b: {  	v5 =	vperm.xlane v4, v1;
	_ =	sdelay $0x1  }
0x11c: {  	v5 =	vadd.s32 v2, v5;
	_ =	sdelay $0x3  }
0x11d: {  	s22 =	simm.s32 $0xD000  }
0x11e: {  	[tilespmem:s22], [sflag:$0x2] =	stream.indirect_vreg.gather [hbm4b:s2+s3], $0x80, v5, vm0, $0xb8;
	[tilespmem:$0x11000] =	vst v63  }
0x11f: {  	s23 =	simm.s32 $0xD800;
	v4 =	vperm.xlane v4, v3  }
0x120: {  	[tilespmem:s23], [sflag:$0x2] =	stream.indirect_vreg.gather [hbm4b:s5+s3], $0x80, v5, vm0, $0xb8;
	[tilespmem:$0x11000] =	vst v63  }
0x121: {  	v4 =	vadd.s32 v2, v4;
	s22 =	simm.s32 $0xE000  }
0x122: {  	[tilespmem:s22], [sflag:$0x2] =	stream.indirect_vreg.gather [hbm4b:s6+s3], $0x80, v5, vm0, $0xb8;
	[tilespmem:$0x11000] =	vst v63  }
0x123: {  	s23 =	simm.s32 $0xE800  }
0x124: {  	[tilespmem:s23], [sflag:$0x2] =	stream.indirect_vreg.gather [hbm4b:s7+s3], $0x80, v5, vm0, $0xb8;
	[tilespmem:$0x11000] =	vst v63  }
0x125: {  	s28 =	simm.s32 $0xF000  }
0x126: {  	[tilespmem:s28], [sflag:$0x2] =	stream.indirect_vreg.gather [hbm4b:s2+s3], $0x80, v4, vm0, $0xb8;
	[tilespmem:$0x11000] =	vst v63  }
0x127: {  	s22 =	simm.s32 $0xF800  }
0x128: {  	[tilespmem:s22], [sflag:$0x2] =	stream.indirect_vreg.gather [hbm4b:s5+s3], $0x80, v4, vm0, $0xb8;
	[tilespmem:$0x11000] =	vst v63  }
0x129: {  	s28 =	simm.s32 $0x10000  }
0x12a: {  	[tilespmem:s28], [sflag:$0x2] =	stream.indirect_vreg.gather [hbm4b:s6+s3], $0x80, v4, vm0, $0xb8;
	[tilespmem:$0x11000] =	vst v63  }
0x12b: {  	s16 =	simm.s32 $0x10800  }
0x12c: {  	[tilespmem:s16], [sflag:$0x2] =	stream.indirect_vreg.gather [hbm4b:s7+s3], $0x80, v4, vm0, $0xb8;
	[tilespmem:$0x11000] =	vst v63  }
0x12d: {  	_ =	swait.ge [sflag:s18], $0x8000  }
0x12e: {  	[sflag:s18] =	ssyncset.done $0x0  }
0x12f: {  	s21 =	rddreg [dreg:$0x7];
	[sflag:s18] =	ssyncadd.s32 $0xFFFF8000  }
0x130: {  	[hbm4b:s21+s3] =	stream.linear.scatter [tilespmem:s26], [sflag:$0x4], $0x8000, $0x38;
	[tilespmem:$0x11000] =	vst v63  }
0x131: {  	_ =	swait.ge [sflag:s19], $0x8000  }
0x132: {  	[sflag:s19] =	ssyncset.done $0x0  }
0x133: {  	[sflag:s19] =	ssyncadd.s32 $0xFFFF8000  }
0x134: {  	v4 =	vld [tilespmem:$0x200];
	_ =	sdelay $0x4  }
0x135: {  	v5 =	vshll.u32 v4, $0x3  }
0x136: {  	v4 =	vand.u32 $0x7, v4;
	v5 =	vand.u32 $0xFFFFFFC0, v5  }
0x137: {  	v4 =	vor.u32 v4, v5  }
0x138: {  	v5 =	vperm.xlane v4, v1;
	_ =	sdelay $0x1  }
0x139: {  	v5 =	vadd.s32 v2, v5;
	_ =	sdelay $0x4  }
0x13a: {  	[tilespmem:s29], [sflag:$0x1] =	stream.indirect_vreg.gather [hbm4b:s2+s3], $0x80, v5, vm0, $0xb8;
	[tilespmem:$0x11000] =	vst v63  }
0x13b: {  	s21 =	simm.s32 $0x1800;
	v4 =	vperm.xlane v4, v3  }
0x13c: {  	[tilespmem:s21], [sflag:$0x1] =	stream.indirect_vreg.gather [hbm4b:s5+s3], $0x80, v5, vm0, $0xb8;
	[tilespmem:$0x11000] =	vst v63  }
0x13d: {  	v4 =	vadd.s32 v2, v4  }
0x13e: {  	[tilespmem:s8], [sflag:$0x1] =	stream.indirect_vreg.gather [hbm4b:s6+s3], $0x80, v5, vm0, $0xb8;
	[tilespmem:$0x11000] =	vst v63  }
0x13f: {  	_ = 	snop  }
0x140: {  	[tilespmem:s9], [sflag:$0x1] =	stream.indirect_vreg.gather [hbm4b:s7+s3], $0x80, v5, vm0, $0xb8;
	[tilespmem:$0x11000] =	vst v63  }
0x141: {  	s21 =	simm.s32 $0x3000  }
0x142: {  	[tilespmem:s21], [sflag:$0x1] =	stream.indirect_vreg.gather [hbm4b:s2+s3], $0x80, v4, vm0, $0xb8;
	[tilespmem:$0x11000] =	vst v63  }
0x143: {  	s21 =	simm.s32 $0x3800  }
0x144: {  	[tilespmem:s21], [sflag:$0x1] =	stream.indirect_vreg.gather [hbm4b:s5+s3], $0x80, v4, vm0, $0xb8;
	[tilespmem:$0x11000] =	vst v63  }
0x145: {  	s21 =	simm.s32 $0x4000  }
0x146: {  	[tilespmem:s21], [sflag:$0x1] =	stream.indirect_vreg.gather [hbm4b:s6+s3], $0x80, v4, vm0, $0xb8;
	[tilespmem:$0x11000] =	vst v63  }
0x147: {  	s21 =	simm.s32 $0x4800  }
0x148: {  	[tilespmem:s21], [sflag:$0x1] =	stream.indirect_vreg.gather [hbm4b:s7+s3], $0x80, v4, vm0, $0xb8;
	[tilespmem:$0x11000] =	vst v63  }
0x149: {  	v4 =	vld [tilespmem:$0x210];
	_ =	sdelay $0x4  }
0x14a: {  	v5 =	vshll.u32 v4, $0x3  }
0x14b: {  	v4 =	vand.u32 $0x7, v4;
	v5 =	vand.u32 $0xFFFFFFC0, v5  }
0x14c: {  	v4 =	vor.u32 v4, v5  }
0x14d: {  	v5 =	vperm.xlane v4, v1;
	_ =	sdelay $0x1  }
0x14e: {  	v5 =	vadd.s32 v2, v5;
	_ =	sdelay $0x3  }
0x14f: {  	s21 =	simm.s32 $0x5000  }
0x150: {  	[tilespmem:s21], [sflag:$0x1] =	stream.indirect_vreg.gather [hbm4b:s2+s3], $0x80, v5, vm0, $0xb8;
	[tilespmem:$0x11000] =	vst v63  }
0x151: {  	v4 =	vperm.xlane v4, v3;
	s21 =	simm.s32 $0x5800  }
0x152: {  	[tilespmem:s21], [sflag:$0x1] =	stream.indirect_vreg.gather [hbm4b:s5+s3], $0x80, v5, vm0, $0xb8;
	[tilespmem:$0x11000] =	vst v63  }
0x153: {  	v4 =	vadd.s32 v2, v4  }
0x154: {  	[tilespmem:s10], [sflag:$0x1] =	stream.indirect_vreg.gather [hbm4b:s6+s3], $0x80, v5, vm0, $0xb8;
	[tilespmem:$0x11000] =	vst v63  }
0x155: {  	_ = 	snop  }
0x156: {  	[tilespmem:s11], [sflag:$0x1] =	stream.indirect_vreg.gather [hbm4b:s7+s3], $0x80, v5, vm0, $0xb8;
	[tilespmem:$0x11000] =	vst v63  }
0x157: {  	_ = 	snop  }
0x158: {  	[tilespmem:s12], [sflag:$0x1] =	stream.indirect_vreg.gather [hbm4b:s2+s3], $0x80, v4, vm0, $0xb8;
	[tilespmem:$0x11000] =	vst v63  }
0x159: {  	_ = 	snop  }
0x15a: {  	[tilespmem:s13], [sflag:$0x1] =	stream.indirect_vreg.gather [hbm4b:s5+s3], $0x80, v4, vm0, $0xb8;
	[tilespmem:$0x11000] =	vst v63  }
0x15b: {  	_ = 	snop  }
0x15c: {  	[tilespmem:s14], [sflag:$0x1] =	stream.indirect_vreg.gather [hbm4b:s6+s3], $0x80, v4, vm0, $0xb8;
	[tilespmem:$0x11000] =	vst v63  }
0x15d: {  	_ = 	snop  }
0x15e: {  	[tilespmem:s15], [sflag:$0x1] =	stream.indirect_vreg.gather [hbm4b:s7+s3], $0x80, v4, vm0, $0xb8;
	[tilespmem:$0x11000] =	vst v63  }
0x15f: {  	_ =	swait.ge [sflag:s4], $0x8000  }
0x160: {  	[sflag:s4] =	ssyncset.done $0x0  }
0x161: {  	s21 =	rddreg [dreg:$0x8];
	[sflag:s4] =	ssyncadd.s32 $0xFFFF8000  }
0x162: {  	[hbm4b:s21+s3] =	stream.linear.scatter [tilespmem:s29], [sflag:$0x3], $0x8000, $0x38;
	[tilespmem:$0x11000] =	vst v63  }
0x163: {  	_ =	swait.ge [sflag:s20], $0x8000  }
0x164: {  	[sflag:s20] =	ssyncset.done $0x0  }
0x165: {  	[sflag:s20] =	ssyncadd.s32 $0xFFFF8000  }
0x166: {  	v4 =	vld [tilespmem:$0x280];
	_ =	sdelay $0x4  }
0x167: {  	v5 =	vshll.u32 v4, $0x3  }
0x168: {  	v4 =	vand.u32 $0x7, v4;
	v5 =	vand.u32 $0xFFFFFFC0, v5  }
0x169: {  	v4 =	vor.u32 v4, v5  }
0x16a: {  	v5 =	vperm.xlane v4, v1;
	_ =	sdelay $0x1  }
0x16b: {  	v5 =	vadd.s32 v2, v5;
	_ =	sdelay $0x4  }
0x16c: {  	[tilespmem:s26], [sflag:$0x2] =	stream.indirect_vreg.gather [hbm4b:s2+s3], $0x80, v5, vm0, $0xb8;
	[tilespmem:$0x11000] =	vst v63  }
0x16d: {  	s21 =	simm.s32 $0x9800;
	v4 =	vperm.xlane v4, v3  }
0x16e: {  	[tilespmem:s21], [sflag:$0x2] =	stream.indirect_vreg.gather [hbm4b:s5+s3], $0x80, v5, vm0, $0xb8;
	[tilespmem:$0x11000] =	vst v63  }
0x16f: {  	v4 =	vadd.s32 v2, v4  }
0x170: {  	[tilespmem:s0], [sflag:$0x2] =	stream.indirect_vreg.gather [hbm4b:s6+s3], $0x80, v5, vm0, $0xb8;
	[tilespmem:$0x11000] =	vst v63  }
0x171: {  	_ = 	snop  }
0x172: {  	[tilespmem:s1], [sflag:$0x2] =	stream.indirect_vreg.gather [hbm4b:s7+s3], $0x80, v5, vm0, $0xb8;
	[tilespmem:$0x11000] =	vst v63  }
0x173: {  	s31 =	simm.s32 $0xB000  }
0x174: {  	[tilespmem:s31], [sflag:$0x2] =	stream.indirect_vreg.gather [hbm4b:s2+s3], $0x80, v4, vm0, $0xb8;
	[tilespmem:$0x11000] =	vst v63  }
0x175: {  	s24 =	simm.s32 $0xB800  }
0x176: {  	[tilespmem:s24], [sflag:$0x2] =	stream.indirect_vreg.gather [hbm4b:s5+s3], $0x80, v4, vm0, $0xb8;
	[tilespmem:$0x11000] =	vst v63  }
0x177: {  	s25 =	simm.s32 $0xC000  }
0x178: {  	[tilespmem:s25], [sflag:$0x2] =	stream.indirect_vreg.gather [hbm4b:s6+s3], $0x80, v4, vm0, $0xb8;
	[tilespmem:$0x11000] =	vst v63  }
0x179: {  	s31 =	simm.s32 $0xC800  }
0x17a: {  	[tilespmem:s31], [sflag:$0x2] =	stream.indirect_vreg.gather [hbm4b:s7+s3], $0x80, v4, vm0, $0xb8;
	[tilespmem:$0x11000] =	vst v63  }
0x17b: {  	v4 =	vld [tilespmem:$0x290];
	_ =	sdelay $0x4  }
0x17c: {  	v5 =	vshll.u32 v4, $0x3  }
0x17d: {  	v4 =	vand.u32 $0x7, v4;
	v5 =	vand.u32 $0xFFFFFFC0, v5  }
0x17e: {  	v4 =	vor.u32 v4, v5  }
0x17f: {  	v5 =	vperm.xlane v4, v1;
	_ =	sdelay $0x1  }
0x180: {  	v5 =	vadd.s32 v2, v5;
	_ =	sdelay $0x3  }
0x181: {  	s31 =	simm.s32 $0xD000  }
0x182: {  	[tilespmem:s31], [sflag:$0x2] =	stream.indirect_vreg.gather [hbm4b:s2+s3], $0x80, v5, vm0, $0xb8;
	[tilespmem:$0x11000] =	vst v63  }
0x183: {  	v4 =	vperm.xlane v4, v3;
	s31 =	simm.s32 $0xD800  }
0x184: {  	[tilespmem:s31], [sflag:$0x2] =	stream.indirect_vreg.gather [hbm4b:s5+s3], $0x80, v5, vm0, $0xb8;
	[tilespmem:$0x11000] =	vst v63  }
0x185: {  	s30 =	simm.s32 $0xE000;
	v4 =	vadd.s32 v2, v4  }
0x186: {  	[tilespmem:s30], [sflag:$0x2] =	stream.indirect_vreg.gather [hbm4b:s6+s3], $0x80, v5, vm0, $0xb8;
	[tilespmem:$0x11000] =	vst v63  }
0x187: {  	s17 =	simm.s32 $0xE800  }
0x188: {  	[tilespmem:s17], [sflag:$0x2] =	stream.indirect_vreg.gather [hbm4b:s7+s3], $0x80, v5, vm0, $0xb8;
	[tilespmem:$0x11000] =	vst v63  }
0x189: {  	s23 =	simm.s32 $0xF000  }
0x18a: {  	[tilespmem:s23], [sflag:$0x2] =	stream.indirect_vreg.gather [hbm4b:s2+s3], $0x80, v4, vm0, $0xb8;
	[tilespmem:$0x11000] =	vst v63  }
0x18b: {  	s22 =	simm.s32 $0xF800  }
0x18c: {  	[tilespmem:s22], [sflag:$0x2] =	stream.indirect_vreg.gather [hbm4b:s5+s3], $0x80, v4, vm0, $0xb8;
	[tilespmem:$0x11000] =	vst v63  }
0x18d: {  	s28 =	simm.s32 $0x10000  }
0x18e: {  	[tilespmem:s28], [sflag:$0x2] =	stream.indirect_vreg.gather [hbm4b:s6+s3], $0x80, v4, vm0, $0xb8;
	[tilespmem:$0x11000] =	vst v63  }
0x18f: {  	s16 =	simm.s32 $0x10800  }
0x190: {  	[tilespmem:s16], [sflag:$0x2] =	stream.indirect_vreg.gather [hbm4b:s7+s3], $0x80, v4, vm0, $0xb8;
	[tilespmem:$0x11000] =	vst v63  }
0x191: {  	_ =	swait.ge [sflag:s18], $0x8000  }
0x192: {  	[sflag:s18] =	ssyncset.done $0x0  }
0x193: {  	s28 =	rddreg [dreg:$0x9];
	[sflag:s18] =	ssyncadd.s32 $0xFFFF8000  }
0x194: {  	[hbm4b:s28+s3] =	stream.linear.scatter [tilespmem:s26], [sflag:$0x4], $0x8000, $0x38;
	[tilespmem:$0x11000] =	vst v63  }
0x195: {  	_ =	swait.ge [sflag:s19], $0x8000  }
0x196: {  	[sflag:s19] =	ssyncset.done $0x0  }
0x197: {  	[sflag:s19] =	ssyncadd.s32 $0xFFFF8000  }
0x198: {  	v4 =	vld [tilespmem:$0x300];
	_ =	sdelay $0x4  }
0x199: {  	v5 =	vshll.u32 v4, $0x3  }
0x19a: {  	v4 =	vand.u32 $0x7, v4;
	v5 =	vand.u32 $0xFFFFFFC0, v5  }
0x19b: {  	v4 =	vor.u32 v4, v5  }
0x19c: {  	v5 =	vperm.xlane v4, v1;
	_ =	sdelay $0x1  }
0x19d: {  	v5 =	vadd.s32 v2, v5;
	_ =	sdelay $0x4  }
0x19e: {  	[tilespmem:s29], [sflag:$0x1] =	stream.indirect_vreg.gather [hbm4b:s2+s3], $0x80, v5, vm0, $0xb8;
	[tilespmem:$0x11000] =	vst v63  }
0x19f: {  	s28 =	simm.s32 $0x1800;
	v4 =	vperm.xlane v4, v3  }
0x1a0: {  	[tilespmem:s28], [sflag:$0x1] =	stream.indirect_vreg.gather [hbm4b:s5+s3], $0x80, v5, vm0, $0xb8;
	[tilespmem:$0x11000] =	vst v63  }
0x1a1: {  	s8 =	simm.s32 $0x2000;
	v4 =	vadd.s32 v2, v4  }
0x1a2: {  	[tilespmem:s8], [sflag:$0x1] =	stream.indirect_vreg.gather [hbm4b:s6+s3], $0x80, v5, vm0, $0xb8;
	[tilespmem:$0x11000] =	vst v63  }
0x1a3: {  	s9 =	simm.s32 $0x2800  }
0x1a4: {  	[tilespmem:s9], [sflag:$0x1] =	stream.indirect_vreg.gather [hbm4b:s7+s3], $0x80, v5, vm0, $0xb8;
	[tilespmem:$0x11000] =	vst v63  }
0x1a5: {  	s28 =	simm.s32 $0x3000  }
0x1a6: {  	[tilespmem:s28], [sflag:$0x1] =	stream.indirect_vreg.gather [hbm4b:s2+s3], $0x80, v4, vm0, $0xb8;
	[tilespmem:$0x11000] =	vst v63  }
0x1a7: {  	s28 =	simm.s32 $0x3800  }
0x1a8: {  	[tilespmem:s28], [sflag:$0x1] =	stream.indirect_vreg.gather [hbm4b:s5+s3], $0x80, v4, vm0, $0xb8;
	[tilespmem:$0x11000] =	vst v63  }
0x1a9: {  	s28 =	simm.s32 $0x4000  }
0x1aa: {  	[tilespmem:s28], [sflag:$0x1] =	stream.indirect_vreg.gather [hbm4b:s6+s3], $0x80, v4, vm0, $0xb8;
	[tilespmem:$0x11000] =	vst v63  }
0x1ab: {  	s28 =	simm.s32 $0x4800  }
0x1ac: {  	[tilespmem:s28], [sflag:$0x1] =	stream.indirect_vreg.gather [hbm4b:s7+s3], $0x80, v4, vm0, $0xb8;
	[tilespmem:$0x11000] =	vst v63  }
0x1ad: {  	v4 =	vld [tilespmem:$0x310];
	_ =	sdelay $0x4  }
0x1ae: {  	v5 =	vshll.u32 v4, $0x3  }
0x1af: {  	v4 =	vand.u32 $0x7, v4;
	v5 =	vand.u32 $0xFFFFFFC0, v5  }
0x1b0: {  	v4 =	vor.u32 v4, v5  }
0x1b1: {  	v5 =	vperm.xlane v4, v1;
	_ =	sdelay $0x1  }
0x1b2: {  	v5 =	vadd.s32 v2, v5;
	_ =	sdelay $0x3  }
0x1b3: {  	s28 =	simm.s32 $0x5000  }
0x1b4: {  	[tilespmem:s28], [sflag:$0x1] =	stream.indirect_vreg.gather [hbm4b:s2+s3], $0x80, v5, vm0, $0xb8;
	[tilespmem:$0x11000] =	vst v63  }
0x1b5: {  	v4 =	vperm.xlane v4, v3;
	s28 =	simm.s32 $0x5800  }
0x1b6: {  	[tilespmem:s28], [sflag:$0x1] =	stream.indirect_vreg.gather [hbm4b:s5+s3], $0x80, v5, vm0, $0xb8;
	[tilespmem:$0x11000] =	vst v63  }
0x1b7: {  	s10 =	simm.s32 $0x6000;
	v4 =	vadd.s32 v2, v4  }
0x1b8: {  	[tilespmem:s10], [sflag:$0x1] =	stream.indirect_vreg.gather [hbm4b:s6+s3], $0x80, v5, vm0, $0xb8;
	[tilespmem:$0x11000] =	vst v63  }
0x1b9: {  	s11 =	simm.s32 $0x6800  }
0x1ba: {  	[tilespmem:s11], [sflag:$0x1] =	stream.indirect_vreg.gather [hbm4b:s7+s3], $0x80, v5, vm0, $0xb8;
	[tilespmem:$0x11000] =	vst v63  }
0x1bb: {  	s12 =	simm.s32 $0x7000  }
0x1bc: {  	[tilespmem:s12], [sflag:$0x1] =	stream.indirect_vreg.gather [hbm4b:s2+s3], $0x80, v4, vm0, $0xb8;
	[tilespmem:$0x11000] =	vst v63  }
0x1bd: {  	s13 =	simm.s32 $0x7800  }
0x1be: {  	[tilespmem:s13], [sflag:$0x1] =	stream.indirect_vreg.gather [hbm4b:s5+s3], $0x80, v4, vm0, $0xb8;
	[tilespmem:$0x11000] =	vst v63  }
0x1bf: {  	s14 =	simm.s32 $0x8000  }
0x1c0: {  	[tilespmem:s14], [sflag:$0x1] =	stream.indirect_vreg.gather [hbm4b:s6+s3], $0x80, v4, vm0, $0xb8;
	[tilespmem:$0x11000] =	vst v63  }
0x1c1: {  	s15 =	simm.s32 $0x8800  }
0x1c2: {  	[tilespmem:s15], [sflag:$0x1] =	stream.indirect_vreg.gather [hbm4b:s7+s3], $0x80, v4, vm0, $0xb8;
	[tilespmem:$0x11000] =	vst v63  }
0x1c3: {  	_ =	swait.ge [sflag:s4], $0x8000  }
0x1c4: {  	[sflag:s4] =	ssyncset.done $0x0  }
0x1c5: {  	s14 =	rddreg [dreg:$0xa];
	[sflag:s4] =	ssyncadd.s32 $0xFFFF8000  }
0x1c6: {  	[hbm4b:s14+s3] =	stream.linear.scatter [tilespmem:s29], [sflag:$0x3], $0x8000, $0x38;
	[tilespmem:$0x11000] =	vst v63  }
0x1c7: {  	_ =	swait.ge [sflag:s20], $0x8000  }
0x1c8: {  	[sflag:s20] =	ssyncset.done $0x0  }
0x1c9: {  	[sflag:s20] =	ssyncadd.s32 $0xFFFF8000  }
0x1ca: {  	v4 =	vld [tilespmem:$0x380];
	_ =	sdelay $0x4  }
0x1cb: {  	v5 =	vshll.u32 v4, $0x3  }
0x1cc: {  	v4 =	vand.u32 $0x7, v4;
	v5 =	vand.u32 $0xFFFFFFC0, v5  }
0x1cd: {  	v4 =	vor.u32 v4, v5  }
0x1ce: {  	v5 =	vperm.xlane v4, v1;
	_ =	sdelay $0x1  }
0x1cf: {  	v5 =	vadd.s32 v2, v5;
	_ =	sdelay $0x4  }
0x1d0: {  	[tilespmem:s26], [sflag:$0x2] =	stream.indirect_vreg.gather [hbm4b:s2+s3], $0x80, v5, vm0, $0xb8;
	[tilespmem:$0x11000] =	vst v63  }
0x1d1: {  	s28 =	simm.s32 $0x9800;
	v4 =	vperm.xlane v4, v3  }
0x1d2: {  	[tilespmem:s28], [sflag:$0x2] =	stream.indirect_vreg.gather [hbm4b:s5+s3], $0x80, v5, vm0, $0xb8;
	[tilespmem:$0x11000] =	vst v63  }
0x1d3: {  	s0 =	simm.s32 $0xA000;
	v4 =	vadd.s32 v2, v4  }
0x1d4: {  	[tilespmem:s0], [sflag:$0x2] =	stream.indirect_vreg.gather [hbm4b:s6+s3], $0x80, v5, vm0, $0xb8;
	[tilespmem:$0x11000] =	vst v63  }
0x1d5: {  	s1 =	simm.s32 $0xA800  }
0x1d6: {  	[tilespmem:s1], [sflag:$0x2] =	stream.indirect_vreg.gather [hbm4b:s7+s3], $0x80, v5, vm0, $0xb8;
	[tilespmem:$0x11000] =	vst v63  }
0x1d7: {  	s21 =	simm.s32 $0xB000  }
0x1d8: {  	[tilespmem:s21], [sflag:$0x2] =	stream.indirect_vreg.gather [hbm4b:s2+s3], $0x80, v4, vm0, $0xb8;
	[tilespmem:$0x11000] =	vst v63  }
0x1d9: {  	s24 =	simm.s32 $0xB800  }
0x1da: {  	[tilespmem:s24], [sflag:$0x2] =	stream.indirect_vreg.gather [hbm4b:s5+s3], $0x80, v4, vm0, $0xb8;
	[tilespmem:$0x11000] =	vst v63  }
0x1db: {  	s25 =	simm.s32 $0xC000  }
0x1dc: {  	[tilespmem:s25], [sflag:$0x2] =	stream.indirect_vreg.gather [hbm4b:s6+s3], $0x80, v4, vm0, $0xb8;
	[tilespmem:$0x11000] =	vst v63  }
0x1dd: {  	s25 =	simm.s32 $0xC800  }
0x1de: {  	[tilespmem:s25], [sflag:$0x2] =	stream.indirect_vreg.gather [hbm4b:s7+s3], $0x80, v4, vm0, $0xb8;
	[tilespmem:$0x11000] =	vst v63  }
0x1df: {  	v4 =	vld [tilespmem:$0x390];
	_ =	sdelay $0x4  }
0x1e0: {  	v5 =	vshll.u32 v4, $0x3  }
0x1e1: {  	v4 =	vand.u32 $0x7, v4;
	v5 =	vand.u32 $0xFFFFFFC0, v5  }
0x1e2: {  	v4 =	vor.u32 v4, v5  }
0x1e3: {  	v5 =	vperm.xlane v4, v1;
	_ =	sdelay $0x1  }
0x1e4: {  	v5 =	vadd.s32 v2, v5;
	_ =	sdelay $0x3  }
0x1e5: {  	s25 =	simm.s32 $0xD000  }
0x1e6: {  	[tilespmem:s25], [sflag:$0x2] =	stream.indirect_vreg.gather [hbm4b:s2+s3], $0x80, v5, vm0, $0xb8;
	[tilespmem:$0x11000] =	vst v63  }
0x1e7: {  	v4 =	vperm.xlane v4, v3;
	s25 =	simm.s32 $0xD800  }
0x1e8: {  	[tilespmem:s25], [sflag:$0x2] =	stream.indirect_vreg.gather [hbm4b:s5+s3], $0x80, v5, vm0, $0xb8;
	[tilespmem:$0x11000] =	vst v63  }
0x1e9: {  	s30 =	simm.s32 $0xE000;
	v4 =	vadd.s32 v2, v4  }
0x1ea: {  	[tilespmem:s30], [sflag:$0x2] =	stream.indirect_vreg.gather [hbm4b:s6+s3], $0x80, v5, vm0, $0xb8;
	[tilespmem:$0x11000] =	vst v63  }
0x1eb: {  	s31 =	simm.s32 $0xE800  }
0x1ec: {  	[tilespmem:s31], [sflag:$0x2] =	stream.indirect_vreg.gather [hbm4b:s7+s3], $0x80, v5, vm0, $0xb8;
	[tilespmem:$0x11000] =	vst v63  }
0x1ed: {  	s17 =	simm.s32 $0xF000  }
0x1ee: {  	[tilespmem:s17], [sflag:$0x2] =	stream.indirect_vreg.gather [hbm4b:s2+s3], $0x80, v4, vm0, $0xb8;
	[tilespmem:$0x11000] =	vst v63  }
0x1ef: {  	s22 =	simm.s32 $0xF800  }
0x1f0: {  	[tilespmem:s22], [sflag:$0x2] =	stream.indirect_vreg.gather [hbm4b:s5+s3], $0x80, v4, vm0, $0xb8;
	[tilespmem:$0x11000] =	vst v63  }
0x1f1: {  	s23 =	simm.s32 $0x10000  }
0x1f2: {  	[tilespmem:s23], [sflag:$0x2] =	stream.indirect_vreg.gather [hbm4b:s6+s3], $0x80, v4, vm0, $0xb8;
	[tilespmem:$0x11000] =	vst v63  }
0x1f3: {  	s16 =	simm.s32 $0x10800  }
0x1f4: {  	[tilespmem:s16], [sflag:$0x2] =	stream.indirect_vreg.gather [hbm4b:s7+s3], $0x80, v4, vm0, $0xb8;
	[tilespmem:$0x11000] =	vst v63  }
0x1f5: {  	_ =	swait.ge [sflag:s18], $0x8000  }
0x1f6: {  	[sflag:s18] =	ssyncset.done $0x0  }
0x1f7: {  	s31 =	rddreg [dreg:$0xb];
	[sflag:s18] =	ssyncadd.s32 $0xFFFF8000  }
0x1f8: {  	[hbm4b:s31+s3] =	stream.linear.scatter [tilespmem:s26], [sflag:$0x4], $0x8000, $0x38;
	[tilespmem:$0x11000] =	vst v63  }
0x1f9: {  	_ =	swait.ge [sflag:s19], $0x8000  }
0x1fa: {  	[sflag:s19] =	ssyncset.done $0x0  }
0x1fb: {  	[sflag:s19] =	ssyncadd.s32 $0xFFFF8000  }
0x1fc: {  	v4 =	vld [tilespmem:$0x400];
	_ =	sdelay $0x4  }
0x1fd: {  	v5 =	vshll.u32 v4, $0x3  }
0x1fe: {  	v4 =	vand.u32 $0x7, v4;
	v5 =	vand.u32 $0xFFFFFFC0, v5  }
0x1ff: {  	v4 =	vor.u32 v4, v5  }
0x200: {  	v5 =	vperm.xlane v4, v1;
	_ =	sdelay $0x1  }
0x201: {  	v5 =	vadd.s32 v2, v5;
	_ =	sdelay $0x4  }
0x202: {  	[tilespmem:s29], [sflag:$0x1] =	stream.indirect_vreg.gather [hbm4b:s2+s3], $0x80, v5, vm0, $0xb8;
	[tilespmem:$0x11000] =	vst v63  }
0x203: {  	s31 =	simm.s32 $0x1800;
	v4 =	vperm.xlane v4, v3  }
0x204: {  	[tilespmem:s31], [sflag:$0x1] =	stream.indirect_vreg.gather [hbm4b:s5+s3], $0x80, v5, vm0, $0xb8;
	[tilespmem:$0x11000] =	vst v63  }
0x205: {  	s8 =	simm.s32 $0x2000;
	v4 =	vadd.s32 v2, v4  }
0x206: {  	[tilespmem:s8], [sflag:$0x1] =	stream.indirect_vreg.gather [hbm4b:s6+s3], $0x80, v5, vm0, $0xb8;
	[tilespmem:$0x11000] =	vst v63  }
0x207: {  	s9 =	simm.s32 $0x2800  }
0x208: {  	[tilespmem:s9], [sflag:$0x1] =	stream.indirect_vreg.gather [hbm4b:s7+s3], $0x80, v5, vm0, $0xb8;
	[tilespmem:$0x11000] =	vst v63  }
0x209: {  	s31 =	simm.s32 $0x3000  }
0x20a: {  	[tilespmem:s31], [sflag:$0x1] =	stream.indirect_vreg.gather [hbm4b:s2+s3], $0x80, v4, vm0, $0xb8;
	[tilespmem:$0x11000] =	vst v63  }
0x20b: {  	s31 =	simm.s32 $0x3800  }
0x20c: {  	[tilespmem:s31], [sflag:$0x1] =	stream.indirect_vreg.gather [hbm4b:s5+s3], $0x80, v4, vm0, $0xb8;
	[tilespmem:$0x11000] =	vst v63  }
0x20d: {  	s31 =	simm.s32 $0x4000  }
0x20e: {  	[tilespmem:s31], [sflag:$0x1] =	stream.indirect_vreg.gather [hbm4b:s6+s3], $0x80, v4, vm0, $0xb8;
	[tilespmem:$0x11000] =	vst v63  }
0x20f: {  	s31 =	simm.s32 $0x4800  }
0x210: {  	[tilespmem:s31], [sflag:$0x1] =	stream.indirect_vreg.gather [hbm4b:s7+s3], $0x80, v4, vm0, $0xb8;
	[tilespmem:$0x11000] =	vst v63  }
0x211: {  	v4 =	vld [tilespmem:$0x410];
	_ =	sdelay $0x4  }
0x212: {  	v5 =	vshll.u32 v4, $0x3  }
0x213: {  	v4 =	vand.u32 $0x7, v4;
	v5 =	vand.u32 $0xFFFFFFC0, v5  }
0x214: {  	v4 =	vor.u32 v4, v5  }
0x215: {  	v5 =	vperm.xlane v4, v1;
	_ =	sdelay $0x1  }
0x216: {  	v5 =	vadd.s32 v2, v5;
	_ =	sdelay $0x3  }
0x217: {  	s31 =	simm.s32 $0x5000  }
0x218: {  	[tilespmem:s31], [sflag:$0x1] =	stream.indirect_vreg.gather [hbm4b:s2+s3], $0x80, v5, vm0, $0xb8;
	[tilespmem:$0x11000] =	vst v63  }
0x219: {  	v4 =	vperm.xlane v4, v3;
	s31 =	simm.s32 $0x5800  }
0x21a: {  	[tilespmem:s31], [sflag:$0x1] =	stream.indirect_vreg.gather [hbm4b:s5+s3], $0x80, v5, vm0, $0xb8;
	[tilespmem:$0x11000] =	vst v63  }
0x21b: {  	s10 =	simm.s32 $0x6000;
	v4 =	vadd.s32 v2, v4  }
0x21c: {  	[tilespmem:s10], [sflag:$0x1] =	stream.indirect_vreg.gather [hbm4b:s6+s3], $0x80, v5, vm0, $0xb8;
	[tilespmem:$0x11000] =	vst v63  }
0x21d: {  	s11 =	simm.s32 $0x6800  }
0x21e: {  	[tilespmem:s11], [sflag:$0x1] =	stream.indirect_vreg.gather [hbm4b:s7+s3], $0x80, v5, vm0, $0xb8;
	[tilespmem:$0x11000] =	vst v63  }
0x21f: {  	s12 =	simm.s32 $0x7000  }
0x220: {  	[tilespmem:s12], [sflag:$0x1] =	stream.indirect_vreg.gather [hbm4b:s2+s3], $0x80, v4, vm0, $0xb8;
	[tilespmem:$0x11000] =	vst v63  }
0x221: {  	s13 =	simm.s32 $0x7800  }
0x222: {  	[tilespmem:s13], [sflag:$0x1] =	stream.indirect_vreg.gather [hbm4b:s5+s3], $0x80, v4, vm0, $0xb8;
	[tilespmem:$0x11000] =	vst v63  }
0x223: {  	s31 =	simm.s32 $0x8000  }
0x224: {  	[tilespmem:s31], [sflag:$0x1] =	stream.indirect_vreg.gather [hbm4b:s6+s3], $0x80, v4, vm0, $0xb8;
	[tilespmem:$0x11000] =	vst v63  }
0x225: {  	s15 =	simm.s32 $0x8800  }
0x226: {  	[tilespmem:s15], [sflag:$0x1] =	stream.indirect_vreg.gather [hbm4b:s7+s3], $0x80, v4, vm0, $0xb8;
	[tilespmem:$0x11000] =	vst v63  }
0x227: {  	_ =	swait.ge [sflag:s4], $0x8000  }
0x228: {  	[sflag:s4] =	ssyncset.done $0x0  }
0x229: {  	s15 =	rddreg [dreg:$0xc];
	[sflag:s4] =	ssyncadd.s32 $0xFFFF8000  }
0x22a: {  	[hbm4b:s15+s3] =	stream.linear.scatter [tilespmem:s29], [sflag:$0x3], $0x8000, $0x38;
	[tilespmem:$0x11000] =	vst v63  }
0x22b: {  	_ =	swait.ge [sflag:s20], $0x8000  }
0x22c: {  	[sflag:s20] =	ssyncset.done $0x0  }
0x22d: {  	[sflag:s20] =	ssyncadd.s32 $0xFFFF8000  }
0x22e: {  	v4 =	vld [tilespmem:$0x480];
	_ =	sdelay $0x4  }
0x22f: {  	v5 =	vshll.u32 v4, $0x3  }
0x230: {  	v4 =	vand.u32 $0x7, v4;
	v5 =	vand.u32 $0xFFFFFFC0, v5  }
0x231: {  	v4 =	vor.u32 v4, v5  }
0x232: {  	v5 =	vperm.xlane v4, v1;
	_ =	sdelay $0x1  }
0x233: {  	v5 =	vadd.s32 v2, v5;
	_ =	sdelay $0x4  }
0x234: {  	[tilespmem:s26], [sflag:$0x2] =	stream.indirect_vreg.gather [hbm4b:s2+s3], $0x80, v5, vm0, $0xb8;
	[tilespmem:$0x11000] =	vst v63  }
0x235: {  	s21 =	simm.s32 $0x9800;
	v4 =	vperm.xlane v4, v3  }
0x236: {  	[tilespmem:s21], [sflag:$0x2] =	stream.indirect_vreg.gather [hbm4b:s5+s3], $0x80, v5, vm0, $0xb8;
	[tilespmem:$0x11000] =	vst v63  }
0x237: {  	s0 =	simm.s32 $0xA000;
	v4 =	vadd.s32 v2, v4  }
0x238: {  	[tilespmem:s0], [sflag:$0x2] =	stream.indirect_vreg.gather [hbm4b:s6+s3], $0x80, v5, vm0, $0xb8;
	[tilespmem:$0x11000] =	vst v63  }
0x239: {  	s1 =	simm.s32 $0xA800  }
0x23a: {  	[tilespmem:s1], [sflag:$0x2] =	stream.indirect_vreg.gather [hbm4b:s7+s3], $0x80, v5, vm0, $0xb8;
	[tilespmem:$0x11000] =	vst v63  }
0x23b: {  	s28 =	simm.s32 $0xB000  }
0x23c: {  	[tilespmem:s28], [sflag:$0x2] =	stream.indirect_vreg.gather [hbm4b:s2+s3], $0x80, v4, vm0, $0xb8;
	[tilespmem:$0x11000] =	vst v63  }
0x23d: {  	s14 =	simm.s32 $0xB800  }
0x23e: {  	[tilespmem:s14], [sflag:$0x2] =	stream.indirect_vreg.gather [hbm4b:s5+s3], $0x80, v4, vm0, $0xb8;
	[tilespmem:$0x11000] =	vst v63  }
0x23f: {  	s24 =	simm.s32 $0xC000  }
0x240: {  	[tilespmem:s24], [sflag:$0x2] =	stream.indirect_vreg.gather [hbm4b:s6+s3], $0x80, v4, vm0, $0xb8;
	[tilespmem:$0x11000] =	vst v63  }
0x241: {  	s24 =	simm.s32 $0xC800  }
0x242: {  	[tilespmem:s24], [sflag:$0x2] =	stream.indirect_vreg.gather [hbm4b:s7+s3], $0x80, v4, vm0, $0xb8;
	[tilespmem:$0x11000] =	vst v63  }
0x243: {  	v4 =	vld [tilespmem:$0x490];
	_ =	sdelay $0x4  }
0x244: {  	v5 =	vshll.u32 v4, $0x3  }
0x245: {  	v4 =	vand.u32 $0x7, v4;
	v5 =	vand.u32 $0xFFFFFFC0, v5  }
0x246: {  	v4 =	vor.u32 v4, v5  }
0x247: {  	v5 =	vperm.xlane v4, v1;
	_ =	sdelay $0x1  }
0x248: {  	v5 =	vadd.s32 v2, v5;
	_ =	sdelay $0x3  }
0x249: {  	s28 =	simm.s32 $0xD000  }
0x24a: {  	[tilespmem:s28], [sflag:$0x2] =	stream.indirect_vreg.gather [hbm4b:s2+s3], $0x80, v5, vm0, $0xb8;
	[tilespmem:$0x11000] =	vst v63  }
0x24b: {  	v4 =	vperm.xlane v4, v3;
	s28 =	simm.s32 $0xD800  }
0x24c: {  	[tilespmem:s28], [sflag:$0x2] =	stream.indirect_vreg.gather [hbm4b:s5+s3], $0x80, v5, vm0, $0xb8;
	[tilespmem:$0x11000] =	vst v63  }
0x24d: {  	s25 =	simm.s32 $0xE000;
	v4 =	vadd.s32 v2, v4  }
0x24e: {  	[tilespmem:s25], [sflag:$0x2] =	stream.indirect_vreg.gather [hbm4b:s6+s3], $0x80, v5, vm0, $0xb8;
	[tilespmem:$0x11000] =	vst v63  }
0x24f: {  	s30 =	simm.s32 $0xE800  }
0x250: {  	[tilespmem:s30], [sflag:$0x2] =	stream.indirect_vreg.gather [hbm4b:s7+s3], $0x80, v5, vm0, $0xb8;
	[tilespmem:$0x11000] =	vst v63  }
0x251: {  	s17 =	simm.s32 $0xF000  }
0x252: {  	[tilespmem:s17], [sflag:$0x2] =	stream.indirect_vreg.gather [hbm4b:s2+s3], $0x80, v4, vm0, $0xb8;
	[tilespmem:$0x11000] =	vst v63  }
0x253: {  	s22 =	simm.s32 $0xF800  }
0x254: {  	[tilespmem:s22], [sflag:$0x2] =	stream.indirect_vreg.gather [hbm4b:s5+s3], $0x80, v4, vm0, $0xb8;
	[tilespmem:$0x11000] =	vst v63  }
0x255: {  	s23 =	simm.s32 $0x10000  }
0x256: {  	[tilespmem:s23], [sflag:$0x2] =	stream.indirect_vreg.gather [hbm4b:s6+s3], $0x80, v4, vm0, $0xb8;
	[tilespmem:$0x11000] =	vst v63  }
0x257: {  	s16 =	simm.s32 $0x10800  }
0x258: {  	[tilespmem:s16], [sflag:$0x2] =	stream.indirect_vreg.gather [hbm4b:s7+s3], $0x80, v4, vm0, $0xb8;
	[tilespmem:$0x11000] =	vst v63  }
0x259: {  	_ =	swait.ge [sflag:s18], $0x8000  }
0x25a: {  	[sflag:s18] =	ssyncset.done $0x0  }
0x25b: {  	s23 =	rddreg [dreg:$0xd];
	[sflag:s18] =	ssyncadd.s32 $0xFFFF8000  }
0x25c: {  	[hbm4b:s23+s3] =	stream.linear.scatter [tilespmem:s26], [sflag:$0x4], $0x8000, $0x38;
	[tilespmem:$0x11000] =	vst v63  }
0x25d: {  	_ =	swait.ge [sflag:s19], $0x8000  }
0x25e: {  	[sflag:s19] =	ssyncset.done $0x0  }
0x25f: {  	[sflag:s19] =	ssyncadd.s32 $0xFFFF8000  }
0x260: {  	v4 =	vld [tilespmem:$0x500];
	_ =	sdelay $0x4  }
0x261: {  	v5 =	vshll.u32 v4, $0x3  }
0x262: {  	v4 =	vand.u32 $0x7, v4;
	v5 =	vand.u32 $0xFFFFFFC0, v5  }
0x263: {  	v4 =	vor.u32 v4, v5  }
0x264: {  	v5 =	vperm.xlane v4, v1;
	_ =	sdelay $0x1  }
0x265: {  	v5 =	vadd.s32 v2, v5;
	_ =	sdelay $0x4  }
0x266: {  	[tilespmem:s29], [sflag:$0x1] =	stream.indirect_vreg.gather [hbm4b:s2+s3], $0x80, v5, vm0, $0xb8;
	[tilespmem:$0x11000] =	vst v63  }
0x267: {  	s23 =	simm.s32 $0x1800;
	v4 =	vperm.xlane v4, v3  }
0x268: {  	[tilespmem:s23], [sflag:$0x1] =	stream.indirect_vreg.gather [hbm4b:s5+s3], $0x80, v5, vm0, $0xb8;
	[tilespmem:$0x11000] =	vst v63  }
0x269: {  	s8 =	simm.s32 $0x2000;
	v4 =	vadd.s32 v2, v4  }
0x26a: {  	[tilespmem:s8], [sflag:$0x1] =	stream.indirect_vreg.gather [hbm4b:s6+s3], $0x80, v5, vm0, $0xb8;
	[tilespmem:$0x11000] =	vst v63  }
0x26b: {  	s9 =	simm.s32 $0x2800  }
0x26c: {  	[tilespmem:s9], [sflag:$0x1] =	stream.indirect_vreg.gather [hbm4b:s7+s3], $0x80, v5, vm0, $0xb8;
	[tilespmem:$0x11000] =	vst v63  }
0x26d: {  	s23 =	simm.s32 $0x3000  }
0x26e: {  	[tilespmem:s23], [sflag:$0x1] =	stream.indirect_vreg.gather [hbm4b:s2+s3], $0x80, v4, vm0, $0xb8;
	[tilespmem:$0x11000] =	vst v63  }
0x26f: {  	s23 =	simm.s32 $0x3800  }
0x270: {  	[tilespmem:s23], [sflag:$0x1] =	stream.indirect_vreg.gather [hbm4b:s5+s3], $0x80, v4, vm0, $0xb8;
	[tilespmem:$0x11000] =	vst v63  }
0x271: {  	s23 =	simm.s32 $0x4000  }
0x272: {  	[tilespmem:s23], [sflag:$0x1] =	stream.indirect_vreg.gather [hbm4b:s6+s3], $0x80, v4, vm0, $0xb8;
	[tilespmem:$0x11000] =	vst v63  }
0x273: {  	s23 =	simm.s32 $0x4800  }
0x274: {  	[tilespmem:s23], [sflag:$0x1] =	stream.indirect_vreg.gather [hbm4b:s7+s3], $0x80, v4, vm0, $0xb8;
	[tilespmem:$0x11000] =	vst v63  }
0x275: {  	v4 =	vld [tilespmem:$0x510];
	_ =	sdelay $0x4  }
0x276: {  	v5 =	vshll.u32 v4, $0x3  }
0x277: {  	v4 =	vand.u32 $0x7, v4;
	v5 =	vand.u32 $0xFFFFFFC0, v5  }
0x278: {  	v4 =	vor.u32 v4, v5  }
0x279: {  	v5 =	vperm.xlane v4, v1;
	_ =	sdelay $0x1  }
0x27a: {  	v5 =	vadd.s32 v2, v5;
	_ =	sdelay $0x3  }
0x27b: {  	s23 =	simm.s32 $0x5000  }
0x27c: {  	[tilespmem:s23], [sflag:$0x1] =	stream.indirect_vreg.gather [hbm4b:s2+s3], $0x80, v5, vm0, $0xb8;
	[tilespmem:$0x11000] =	vst v63  }
0x27d: {  	v4 =	vperm.xlane v4, v3;
	s23 =	simm.s32 $0x5800  }
0x27e: {  	[tilespmem:s23], [sflag:$0x1] =	stream.indirect_vreg.gather [hbm4b:s5+s3], $0x80, v5, vm0, $0xb8;
	[tilespmem:$0x11000] =	vst v63  }
0x27f: {  	s10 =	simm.s32 $0x6000;
	v4 =	vadd.s32 v2, v4  }
0x280: {  	[tilespmem:s10], [sflag:$0x1] =	stream.indirect_vreg.gather [hbm4b:s6+s3], $0x80, v5, vm0, $0xb8;
	[tilespmem:$0x11000] =	vst v63  }
0x281: {  	s11 =	simm.s32 $0x6800  }
0x282: {  	[tilespmem:s11], [sflag:$0x1] =	stream.indirect_vreg.gather [hbm4b:s7+s3], $0x80, v5, vm0, $0xb8;
	[tilespmem:$0x11000] =	vst v63  }
0x283: {  	s12 =	simm.s32 $0x7000  }
0x284: {  	[tilespmem:s12], [sflag:$0x1] =	stream.indirect_vreg.gather [hbm4b:s2+s3], $0x80, v4, vm0, $0xb8;
	[tilespmem:$0x11000] =	vst v63  }
0x285: {  	s13 =	simm.s32 $0x7800  }
0x286: {  	[tilespmem:s13], [sflag:$0x1] =	stream.indirect_vreg.gather [hbm4b:s5+s3], $0x80, v4, vm0, $0xb8;
	[tilespmem:$0x11000] =	vst v63  }
0x287: {  	s31 =	simm.s32 $0x8000  }
0x288: {  	[tilespmem:s31], [sflag:$0x1] =	stream.indirect_vreg.gather [hbm4b:s6+s3], $0x80, v4, vm0, $0xb8;
	[tilespmem:$0x11000] =	vst v63  }
0x289: {  	s23 =	simm.s32 $0x8800  }
0x28a: {  	[tilespmem:s23], [sflag:$0x1] =	stream.indirect_vreg.gather [hbm4b:s7+s3], $0x80, v4, vm0, $0xb8;
	[tilespmem:$0x11000] =	vst v63  }
0x28b: {  	_ =	swait.ge [sflag:s4], $0x8000  }
0x28c: {  	[sflag:s4] =	ssyncset.done $0x0  }
0x28d: {  	s23 =	rddreg [dreg:$0xe];
	[sflag:s4] =	ssyncadd.s32 $0xFFFF8000  }
0x28e: {  	[hbm4b:s23+s3] =	stream.linear.scatter [tilespmem:s29], [sflag:$0x3], $0x8000, $0x38;
	[tilespmem:$0x11000] =	vst v63  }
0x28f: {  	_ =	swait.ge [sflag:s20], $0x8000  }
0x290: {  	[sflag:s20] =	ssyncset.done $0x0  }
0x291: {  	[sflag:s20] =	ssyncadd.s32 $0xFFFF8000  }
0x292: {  	v4 =	vld [tilespmem:$0x580];
	_ =	sdelay $0x4  }
0x293: {  	v5 =	vshll.u32 v4, $0x3  }
0x294: {  	v4 =	vand.u32 $0x7, v4;
	v5 =	vand.u32 $0xFFFFFFC0, v5  }
0x295: {  	v4 =	vor.u32 v4, v5  }
0x296: {  	v5 =	vperm.xlane v4, v1;
	_ =	sdelay $0x1  }
0x297: {  	v5 =	vadd.s32 v2, v5;
	_ =	sdelay $0x4  }
0x298: {  	[tilespmem:s26], [sflag:$0x2] =	stream.indirect_vreg.gather [hbm4b:s2+s3], $0x80, v5, vm0, $0xb8;
	[tilespmem:$0x11000] =	vst v63  }
0x299: {  	s23 =	simm.s32 $0x9800;
	v4 =	vperm.xlane v4, v3  }
0x29a: {  	[tilespmem:s23], [sflag:$0x2] =	stream.indirect_vreg.gather [hbm4b:s5+s3], $0x80, v5, vm0, $0xb8;
	[tilespmem:$0x11000] =	vst v63  }
0x29b: {  	s0 =	simm.s32 $0xA000;
	v4 =	vadd.s32 v2, v4  }
0x29c: {  	[tilespmem:s0], [sflag:$0x2] =	stream.indirect_vreg.gather [hbm4b:s6+s3], $0x80, v5, vm0, $0xb8;
	[tilespmem:$0x11000] =	vst v63  }
0x29d: {  	s1 =	simm.s32 $0xA800  }
0x29e: {  	[tilespmem:s1], [sflag:$0x2] =	stream.indirect_vreg.gather [hbm4b:s7+s3], $0x80, v5, vm0, $0xb8;
	[tilespmem:$0x11000] =	vst v63  }
0x29f: {  	s23 =	simm.s32 $0xB000  }
0x2a0: {  	[tilespmem:s23], [sflag:$0x2] =	stream.indirect_vreg.gather [hbm4b:s2+s3], $0x80, v4, vm0, $0xb8;
	[tilespmem:$0x11000] =	vst v63  }
0x2a1: {  	s14 =	simm.s32 $0xB800  }
0x2a2: {  	[tilespmem:s14], [sflag:$0x2] =	stream.indirect_vreg.gather [hbm4b:s5+s3], $0x80, v4, vm0, $0xb8;
	[tilespmem:$0x11000] =	vst v63  }
0x2a3: {  	s15 =	simm.s32 $0xC000  }
0x2a4: {  	[tilespmem:s15], [sflag:$0x2] =	stream.indirect_vreg.gather [hbm4b:s6+s3], $0x80, v4, vm0, $0xb8;
	[tilespmem:$0x11000] =	vst v63  }
0x2a5: {  	s24 =	simm.s32 $0xC800  }
0x2a6: {  	[tilespmem:s24], [sflag:$0x2] =	stream.indirect_vreg.gather [hbm4b:s7+s3], $0x80, v4, vm0, $0xb8;
	[tilespmem:$0x11000] =	vst v63  }
0x2a7: {  	v4 =	vld [tilespmem:$0x590];
	_ =	sdelay $0x4  }
0x2a8: {  	v5 =	vshll.u32 v4, $0x3  }
0x2a9: {  	v4 =	vand.u32 $0x7, v4;
	v5 =	vand.u32 $0xFFFFFFC0, v5  }
0x2aa: {  	v4 =	vor.u32 v4, v5  }
0x2ab: {  	v5 =	vperm.xlane v4, v1;
	_ =	sdelay $0x1  }
0x2ac: {  	v5 =	vadd.s32 v2, v5;
	_ =	sdelay $0x3  }
0x2ad: {  	s24 =	simm.s32 $0xD000  }
0x2ae: {  	[tilespmem:s24], [sflag:$0x2] =	stream.indirect_vreg.gather [hbm4b:s2+s3], $0x80, v5, vm0, $0xb8;
	[tilespmem:$0x11000] =	vst v63  }
0x2af: {  	v4 =	vperm.xlane v4, v3;
	s24 =	simm.s32 $0xD800  }
0x2b0: {  	[tilespmem:s24], [sflag:$0x2] =	stream.indirect_vreg.gather [hbm4b:s5+s3], $0x80, v5, vm0, $0xb8;
	[tilespmem:$0x11000] =	vst v63  }
0x2b1: {  	s25 =	simm.s32 $0xE000;
	v4 =	vadd.s32 v2, v4  }
0x2b2: {  	[tilespmem:s25], [sflag:$0x2] =	stream.indirect_vreg.gather [hbm4b:s6+s3], $0x80, v5, vm0, $0xb8;
	[tilespmem:$0x11000] =	vst v63  }
0x2b3: {  	s28 =	simm.s32 $0xE800  }
0x2b4: {  	[tilespmem:s28], [sflag:$0x2] =	stream.indirect_vreg.gather [hbm4b:s7+s3], $0x80, v5, vm0, $0xb8;
	[tilespmem:$0x11000] =	vst v63  }
0x2b5: {  	s30 =	simm.s32 $0xF000  }
0x2b6: {  	[tilespmem:s30], [sflag:$0x2] =	stream.indirect_vreg.gather [hbm4b:s2+s3], $0x80, v4, vm0, $0xb8;
	[tilespmem:$0x11000] =	vst v63  }
0x2b7: {  	s17 =	simm.s32 $0xF800  }
0x2b8: {  	[tilespmem:s17], [sflag:$0x2] =	stream.indirect_vreg.gather [hbm4b:s5+s3], $0x80, v4, vm0, $0xb8;
	[tilespmem:$0x11000] =	vst v63  }
0x2b9: {  	s22 =	simm.s32 $0x10000  }
0x2ba: {  	[tilespmem:s22], [sflag:$0x2] =	stream.indirect_vreg.gather [hbm4b:s6+s3], $0x80, v4, vm0, $0xb8;
	[tilespmem:$0x11000] =	vst v63  }
0x2bb: {  	s16 =	simm.s32 $0x10800  }
0x2bc: {  	[tilespmem:s16], [sflag:$0x2] =	stream.indirect_vreg.gather [hbm4b:s7+s3], $0x80, v4, vm0, $0xb8;
	[tilespmem:$0x11000] =	vst v63  }
0x2bd: {  	_ =	swait.ge [sflag:s18], $0x8000  }
0x2be: {  	[sflag:s18] =	ssyncset.done $0x0  }
0x2bf: {  	s22 =	rddreg [dreg:$0xf];
	[sflag:s18] =	ssyncadd.s32 $0xFFFF8000  }
0x2c0: {  	[hbm4b:s22+s3] =	stream.linear.scatter [tilespmem:s26], [sflag:$0x4], $0x8000, $0x38;
	[tilespmem:$0x11000] =	vst v63  }
0x2c1: {  	_ =	swait.ge [sflag:s19], $0x8000  }
0x2c2: {  	[sflag:s19] =	ssyncset.done $0x0  }
0x2c3: {  	[sflag:s19] =	ssyncadd.s32 $0xFFFF8000  }
0x2c4: {  	v4 =	vld [tilespmem:$0x600];
	_ =	sdelay $0x4  }
0x2c5: {  	v5 =	vshll.u32 v4, $0x3  }
0x2c6: {  	v4 =	vand.u32 $0x7, v4;
	v5 =	vand.u32 $0xFFFFFFC0, v5  }
0x2c7: {  	v4 =	vor.u32 v4, v5  }
0x2c8: {  	v5 =	vperm.xlane v4, v1;
	_ =	sdelay $0x1  }
0x2c9: {  	v5 =	vadd.s32 v2, v5;
	_ =	sdelay $0x4  }
0x2ca: {  	[tilespmem:s29], [sflag:$0x1] =	stream.indirect_vreg.gather [hbm4b:s2+s3], $0x80, v5, vm0, $0xb8;
	[tilespmem:$0x11000] =	vst v63  }
0x2cb: {  	s30 =	simm.s32 $0x1800;
	v4 =	vperm.xlane v4, v3  }
0x2cc: {  	[tilespmem:s30], [sflag:$0x1] =	stream.indirect_vreg.gather [hbm4b:s5+s3], $0x80, v5, vm0, $0xb8;
	[tilespmem:$0x11000] =	vst v63  }
0x2cd: {  	s8 =	simm.s32 $0x2000;
	v4 =	vadd.s32 v2, v4  }
0x2ce: {  	[tilespmem:s8], [sflag:$0x1] =	stream.indirect_vreg.gather [hbm4b:s6+s3], $0x80, v5, vm0, $0xb8;
	[tilespmem:$0x11000] =	vst v63  }
0x2cf: {  	s9 =	simm.s32 $0x2800  }
0x2d0: {  	[tilespmem:s9], [sflag:$0x1] =	stream.indirect_vreg.gather [hbm4b:s7+s3], $0x80, v5, vm0, $0xb8;
	[tilespmem:$0x11000] =	vst v63  }
0x2d1: {  	s22 =	simm.s32 $0x3000  }
0x2d2: {  	[tilespmem:s22], [sflag:$0x1] =	stream.indirect_vreg.gather [hbm4b:s2+s3], $0x80, v4, vm0, $0xb8;
	[tilespmem:$0x11000] =	vst v63  }
0x2d3: {  	s30 =	simm.s32 $0x3800  }
0x2d4: {  	[tilespmem:s30], [sflag:$0x1] =	stream.indirect_vreg.gather [hbm4b:s5+s3], $0x80, v4, vm0, $0xb8;
	[tilespmem:$0x11000] =	vst v63  }
0x2d5: {  	s22 =	simm.s32 $0x4000  }
0x2d6: {  	[tilespmem:s22], [sflag:$0x1] =	stream.indirect_vreg.gather [hbm4b:s6+s3], $0x80, v4, vm0, $0xb8;
	[tilespmem:$0x11000] =	vst v63  }
0x2d7: {  	s30 =	simm.s32 $0x4800  }
0x2d8: {  	[tilespmem:s30], [sflag:$0x1] =	stream.indirect_vreg.gather [hbm4b:s7+s3], $0x80, v4, vm0, $0xb8;
	[tilespmem:$0x11000] =	vst v63  }
0x2d9: {  	v4 =	vld [tilespmem:$0x610];
	_ =	sdelay $0x4  }
0x2da: {  	v5 =	vshll.u32 v4, $0x3  }
0x2db: {  	v4 =	vand.u32 $0x7, v4;
	v5 =	vand.u32 $0xFFFFFFC0, v5  }
0x2dc: {  	v4 =	vor.u32 v4, v5  }
0x2dd: {  	v5 =	vperm.xlane v4, v1;
	_ =	sdelay $0x1  }
0x2de: {  	v5 =	vadd.s32 v2, v5;
	_ =	sdelay $0x3  }
0x2df: {  	s22 =	simm.s32 $0x5000  }
0x2e0: {  	[tilespmem:s22], [sflag:$0x1] =	stream.indirect_vreg.gather [hbm4b:s2+s3], $0x80, v5, vm0, $0xb8;
	[tilespmem:$0x11000] =	vst v63  }
0x2e1: {  	s30 =	simm.s32 $0x5800;
	v4 =	vperm.xlane v4, v3  }
0x2e2: {  	[tilespmem:s30], [sflag:$0x1] =	stream.indirect_vreg.gather [hbm4b:s5+s3], $0x80, v5, vm0, $0xb8;
	[tilespmem:$0x11000] =	vst v63  }
0x2e3: {  	s10 =	simm.s32 $0x6000;
	v4 =	vadd.s32 v2, v4  }
0x2e4: {  	[tilespmem:s10], [sflag:$0x1] =	stream.indirect_vreg.gather [hbm4b:s6+s3], $0x80, v5, vm0, $0xb8;
	[tilespmem:$0x11000] =	vst v63  }
0x2e5: {  	s11 =	simm.s32 $0x6800  }
0x2e6: {  	[tilespmem:s11], [sflag:$0x1] =	stream.indirect_vreg.gather [hbm4b:s7+s3], $0x80, v5, vm0, $0xb8;
	[tilespmem:$0x11000] =	vst v63  }
0x2e7: {  	s12 =	simm.s32 $0x7000  }
0x2e8: {  	[tilespmem:s12], [sflag:$0x1] =	stream.indirect_vreg.gather [hbm4b:s2+s3], $0x80, v4, vm0, $0xb8;
	[tilespmem:$0x11000] =	vst v63  }
0x2e9: {  	s13 =	simm.s32 $0x7800  }
0x2ea: {  	[tilespmem:s13], [sflag:$0x1] =	stream.indirect_vreg.gather [hbm4b:s5+s3], $0x80, v4, vm0, $0xb8;
	[tilespmem:$0x11000] =	vst v63  }
0x2eb: {  	s31 =	simm.s32 $0x8000  }
0x2ec: {  	[tilespmem:s31], [sflag:$0x1] =	stream.indirect_vreg.gather [hbm4b:s6+s3], $0x80, v4, vm0, $0xb8;
	[tilespmem:$0x11000] =	vst v63  }
0x2ed: {  	s22 =	simm.s32 $0x8800  }
0x2ee: {  	[tilespmem:s22], [sflag:$0x1] =	stream.indirect_vreg.gather [hbm4b:s7+s3], $0x80, v4, vm0, $0xb8;
	[tilespmem:$0x11000] =	vst v63  }
0x2ef: {  	_ =	swait.ge [sflag:s4], $0x8000  }
0x2f0: {  	[sflag:s4] =	ssyncset.done $0x0  }
0x2f1: {  	s31 =	rddreg [dreg:$0x10];
	[sflag:s4] =	ssyncadd.s32 $0xFFFF8000  }
0x2f2: {  	[hbm4b:s31+s3] =	stream.linear.scatter [tilespmem:s29], [sflag:$0x3], $0x8000, $0x38;
	[tilespmem:$0x11000] =	vst v63  }
0x2f3: {  	_ =	swait.ge [sflag:s20], $0x8000  }
0x2f4: {  	[sflag:s20] =	ssyncset.done $0x0  }
0x2f5: {  	[sflag:s20] =	ssyncadd.s32 $0xFFFF8000  }
0x2f6: {  	v4 =	vld [tilespmem:$0x680];
	_ =	sdelay $0x4  }
0x2f7: {  	v5 =	vshll.u32 v4, $0x3  }
0x2f8: {  	v4 =	vand.u32 $0x7, v4;
	v5 =	vand.u32 $0xFFFFFFC0, v5  }
0x2f9: {  	v4 =	vor.u32 v4, v5  }
0x2fa: {  	v5 =	vperm.xlane v4, v1;
	_ =	sdelay $0x1  }
0x2fb: {  	v5 =	vadd.s32 v2, v5;
	_ =	sdelay $0x4  }
0x2fc: {  	[tilespmem:s26], [sflag:$0x2] =	stream.indirect_vreg.gather [hbm4b:s2+s3], $0x80, v5, vm0, $0xb8;
	[tilespmem:$0x11000] =	vst v63  }
0x2fd: {  	s22 =	simm.s32 $0x9800;
	v4 =	vperm.xlane v4, v3  }
0x2fe: {  	[tilespmem:s22], [sflag:$0x2] =	stream.indirect_vreg.gather [hbm4b:s5+s3], $0x80, v5, vm0, $0xb8;
	[tilespmem:$0x11000] =	vst v63  }
0x2ff: {  	s0 =	simm.s32 $0xA000;
	v4 =	vadd.s32 v2, v4  }
0x300: {  	[tilespmem:s0], [sflag:$0x2] =	stream.indirect_vreg.gather [hbm4b:s6+s3], $0x80, v5, vm0, $0xb8;
	[tilespmem:$0x11000] =	vst v63  }
0x301: {  	s1 =	simm.s32 $0xA800  }
0x302: {  	[tilespmem:s1], [sflag:$0x2] =	stream.indirect_vreg.gather [hbm4b:s7+s3], $0x80, v5, vm0, $0xb8;
	[tilespmem:$0x11000] =	vst v63  }
0x303: {  	s23 =	simm.s32 $0xB000  }
0x304: {  	[tilespmem:s23], [sflag:$0x2] =	stream.indirect_vreg.gather [hbm4b:s2+s3], $0x80, v4, vm0, $0xb8;
	[tilespmem:$0x11000] =	vst v63  }
0x305: {  	s14 =	simm.s32 $0xB800  }
0x306: {  	[tilespmem:s14], [sflag:$0x2] =	stream.indirect_vreg.gather [hbm4b:s5+s3], $0x80, v4, vm0, $0xb8;
	[tilespmem:$0x11000] =	vst v63  }
0x307: {  	s15 =	simm.s32 $0xC000  }
0x308: {  	[tilespmem:s15], [sflag:$0x2] =	stream.indirect_vreg.gather [hbm4b:s6+s3], $0x80, v4, vm0, $0xb8;
	[tilespmem:$0x11000] =	vst v63  }
0x309: {  	s23 =	simm.s32 $0xC800  }
0x30a: {  	[tilespmem:s23], [sflag:$0x2] =	stream.indirect_vreg.gather [hbm4b:s7+s3], $0x80, v4, vm0, $0xb8;
	[tilespmem:$0x11000] =	vst v63  }
0x30b: {  	v4 =	vld [tilespmem:$0x690];
	_ =	sdelay $0x4  }
0x30c: {  	v5 =	vshll.u32 v4, $0x3  }
0x30d: {  	v4 =	vand.u32 $0x7, v4;
	v5 =	vand.u32 $0xFFFFFFC0, v5  }
0x30e: {  	v4 =	vor.u32 v4, v5  }
0x30f: {  	v5 =	vperm.xlane v4, v1;
	_ =	sdelay $0x1  }
0x310: {  	v5 =	vadd.s32 v2, v5;
	_ =	sdelay $0x3  }
0x311: {  	s22 =	simm.s32 $0xD000  }
0x312: {  	[tilespmem:s22], [sflag:$0x2] =	stream.indirect_vreg.gather [hbm4b:s2+s3], $0x80, v5, vm0, $0xb8;
	[tilespmem:$0x11000] =	vst v63  }
0x313: {  	v4 =	vperm.xlane v4, v3;
	s22 =	simm.s32 $0xD800  }
0x314: {  	[tilespmem:s22], [sflag:$0x2] =	stream.indirect_vreg.gather [hbm4b:s5+s3], $0x80, v5, vm0, $0xb8;
	[tilespmem:$0x11000] =	vst v63  }
0x315: {  	s25 =	simm.s32 $0xE000;
	v4 =	vadd.s32 v2, v4  }
0x316: {  	[tilespmem:s25], [sflag:$0x2] =	stream.indirect_vreg.gather [hbm4b:s6+s3], $0x80, v5, vm0, $0xb8;
	[tilespmem:$0x11000] =	vst v63  }
0x317: {  	s25 =	simm.s32 $0xE800  }
0x318: {  	[tilespmem:s25], [sflag:$0x2] =	stream.indirect_vreg.gather [hbm4b:s7+s3], $0x80, v5, vm0, $0xb8;
	[tilespmem:$0x11000] =	vst v63  }
0x319: {  	s24 =	simm.s32 $0xF000  }
0x31a: {  	[tilespmem:s24], [sflag:$0x2] =	stream.indirect_vreg.gather [hbm4b:s2+s3], $0x80, v4, vm0, $0xb8;
	[tilespmem:$0x11000] =	vst v63  }
0x31b: {  	s28 =	simm.s32 $0xF800  }
0x31c: {  	[tilespmem:s28], [sflag:$0x2] =	stream.indirect_vreg.gather [hbm4b:s5+s3], $0x80, v4, vm0, $0xb8;
	[tilespmem:$0x11000] =	vst v63  }
0x31d: {  	s17 =	simm.s32 $0x10000  }
0x31e: {  	[tilespmem:s17], [sflag:$0x2] =	stream.indirect_vreg.gather [hbm4b:s6+s3], $0x80, v4, vm0, $0xb8;
	[tilespmem:$0x11000] =	vst v63  }
0x31f: {  	s16 =	simm.s32 $0x10800  }
0x320: {  	[tilespmem:s16], [sflag:$0x2] =	stream.indirect_vreg.gather [hbm4b:s7+s3], $0x80, v4, vm0, $0xb8;
	[tilespmem:$0x11000] =	vst v63  }
0x321: {  	_ =	swait.ge [sflag:s18], $0x8000  }
0x322: {  	[sflag:s18] =	ssyncset.done $0x0  }
0x323: {  	s28 =	rddreg [dreg:$0x11];
	[sflag:s18] =	ssyncadd.s32 $0xFFFF8000  }
0x324: {  	[hbm4b:s28+s3] =	stream.linear.scatter [tilespmem:s26], [sflag:$0x4], $0x8000, $0x38;
	[tilespmem:$0x11000] =	vst v63  }
0x325: {  	_ =	swait.ge [sflag:s19], $0x8000  }
0x326: {  	[sflag:s19] =	ssyncset.done $0x0  }
0x327: {  	[sflag:s19] =	ssyncadd.s32 $0xFFFF8000  }
0x328: {  	v4 =	vld [tilespmem:$0x700];
	_ =	sdelay $0x4  }
0x329: {  	v5 =	vshll.u32 v4, $0x3  }
0x32a: {  	v4 =	vand.u32 $0x7, v4;
	v5 =	vand.u32 $0xFFFFFFC0, v5  }
0x32b: {  	v4 =	vor.u32 v4, v5  }
0x32c: {  	v5 =	vperm.xlane v4, v1;
	_ =	sdelay $0x1  }
0x32d: {  	v5 =	vadd.s32 v2, v5;
	_ =	sdelay $0x4  }
0x32e: {  	[tilespmem:s29], [sflag:$0x1] =	stream.indirect_vreg.gather [hbm4b:s2+s3], $0x80, v5, vm0, $0xb8;
	[tilespmem:$0x11000] =	vst v63  }
0x32f: {  	s28 =	simm.s32 $0x1800;
	v4 =	vperm.xlane v4, v3  }
0x330: {  	[tilespmem:s28], [sflag:$0x1] =	stream.indirect_vreg.gather [hbm4b:s5+s3], $0x80, v5, vm0, $0xb8;
	[tilespmem:$0x11000] =	vst v63  }
0x331: {  	s8 =	simm.s32 $0x2000;
	v4 =	vadd.s32 v2, v4  }
0x332: {  	[tilespmem:s8], [sflag:$0x1] =	stream.indirect_vreg.gather [hbm4b:s6+s3], $0x80, v5, vm0, $0xb8;
	[tilespmem:$0x11000] =	vst v63  }
0x333: {  	s9 =	simm.s32 $0x2800  }
0x334: {  	[tilespmem:s9], [sflag:$0x1] =	stream.indirect_vreg.gather [hbm4b:s7+s3], $0x80, v5, vm0, $0xb8;
	[tilespmem:$0x11000] =	vst v63  }
0x335: {  	s28 =	simm.s32 $0x3000  }
0x336: {  	[tilespmem:s28], [sflag:$0x1] =	stream.indirect_vreg.gather [hbm4b:s2+s3], $0x80, v4, vm0, $0xb8;
	[tilespmem:$0x11000] =	vst v63  }
0x337: {  	s28 =	simm.s32 $0x3800  }
0x338: {  	[tilespmem:s28], [sflag:$0x1] =	stream.indirect_vreg.gather [hbm4b:s5+s3], $0x80, v4, vm0, $0xb8;
	[tilespmem:$0x11000] =	vst v63  }
0x339: {  	s28 =	simm.s32 $0x4000  }
0x33a: {  	[tilespmem:s28], [sflag:$0x1] =	stream.indirect_vreg.gather [hbm4b:s6+s3], $0x80, v4, vm0, $0xb8;
	[tilespmem:$0x11000] =	vst v63  }
0x33b: {  	s28 =	simm.s32 $0x4800  }
0x33c: {  	[tilespmem:s28], [sflag:$0x1] =	stream.indirect_vreg.gather [hbm4b:s7+s3], $0x80, v4, vm0, $0xb8;
	[tilespmem:$0x11000] =	vst v63  }
0x33d: {  	v4 =	vld [tilespmem:$0x710];
	_ =	sdelay $0x4  }
0x33e: {  	v5 =	vshll.u32 v4, $0x3  }
0x33f: {  	v4 =	vand.u32 $0x7, v4;
	v5 =	vand.u32 $0xFFFFFFC0, v5  }
0x340: {  	v4 =	vor.u32 v4, v5  }
0x341: {  	v5 =	vperm.xlane v4, v1;
	_ =	sdelay $0x1  }
0x342: {  	v5 =	vadd.s32 v2, v5;
	_ =	sdelay $0x3  }
0x343: {  	s28 =	simm.s32 $0x5000  }
0x344: {  	[tilespmem:s28], [sflag:$0x1] =	stream.indirect_vreg.gather [hbm4b:s2+s3], $0x80, v5, vm0, $0xb8;
	[tilespmem:$0x11000] =	vst v63  }
0x345: {  	v4 =	vperm.xlane v4, v3;
	s28 =	simm.s32 $0x5800  }
0x346: {  	[tilespmem:s28], [sflag:$0x1] =	stream.indirect_vreg.gather [hbm4b:s5+s3], $0x80, v5, vm0, $0xb8;
	[tilespmem:$0x11000] =	vst v63  }
0x347: {  	s10 =	simm.s32 $0x6000;
	v4 =	vadd.s32 v2, v4  }
0x348: {  	[tilespmem:s10], [sflag:$0x1] =	stream.indirect_vreg.gather [hbm4b:s6+s3], $0x80, v5, vm0, $0xb8;
	[tilespmem:$0x11000] =	vst v63  }
0x349: {  	s11 =	simm.s32 $0x6800  }
0x34a: {  	[tilespmem:s11], [sflag:$0x1] =	stream.indirect_vreg.gather [hbm4b:s7+s3], $0x80, v5, vm0, $0xb8;
	[tilespmem:$0x11000] =	vst v63  }
0x34b: {  	s12 =	simm.s32 $0x7000  }
0x34c: {  	[tilespmem:s12], [sflag:$0x1] =	stream.indirect_vreg.gather [hbm4b:s2+s3], $0x80, v4, vm0, $0xb8;
	[tilespmem:$0x11000] =	vst v63  }
0x34d: {  	s13 =	simm.s32 $0x7800  }
0x34e: {  	[tilespmem:s13], [sflag:$0x1] =	stream.indirect_vreg.gather [hbm4b:s5+s3], $0x80, v4, vm0, $0xb8;
	[tilespmem:$0x11000] =	vst v63  }
0x34f: {  	s30 =	simm.s32 $0x8000  }
0x350: {  	[tilespmem:s30], [sflag:$0x1] =	stream.indirect_vreg.gather [hbm4b:s6+s3], $0x80, v4, vm0, $0xb8;
	[tilespmem:$0x11000] =	vst v63  }
0x351: {  	s30 =	simm.s32 $0x8800  }
0x352: {  	[tilespmem:s30], [sflag:$0x1] =	stream.indirect_vreg.gather [hbm4b:s7+s3], $0x80, v4, vm0, $0xb8;
	[tilespmem:$0x11000] =	vst v63  }
0x353: {  	_ =	swait.ge [sflag:s4], $0x8000  }
0x354: {  	[sflag:s4] =	ssyncset.done $0x0  }
0x355: {  	s21 =	rddreg [dreg:$0x12];
	[sflag:s4] =	ssyncadd.s32 $0xFFFF8000  }
0x356: {  	[hbm4b:s21+s3] =	stream.linear.scatter [tilespmem:s29], [sflag:$0x3], $0x8000, $0x38;
	[tilespmem:$0x11000] =	vst v63  }
0x357: {  	_ =	swait.ge [sflag:s20], $0x8000  }
0x358: {  	[sflag:s20] =	ssyncset.done $0x0  }
0x359: {  	[sflag:s20] =	ssyncadd.s32 $0xFFFF8000  }
0x35a: {  	v4 =	vld [tilespmem:$0x780];
	_ =	sdelay $0x4  }
0x35b: {  	v5 =	vshll.u32 v4, $0x3  }
0x35c: {  	v4 =	vand.u32 $0x7, v4;
	v5 =	vand.u32 $0xFFFFFFC0, v5  }
0x35d: {  	v4 =	vor.u32 v4, v5  }
0x35e: {  	v5 =	vperm.xlane v4, v1;
	_ =	sdelay $0x1  }
0x35f: {  	v5 =	vadd.s32 v2, v5;
	_ =	sdelay $0x4  }
0x360: {  	[tilespmem:s26], [sflag:$0x2] =	stream.indirect_vreg.gather [hbm4b:s2+s3], $0x80, v5, vm0, $0xb8;
	[tilespmem:$0x11000] =	vst v63  }
0x361: {  	s21 =	simm.s32 $0x9800;
	v4 =	vperm.xlane v4, v3  }
0x362: {  	[tilespmem:s21], [sflag:$0x2] =	stream.indirect_vreg.gather [hbm4b:s5+s3], $0x80, v5, vm0, $0xb8;
	[tilespmem:$0x11000] =	vst v63  }
0x363: {  	s0 =	simm.s32 $0xA000;
	v4 =	vadd.s32 v2, v4  }
0x364: {  	[tilespmem:s0], [sflag:$0x2] =	stream.indirect_vreg.gather [hbm4b:s6+s3], $0x80, v5, vm0, $0xb8;
	[tilespmem:$0x11000] =	vst v63  }
0x365: {  	s1 =	simm.s32 $0xA800  }
0x366: {  	[tilespmem:s1], [sflag:$0x2] =	stream.indirect_vreg.gather [hbm4b:s7+s3], $0x80, v5, vm0, $0xb8;
	[tilespmem:$0x11000] =	vst v63  }
0x367: {  	s31 =	simm.s32 $0xB000  }
0x368: {  	[tilespmem:s31], [sflag:$0x2] =	stream.indirect_vreg.gather [hbm4b:s2+s3], $0x80, v4, vm0, $0xb8;
	[tilespmem:$0x11000] =	vst v63  }
0x369: {  	s14 =	simm.s32 $0xB800  }
0x36a: {  	[tilespmem:s14], [sflag:$0x2] =	stream.indirect_vreg.gather [hbm4b:s5+s3], $0x80, v4, vm0, $0xb8;
	[tilespmem:$0x11000] =	vst v63  }
0x36b: {  	s15 =	simm.s32 $0xC000  }
0x36c: {  	[tilespmem:s15], [sflag:$0x2] =	stream.indirect_vreg.gather [hbm4b:s6+s3], $0x80, v4, vm0, $0xb8;
	[tilespmem:$0x11000] =	vst v63  }
0x36d: {  	s23 =	simm.s32 $0xC800  }
0x36e: {  	[tilespmem:s23], [sflag:$0x2] =	stream.indirect_vreg.gather [hbm4b:s7+s3], $0x80, v4, vm0, $0xb8;
	[tilespmem:$0x11000] =	vst v63  }
0x36f: {  	v4 =	vld [tilespmem:$0x790];
	_ =	sdelay $0x4  }
0x370: {  	v5 =	vshll.u32 v4, $0x3  }
0x371: {  	v4 =	vand.u32 $0x7, v4;
	v5 =	vand.u32 $0xFFFFFFC0, v5  }
0x372: {  	v4 =	vor.u32 v4, v5  }
0x373: {  	v5 =	vperm.xlane v4, v1;
	_ =	sdelay $0x1  }
0x374: {  	v5 =	vadd.s32 v2, v5;
	_ =	sdelay $0x3  }
0x375: {  	s21 =	simm.s32 $0xD000  }
0x376: {  	[tilespmem:s21], [sflag:$0x2] =	stream.indirect_vreg.gather [hbm4b:s2+s3], $0x80, v5, vm0, $0xb8;
	[tilespmem:$0x11000] =	vst v63  }
0x377: {  	v4 =	vperm.xlane v4, v3;
	s21 =	simm.s32 $0xD800  }
0x378: {  	[tilespmem:s21], [sflag:$0x2] =	stream.indirect_vreg.gather [hbm4b:s5+s3], $0x80, v5, vm0, $0xb8;
	[tilespmem:$0x11000] =	vst v63  }
0x379: {  	s22 =	simm.s32 $0xE000;
	v4 =	vadd.s32 v2, v4  }
0x37a: {  	[tilespmem:s22], [sflag:$0x2] =	stream.indirect_vreg.gather [hbm4b:s6+s3], $0x80, v5, vm0, $0xb8;
	[tilespmem:$0x11000] =	vst v63  }
0x37b: {  	s21 =	simm.s32 $0xE800  }
0x37c: {  	[tilespmem:s21], [sflag:$0x2] =	stream.indirect_vreg.gather [hbm4b:s7+s3], $0x80, v5, vm0, $0xb8;
	[tilespmem:$0x11000] =	vst v63  }
0x37d: {  	s24 =	simm.s32 $0xF000  }
0x37e: {  	[tilespmem:s24], [sflag:$0x2] =	stream.indirect_vreg.gather [hbm4b:s2+s3], $0x80, v4, vm0, $0xb8;
	[tilespmem:$0x11000] =	vst v63  }
0x37f: {  	s25 =	simm.s32 $0xF800  }
0x380: {  	[tilespmem:s25], [sflag:$0x2] =	stream.indirect_vreg.gather [hbm4b:s5+s3], $0x80, v4, vm0, $0xb8;
	[tilespmem:$0x11000] =	vst v63  }
0x381: {  	s17 =	simm.s32 $0x10000  }
0x382: {  	[tilespmem:s17], [sflag:$0x2] =	stream.indirect_vreg.gather [hbm4b:s6+s3], $0x80, v4, vm0, $0xb8;
	[tilespmem:$0x11000] =	vst v63  }
0x383: {  	s16 =	simm.s32 $0x10800  }
0x384: {  	[tilespmem:s16], [sflag:$0x2] =	stream.indirect_vreg.gather [hbm4b:s7+s3], $0x80, v4, vm0, $0xb8;
	[tilespmem:$0x11000] =	vst v63  }
0x385: {  	_ =	swait.ge [sflag:s18], $0x8000  }
0x386: {  	[sflag:s18] =	ssyncset.done $0x0  }
0x387: {  	s21 =	rddreg [dreg:$0x13];
	[sflag:s18] =	ssyncadd.s32 $0xFFFF8000  }
0x388: {  	[hbm4b:s21+s3] =	stream.linear.scatter [tilespmem:s26], [sflag:$0x4], $0x8000, $0x38;
	[tilespmem:$0x11000] =	vst v63  }
0x389: {  	_ =	swait.ge [sflag:s19], $0x8000  }
0x38a: {  	[sflag:s19] =	ssyncset.done $0x0  }
0x38b: {  	[sflag:s19] =	ssyncadd.s32 $0xFFFF8000  }
0x38c: {  	v4 =	vld [tilespmem:$0x800];
	_ =	sdelay $0x4  }
0x38d: {  	v5 =	vshll.u32 v4, $0x3  }
0x38e: {  	v4 =	vand.u32 $0x7, v4;
	v5 =	vand.u32 $0xFFFFFFC0, v5  }
0x38f: {  	v4 =	vor.u32 v4, v5  }
0x390: {  	v5 =	vperm.xlane v4, v1;
	_ =	sdelay $0x1  }
0x391: {  	v5 =	vadd.s32 v2, v5;
	_ =	sdelay $0x4  }
0x392: {  	[tilespmem:s29], [sflag:$0x1] =	stream.indirect_vreg.gather [hbm4b:s2+s3], $0x80, v5, vm0, $0xb8;
	[tilespmem:$0x11000] =	vst v63  }
0x393: {  	s21 =	simm.s32 $0x1800;
	v4 =	vperm.xlane v4, v3  }
0x394: {  	[tilespmem:s21], [sflag:$0x1] =	stream.indirect_vreg.gather [hbm4b:s5+s3], $0x80, v5, vm0, $0xb8;
	[tilespmem:$0x11000] =	vst v63  }
0x395: {  	s8 =	simm.s32 $0x2000;
	v4 =	vadd.s32 v2, v4  }
0x396: {  	[tilespmem:s8], [sflag:$0x1] =	stream.indirect_vreg.gather [hbm4b:s6+s3], $0x80, v5, vm0, $0xb8;
	[tilespmem:$0x11000] =	vst v63  }
0x397: {  	s9 =	simm.s32 $0x2800  }
0x398: {  	[tilespmem:s9], [sflag:$0x1] =	stream.indirect_vreg.gather [hbm4b:s7+s3], $0x80, v5, vm0, $0xb8;
	[tilespmem:$0x11000] =	vst v63  }
0x399: {  	s21 =	simm.s32 $0x3000  }
0x39a: {  	[tilespmem:s21], [sflag:$0x1] =	stream.indirect_vreg.gather [hbm4b:s2+s3], $0x80, v4, vm0, $0xb8;
	[tilespmem:$0x11000] =	vst v63  }
0x39b: {  	s21 =	simm.s32 $0x3800  }
0x39c: {  	[tilespmem:s21], [sflag:$0x1] =	stream.indirect_vreg.gather [hbm4b:s5+s3], $0x80, v4, vm0, $0xb8;
	[tilespmem:$0x11000] =	vst v63  }
0x39d: {  	s21 =	simm.s32 $0x4000  }
0x39e: {  	[tilespmem:s21], [sflag:$0x1] =	stream.indirect_vreg.gather [hbm4b:s6+s3], $0x80, v4, vm0, $0xb8;
	[tilespmem:$0x11000] =	vst v63  }
0x39f: {  	s21 =	simm.s32 $0x4800  }
0x3a0: {  	[tilespmem:s21], [sflag:$0x1] =	stream.indirect_vreg.gather [hbm4b:s7+s3], $0x80, v4, vm0, $0xb8;
	[tilespmem:$0x11000] =	vst v63  }
0x3a1: {  	v4 =	vld [tilespmem:$0x810];
	_ =	sdelay $0x4  }
0x3a2: {  	v5 =	vshll.u32 v4, $0x3  }
0x3a3: {  	v4 =	vand.u32 $0x7, v4;
	v5 =	vand.u32 $0xFFFFFFC0, v5  }
0x3a4: {  	v4 =	vor.u32 v4, v5  }
0x3a5: {  	v5 =	vperm.xlane v4, v1;
	_ =	sdelay $0x1  }
0x3a6: {  	v5 =	vadd.s32 v2, v5;
	_ =	sdelay $0x3  }
0x3a7: {  	s21 =	simm.s32 $0x5000  }
0x3a8: {  	[tilespmem:s21], [sflag:$0x1] =	stream.indirect_vreg.gather [hbm4b:s2+s3], $0x80, v5, vm0, $0xb8;
	[tilespmem:$0x11000] =	vst v63  }
0x3a9: {  	v4 =	vperm.xlane v4, v3;
	s21 =	simm.s32 $0x5800  }
0x3aa: {  	[tilespmem:s21], [sflag:$0x1] =	stream.indirect_vreg.gather [hbm4b:s5+s3], $0x80, v5, vm0, $0xb8;
	[tilespmem:$0x11000] =	vst v63  }
0x3ab: {  	s10 =	simm.s32 $0x6000;
	v4 =	vadd.s32 v2, v4  }
0x3ac: {  	[tilespmem:s10], [sflag:$0x1] =	stream.indirect_vreg.gather [hbm4b:s6+s3], $0x80, v5, vm0, $0xb8;
	[tilespmem:$0x11000] =	vst v63  }
0x3ad: {  	s11 =	simm.s32 $0x6800  }
0x3ae: {  	[tilespmem:s11], [sflag:$0x1] =	stream.indirect_vreg.gather [hbm4b:s7+s3], $0x80, v5, vm0, $0xb8;
	[tilespmem:$0x11000] =	vst v63  }
0x3af: {  	s12 =	simm.s32 $0x7000  }
0x3b0: {  	[tilespmem:s12], [sflag:$0x1] =	stream.indirect_vreg.gather [hbm4b:s2+s3], $0x80, v4, vm0, $0xb8;
	[tilespmem:$0x11000] =	vst v63  }
0x3b1: {  	s13 =	simm.s32 $0x7800  }
0x3b2: {  	[tilespmem:s13], [sflag:$0x1] =	stream.indirect_vreg.gather [hbm4b:s5+s3], $0x80, v4, vm0, $0xb8;
	[tilespmem:$0x11000] =	vst v63  }
0x3b3: {  	s28 =	simm.s32 $0x8000  }
0x3b4: {  	[tilespmem:s28], [sflag:$0x1] =	stream.indirect_vreg.gather [hbm4b:s6+s3], $0x80, v4, vm0, $0xb8;
	[tilespmem:$0x11000] =	vst v63  }
0x3b5: {  	s30 =	simm.s32 $0x8800  }
0x3b6: {  	[tilespmem:s30], [sflag:$0x1] =	stream.indirect_vreg.gather [hbm4b:s7+s3], $0x80, v4, vm0, $0xb8;
	[tilespmem:$0x11000] =	vst v63  }
0x3b7: {  	_ =	swait.ge [sflag:s4], $0x8000  }
0x3b8: {  	[sflag:s4] =	ssyncset.done $0x0  }
0x3b9: {  	s21 =	rddreg [dreg:$0x14];
	[sflag:s4] =	ssyncadd.s32 $0xFFFF8000  }
0x3ba: {  	[hbm4b:s21+s3] =	stream.linear.scatter [tilespmem:s29], [sflag:$0x3], $0x8000, $0x38;
	[tilespmem:$0x11000] =	vst v63  }
0x3bb: {  	_ =	swait.ge [sflag:s20], $0x8000  }
0x3bc: {  	[sflag:s20] =	ssyncset.done $0x0  }
0x3bd: {  	[sflag:s20] =	ssyncadd.s32 $0xFFFF8000  }
0x3be: {  	v4 =	vld [tilespmem:$0x880];
	_ =	sdelay $0x4  }
0x3bf: {  	v5 =	vshll.u32 v4, $0x3  }
0x3c0: {  	v4 =	vand.u32 $0x7, v4;
	v5 =	vand.u32 $0xFFFFFFC0, v5  }
0x3c1: {  	v4 =	vor.u32 v4, v5  }
0x3c2: {  	v5 =	vperm.xlane v4, v1;
	_ =	sdelay $0x1  }
0x3c3: {  	v5 =	vadd.s32 v2, v5;
	_ =	sdelay $0x4  }
0x3c4: {  	[tilespmem:s26], [sflag:$0x2] =	stream.indirect_vreg.gather [hbm4b:s2+s3], $0x80, v5, vm0, $0xb8;
	[tilespmem:$0x11000] =	vst v63  }
0x3c5: {  	s21 =	simm.s32 $0x9800;
	v4 =	vperm.xlane v4, v3  }
0x3c6: {  	[tilespmem:s21], [sflag:$0x2] =	stream.indirect_vreg.gather [hbm4b:s5+s3], $0x80, v5, vm0, $0xb8;
	[tilespmem:$0x11000] =	vst v63  }
0x3c7: {  	s0 =	simm.s32 $0xA000;
	v4 =	vadd.s32 v2, v4  }
0x3c8: {  	[tilespmem:s0], [sflag:$0x2] =	stream.indirect_vreg.gather [hbm4b:s6+s3], $0x80, v5, vm0, $0xb8;
	[tilespmem:$0x11000] =	vst v63  }
0x3c9: {  	s1 =	simm.s32 $0xA800  }
0x3ca: {  	[tilespmem:s1], [sflag:$0x2] =	stream.indirect_vreg.gather [hbm4b:s7+s3], $0x80, v5, vm0, $0xb8;
	[tilespmem:$0x11000] =	vst v63  }
0x3cb: {  	s31 =	simm.s32 $0xB000  }
0x3cc: {  	[tilespmem:s31], [sflag:$0x2] =	stream.indirect_vreg.gather [hbm4b:s2+s3], $0x80, v4, vm0, $0xb8;
	[tilespmem:$0x11000] =	vst v63  }
0x3cd: {  	s14 =	simm.s32 $0xB800  }
0x3ce: {  	[tilespmem:s14], [sflag:$0x2] =	stream.indirect_vreg.gather [hbm4b:s5+s3], $0x80, v4, vm0, $0xb8;
	[tilespmem:$0x11000] =	vst v63  }
0x3cf: {  	s15 =	simm.s32 $0xC000  }
0x3d0: {  	[tilespmem:s15], [sflag:$0x2] =	stream.indirect_vreg.gather [hbm4b:s6+s3], $0x80, v4, vm0, $0xb8;
	[tilespmem:$0x11000] =	vst v63  }
0x3d1: {  	s23 =	simm.s32 $0xC800  }
0x3d2: {  	[tilespmem:s23], [sflag:$0x2] =	stream.indirect_vreg.gather [hbm4b:s7+s3], $0x80, v4, vm0, $0xb8;
	[tilespmem:$0x11000] =	vst v63  }
0x3d3: {  	v4 =	vld [tilespmem:$0x890];
	_ =	sdelay $0x4  }
0x3d4: {  	v5 =	vshll.u32 v4, $0x3  }
0x3d5: {  	v4 =	vand.u32 $0x7, v4;
	v5 =	vand.u32 $0xFFFFFFC0, v5  }
0x3d6: {  	v4 =	vor.u32 v4, v5  }
0x3d7: {  	v5 =	vperm.xlane v4, v1;
	_ =	sdelay $0x1  }
0x3d8: {  	v5 =	vadd.s32 v2, v5;
	_ =	sdelay $0x3  }
0x3d9: {  	s21 =	simm.s32 $0xD000  }
0x3da: {  	[tilespmem:s21], [sflag:$0x2] =	stream.indirect_vreg.gather [hbm4b:s2+s3], $0x80, v5, vm0, $0xb8;
	[tilespmem:$0x11000] =	vst v63  }
0x3db: {  	v4 =	vperm.xlane v4, v3;
	s21 =	simm.s32 $0xD800  }
0x3dc: {  	[tilespmem:s21], [sflag:$0x2] =	stream.indirect_vreg.gather [hbm4b:s5+s3], $0x80, v5, vm0, $0xb8;
	[tilespmem:$0x11000] =	vst v63  }
0x3dd: {  	s22 =	simm.s32 $0xE000;
	v4 =	vadd.s32 v2, v4  }
0x3de: {  	[tilespmem:s22], [sflag:$0x2] =	stream.indirect_vreg.gather [hbm4b:s6+s3], $0x80, v5, vm0, $0xb8;
	[tilespmem:$0x11000] =	vst v63  }
0x3df: {  	s21 =	simm.s32 $0xE800  }
0x3e0: {  	[tilespmem:s21], [sflag:$0x2] =	stream.indirect_vreg.gather [hbm4b:s7+s3], $0x80, v5, vm0, $0xb8;
	[tilespmem:$0x11000] =	vst v63  }
0x3e1: {  	s24 =	simm.s32 $0xF000  }
0x3e2: {  	[tilespmem:s24], [sflag:$0x2] =	stream.indirect_vreg.gather [hbm4b:s2+s3], $0x80, v4, vm0, $0xb8;
	[tilespmem:$0x11000] =	vst v63  }
0x3e3: {  	s25 =	simm.s32 $0xF800  }
0x3e4: {  	[tilespmem:s25], [sflag:$0x2] =	stream.indirect_vreg.gather [hbm4b:s5+s3], $0x80, v4, vm0, $0xb8;
	[tilespmem:$0x11000] =	vst v63  }
0x3e5: {  	s17 =	simm.s32 $0x10000  }
0x3e6: {  	[tilespmem:s17], [sflag:$0x2] =	stream.indirect_vreg.gather [hbm4b:s6+s3], $0x80, v4, vm0, $0xb8;
	[tilespmem:$0x11000] =	vst v63  }
0x3e7: {  	s16 =	simm.s32 $0x10800  }
0x3e8: {  	[tilespmem:s16], [sflag:$0x2] =	stream.indirect_vreg.gather [hbm4b:s7+s3], $0x80, v4, vm0, $0xb8;
	[tilespmem:$0x11000] =	vst v63  }
0x3e9: {  	_ =	swait.ge [sflag:s18], $0x8000  }
0x3ea: {  	[sflag:s18] =	ssyncset.done $0x0  }
0x3eb: {  	s21 =	rddreg [dreg:$0x15];
	[sflag:s18] =	ssyncadd.s32 $0xFFFF8000  }
0x3ec: {  	[hbm4b:s21+s3] =	stream.linear.scatter [tilespmem:s26], [sflag:$0x4], $0x8000, $0x38;
	[tilespmem:$0x11000] =	vst v63  }
0x3ed: {  	_ =	swait.ge [sflag:s19], $0x8000  }
0x3ee: {  	[sflag:s19] =	ssyncset.done $0x0  }
0x3ef: {  	[sflag:s19] =	ssyncadd.s32 $0xFFFF8000  }
0x3f0: {  	v4 =	vld [tilespmem:$0x900];
	_ =	sdelay $0x4  }
0x3f1: {  	v5 =	vshll.u32 v4, $0x3  }
0x3f2: {  	v4 =	vand.u32 $0x7, v4;
	v5 =	vand.u32 $0xFFFFFFC0, v5  }
0x3f3: {  	v4 =	vor.u32 v4, v5  }
0x3f4: {  	v5 =	vperm.xlane v4, v1;
	_ =	sdelay $0x1  }
0x3f5: {  	v5 =	vadd.s32 v2, v5;
	_ =	sdelay $0x4  }
0x3f6: {  	[tilespmem:s29], [sflag:$0x1] =	stream.indirect_vreg.gather [hbm4b:s2+s3], $0x80, v5, vm0, $0xb8;
	[tilespmem:$0x11000] =	vst v63  }
0x3f7: {  	s21 =	simm.s32 $0x1800;
	v4 =	vperm.xlane v4, v3  }
0x3f8: {  	[tilespmem:s21], [sflag:$0x1] =	stream.indirect_vreg.gather [hbm4b:s5+s3], $0x80, v5, vm0, $0xb8;
	[tilespmem:$0x11000] =	vst v63  }
0x3f9: {  	s8 =	simm.s32 $0x2000;
	v4 =	vadd.s32 v2, v4  }
0x3fa: {  	[tilespmem:s8], [sflag:$0x1] =	stream.indirect_vreg.gather [hbm4b:s6+s3], $0x80, v5, vm0, $0xb8;
	[tilespmem:$0x11000] =	vst v63  }
0x3fb: {  	s9 =	simm.s32 $0x2800  }
0x3fc: {  	[tilespmem:s9], [sflag:$0x1] =	stream.indirect_vreg.gather [hbm4b:s7+s3], $0x80, v5, vm0, $0xb8;
	[tilespmem:$0x11000] =	vst v63  }
0x3fd: {  	s21 =	simm.s32 $0x3000  }
0x3fe: {  	[tilespmem:s21], [sflag:$0x1] =	stream.indirect_vreg.gather [hbm4b:s2+s3], $0x80, v4, vm0, $0xb8;
	[tilespmem:$0x11000] =	vst v63  }
0x3ff: {  	s21 =	simm.s32 $0x3800  }
0x400: {  	[tilespmem:s21], [sflag:$0x1] =	stream.indirect_vreg.gather [hbm4b:s5+s3], $0x80, v4, vm0, $0xb8;
	[tilespmem:$0x11000] =	vst v63  }
0x401: {  	s21 =	simm.s32 $0x4000  }
0x402: {  	[tilespmem:s21], [sflag:$0x1] =	stream.indirect_vreg.gather [hbm4b:s6+s3], $0x80, v4, vm0, $0xb8;
	[tilespmem:$0x11000] =	vst v63  }
0x403: {  	s21 =	simm.s32 $0x4800  }
0x404: {  	[tilespmem:s21], [sflag:$0x1] =	stream.indirect_vreg.gather [hbm4b:s7+s3], $0x80, v4, vm0, $0xb8;
	[tilespmem:$0x11000] =	vst v63  }
0x405: {  	v4 =	vld [tilespmem:$0x910];
	_ =	sdelay $0x4  }
0x406: {  	v5 =	vshll.u32 v4, $0x3  }
0x407: {  	v4 =	vand.u32 $0x7, v4;
	v5 =	vand.u32 $0xFFFFFFC0, v5  }
0x408: {  	v4 =	vor.u32 v4, v5  }
0x409: {  	v5 =	vperm.xlane v4, v1;
	_ =	sdelay $0x1  }
0x40a: {  	v5 =	vadd.s32 v2, v5;
	_ =	sdelay $0x3  }
0x40b: {  	s21 =	simm.s32 $0x5000  }
0x40c: {  	[tilespmem:s21], [sflag:$0x1] =	stream.indirect_vreg.gather [hbm4b:s2+s3], $0x80, v5, vm0, $0xb8;
	[tilespmem:$0x11000] =	vst v63  }
0x40d: {  	v4 =	vperm.xlane v4, v3;
	s21 =	simm.s32 $0x5800  }
0x40e: {  	[tilespmem:s21], [sflag:$0x1] =	stream.indirect_vreg.gather [hbm4b:s5+s3], $0x80, v5, vm0, $0xb8;
	[tilespmem:$0x11000] =	vst v63  }
0x40f: {  	s10 =	simm.s32 $0x6000;
	v4 =	vadd.s32 v2, v4  }
0x410: {  	[tilespmem:s10], [sflag:$0x1] =	stream.indirect_vreg.gather [hbm4b:s6+s3], $0x80, v5, vm0, $0xb8;
	[tilespmem:$0x11000] =	vst v63  }
0x411: {  	s11 =	simm.s32 $0x6800  }
0x412: {  	[tilespmem:s11], [sflag:$0x1] =	stream.indirect_vreg.gather [hbm4b:s7+s3], $0x80, v5, vm0, $0xb8;
	[tilespmem:$0x11000] =	vst v63  }
0x413: {  	s12 =	simm.s32 $0x7000  }
0x414: {  	[tilespmem:s12], [sflag:$0x1] =	stream.indirect_vreg.gather [hbm4b:s2+s3], $0x80, v4, vm0, $0xb8;
	[tilespmem:$0x11000] =	vst v63  }
0x415: {  	s13 =	simm.s32 $0x7800  }
0x416: {  	[tilespmem:s13], [sflag:$0x1] =	stream.indirect_vreg.gather [hbm4b:s5+s3], $0x80, v4, vm0, $0xb8;
	[tilespmem:$0x11000] =	vst v63  }
0x417: {  	s28 =	simm.s32 $0x8000  }
0x418: {  	[tilespmem:s28], [sflag:$0x1] =	stream.indirect_vreg.gather [hbm4b:s6+s3], $0x80, v4, vm0, $0xb8;
	[tilespmem:$0x11000] =	vst v63  }
0x419: {  	s30 =	simm.s32 $0x8800  }
0x41a: {  	[tilespmem:s30], [sflag:$0x1] =	stream.indirect_vreg.gather [hbm4b:s7+s3], $0x80, v4, vm0, $0xb8;
	[tilespmem:$0x11000] =	vst v63  }
0x41b: {  	_ =	swait.ge [sflag:s4], $0x8000  }
0x41c: {  	[sflag:s4] =	ssyncset.done $0x0  }
0x41d: {  	s21 =	rddreg [dreg:$0x16];
	[sflag:s4] =	ssyncadd.s32 $0xFFFF8000  }
0x41e: {  	[hbm4b:s21+s3] =	stream.linear.scatter [tilespmem:s29], [sflag:$0x3], $0x8000, $0x38;
	[tilespmem:$0x11000] =	vst v63  }
0x41f: {  	_ =	swait.ge [sflag:s20], $0x8000  }
0x420: {  	[sflag:s20] =	ssyncset.done $0x0  }
0x421: {  	[sflag:s20] =	ssyncadd.s32 $0xFFFF8000  }
0x422: {  	v4 =	vld [tilespmem:$0x980];
	_ =	sdelay $0x4  }
0x423: {  	v5 =	vshll.u32 v4, $0x3  }
0x424: {  	v4 =	vand.u32 $0x7, v4;
	v5 =	vand.u32 $0xFFFFFFC0, v5  }
0x425: {  	v4 =	vor.u32 v4, v5  }
0x426: {  	v5 =	vperm.xlane v4, v1;
	_ =	sdelay $0x1  }
0x427: {  	v5 =	vadd.s32 v2, v5;
	_ =	sdelay $0x4  }
0x428: {  	[tilespmem:s26], [sflag:$0x2] =	stream.indirect_vreg.gather [hbm4b:s2+s3], $0x80, v5, vm0, $0xb8;
	[tilespmem:$0x11000] =	vst v63  }
0x429: {  	s21 =	simm.s32 $0x9800;
	v4 =	vperm.xlane v4, v3  }
0x42a: {  	[tilespmem:s21], [sflag:$0x2] =	stream.indirect_vreg.gather [hbm4b:s5+s3], $0x80, v5, vm0, $0xb8;
	[tilespmem:$0x11000] =	vst v63  }
0x42b: {  	s0 =	simm.s32 $0xA000;
	v4 =	vadd.s32 v2, v4  }
0x42c: {  	[tilespmem:s0], [sflag:$0x2] =	stream.indirect_vreg.gather [hbm4b:s6+s3], $0x80, v5, vm0, $0xb8;
	[tilespmem:$0x11000] =	vst v63  }
0x42d: {  	s1 =	simm.s32 $0xA800  }
0x42e: {  	[tilespmem:s1], [sflag:$0x2] =	stream.indirect_vreg.gather [hbm4b:s7+s3], $0x80, v5, vm0, $0xb8;
	[tilespmem:$0x11000] =	vst v63  }
0x42f: {  	s31 =	simm.s32 $0xB000  }
0x430: {  	[tilespmem:s31], [sflag:$0x2] =	stream.indirect_vreg.gather [hbm4b:s2+s3], $0x80, v4, vm0, $0xb8;
	[tilespmem:$0x11000] =	vst v63  }
0x431: {  	s14 =	simm.s32 $0xB800  }
0x432: {  	[tilespmem:s14], [sflag:$0x2] =	stream.indirect_vreg.gather [hbm4b:s5+s3], $0x80, v4, vm0, $0xb8;
	[tilespmem:$0x11000] =	vst v63  }
0x433: {  	s15 =	simm.s32 $0xC000  }
0x434: {  	[tilespmem:s15], [sflag:$0x2] =	stream.indirect_vreg.gather [hbm4b:s6+s3], $0x80, v4, vm0, $0xb8;
	[tilespmem:$0x11000] =	vst v63  }
0x435: {  	s23 =	simm.s32 $0xC800  }
0x436: {  	[tilespmem:s23], [sflag:$0x2] =	stream.indirect_vreg.gather [hbm4b:s7+s3], $0x80, v4, vm0, $0xb8;
	[tilespmem:$0x11000] =	vst v63  }
0x437: {  	v4 =	vld [tilespmem:$0x990];
	_ =	sdelay $0x4  }
0x438: {  	v5 =	vshll.u32 v4, $0x3  }
0x439: {  	v4 =	vand.u32 $0x7, v4;
	v5 =	vand.u32 $0xFFFFFFC0, v5  }
0x43a: {  	v4 =	vor.u32 v4, v5  }
0x43b: {  	v5 =	vperm.xlane v4, v1;
	_ =	sdelay $0x1  }
0x43c: {  	v5 =	vadd.s32 v2, v5;
	_ =	sdelay $0x3  }
0x43d: {  	s21 =	simm.s32 $0xD000  }
0x43e: {  	[tilespmem:s21], [sflag:$0x2] =	stream.indirect_vreg.gather [hbm4b:s2+s3], $0x80, v5, vm0, $0xb8;
	[tilespmem:$0x11000] =	vst v63  }
0x43f: {  	v4 =	vperm.xlane v4, v3;
	s21 =	simm.s32 $0xD800  }
0x440: {  	[tilespmem:s21], [sflag:$0x2] =	stream.indirect_vreg.gather [hbm4b:s5+s3], $0x80, v5, vm0, $0xb8;
	[tilespmem:$0x11000] =	vst v63  }
0x441: {  	s22 =	simm.s32 $0xE000;
	v4 =	vadd.s32 v2, v4  }
0x442: {  	[tilespmem:s22], [sflag:$0x2] =	stream.indirect_vreg.gather [hbm4b:s6+s3], $0x80, v5, vm0, $0xb8;
	[tilespmem:$0x11000] =	vst v63  }
0x443: {  	s21 =	simm.s32 $0xE800  }
0x444: {  	[tilespmem:s21], [sflag:$0x2] =	stream.indirect_vreg.gather [hbm4b:s7+s3], $0x80, v5, vm0, $0xb8;
	[tilespmem:$0x11000] =	vst v63  }
0x445: {  	s24 =	simm.s32 $0xF000  }
0x446: {  	[tilespmem:s24], [sflag:$0x2] =	stream.indirect_vreg.gather [hbm4b:s2+s3], $0x80, v4, vm0, $0xb8;
	[tilespmem:$0x11000] =	vst v63  }
0x447: {  	s25 =	simm.s32 $0xF800  }
0x448: {  	[tilespmem:s25], [sflag:$0x2] =	stream.indirect_vreg.gather [hbm4b:s5+s3], $0x80, v4, vm0, $0xb8;
	[tilespmem:$0x11000] =	vst v63  }
0x449: {  	s17 =	simm.s32 $0x10000  }
0x44a: {  	[tilespmem:s17], [sflag:$0x2] =	stream.indirect_vreg.gather [hbm4b:s6+s3], $0x80, v4, vm0, $0xb8;
	[tilespmem:$0x11000] =	vst v63  }
0x44b: {  	s16 =	simm.s32 $0x10800  }
0x44c: {  	[tilespmem:s16], [sflag:$0x2] =	stream.indirect_vreg.gather [hbm4b:s7+s3], $0x80, v4, vm0, $0xb8;
	[tilespmem:$0x11000] =	vst v63  }
0x44d: {  	_ =	swait.ge [sflag:s18], $0x8000  }
0x44e: {  	[sflag:s18] =	ssyncset.done $0x0  }
0x44f: {  	s21 =	rddreg [dreg:$0x17];
	[sflag:s18] =	ssyncadd.s32 $0xFFFF8000  }
0x450: {  	[hbm4b:s21+s3] =	stream.linear.scatter [tilespmem:s26], [sflag:$0x4], $0x8000, $0x38;
	[tilespmem:$0x11000] =	vst v63  }
0x451: {  	_ =	swait.ge [sflag:s19], $0x8000  }
0x452: {  	[sflag:s19] =	ssyncset.done $0x0  }
0x453: {  	[sflag:s19] =	ssyncadd.s32 $0xFFFF8000  }
0x454: {  	v4 =	vld [tilespmem:$0xA00];
	_ =	sdelay $0x4  }
0x455: {  	v5 =	vshll.u32 v4, $0x3  }
0x456: {  	v4 =	vand.u32 $0x7, v4;
	v5 =	vand.u32 $0xFFFFFFC0, v5  }
0x457: {  	v4 =	vor.u32 v4, v5  }
0x458: {  	v5 =	vperm.xlane v4, v1;
	_ =	sdelay $0x1  }
0x459: {  	v5 =	vadd.s32 v2, v5;
	_ =	sdelay $0x4  }
0x45a: {  	[tilespmem:s29], [sflag:$0x1] =	stream.indirect_vreg.gather [hbm4b:s2+s3], $0x80, v5, vm0, $0xb8;
	[tilespmem:$0x11000] =	vst v63  }
0x45b: {  	s21 =	simm.s32 $0x1800;
	v4 =	vperm.xlane v4, v3  }
0x45c: {  	[tilespmem:s21], [sflag:$0x1] =	stream.indirect_vreg.gather [hbm4b:s5+s3], $0x80, v5, vm0, $0xb8;
	[tilespmem:$0x11000] =	vst v63  }
0x45d: {  	s8 =	simm.s32 $0x2000;
	v4 =	vadd.s32 v2, v4  }
0x45e: {  	[tilespmem:s8], [sflag:$0x1] =	stream.indirect_vreg.gather [hbm4b:s6+s3], $0x80, v5, vm0, $0xb8;
	[tilespmem:$0x11000] =	vst v63  }
0x45f: {  	s9 =	simm.s32 $0x2800  }
0x460: {  	[tilespmem:s9], [sflag:$0x1] =	stream.indirect_vreg.gather [hbm4b:s7+s3], $0x80, v5, vm0, $0xb8;
	[tilespmem:$0x11000] =	vst v63  }
0x461: {  	s21 =	simm.s32 $0x3000  }
0x462: {  	[tilespmem:s21], [sflag:$0x1] =	stream.indirect_vreg.gather [hbm4b:s2+s3], $0x80, v4, vm0, $0xb8;
	[tilespmem:$0x11000] =	vst v63  }
0x463: {  	s21 =	simm.s32 $0x3800  }
0x464: {  	[tilespmem:s21], [sflag:$0x1] =	stream.indirect_vreg.gather [hbm4b:s5+s3], $0x80, v4, vm0, $0xb8;
	[tilespmem:$0x11000] =	vst v63  }
0x465: {  	s21 =	simm.s32 $0x4000  }
0x466: {  	[tilespmem:s21], [sflag:$0x1] =	stream.indirect_vreg.gather [hbm4b:s6+s3], $0x80, v4, vm0, $0xb8;
	[tilespmem:$0x11000] =	vst v63  }
0x467: {  	s21 =	simm.s32 $0x4800  }
0x468: {  	[tilespmem:s21], [sflag:$0x1] =	stream.indirect_vreg.gather [hbm4b:s7+s3], $0x80, v4, vm0, $0xb8;
	[tilespmem:$0x11000] =	vst v63  }
0x469: {  	v4 =	vld [tilespmem:$0xA10];
	_ =	sdelay $0x4  }
0x46a: {  	v5 =	vshll.u32 v4, $0x3  }
0x46b: {  	v4 =	vand.u32 $0x7, v4;
	v5 =	vand.u32 $0xFFFFFFC0, v5  }
0x46c: {  	v4 =	vor.u32 v4, v5  }
0x46d: {  	v5 =	vperm.xlane v4, v1;
	_ =	sdelay $0x1  }
0x46e: {  	v5 =	vadd.s32 v2, v5;
	_ =	sdelay $0x3  }
0x46f: {  	s21 =	simm.s32 $0x5000  }
0x470: {  	[tilespmem:s21], [sflag:$0x1] =	stream.indirect_vreg.gather [hbm4b:s2+s3], $0x80, v5, vm0, $0xb8;
	[tilespmem:$0x11000] =	vst v63  }
0x471: {  	v4 =	vperm.xlane v4, v3;
	s21 =	simm.s32 $0x5800  }
0x472: {  	[tilespmem:s21], [sflag:$0x1] =	stream.indirect_vreg.gather [hbm4b:s5+s3], $0x80, v5, vm0, $0xb8;
	[tilespmem:$0x11000] =	vst v63  }
0x473: {  	s10 =	simm.s32 $0x6000;
	v4 =	vadd.s32 v2, v4  }
0x474: {  	[tilespmem:s10], [sflag:$0x1] =	stream.indirect_vreg.gather [hbm4b:s6+s3], $0x80, v5, vm0, $0xb8;
	[tilespmem:$0x11000] =	vst v63  }
0x475: {  	s11 =	simm.s32 $0x6800  }
0x476: {  	[tilespmem:s11], [sflag:$0x1] =	stream.indirect_vreg.gather [hbm4b:s7+s3], $0x80, v5, vm0, $0xb8;
	[tilespmem:$0x11000] =	vst v63  }
0x477: {  	s12 =	simm.s32 $0x7000  }
0x478: {  	[tilespmem:s12], [sflag:$0x1] =	stream.indirect_vreg.gather [hbm4b:s2+s3], $0x80, v4, vm0, $0xb8;
	[tilespmem:$0x11000] =	vst v63  }
0x479: {  	s13 =	simm.s32 $0x7800  }
0x47a: {  	[tilespmem:s13], [sflag:$0x1] =	stream.indirect_vreg.gather [hbm4b:s5+s3], $0x80, v4, vm0, $0xb8;
	[tilespmem:$0x11000] =	vst v63  }
0x47b: {  	s28 =	simm.s32 $0x8000  }
0x47c: {  	[tilespmem:s28], [sflag:$0x1] =	stream.indirect_vreg.gather [hbm4b:s6+s3], $0x80, v4, vm0, $0xb8;
	[tilespmem:$0x11000] =	vst v63  }
0x47d: {  	s30 =	simm.s32 $0x8800  }
0x47e: {  	[tilespmem:s30], [sflag:$0x1] =	stream.indirect_vreg.gather [hbm4b:s7+s3], $0x80, v4, vm0, $0xb8;
	[tilespmem:$0x11000] =	vst v63  }
0x47f: {  	_ =	swait.ge [sflag:s4], $0x8000  }
0x480: {  	[sflag:s4] =	ssyncset.done $0x0  }
0x481: {  	s21 =	rddreg [dreg:$0x18];
	[sflag:s4] =	ssyncadd.s32 $0xFFFF8000  }
0x482: {  	[hbm4b:s21+s3] =	stream.linear.scatter [tilespmem:s29], [sflag:$0x3], $0x8000, $0x38;
	[tilespmem:$0x11000] =	vst v63  }
0x483: {  	_ =	swait.ge [sflag:s20], $0x8000  }
0x484: {  	[sflag:s20] =	ssyncset.done $0x0  }
0x485: {  	[sflag:s20] =	ssyncadd.s32 $0xFFFF8000  }
0x486: {  	v4 =	vld [tilespmem:$0xA80];
	_ =	sdelay $0x4  }
0x487: {  	v5 =	vshll.u32 v4, $0x3  }
0x488: {  	v4 =	vand.u32 $0x7, v4;
	v5 =	vand.u32 $0xFFFFFFC0, v5  }
0x489: {  	v4 =	vor.u32 v4, v5  }
0x48a: {  	v5 =	vperm.xlane v4, v1;
	_ =	sdelay $0x1  }
0x48b: {  	v5 =	vadd.s32 v2, v5;
	_ =	sdelay $0x4  }
0x48c: {  	[tilespmem:s26], [sflag:$0x2] =	stream.indirect_vreg.gather [hbm4b:s2+s3], $0x80, v5, vm0, $0xb8;
	[tilespmem:$0x11000] =	vst v63  }
0x48d: {  	s21 =	simm.s32 $0x9800;
	v4 =	vperm.xlane v4, v3  }
0x48e: {  	[tilespmem:s21], [sflag:$0x2] =	stream.indirect_vreg.gather [hbm4b:s5+s3], $0x80, v5, vm0, $0xb8;
	[tilespmem:$0x11000] =	vst v63  }
0x48f: {  	s0 =	simm.s32 $0xA000;
	v4 =	vadd.s32 v2, v4  }
0x490: {  	[tilespmem:s0], [sflag:$0x2] =	stream.indirect_vreg.gather [hbm4b:s6+s3], $0x80, v5, vm0, $0xb8;
	[tilespmem:$0x11000] =	vst v63  }
0x491: {  	s1 =	simm.s32 $0xA800  }
0x492: {  	[tilespmem:s1], [sflag:$0x2] =	stream.indirect_vreg.gather [hbm4b:s7+s3], $0x80, v5, vm0, $0xb8;
	[tilespmem:$0x11000] =	vst v63  }
0x493: {  	s31 =	simm.s32 $0xB000  }
0x494: {  	[tilespmem:s31], [sflag:$0x2] =	stream.indirect_vreg.gather [hbm4b:s2+s3], $0x80, v4, vm0, $0xb8;
	[tilespmem:$0x11000] =	vst v63  }
0x495: {  	s14 =	simm.s32 $0xB800  }
0x496: {  	[tilespmem:s14], [sflag:$0x2] =	stream.indirect_vreg.gather [hbm4b:s5+s3], $0x80, v4, vm0, $0xb8;
	[tilespmem:$0x11000] =	vst v63  }
0x497: {  	s15 =	simm.s32 $0xC000  }
0x498: {  	[tilespmem:s15], [sflag:$0x2] =	stream.indirect_vreg.gather [hbm4b:s6+s3], $0x80, v4, vm0, $0xb8;
	[tilespmem:$0x11000] =	vst v63  }
0x499: {  	s23 =	simm.s32 $0xC800  }
0x49a: {  	[tilespmem:s23], [sflag:$0x2] =	stream.indirect_vreg.gather [hbm4b:s7+s3], $0x80, v4, vm0, $0xb8;
	[tilespmem:$0x11000] =	vst v63  }
0x49b: {  	v4 =	vld [tilespmem:$0xA90];
	_ =	sdelay $0x4  }
0x49c: {  	v5 =	vshll.u32 v4, $0x3  }
0x49d: {  	v4 =	vand.u32 $0x7, v4;
	v5 =	vand.u32 $0xFFFFFFC0, v5  }
0x49e: {  	v4 =	vor.u32 v4, v5  }
0x49f: {  	v5 =	vperm.xlane v4, v1;
	_ =	sdelay $0x1  }
0x4a0: {  	v5 =	vadd.s32 v2, v5;
	_ =	sdelay $0x3  }
0x4a1: {  	s21 =	simm.s32 $0xD000  }
0x4a2: {  	[tilespmem:s21], [sflag:$0x2] =	stream.indirect_vreg.gather [hbm4b:s2+s3], $0x80, v5, vm0, $0xb8;
	[tilespmem:$0x11000] =	vst v63  }
0x4a3: {  	v4 =	vperm.xlane v4, v3;
	s21 =	simm.s32 $0xD800  }
0x4a4: {  	[tilespmem:s21], [sflag:$0x2] =	stream.indirect_vreg.gather [hbm4b:s5+s3], $0x80, v5, vm0, $0xb8;
	[tilespmem:$0x11000] =	vst v63  }
0x4a5: {  	s22 =	simm.s32 $0xE000;
	v4 =	vadd.s32 v2, v4  }
0x4a6: {  	[tilespmem:s22], [sflag:$0x2] =	stream.indirect_vreg.gather [hbm4b:s6+s3], $0x80, v5, vm0, $0xb8;
	[tilespmem:$0x11000] =	vst v63  }
0x4a7: {  	s21 =	simm.s32 $0xE800  }
0x4a8: {  	[tilespmem:s21], [sflag:$0x2] =	stream.indirect_vreg.gather [hbm4b:s7+s3], $0x80, v5, vm0, $0xb8;
	[tilespmem:$0x11000] =	vst v63  }
0x4a9: {  	s24 =	simm.s32 $0xF000  }
0x4aa: {  	[tilespmem:s24], [sflag:$0x2] =	stream.indirect_vreg.gather [hbm4b:s2+s3], $0x80, v4, vm0, $0xb8;
	[tilespmem:$0x11000] =	vst v63  }
0x4ab: {  	s25 =	simm.s32 $0xF800  }
0x4ac: {  	[tilespmem:s25], [sflag:$0x2] =	stream.indirect_vreg.gather [hbm4b:s5+s3], $0x80, v4, vm0, $0xb8;
	[tilespmem:$0x11000] =	vst v63  }
0x4ad: {  	s17 =	simm.s32 $0x10000  }
0x4ae: {  	[tilespmem:s17], [sflag:$0x2] =	stream.indirect_vreg.gather [hbm4b:s6+s3], $0x80, v4, vm0, $0xb8;
	[tilespmem:$0x11000] =	vst v63  }
0x4af: {  	s16 =	simm.s32 $0x10800  }
0x4b0: {  	[tilespmem:s16], [sflag:$0x2] =	stream.indirect_vreg.gather [hbm4b:s7+s3], $0x80, v4, vm0, $0xb8;
	[tilespmem:$0x11000] =	vst v63  }
0x4b1: {  	_ =	swait.ge [sflag:s18], $0x8000  }
0x4b2: {  	[sflag:s18] =	ssyncset.done $0x0  }
0x4b3: {  	s21 =	rddreg [dreg:$0x19];
	[sflag:s18] =	ssyncadd.s32 $0xFFFF8000  }
0x4b4: {  	[hbm4b:s21+s3] =	stream.linear.scatter [tilespmem:s26], [sflag:$0x4], $0x8000, $0x38;
	[tilespmem:$0x11000] =	vst v63  }
0x4b5: {  	_ =	swait.ge [sflag:s19], $0x8000  }
0x4b6: {  	[sflag:s19] =	ssyncset.done $0x0  }
0x4b7: {  	[sflag:s19] =	ssyncadd.s32 $0xFFFF8000  }
0x4b8: {  	v4 =	vld [tilespmem:$0xB00];
	_ =	sdelay $0x4  }
0x4b9: {  	v5 =	vshll.u32 v4, $0x3  }
0x4ba: {  	v4 =	vand.u32 $0x7, v4;
	v5 =	vand.u32 $0xFFFFFFC0, v5  }
0x4bb: {  	v4 =	vor.u32 v4, v5  }
0x4bc: {  	v5 =	vperm.xlane v4, v1;
	_ =	sdelay $0x1  }
0x4bd: {  	v5 =	vadd.s32 v2, v5;
	_ =	sdelay $0x4  }
0x4be: {  	[tilespmem:s29], [sflag:$0x1] =	stream.indirect_vreg.gather [hbm4b:s2+s3], $0x80, v5, vm0, $0xb8;
	[tilespmem:$0x11000] =	vst v63  }
0x4bf: {  	s21 =	simm.s32 $0x1800;
	v4 =	vperm.xlane v4, v3  }
0x4c0: {  	[tilespmem:s21], [sflag:$0x1] =	stream.indirect_vreg.gather [hbm4b:s5+s3], $0x80, v5, vm0, $0xb8;
	[tilespmem:$0x11000] =	vst v63  }
0x4c1: {  	s8 =	simm.s32 $0x2000;
	v4 =	vadd.s32 v2, v4  }
0x4c2: {  	[tilespmem:s8], [sflag:$0x1] =	stream.indirect_vreg.gather [hbm4b:s6+s3], $0x80, v5, vm0, $0xb8;
	[tilespmem:$0x11000] =	vst v63  }
0x4c3: {  	s9 =	simm.s32 $0x2800  }
0x4c4: {  	[tilespmem:s9], [sflag:$0x1] =	stream.indirect_vreg.gather [hbm4b:s7+s3], $0x80, v5, vm0, $0xb8;
	[tilespmem:$0x11000] =	vst v63  }
0x4c5: {  	s21 =	simm.s32 $0x3000  }
0x4c6: {  	[tilespmem:s21], [sflag:$0x1] =	stream.indirect_vreg.gather [hbm4b:s2+s3], $0x80, v4, vm0, $0xb8;
	[tilespmem:$0x11000] =	vst v63  }
0x4c7: {  	s21 =	simm.s32 $0x3800  }
0x4c8: {  	[tilespmem:s21], [sflag:$0x1] =	stream.indirect_vreg.gather [hbm4b:s5+s3], $0x80, v4, vm0, $0xb8;
	[tilespmem:$0x11000] =	vst v63  }
0x4c9: {  	s21 =	simm.s32 $0x4000  }
0x4ca: {  	[tilespmem:s21], [sflag:$0x1] =	stream.indirect_vreg.gather [hbm4b:s6+s3], $0x80, v4, vm0, $0xb8;
	[tilespmem:$0x11000] =	vst v63  }
0x4cb: {  	s21 =	simm.s32 $0x4800  }
0x4cc: {  	[tilespmem:s21], [sflag:$0x1] =	stream.indirect_vreg.gather [hbm4b:s7+s3], $0x80, v4, vm0, $0xb8;
	[tilespmem:$0x11000] =	vst v63  }
0x4cd: {  	v4 =	vld [tilespmem:$0xB10];
	_ =	sdelay $0x4  }
0x4ce: {  	v5 =	vshll.u32 v4, $0x3  }
0x4cf: {  	v4 =	vand.u32 $0x7, v4;
	v5 =	vand.u32 $0xFFFFFFC0, v5  }
0x4d0: {  	v4 =	vor.u32 v4, v5  }
0x4d1: {  	v5 =	vperm.xlane v4, v1;
	_ =	sdelay $0x1  }
0x4d2: {  	v5 =	vadd.s32 v2, v5;
	_ =	sdelay $0x3  }
0x4d3: {  	s21 =	simm.s32 $0x5000  }
0x4d4: {  	[tilespmem:s21], [sflag:$0x1] =	stream.indirect_vreg.gather [hbm4b:s2+s3], $0x80, v5, vm0, $0xb8;
	[tilespmem:$0x11000] =	vst v63  }
0x4d5: {  	v4 =	vperm.xlane v4, v3;
	s21 =	simm.s32 $0x5800  }
0x4d6: {  	[tilespmem:s21], [sflag:$0x1] =	stream.indirect_vreg.gather [hbm4b:s5+s3], $0x80, v5, vm0, $0xb8;
	[tilespmem:$0x11000] =	vst v63  }
0x4d7: {  	s10 =	simm.s32 $0x6000;
	v4 =	vadd.s32 v2, v4  }
0x4d8: {  	[tilespmem:s10], [sflag:$0x1] =	stream.indirect_vreg.gather [hbm4b:s6+s3], $0x80, v5, vm0, $0xb8;
	[tilespmem:$0x11000] =	vst v63  }
0x4d9: {  	s11 =	simm.s32 $0x6800  }
0x4da: {  	[tilespmem:s11], [sflag:$0x1] =	stream.indirect_vreg.gather [hbm4b:s7+s3], $0x80, v5, vm0, $0xb8;
	[tilespmem:$0x11000] =	vst v63  }
0x4db: {  	s12 =	simm.s32 $0x7000  }
0x4dc: {  	[tilespmem:s12], [sflag:$0x1] =	stream.indirect_vreg.gather [hbm4b:s2+s3], $0x80, v4, vm0, $0xb8;
	[tilespmem:$0x11000] =	vst v63  }
0x4dd: {  	s13 =	simm.s32 $0x7800  }
0x4de: {  	[tilespmem:s13], [sflag:$0x1] =	stream.indirect_vreg.gather [hbm4b:s5+s3], $0x80, v4, vm0, $0xb8;
	[tilespmem:$0x11000] =	vst v63  }
0x4df: {  	s28 =	simm.s32 $0x8000  }
0x4e0: {  	[tilespmem:s28], [sflag:$0x1] =	stream.indirect_vreg.gather [hbm4b:s6+s3], $0x80, v4, vm0, $0xb8;
	[tilespmem:$0x11000] =	vst v63  }
0x4e1: {  	s30 =	simm.s32 $0x8800  }
0x4e2: {  	[tilespmem:s30], [sflag:$0x1] =	stream.indirect_vreg.gather [hbm4b:s7+s3], $0x80, v4, vm0, $0xb8;
	[tilespmem:$0x11000] =	vst v63  }
0x4e3: {  	_ =	swait.ge [sflag:s4], $0x8000  }
0x4e4: {  	[sflag:s4] =	ssyncset.done $0x0  }
0x4e5: {  	s21 =	rddreg [dreg:$0x1a];
	[sflag:s4] =	ssyncadd.s32 $0xFFFF8000  }
0x4e6: {  	[hbm4b:s21+s3] =	stream.linear.scatter [tilespmem:s29], [sflag:$0x3], $0x8000, $0x38;
	[tilespmem:$0x11000] =	vst v63  }
0x4e7: {  	_ =	swait.ge [sflag:s20], $0x8000  }
0x4e8: {  	[sflag:s20] =	ssyncset.done $0x0  }
0x4e9: {  	[sflag:s20] =	ssyncadd.s32 $0xFFFF8000  }
0x4ea: {  	v4 =	vld [tilespmem:$0xB80];
	_ =	sdelay $0x4  }
0x4eb: {  	v5 =	vshll.u32 v4, $0x3  }
0x4ec: {  	v4 =	vand.u32 $0x7, v4;
	v5 =	vand.u32 $0xFFFFFFC0, v5  }
0x4ed: {  	v4 =	vor.u32 v4, v5  }
0x4ee: {  	v5 =	vperm.xlane v4, v1;
	_ =	sdelay $0x1  }
0x4ef: {  	v5 =	vadd.s32 v2, v5;
	_ =	sdelay $0x4  }
0x4f0: {  	[tilespmem:s26], [sflag:$0x2] =	stream.indirect_vreg.gather [hbm4b:s2+s3], $0x80, v5, vm0, $0xb8;
	[tilespmem:$0x11000] =	vst v63  }
0x4f1: {  	s21 =	simm.s32 $0x9800;
	v4 =	vperm.xlane v4, v3  }
0x4f2: {  	[tilespmem:s21], [sflag:$0x2] =	stream.indirect_vreg.gather [hbm4b:s5+s3], $0x80, v5, vm0, $0xb8;
	[tilespmem:$0x11000] =	vst v63  }
0x4f3: {  	s0 =	simm.s32 $0xA000;
	v4 =	vadd.s32 v2, v4  }
0x4f4: {  	[tilespmem:s0], [sflag:$0x2] =	stream.indirect_vreg.gather [hbm4b:s6+s3], $0x80, v5, vm0, $0xb8;
	[tilespmem:$0x11000] =	vst v63  }
0x4f5: {  	s1 =	simm.s32 $0xA800  }
0x4f6: {  	[tilespmem:s1], [sflag:$0x2] =	stream.indirect_vreg.gather [hbm4b:s7+s3], $0x80, v5, vm0, $0xb8;
	[tilespmem:$0x11000] =	vst v63  }
0x4f7: {  	s31 =	simm.s32 $0xB000  }
0x4f8: {  	[tilespmem:s31], [sflag:$0x2] =	stream.indirect_vreg.gather [hbm4b:s2+s3], $0x80, v4, vm0, $0xb8;
	[tilespmem:$0x11000] =	vst v63  }
0x4f9: {  	s14 =	simm.s32 $0xB800  }
0x4fa: {  	[tilespmem:s14], [sflag:$0x2] =	stream.indirect_vreg.gather [hbm4b:s5+s3], $0x80, v4, vm0, $0xb8;
	[tilespmem:$0x11000] =	vst v63  }
0x4fb: {  	s15 =	simm.s32 $0xC000  }
0x4fc: {  	[tilespmem:s15], [sflag:$0x2] =	stream.indirect_vreg.gather [hbm4b:s6+s3], $0x80, v4, vm0, $0xb8;
	[tilespmem:$0x11000] =	vst v63  }
0x4fd: {  	s23 =	simm.s32 $0xC800  }
0x4fe: {  	[tilespmem:s23], [sflag:$0x2] =	stream.indirect_vreg.gather [hbm4b:s7+s3], $0x80, v4, vm0, $0xb8;
	[tilespmem:$0x11000] =	vst v63  }
0x4ff: {  	v4 =	vld [tilespmem:$0xB90];
	_ =	sdelay $0x4  }
0x500: {  	v5 =	vshll.u32 v4, $0x3  }
0x501: {  	v4 =	vand.u32 $0x7, v4;
	v5 =	vand.u32 $0xFFFFFFC0, v5  }
0x502: {  	v4 =	vor.u32 v4, v5  }
0x503: {  	v5 =	vperm.xlane v4, v1;
	_ =	sdelay $0x1  }
0x504: {  	v5 =	vadd.s32 v2, v5;
	_ =	sdelay $0x3  }
0x505: {  	s21 =	simm.s32 $0xD000  }
0x506: {  	[tilespmem:s21], [sflag:$0x2] =	stream.indirect_vreg.gather [hbm4b:s2+s3], $0x80, v5, vm0, $0xb8;
	[tilespmem:$0x11000] =	vst v63  }
0x507: {  	v4 =	vperm.xlane v4, v3;
	s21 =	simm.s32 $0xD800  }
0x508: {  	[tilespmem:s21], [sflag:$0x2] =	stream.indirect_vreg.gather [hbm4b:s5+s3], $0x80, v5, vm0, $0xb8;
	[tilespmem:$0x11000] =	vst v63  }
0x509: {  	s22 =	simm.s32 $0xE000;
	v4 =	vadd.s32 v2, v4  }
0x50a: {  	[tilespmem:s22], [sflag:$0x2] =	stream.indirect_vreg.gather [hbm4b:s6+s3], $0x80, v5, vm0, $0xb8;
	[tilespmem:$0x11000] =	vst v63  }
0x50b: {  	s21 =	simm.s32 $0xE800  }
0x50c: {  	[tilespmem:s21], [sflag:$0x2] =	stream.indirect_vreg.gather [hbm4b:s7+s3], $0x80, v5, vm0, $0xb8;
	[tilespmem:$0x11000] =	vst v63  }
0x50d: {  	s24 =	simm.s32 $0xF000  }
0x50e: {  	[tilespmem:s24], [sflag:$0x2] =	stream.indirect_vreg.gather [hbm4b:s2+s3], $0x80, v4, vm0, $0xb8;
	[tilespmem:$0x11000] =	vst v63  }
0x50f: {  	s25 =	simm.s32 $0xF800  }
0x510: {  	[tilespmem:s25], [sflag:$0x2] =	stream.indirect_vreg.gather [hbm4b:s5+s3], $0x80, v4, vm0, $0xb8;
	[tilespmem:$0x11000] =	vst v63  }
0x511: {  	s17 =	simm.s32 $0x10000  }
0x512: {  	[tilespmem:s17], [sflag:$0x2] =	stream.indirect_vreg.gather [hbm4b:s6+s3], $0x80, v4, vm0, $0xb8;
	[tilespmem:$0x11000] =	vst v63  }
0x513: {  	s16 =	simm.s32 $0x10800  }
0x514: {  	[tilespmem:s16], [sflag:$0x2] =	stream.indirect_vreg.gather [hbm4b:s7+s3], $0x80, v4, vm0, $0xb8;
	[tilespmem:$0x11000] =	vst v63  }
0x515: {  	_ =	swait.ge [sflag:s18], $0x8000  }
0x516: {  	[sflag:s18] =	ssyncset.done $0x0  }
0x517: {  	s21 =	rddreg [dreg:$0x1b];
	[sflag:s18] =	ssyncadd.s32 $0xFFFF8000  }
0x518: {  	[hbm4b:s21+s3] =	stream.linear.scatter [tilespmem:s26], [sflag:$0x4], $0x8000, $0x38;
	[tilespmem:$0x11000] =	vst v63  }
0x519: {  	_ =	swait.ge [sflag:s19], $0x8000  }
0x51a: {  	[sflag:s19] =	ssyncset.done $0x0  }
0x51b: {  	[sflag:s19] =	ssyncadd.s32 $0xFFFF8000  }
0x51c: {  	v4 =	vld [tilespmem:$0xC00];
	_ =	sdelay $0x4  }
0x51d: {  	v5 =	vshll.u32 v4, $0x3  }
0x51e: {  	v4 =	vand.u32 $0x7, v4;
	v5 =	vand.u32 $0xFFFFFFC0, v5  }
0x51f: {  	v4 =	vor.u32 v4, v5  }
0x520: {  	v5 =	vperm.xlane v4, v1;
	_ =	sdelay $0x1  }
0x521: {  	v5 =	vadd.s32 v2, v5;
	_ =	sdelay $0x4  }
0x522: {  	[tilespmem:s29], [sflag:$0x1] =	stream.indirect_vreg.gather [hbm4b:s2+s3], $0x80, v5, vm0, $0xb8;
	[tilespmem:$0x11000] =	vst v63  }
0x523: {  	s21 =	simm.s32 $0x1800;
	v4 =	vperm.xlane v4, v3  }
0x524: {  	[tilespmem:s21], [sflag:$0x1] =	stream.indirect_vreg.gather [hbm4b:s5+s3], $0x80, v5, vm0, $0xb8;
	[tilespmem:$0x11000] =	vst v63  }
0x525: {  	s8 =	simm.s32 $0x2000;
	v4 =	vadd.s32 v2, v4  }
0x526: {  	[tilespmem:s8], [sflag:$0x1] =	stream.indirect_vreg.gather [hbm4b:s6+s3], $0x80, v5, vm0, $0xb8;
	[tilespmem:$0x11000] =	vst v63  }
0x527: {  	s9 =	simm.s32 $0x2800  }
0x528: {  	[tilespmem:s9], [sflag:$0x1] =	stream.indirect_vreg.gather [hbm4b:s7+s3], $0x80, v5, vm0, $0xb8;
	[tilespmem:$0x11000] =	vst v63  }
0x529: {  	s21 =	simm.s32 $0x3000  }
0x52a: {  	[tilespmem:s21], [sflag:$0x1] =	stream.indirect_vreg.gather [hbm4b:s2+s3], $0x80, v4, vm0, $0xb8;
	[tilespmem:$0x11000] =	vst v63  }
0x52b: {  	s21 =	simm.s32 $0x3800  }
0x52c: {  	[tilespmem:s21], [sflag:$0x1] =	stream.indirect_vreg.gather [hbm4b:s5+s3], $0x80, v4, vm0, $0xb8;
	[tilespmem:$0x11000] =	vst v63  }
0x52d: {  	s21 =	simm.s32 $0x4000  }
0x52e: {  	[tilespmem:s21], [sflag:$0x1] =	stream.indirect_vreg.gather [hbm4b:s6+s3], $0x80, v4, vm0, $0xb8;
	[tilespmem:$0x11000] =	vst v63  }
0x52f: {  	s21 =	simm.s32 $0x4800  }
0x530: {  	[tilespmem:s21], [sflag:$0x1] =	stream.indirect_vreg.gather [hbm4b:s7+s3], $0x80, v4, vm0, $0xb8;
	[tilespmem:$0x11000] =	vst v63  }
0x531: {  	v4 =	vld [tilespmem:$0xC10];
	_ =	sdelay $0x4  }
0x532: {  	v5 =	vshll.u32 v4, $0x3  }
0x533: {  	v4 =	vand.u32 $0x7, v4;
	v5 =	vand.u32 $0xFFFFFFC0, v5  }
0x534: {  	v4 =	vor.u32 v4, v5  }
0x535: {  	v5 =	vperm.xlane v4, v1;
	_ =	sdelay $0x1  }
0x536: {  	v5 =	vadd.s32 v2, v5;
	_ =	sdelay $0x3  }
0x537: {  	s21 =	simm.s32 $0x5000  }
0x538: {  	[tilespmem:s21], [sflag:$0x1] =	stream.indirect_vreg.gather [hbm4b:s2+s3], $0x80, v5, vm0, $0xb8;
	[tilespmem:$0x11000] =	vst v63  }
0x539: {  	v4 =	vperm.xlane v4, v3;
	s21 =	simm.s32 $0x5800  }
0x53a: {  	[tilespmem:s21], [sflag:$0x1] =	stream.indirect_vreg.gather [hbm4b:s5+s3], $0x80, v5, vm0, $0xb8;
	[tilespmem:$0x11000] =	vst v63  }
0x53b: {  	s10 =	simm.s32 $0x6000;
	v4 =	vadd.s32 v2, v4  }
0x53c: {  	[tilespmem:s10], [sflag:$0x1] =	stream.indirect_vreg.gather [hbm4b:s6+s3], $0x80, v5, vm0, $0xb8;
	[tilespmem:$0x11000] =	vst v63  }
0x53d: {  	s11 =	simm.s32 $0x6800  }
0x53e: {  	[tilespmem:s11], [sflag:$0x1] =	stream.indirect_vreg.gather [hbm4b:s7+s3], $0x80, v5, vm0, $0xb8;
	[tilespmem:$0x11000] =	vst v63  }
0x53f: {  	s12 =	simm.s32 $0x7000  }
0x540: {  	[tilespmem:s12], [sflag:$0x1] =	stream.indirect_vreg.gather [hbm4b:s2+s3], $0x80, v4, vm0, $0xb8;
	[tilespmem:$0x11000] =	vst v63  }
0x541: {  	s13 =	simm.s32 $0x7800  }
0x542: {  	[tilespmem:s13], [sflag:$0x1] =	stream.indirect_vreg.gather [hbm4b:s5+s3], $0x80, v4, vm0, $0xb8;
	[tilespmem:$0x11000] =	vst v63  }
0x543: {  	s28 =	simm.s32 $0x8000  }
0x544: {  	[tilespmem:s28], [sflag:$0x1] =	stream.indirect_vreg.gather [hbm4b:s6+s3], $0x80, v4, vm0, $0xb8;
	[tilespmem:$0x11000] =	vst v63  }
0x545: {  	s30 =	simm.s32 $0x8800  }
0x546: {  	[tilespmem:s30], [sflag:$0x1] =	stream.indirect_vreg.gather [hbm4b:s7+s3], $0x80, v4, vm0, $0xb8;
	[tilespmem:$0x11000] =	vst v63  }
0x547: {  	_ =	swait.ge [sflag:s4], $0x8000  }
0x548: {  	[sflag:s4] =	ssyncset.done $0x0  }
0x549: {  	s21 =	rddreg [dreg:$0x1c];
	[sflag:s4] =	ssyncadd.s32 $0xFFFF8000  }
0x54a: {  	[hbm4b:s21+s3] =	stream.linear.scatter [tilespmem:s29], [sflag:$0x3], $0x8000, $0x38;
	[tilespmem:$0x11000] =	vst v63  }
0x54b: {  	_ =	swait.ge [sflag:s20], $0x8000  }
0x54c: {  	[sflag:s20] =	ssyncset.done $0x0  }
0x54d: {  	[sflag:s20] =	ssyncadd.s32 $0xFFFF8000  }
0x54e: {  	v4 =	vld [tilespmem:$0xC80];
	_ =	sdelay $0x4  }
0x54f: {  	v5 =	vshll.u32 v4, $0x3  }
0x550: {  	v4 =	vand.u32 $0x7, v4;
	v5 =	vand.u32 $0xFFFFFFC0, v5  }
0x551: {  	v4 =	vor.u32 v4, v5  }
0x552: {  	v5 =	vperm.xlane v4, v1;
	_ =	sdelay $0x1  }
0x553: {  	v5 =	vadd.s32 v2, v5;
	_ =	sdelay $0x4  }
0x554: {  	[tilespmem:s26], [sflag:$0x2] =	stream.indirect_vreg.gather [hbm4b:s2+s3], $0x80, v5, vm0, $0xb8;
	[tilespmem:$0x11000] =	vst v63  }
0x555: {  	s21 =	simm.s32 $0x9800;
	v4 =	vperm.xlane v4, v3  }
0x556: {  	[tilespmem:s21], [sflag:$0x2] =	stream.indirect_vreg.gather [hbm4b:s5+s3], $0x80, v5, vm0, $0xb8;
	[tilespmem:$0x11000] =	vst v63  }
0x557: {  	s0 =	simm.s32 $0xA000;
	v4 =	vadd.s32 v2, v4  }
0x558: {  	[tilespmem:s0], [sflag:$0x2] =	stream.indirect_vreg.gather [hbm4b:s6+s3], $0x80, v5, vm0, $0xb8;
	[tilespmem:$0x11000] =	vst v63  }
0x559: {  	s1 =	simm.s32 $0xA800  }
0x55a: {  	[tilespmem:s1], [sflag:$0x2] =	stream.indirect_vreg.gather [hbm4b:s7+s3], $0x80, v5, vm0, $0xb8;
	[tilespmem:$0x11000] =	vst v63  }
0x55b: {  	s31 =	simm.s32 $0xB000  }
0x55c: {  	[tilespmem:s31], [sflag:$0x2] =	stream.indirect_vreg.gather [hbm4b:s2+s3], $0x80, v4, vm0, $0xb8;
	[tilespmem:$0x11000] =	vst v63  }
0x55d: {  	s14 =	simm.s32 $0xB800  }
0x55e: {  	[tilespmem:s14], [sflag:$0x2] =	stream.indirect_vreg.gather [hbm4b:s5+s3], $0x80, v4, vm0, $0xb8;
	[tilespmem:$0x11000] =	vst v63  }
0x55f: {  	s15 =	simm.s32 $0xC000  }
0x560: {  	[tilespmem:s15], [sflag:$0x2] =	stream.indirect_vreg.gather [hbm4b:s6+s3], $0x80, v4, vm0, $0xb8;
	[tilespmem:$0x11000] =	vst v63  }
0x561: {  	s23 =	simm.s32 $0xC800  }
0x562: {  	[tilespmem:s23], [sflag:$0x2] =	stream.indirect_vreg.gather [hbm4b:s7+s3], $0x80, v4, vm0, $0xb8;
	[tilespmem:$0x11000] =	vst v63  }
0x563: {  	v4 =	vld [tilespmem:$0xC90];
	_ =	sdelay $0x4  }
0x564: {  	v5 =	vshll.u32 v4, $0x3  }
0x565: {  	v4 =	vand.u32 $0x7, v4;
	v5 =	vand.u32 $0xFFFFFFC0, v5  }
0x566: {  	v4 =	vor.u32 v4, v5  }
0x567: {  	v5 =	vperm.xlane v4, v1;
	_ =	sdelay $0x1  }
0x568: {  	v5 =	vadd.s32 v2, v5;
	_ =	sdelay $0x3  }
0x569: {  	s21 =	simm.s32 $0xD000  }
0x56a: {  	[tilespmem:s21], [sflag:$0x2] =	stream.indirect_vreg.gather [hbm4b:s2+s3], $0x80, v5, vm0, $0xb8;
	[tilespmem:$0x11000] =	vst v63  }
0x56b: {  	v4 =	vperm.xlane v4, v3;
	s21 =	simm.s32 $0xD800  }
0x56c: {  	[tilespmem:s21], [sflag:$0x2] =	stream.indirect_vreg.gather [hbm4b:s5+s3], $0x80, v5, vm0, $0xb8;
	[tilespmem:$0x11000] =	vst v63  }
0x56d: {  	s22 =	simm.s32 $0xE000;
	v4 =	vadd.s32 v2, v4  }
0x56e: {  	[tilespmem:s22], [sflag:$0x2] =	stream.indirect_vreg.gather [hbm4b:s6+s3], $0x80, v5, vm0, $0xb8;
	[tilespmem:$0x11000] =	vst v63  }
0x56f: {  	s21 =	simm.s32 $0xE800  }
0x570: {  	[tilespmem:s21], [sflag:$0x2] =	stream.indirect_vreg.gather [hbm4b:s7+s3], $0x80, v5, vm0, $0xb8;
	[tilespmem:$0x11000] =	vst v63  }
0x571: {  	s24 =	simm.s32 $0xF000  }
0x572: {  	[tilespmem:s24], [sflag:$0x2] =	stream.indirect_vreg.gather [hbm4b:s2+s3], $0x80, v4, vm0, $0xb8;
	[tilespmem:$0x11000] =	vst v63  }
0x573: {  	s25 =	simm.s32 $0xF800  }
0x574: {  	[tilespmem:s25], [sflag:$0x2] =	stream.indirect_vreg.gather [hbm4b:s5+s3], $0x80, v4, vm0, $0xb8;
	[tilespmem:$0x11000] =	vst v63  }
0x575: {  	s17 =	simm.s32 $0x10000  }
0x576: {  	[tilespmem:s17], [sflag:$0x2] =	stream.indirect_vreg.gather [hbm4b:s6+s3], $0x80, v4, vm0, $0xb8;
	[tilespmem:$0x11000] =	vst v63  }
0x577: {  	s16 =	simm.s32 $0x10800  }
0x578: {  	[tilespmem:s16], [sflag:$0x2] =	stream.indirect_vreg.gather [hbm4b:s7+s3], $0x80, v4, vm0, $0xb8;
	[tilespmem:$0x11000] =	vst v63  }
0x579: {  	_ =	swait.ge [sflag:s18], $0x8000  }
0x57a: {  	[sflag:s18] =	ssyncset.done $0x0  }
0x57b: {  	s21 =	rddreg [dreg:$0x1d];
	[sflag:s18] =	ssyncadd.s32 $0xFFFF8000  }
0x57c: {  	[hbm4b:s21+s3] =	stream.linear.scatter [tilespmem:s26], [sflag:$0x4], $0x8000, $0x38;
	[tilespmem:$0x11000] =	vst v63  }
0x57d: {  	_ =	swait.ge [sflag:s19], $0x8000  }
0x57e: {  	[sflag:s19] =	ssyncset.done $0x0  }
0x57f: {  	[sflag:s19] =	ssyncadd.s32 $0xFFFF8000  }
0x580: {  	v4 =	vld [tilespmem:$0xD00];
	_ =	sdelay $0x4  }
0x581: {  	v5 =	vshll.u32 v4, $0x3  }
0x582: {  	v4 =	vand.u32 $0x7, v4;
	v5 =	vand.u32 $0xFFFFFFC0, v5  }
0x583: {  	v4 =	vor.u32 v4, v5  }
0x584: {  	v5 =	vperm.xlane v4, v1;
	_ =	sdelay $0x1  }
0x585: {  	v5 =	vadd.s32 v2, v5;
	_ =	sdelay $0x4  }
0x586: {  	[tilespmem:s29], [sflag:$0x1] =	stream.indirect_vreg.gather [hbm4b:s2+s3], $0x80, v5, vm0, $0xb8;
	[tilespmem:$0x11000] =	vst v63  }
0x587: {  	s21 =	simm.s32 $0x1800;
	v4 =	vperm.xlane v4, v3  }
0x588: {  	[tilespmem:s21], [sflag:$0x1] =	stream.indirect_vreg.gather [hbm4b:s5+s3], $0x80, v5, vm0, $0xb8;
	[tilespmem:$0x11000] =	vst v63  }
0x589: {  	s8 =	simm.s32 $0x2000;
	v4 =	vadd.s32 v2, v4  }
0x58a: {  	[tilespmem:s8], [sflag:$0x1] =	stream.indirect_vreg.gather [hbm4b:s6+s3], $0x80, v5, vm0, $0xb8;
	[tilespmem:$0x11000] =	vst v63  }
0x58b: {  	s9 =	simm.s32 $0x2800  }
0x58c: {  	[tilespmem:s9], [sflag:$0x1] =	stream.indirect_vreg.gather [hbm4b:s7+s3], $0x80, v5, vm0, $0xb8;
	[tilespmem:$0x11000] =	vst v63  }
0x58d: {  	s21 =	simm.s32 $0x3000  }
0x58e: {  	[tilespmem:s21], [sflag:$0x1] =	stream.indirect_vreg.gather [hbm4b:s2+s3], $0x80, v4, vm0, $0xb8;
	[tilespmem:$0x11000] =	vst v63  }
0x58f: {  	s21 =	simm.s32 $0x3800  }
0x590: {  	[tilespmem:s21], [sflag:$0x1] =	stream.indirect_vreg.gather [hbm4b:s5+s3], $0x80, v4, vm0, $0xb8;
	[tilespmem:$0x11000] =	vst v63  }
0x591: {  	s21 =	simm.s32 $0x4000  }
0x592: {  	[tilespmem:s21], [sflag:$0x1] =	stream.indirect_vreg.gather [hbm4b:s6+s3], $0x80, v4, vm0, $0xb8;
	[tilespmem:$0x11000] =	vst v63  }
0x593: {  	s21 =	simm.s32 $0x4800  }
0x594: {  	[tilespmem:s21], [sflag:$0x1] =	stream.indirect_vreg.gather [hbm4b:s7+s3], $0x80, v4, vm0, $0xb8;
	[tilespmem:$0x11000] =	vst v63  }
0x595: {  	v4 =	vld [tilespmem:$0xD10];
	_ =	sdelay $0x4  }
0x596: {  	v5 =	vshll.u32 v4, $0x3  }
0x597: {  	v4 =	vand.u32 $0x7, v4;
	v5 =	vand.u32 $0xFFFFFFC0, v5  }
0x598: {  	v4 =	vor.u32 v4, v5  }
0x599: {  	v5 =	vperm.xlane v4, v1;
	_ =	sdelay $0x1  }
0x59a: {  	v5 =	vadd.s32 v2, v5;
	_ =	sdelay $0x3  }
0x59b: {  	s21 =	simm.s32 $0x5000  }
0x59c: {  	[tilespmem:s21], [sflag:$0x1] =	stream.indirect_vreg.gather [hbm4b:s2+s3], $0x80, v5, vm0, $0xb8;
	[tilespmem:$0x11000] =	vst v63  }
0x59d: {  	v4 =	vperm.xlane v4, v3;
	s21 =	simm.s32 $0x5800  }
0x59e: {  	[tilespmem:s21], [sflag:$0x1] =	stream.indirect_vreg.gather [hbm4b:s5+s3], $0x80, v5, vm0, $0xb8;
	[tilespmem:$0x11000] =	vst v63  }
0x59f: {  	s10 =	simm.s32 $0x6000;
	v4 =	vadd.s32 v2, v4  }
0x5a0: {  	[tilespmem:s10], [sflag:$0x1] =	stream.indirect_vreg.gather [hbm4b:s6+s3], $0x80, v5, vm0, $0xb8;
	[tilespmem:$0x11000] =	vst v63  }
0x5a1: {  	s11 =	simm.s32 $0x6800  }
0x5a2: {  	[tilespmem:s11], [sflag:$0x1] =	stream.indirect_vreg.gather [hbm4b:s7+s3], $0x80, v5, vm0, $0xb8;
	[tilespmem:$0x11000] =	vst v63  }
0x5a3: {  	s12 =	simm.s32 $0x7000  }
0x5a4: {  	[tilespmem:s12], [sflag:$0x1] =	stream.indirect_vreg.gather [hbm4b:s2+s3], $0x80, v4, vm0, $0xb8;
	[tilespmem:$0x11000] =	vst v63  }
0x5a5: {  	s13 =	simm.s32 $0x7800  }
0x5a6: {  	[tilespmem:s13], [sflag:$0x1] =	stream.indirect_vreg.gather [hbm4b:s5+s3], $0x80, v4, vm0, $0xb8;
	[tilespmem:$0x11000] =	vst v63  }
0x5a7: {  	s28 =	simm.s32 $0x8000  }
0x5a8: {  	[tilespmem:s28], [sflag:$0x1] =	stream.indirect_vreg.gather [hbm4b:s6+s3], $0x80, v4, vm0, $0xb8;
	[tilespmem:$0x11000] =	vst v63  }
0x5a9: {  	s30 =	simm.s32 $0x8800  }
0x5aa: {  	[tilespmem:s30], [sflag:$0x1] =	stream.indirect_vreg.gather [hbm4b:s7+s3], $0x80, v4, vm0, $0xb8;
	[tilespmem:$0x11000] =	vst v63  }
0x5ab: {  	_ =	swait.ge [sflag:s4], $0x8000  }
0x5ac: {  	[sflag:s4] =	ssyncset.done $0x0  }
0x5ad: {  	s21 =	rddreg [dreg:$0x1e];
	[sflag:s4] =	ssyncadd.s32 $0xFFFF8000  }
0x5ae: {  	[hbm4b:s21+s3] =	stream.linear.scatter [tilespmem:s29], [sflag:$0x3], $0x8000, $0x38;
	[tilespmem:$0x11000] =	vst v63  }
0x5af: {  	_ =	swait.ge [sflag:s20], $0x8000  }
0x5b0: {  	[sflag:s20] =	ssyncset.done $0x0  }
0x5b1: {  	[sflag:s20] =	ssyncadd.s32 $0xFFFF8000  }
0x5b2: {  	v4 =	vld [tilespmem:$0xD80];
	_ =	sdelay $0x4  }
0x5b3: {  	v5 =	vshll.u32 v4, $0x3  }
0x5b4: {  	v4 =	vand.u32 $0x7, v4;
	v5 =	vand.u32 $0xFFFFFFC0, v5  }
0x5b5: {  	v4 =	vor.u32 v4, v5  }
0x5b6: {  	v5 =	vperm.xlane v4, v1;
	_ =	sdelay $0x1  }
0x5b7: {  	v5 =	vadd.s32 v2, v5;
	_ =	sdelay $0x4  }
0x5b8: {  	[tilespmem:s26], [sflag:$0x2] =	stream.indirect_vreg.gather [hbm4b:s2+s3], $0x80, v5, vm0, $0xb8;
	[tilespmem:$0x11000] =	vst v63  }
0x5b9: {  	s21 =	simm.s32 $0x9800;
	v4 =	vperm.xlane v4, v3  }
0x5ba: {  	[tilespmem:s21], [sflag:$0x2] =	stream.indirect_vreg.gather [hbm4b:s5+s3], $0x80, v5, vm0, $0xb8;
	[tilespmem:$0x11000] =	vst v63  }
0x5bb: {  	s0 =	simm.s32 $0xA000;
	v4 =	vadd.s32 v2, v4  }
0x5bc: {  	[tilespmem:s0], [sflag:$0x2] =	stream.indirect_vreg.gather [hbm4b:s6+s3], $0x80, v5, vm0, $0xb8;
	[tilespmem:$0x11000] =	vst v63  }
0x5bd: {  	s1 =	simm.s32 $0xA800  }
0x5be: {  	[tilespmem:s1], [sflag:$0x2] =	stream.indirect_vreg.gather [hbm4b:s7+s3], $0x80, v5, vm0, $0xb8;
	[tilespmem:$0x11000] =	vst v63  }
0x5bf: {  	s31 =	simm.s32 $0xB000  }
0x5c0: {  	[tilespmem:s31], [sflag:$0x2] =	stream.indirect_vreg.gather [hbm4b:s2+s3], $0x80, v4, vm0, $0xb8;
	[tilespmem:$0x11000] =	vst v63  }
0x5c1: {  	s14 =	simm.s32 $0xB800  }
0x5c2: {  	[tilespmem:s14], [sflag:$0x2] =	stream.indirect_vreg.gather [hbm4b:s5+s3], $0x80, v4, vm0, $0xb8;
	[tilespmem:$0x11000] =	vst v63  }
0x5c3: {  	s15 =	simm.s32 $0xC000  }
0x5c4: {  	[tilespmem:s15], [sflag:$0x2] =	stream.indirect_vreg.gather [hbm4b:s6+s3], $0x80, v4, vm0, $0xb8;
	[tilespmem:$0x11000] =	vst v63  }
0x5c5: {  	s23 =	simm.s32 $0xC800  }
0x5c6: {  	[tilespmem:s23], [sflag:$0x2] =	stream.indirect_vreg.gather [hbm4b:s7+s3], $0x80, v4, vm0, $0xb8;
	[tilespmem:$0x11000] =	vst v63  }
0x5c7: {  	v4 =	vld [tilespmem:$0xD90];
	_ =	sdelay $0x4  }
0x5c8: {  	v5 =	vshll.u32 v4, $0x3  }
0x5c9: {  	v4 =	vand.u32 $0x7, v4;
	v5 =	vand.u32 $0xFFFFFFC0, v5  }
0x5ca: {  	v4 =	vor.u32 v4, v5  }
0x5cb: {  	v5 =	vperm.xlane v4, v1;
	_ =	sdelay $0x1  }
0x5cc: {  	v5 =	vadd.s32 v2, v5;
	_ =	sdelay $0x3  }
0x5cd: {  	s31 =	simm.s32 $0xD000  }
0x5ce: {  	[tilespmem:s31], [sflag:$0x2] =	stream.indirect_vreg.gather [hbm4b:s2+s3], $0x80, v5, vm0, $0xb8;
	[tilespmem:$0x11000] =	vst v63  }
0x5cf: {  	v4 =	vperm.xlane v4, v3;
	s31 =	simm.s32 $0xD800  }
0x5d0: {  	[tilespmem:s31], [sflag:$0x2] =	stream.indirect_vreg.gather [hbm4b:s5+s3], $0x80, v5, vm0, $0xb8;
	[tilespmem:$0x11000] =	vst v63  }
0x5d1: {  	s22 =	simm.s32 $0xE000;
	v4 =	vadd.s32 v2, v4  }
0x5d2: {  	[tilespmem:s22], [sflag:$0x2] =	stream.indirect_vreg.gather [hbm4b:s6+s3], $0x80, v5, vm0, $0xb8;
	[tilespmem:$0x11000] =	vst v63  }
0x5d3: {  	s31 =	simm.s32 $0xE800  }
0x5d4: {  	[tilespmem:s31], [sflag:$0x2] =	stream.indirect_vreg.gather [hbm4b:s7+s3], $0x80, v5, vm0, $0xb8;
	[tilespmem:$0x11000] =	vst v63  }
0x5d5: {  	s24 =	simm.s32 $0xF000  }
0x5d6: {  	[tilespmem:s24], [sflag:$0x2] =	stream.indirect_vreg.gather [hbm4b:s2+s3], $0x80, v4, vm0, $0xb8;
	[tilespmem:$0x11000] =	vst v63  }
0x5d7: {  	s25 =	simm.s32 $0xF800  }
0x5d8: {  	[tilespmem:s25], [sflag:$0x2] =	stream.indirect_vreg.gather [hbm4b:s5+s3], $0x80, v4, vm0, $0xb8;
	[tilespmem:$0x11000] =	vst v63  }
0x5d9: {  	s17 =	simm.s32 $0x10000  }
0x5da: {  	[tilespmem:s17], [sflag:$0x2] =	stream.indirect_vreg.gather [hbm4b:s6+s3], $0x80, v4, vm0, $0xb8;
	[tilespmem:$0x11000] =	vst v63  }
0x5db: {  	s16 =	simm.s32 $0x10800  }
0x5dc: {  	[tilespmem:s16], [sflag:$0x2] =	stream.indirect_vreg.gather [hbm4b:s7+s3], $0x80, v4, vm0, $0xb8;
	[tilespmem:$0x11000] =	vst v63  }
0x5dd: {  	_ =	swait.ge [sflag:s18], $0x8000  }
0x5de: {  	[sflag:s18] =	ssyncset.done $0x0  }
0x5df: {  	s16 =	rddreg [dreg:$0x1f];
	[sflag:s18] =	ssyncadd.s32 $0xFFFF8000  }
0x5e0: {  	[hbm4b:s16+s3] =	stream.linear.scatter [tilespmem:s26], [sflag:$0x4], $0x8000, $0x38;
	[tilespmem:$0x11000] =	vst v63  }
0x5e1: {  	_ =	swait.ge [sflag:s19], $0x8000  }
0x5e2: {  	[sflag:s19] =	ssyncset.done $0x0  }
0x5e3: {  	[sflag:s19] =	ssyncadd.s32 $0xFFFF8000  }
0x5e4: {  	v4 =	vld [tilespmem:$0xE00];
	_ =	sdelay $0x4  }
0x5e5: {  	v5 =	vshll.u32 v4, $0x3  }
0x5e6: {  	v4 =	vand.u32 $0x7, v4;
	v5 =	vand.u32 $0xFFFFFFC0, v5  }
0x5e7: {  	v4 =	vor.u32 v4, v5  }
0x5e8: {  	v5 =	vperm.xlane v4, v1;
	_ =	sdelay $0x1  }
0x5e9: {  	v5 =	vadd.s32 v2, v5;
	_ =	sdelay $0x4  }
0x5ea: {  	[tilespmem:s29], [sflag:$0x1] =	stream.indirect_vreg.gather [hbm4b:s2+s3], $0x80, v5, vm0, $0xb8;
	[tilespmem:$0x11000] =	vst v63  }
0x5eb: {  	s25 =	simm.s32 $0x1800;
	v4 =	vperm.xlane v4, v3  }
0x5ec: {  	[tilespmem:s25], [sflag:$0x1] =	stream.indirect_vreg.gather [hbm4b:s5+s3], $0x80, v5, vm0, $0xb8;
	[tilespmem:$0x11000] =	vst v63  }
0x5ed: {  	s8 =	simm.s32 $0x2000;
	v4 =	vadd.s32 v2, v4  }
0x5ee: {  	[tilespmem:s8], [sflag:$0x1] =	stream.indirect_vreg.gather [hbm4b:s6+s3], $0x80, v5, vm0, $0xb8;
	[tilespmem:$0x11000] =	vst v63  }
0x5ef: {  	s9 =	simm.s32 $0x2800  }
0x5f0: {  	[tilespmem:s9], [sflag:$0x1] =	stream.indirect_vreg.gather [hbm4b:s7+s3], $0x80, v5, vm0, $0xb8;
	[tilespmem:$0x11000] =	vst v63  }
0x5f1: {  	s21 =	simm.s32 $0x3000  }
0x5f2: {  	[tilespmem:s21], [sflag:$0x1] =	stream.indirect_vreg.gather [hbm4b:s2+s3], $0x80, v4, vm0, $0xb8;
	[tilespmem:$0x11000] =	vst v63  }
0x5f3: {  	s25 =	simm.s32 $0x3800  }
0x5f4: {  	[tilespmem:s25], [sflag:$0x1] =	stream.indirect_vreg.gather [hbm4b:s5+s3], $0x80, v4, vm0, $0xb8;
	[tilespmem:$0x11000] =	vst v63  }
0x5f5: {  	s21 =	simm.s32 $0x4000  }
0x5f6: {  	[tilespmem:s21], [sflag:$0x1] =	stream.indirect_vreg.gather [hbm4b:s6+s3], $0x80, v4, vm0, $0xb8;
	[tilespmem:$0x11000] =	vst v63  }
0x5f7: {  	s25 =	simm.s32 $0x4800  }
0x5f8: {  	[tilespmem:s25], [sflag:$0x1] =	stream.indirect_vreg.gather [hbm4b:s7+s3], $0x80, v4, vm0, $0xb8;
	[tilespmem:$0x11000] =	vst v63  }
0x5f9: {  	v4 =	vld [tilespmem:$0xE10];
	_ =	sdelay $0x4  }
0x5fa: {  	v5 =	vshll.u32 v4, $0x3  }
0x5fb: {  	v4 =	vand.u32 $0x7, v4;
	v5 =	vand.u32 $0xFFFFFFC0, v5  }
0x5fc: {  	v4 =	vor.u32 v4, v5  }
0x5fd: {  	v5 =	vperm.xlane v4, v1;
	_ =	sdelay $0x1  }
0x5fe: {  	v5 =	vadd.s32 v2, v5;
	_ =	sdelay $0x3  }
0x5ff: {  	s21 =	simm.s32 $0x5000  }
0x600: {  	[tilespmem:s21], [sflag:$0x1] =	stream.indirect_vreg.gather [hbm4b:s2+s3], $0x80, v5, vm0, $0xb8;
	[tilespmem:$0x11000] =	vst v63  }
0x601: {  	s25 =	simm.s32 $0x5800;
	v4 =	vperm.xlane v4, v3  }
0x602: {  	[tilespmem:s25], [sflag:$0x1] =	stream.indirect_vreg.gather [hbm4b:s5+s3], $0x80, v5, vm0, $0xb8;
	[tilespmem:$0x11000] =	vst v63  }
0x603: {  	s10 =	simm.s32 $0x6000;
	v4 =	vadd.s32 v2, v4  }
0x604: {  	[tilespmem:s10], [sflag:$0x1] =	stream.indirect_vreg.gather [hbm4b:s6+s3], $0x80, v5, vm0, $0xb8;
	[tilespmem:$0x11000] =	vst v63  }
0x605: {  	s11 =	simm.s32 $0x6800  }
0x606: {  	[tilespmem:s11], [sflag:$0x1] =	stream.indirect_vreg.gather [hbm4b:s7+s3], $0x80, v5, vm0, $0xb8;
	[tilespmem:$0x11000] =	vst v63  }
0x607: {  	s12 =	simm.s32 $0x7000  }
0x608: {  	[tilespmem:s12], [sflag:$0x1] =	stream.indirect_vreg.gather [hbm4b:s2+s3], $0x80, v4, vm0, $0xb8;
	[tilespmem:$0x11000] =	vst v63  }
0x609: {  	s13 =	simm.s32 $0x7800  }
0x60a: {  	[tilespmem:s13], [sflag:$0x1] =	stream.indirect_vreg.gather [hbm4b:s5+s3], $0x80, v4, vm0, $0xb8;
	[tilespmem:$0x11000] =	vst v63  }
0x60b: {  	s28 =	simm.s32 $0x8000  }
0x60c: {  	[tilespmem:s28], [sflag:$0x1] =	stream.indirect_vreg.gather [hbm4b:s6+s3], $0x80, v4, vm0, $0xb8;
	[tilespmem:$0x11000] =	vst v63  }
0x60d: {  	s30 =	simm.s32 $0x8800  }
0x60e: {  	[tilespmem:s30], [sflag:$0x1] =	stream.indirect_vreg.gather [hbm4b:s7+s3], $0x80, v4, vm0, $0xb8;
	[tilespmem:$0x11000] =	vst v63  }
0x60f: {  	_ =	swait.ge [sflag:s4], $0x8000  }
0x610: {  	s13 =	sld [smem:$0x7FA]  }
0x611: {  	[sflag:s4] =	ssyncset.done $0x0  }
0x612: {  	[sflag:s4] =	ssyncadd.s32 $0xFFFF8000  }
0x613: {  	[hbm4b:s13+s3] =	stream.linear.scatter [tilespmem:s29], [sflag:$0x3], $0x8000, $0x38;
	[tilespmem:$0x11000] =	vst v63  }
0x614: {  	_ =	swait.ge [sflag:s20], $0x8000  }
0x615: {  	[sflag:s20] =	ssyncset.done $0x0  }
0x616: {  	[sflag:s20] =	ssyncadd.s32 $0xFFFF8000  }
0x617: {  	v4 =	vld [tilespmem:$0xE80];
	_ =	sdelay $0x4  }
0x618: {  	v5 =	vshll.u32 v4, $0x3  }
0x619: {  	v4 =	vand.u32 $0x7, v4;
	v5 =	vand.u32 $0xFFFFFFC0, v5  }
0x61a: {  	v4 =	vor.u32 v4, v5  }
0x61b: {  	v5 =	vperm.xlane v4, v1;
	_ =	sdelay $0x1  }
0x61c: {  	v5 =	vadd.s32 v2, v5;
	_ =	sdelay $0x4  }
0x61d: {  	[tilespmem:s26], [sflag:$0x2] =	stream.indirect_vreg.gather [hbm4b:s2+s3], $0x80, v5, vm0, $0xb8;
	[tilespmem:$0x11000] =	vst v63  }
0x61e: {  	s30 =	simm.s32 $0x9800;
	v4 =	vperm.xlane v4, v3  }
0x61f: {  	[tilespmem:s30], [sflag:$0x2] =	stream.indirect_vreg.gather [hbm4b:s5+s3], $0x80, v5, vm0, $0xb8;
	[tilespmem:$0x11000] =	vst v63  }
0x620: {  	s0 =	simm.s32 $0xA000;
	v4 =	vadd.s32 v2, v4  }
0x621: {  	[tilespmem:s0], [sflag:$0x2] =	stream.indirect_vreg.gather [hbm4b:s6+s3], $0x80, v5, vm0, $0xb8;
	[tilespmem:$0x11000] =	vst v63  }
0x622: {  	s1 =	simm.s32 $0xA800  }
0x623: {  	[tilespmem:s1], [sflag:$0x2] =	stream.indirect_vreg.gather [hbm4b:s7+s3], $0x80, v5, vm0, $0xb8;
	[tilespmem:$0x11000] =	vst v63  }
0x624: {  	s21 =	simm.s32 $0xB000  }
0x625: {  	[tilespmem:s21], [sflag:$0x2] =	stream.indirect_vreg.gather [hbm4b:s2+s3], $0x80, v4, vm0, $0xb8;
	[tilespmem:$0x11000] =	vst v63  }
0x626: {  	s14 =	simm.s32 $0xB800  }
0x627: {  	[tilespmem:s14], [sflag:$0x2] =	stream.indirect_vreg.gather [hbm4b:s5+s3], $0x80, v4, vm0, $0xb8;
	[tilespmem:$0x11000] =	vst v63  }
0x628: {  	s15 =	simm.s32 $0xC000  }
0x629: {  	[tilespmem:s15], [sflag:$0x2] =	stream.indirect_vreg.gather [hbm4b:s6+s3], $0x80, v4, vm0, $0xb8;
	[tilespmem:$0x11000] =	vst v63  }
0x62a: {  	s23 =	simm.s32 $0xC800  }
0x62b: {  	[tilespmem:s23], [sflag:$0x2] =	stream.indirect_vreg.gather [hbm4b:s7+s3], $0x80, v4, vm0, $0xb8;
	[tilespmem:$0x11000] =	vst v63  }
0x62c: {  	v4 =	vld [tilespmem:$0xE90];
	_ =	sdelay $0x4  }
0x62d: {  	v5 =	vshll.u32 v4, $0x3  }
0x62e: {  	v4 =	vand.u32 $0x7, v4;
	v5 =	vand.u32 $0xFFFFFFC0, v5  }
0x62f: {  	v4 =	vor.u32 v4, v5  }
0x630: {  	v5 =	vperm.xlane v4, v1;
	_ =	sdelay $0x1  }
0x631: {  	v5 =	vadd.s32 v2, v5;
	_ =	sdelay $0x3  }
0x632: {  	s23 =	simm.s32 $0xD000  }
0x633: {  	[tilespmem:s23], [sflag:$0x2] =	stream.indirect_vreg.gather [hbm4b:s2+s3], $0x80, v5, vm0, $0xb8;
	[tilespmem:$0x11000] =	vst v63  }
0x634: {  	s21 =	simm.s32 $0xD800;
	v4 =	vperm.xlane v4, v3  }
0x635: {  	[tilespmem:s21], [sflag:$0x2] =	stream.indirect_vreg.gather [hbm4b:s5+s3], $0x80, v5, vm0, $0xb8;
	[tilespmem:$0x11000] =	vst v63  }
0x636: {  	s22 =	simm.s32 $0xE000;
	v4 =	vadd.s32 v2, v4  }
0x637: {  	[tilespmem:s22], [sflag:$0x2] =	stream.indirect_vreg.gather [hbm4b:s6+s3], $0x80, v5, vm0, $0xb8;
	[tilespmem:$0x11000] =	vst v63  }
0x638: {  	s23 =	simm.s32 $0xE800  }
0x639: {  	[tilespmem:s23], [sflag:$0x2] =	stream.indirect_vreg.gather [hbm4b:s7+s3], $0x80, v5, vm0, $0xb8;
	[tilespmem:$0x11000] =	vst v63  }
0x63a: {  	s24 =	simm.s32 $0xF000  }
0x63b: {  	[tilespmem:s24], [sflag:$0x2] =	stream.indirect_vreg.gather [hbm4b:s2+s3], $0x80, v4, vm0, $0xb8;
	[tilespmem:$0x11000] =	vst v63  }
0x63c: {  	s31 =	simm.s32 $0xF800  }
0x63d: {  	[tilespmem:s31], [sflag:$0x2] =	stream.indirect_vreg.gather [hbm4b:s5+s3], $0x80, v4, vm0, $0xb8;
	[tilespmem:$0x11000] =	vst v63  }
0x63e: {  	s17 =	simm.s32 $0x10000  }
0x63f: {  	[tilespmem:s17], [sflag:$0x2] =	stream.indirect_vreg.gather [hbm4b:s6+s3], $0x80, v4, vm0, $0xb8;
	[tilespmem:$0x11000] =	vst v63  }
0x640: {  	s21 =	simm.s32 $0x10800  }
0x641: {  	[tilespmem:s21], [sflag:$0x2] =	stream.indirect_vreg.gather [hbm4b:s7+s3], $0x80, v4, vm0, $0xb8;
	[tilespmem:$0x11000] =	vst v63  }
0x642: {  	_ =	swait.ge [sflag:s18], $0x8000  }
0x643: {  	s31 =	sld [smem:$0x7FB]  }
0x644: {  	[sflag:s18] =	ssyncset.done $0x0  }
0x645: {  	[sflag:s18] =	ssyncadd.s32 $0xFFFF8000  }
0x646: {  	[hbm4b:s31+s3] =	stream.linear.scatter [tilespmem:s26], [sflag:$0x4], $0x8000, $0x38;
	[tilespmem:$0x11000] =	vst v63  }
0x647: {  	_ =	swait.ge [sflag:s19], $0x8000  }
0x648: {  	[sflag:s19] =	ssyncset.done $0x0  }
0x649: {  	[sflag:s19] =	ssyncadd.s32 $0xFFFF8000  }
0x64a: {  	v4 =	vld [tilespmem:$0xF00];
	_ =	sdelay $0x4  }
0x64b: {  	v5 =	vshll.u32 v4, $0x3  }
0x64c: {  	v4 =	vand.u32 $0x7, v4;
	v5 =	vand.u32 $0xFFFFFFC0, v5  }
0x64d: {  	v4 =	vor.u32 v4, v5  }
0x64e: {  	v5 =	vperm.xlane v4, v1;
	_ =	sdelay $0x1  }
0x64f: {  	v5 =	vadd.s32 v2, v5;
	_ =	sdelay $0x4  }
0x650: {  	[tilespmem:s29], [sflag:$0x1] =	stream.indirect_vreg.gather [hbm4b:s2+s3], $0x80, v5, vm0, $0xb8;
	[tilespmem:$0x11000] =	vst v63  }
0x651: {  	s31 =	simm.s32 $0x1800;
	v4 =	vperm.xlane v4, v3  }
0x652: {  	[tilespmem:s31], [sflag:$0x1] =	stream.indirect_vreg.gather [hbm4b:s5+s3], $0x80, v5, vm0, $0xb8;
	[tilespmem:$0x11000] =	vst v63  }
0x653: {  	s16 =	simm.s32 $0x2000;
	v4 =	vadd.s32 v2, v4  }
0x654: {  	[tilespmem:s16], [sflag:$0x1] =	stream.indirect_vreg.gather [hbm4b:s6+s3], $0x80, v5, vm0, $0xb8;
	[tilespmem:$0x11000] =	vst v63  }
0x655: {  	s8 =	simm.s32 $0x2800  }
0x656: {  	[tilespmem:s8], [sflag:$0x1] =	stream.indirect_vreg.gather [hbm4b:s7+s3], $0x80, v5, vm0, $0xb8;
	[tilespmem:$0x11000] =	vst v63  }
0x657: {  	s16 =	simm.s32 $0x3000  }
0x658: {  	[tilespmem:s16], [sflag:$0x1] =	stream.indirect_vreg.gather [hbm4b:s2+s3], $0x80, v4, vm0, $0xb8;
	[tilespmem:$0x11000] =	vst v63  }
0x659: {  	s21 =	simm.s32 $0x3800  }
0x65a: {  	[tilespmem:s21], [sflag:$0x1] =	stream.indirect_vreg.gather [hbm4b:s5+s3], $0x80, v4, vm0, $0xb8;
	[tilespmem:$0x11000] =	vst v63  }
0x65b: {  	s31 =	simm.s32 $0x4000  }
0x65c: {  	[tilespmem:s31], [sflag:$0x1] =	stream.indirect_vreg.gather [hbm4b:s6+s3], $0x80, v4, vm0, $0xb8;
	[tilespmem:$0x11000] =	vst v63  }
0x65d: {  	s16 =	simm.s32 $0x4800  }
0x65e: {  	[tilespmem:s16], [sflag:$0x1] =	stream.indirect_vreg.gather [hbm4b:s7+s3], $0x80, v4, vm0, $0xb8;
	[tilespmem:$0x11000] =	vst v63  }
0x65f: {  	v4 =	vld [tilespmem:$0xF10];
	_ =	sdelay $0x4  }
0x660: {  	v5 =	vshll.u32 v4, $0x3  }
0x661: {  	v4 =	vand.u32 $0x7, v4;
	v5 =	vand.u32 $0xFFFFFFC0, v5  }
0x662: {  	v4 =	vor.u32 v4, v5  }
0x663: {  	v5 =	vperm.xlane v4, v1;
	_ =	sdelay $0x1  }
0x664: {  	v5 =	vadd.s32 v2, v5;
	_ =	sdelay $0x3  }
0x665: {  	s21 =	simm.s32 $0x5000  }
0x666: {  	[tilespmem:s21], [sflag:$0x1] =	stream.indirect_vreg.gather [hbm4b:s2+s3], $0x80, v5, vm0, $0xb8;
	[tilespmem:$0x11000] =	vst v63  }
0x667: {  	s31 =	simm.s32 $0x5800;
	v4 =	vperm.xlane v4, v3  }
0x668: {  	[tilespmem:s31], [sflag:$0x1] =	stream.indirect_vreg.gather [hbm4b:s5+s3], $0x80, v5, vm0, $0xb8;
	[tilespmem:$0x11000] =	vst v63  }
0x669: {  	s9 =	simm.s32 $0x6000;
	v4 =	vadd.s32 v2, v4  }
0x66a: {  	[tilespmem:s9], [sflag:$0x1] =	stream.indirect_vreg.gather [hbm4b:s6+s3], $0x80, v5, vm0, $0xb8;
	[tilespmem:$0x11000] =	vst v63  }
0x66b: {  	s10 =	simm.s32 $0x6800  }
0x66c: {  	[tilespmem:s10], [sflag:$0x1] =	stream.indirect_vreg.gather [hbm4b:s7+s3], $0x80, v5, vm0, $0xb8;
	[tilespmem:$0x11000] =	vst v63  }
0x66d: {  	s11 =	simm.s32 $0x7000  }
0x66e: {  	[tilespmem:s11], [sflag:$0x1] =	stream.indirect_vreg.gather [hbm4b:s2+s3], $0x80, v4, vm0, $0xb8;
	[tilespmem:$0x11000] =	vst v63  }
0x66f: {  	s12 =	simm.s32 $0x7800  }
0x670: {  	[tilespmem:s12], [sflag:$0x1] =	stream.indirect_vreg.gather [hbm4b:s5+s3], $0x80, v4, vm0, $0xb8;
	[tilespmem:$0x11000] =	vst v63  }
0x671: {  	s25 =	simm.s32 $0x8000  }
0x672: {  	[tilespmem:s25], [sflag:$0x1] =	stream.indirect_vreg.gather [hbm4b:s6+s3], $0x80, v4, vm0, $0xb8;
	[tilespmem:$0x11000] =	vst v63  }
0x673: {  	s28 =	simm.s32 $0x8800  }
0x674: {  	[tilespmem:s28], [sflag:$0x1] =	stream.indirect_vreg.gather [hbm4b:s7+s3], $0x80, v4, vm0, $0xb8;
	[tilespmem:$0x11000] =	vst v63  }
0x675: {  	_ =	swait.ge [sflag:s4], $0x8000  }
0x676: {  	s11 =	sld [smem:$0x7FC]  }
0x677: {  	[sflag:s4] =	ssyncset.done $0x0  }
0x678: {  	[sflag:s4] =	ssyncadd.s32 $0xFFFF8000  }
0x679: {  	[hbm4b:s11+s3] =	stream.linear.scatter [tilespmem:s29], [sflag:$0x3], $0x8000, $0x38;
	[tilespmem:$0x11000] =	vst v63  }
0x67a: {  	_ =	swait.ge [sflag:s20], $0x8000  }
0x67b: {  	[sflag:s20] =	ssyncset.done $0x0  }
0x67c: {  	[sflag:s20] =	ssyncadd.s32 $0xFFFF8000  }
0x67d: {  	v4 =	vld [tilespmem:$0xF80];
	_ =	sdelay $0x4  }
0x67e: {  	v5 =	vshll.u32 v4, $0x3  }
0x67f: {  	v4 =	vand.u32 $0x7, v4;
	v5 =	vand.u32 $0xFFFFFFC0, v5  }
0x680: {  	v4 =	vor.u32 v4, v5  }
0x681: {  	v5 =	vperm.xlane v4, v1;
	_ =	sdelay $0x1  }
0x682: {  	v5 =	vadd.s32 v2, v5;
	_ =	sdelay $0x4  }
0x683: {  	[tilespmem:s26], [sflag:$0x2] =	stream.indirect_vreg.gather [hbm4b:s2+s3], $0x80, v5, vm0, $0xb8;
	[tilespmem:$0x11000] =	vst v63  }
0x684: {  	s12 =	simm.s32 $0x9800;
	v4 =	vperm.xlane v4, v3  }
0x685: {  	[tilespmem:s12], [sflag:$0x2] =	stream.indirect_vreg.gather [hbm4b:s5+s3], $0x80, v5, vm0, $0xb8;
	[tilespmem:$0x11000] =	vst v63  }
0x686: {  	s13 =	simm.s32 $0xA000;
	v4 =	vadd.s32 v2, v4  }
0x687: {  	[tilespmem:s13], [sflag:$0x2] =	stream.indirect_vreg.gather [hbm4b:s6+s3], $0x80, v5, vm0, $0xb8;
	[tilespmem:$0x11000] =	vst v63  }
0x688: {  	s0 =	simm.s32 $0xA800  }
0x689: {  	[tilespmem:s0], [sflag:$0x2] =	stream.indirect_vreg.gather [hbm4b:s7+s3], $0x80, v5, vm0, $0xb8;
	[tilespmem:$0x11000] =	vst v63  }
0x68a: {  	s16 =	simm.s32 $0xB000  }
0x68b: {  	[tilespmem:s16], [sflag:$0x2] =	stream.indirect_vreg.gather [hbm4b:s2+s3], $0x80, v4, vm0, $0xb8;
	[tilespmem:$0x11000] =	vst v63  }
0x68c: {  	s1 =	simm.s32 $0xB800  }
0x68d: {  	[tilespmem:s1], [sflag:$0x2] =	stream.indirect_vreg.gather [hbm4b:s5+s3], $0x80, v4, vm0, $0xb8;
	[tilespmem:$0x11000] =	vst v63  }
0x68e: {  	s14 =	simm.s32 $0xC000  }
0x68f: {  	[tilespmem:s14], [sflag:$0x2] =	stream.indirect_vreg.gather [hbm4b:s6+s3], $0x80, v4, vm0, $0xb8;
	[tilespmem:$0x11000] =	vst v63  }
0x690: {  	s30 =	simm.s32 $0xC800  }
0x691: {  	[tilespmem:s30], [sflag:$0x2] =	stream.indirect_vreg.gather [hbm4b:s7+s3], $0x80, v4, vm0, $0xb8;
	[tilespmem:$0x11000] =	vst v63  }
0x692: {  	v4 =	vld [tilespmem:$0xF90];
	_ =	sdelay $0x4  }
0x693: {  	v5 =	vshll.u32 v4, $0x3  }
0x694: {  	v4 =	vand.u32 $0x7, v4;
	v5 =	vand.u32 $0xFFFFFFC0, v5  }
0x695: {  	v4 =	vor.u32 v4, v5  }
0x696: {  	v5 =	vperm.xlane v4, v1;
	_ =	sdelay $0x1  }
0x697: {  	v5 =	vadd.s32 v2, v5;
	_ =	sdelay $0x3  }
0x698: {  	s21 =	simm.s32 $0xD000  }
0x699: {  	[tilespmem:s21], [sflag:$0x2] =	stream.indirect_vreg.gather [hbm4b:s2+s3], $0x80, v5, vm0, $0xb8;
	[tilespmem:$0x11000] =	vst v63  }
0x69a: {  	s25 =	simm.s32 $0xD800;
	v4 =	vperm.xlane v4, v3  }
0x69b: {  	[tilespmem:s25], [sflag:$0x2] =	stream.indirect_vreg.gather [hbm4b:s5+s3], $0x80, v5, vm0, $0xb8;
	[tilespmem:$0x11000] =	vst v63  }
0x69c: {  	s15 =	simm.s32 $0xE000;
	v4 =	vadd.s32 v2, v4  }
0x69d: {  	[tilespmem:s15], [sflag:$0x2] =	stream.indirect_vreg.gather [hbm4b:s6+s3], $0x80, v5, vm0, $0xb8;
	[tilespmem:$0x11000] =	vst v63  }
0x69e: {  	s28 =	simm.s32 $0xE800  }
0x69f: {  	[tilespmem:s28], [sflag:$0x2] =	stream.indirect_vreg.gather [hbm4b:s7+s3], $0x80, v5, vm0, $0xb8;
	[tilespmem:$0x11000] =	vst v63  }
0x6a0: {  	s22 =	simm.s32 $0xF000  }
0x6a1: {  	[tilespmem:s22], [sflag:$0x2] =	stream.indirect_vreg.gather [hbm4b:s2+s3], $0x80, v4, vm0, $0xb8;
	[tilespmem:$0x11000] =	vst v63  }
0x6a2: {  	s23 =	simm.s32 $0xF800  }
0x6a3: {  	[tilespmem:s23], [sflag:$0x2] =	stream.indirect_vreg.gather [hbm4b:s5+s3], $0x80, v4, vm0, $0xb8;
	[tilespmem:$0x11000] =	vst v63  }
0x6a4: {  	s24 =	simm.s32 $0x10000  }
0x6a5: {  	[tilespmem:s24], [sflag:$0x2] =	stream.indirect_vreg.gather [hbm4b:s6+s3], $0x80, v4, vm0, $0xb8;
	[tilespmem:$0x11000] =	vst v63  }
0x6a6: {  	s17 =	simm.s32 $0x10800  }
0x6a7: {  	[tilespmem:s17], [sflag:$0x2] =	stream.indirect_vreg.gather [hbm4b:s7+s3], $0x80, v4, vm0, $0xb8;
	[tilespmem:$0x11000] =	vst v63  }
0x6a8: {  	_ =	swait.ge [sflag:s18], $0x8000  }
0x6a9: {  	s30 =	sld [smem:$0x7FD]  }
0x6aa: {  	[sflag:s18] =	ssyncset.done $0x0;
	s31 =	sld [smem:$0x7F9]  }
0x6ab: {  	[sflag:s18] =	ssyncadd.s32 $0xFFFF8000  }
0x6ac: {  	[hbm4b:s30+s3] =	stream.linear.scatter [tilespmem:s26], [sflag:$0x4], $0x8000, $0x38;
	[tilespmem:$0x11000] =	vst v63  }
0x6ad: {  	p0 =	sne.s32 s31, $0x1;
	_ =	swait.ge [sflag:s20], $0x8000  }
.Ltmp0:
0x6ae: {  	[sflag:s20] =	ssyncset.done $0x0;
	(pc) =	sbr.rel @p0 .LBB2_1-.Ltmp0, $4  }
0x6af: {  	[sflag:s20] =	ssyncadd.s32 $0xFFFF8000  }
0x6b0: {  	_ =	swait.ge [sflag:s19], $0x8000  }
0x6b1: {  	[sflag:s19] =	ssyncset.done $0x0  }
0x6b2: {  	s21 =	sadd.s32 $0xFFFFFFFF, s31;
	[sflag:s19] =	ssyncadd.s32 $0xFFFF8000  }
0x6b3: {  	_ =	sfence.sel $0x180000  }
0x6b4: {  	[bflag:$0x0] =	sbarrier.arrive $0xFFFF  }
0x6b5: {  	_ =	strace $0x90000047  }
0x6b6: {  	s0 =	stileid.u32;
	[bflag:$0x2] =	sbarrier.arrive $0xFFFF  }
0x6b7: {  	p0 =	sne.s32 s0, $0x0;
	s0 =	rddreg [dreg:$0x2]  }
0x6b8: {  	s0 =	sadd.s32 @!p0 $0x100000, s0  }
0x6b9: {  	[sflag:s0] =	ssyncadd.tile.s32 @!p0 $0x1;
	_ =	shalt  }
.Lfunc_end2:
_tile_overlayer_lowered:
.L_overlay_start_2:
0x6ba: {  	(tag) =	ssettag $0x2  }
0x6bb: {  	s0 =	rddreg [dreg:$0x0];
	s2 =	stileid.u32  }
0x6bc: {  	s1 =	rddreg [dreg:$0x1];
	p0 =	sne.s32 s2, $0x0  }
0x6bd: {  	s3 =	rddreg [dreg:$0x2];
	[bflag:$0x3] =	sbarrier.arrive $0xFFFF;
	s2 =	simm.s32 @!p0 $0x1C05  }
0x6be: {  	[timem:s3], [sflag:s2] =	dma.local @!p0 [hbm:s0], s1  }
0x6bf: {  	s0 =	simm.s32 @!p0 $0x5  }
0x6c0: {  	_ =	swait.ge @!p0 [sflag:s0], s1  }
0x6c1: {  	s1 =	ssub.s32 @!p0 $0x0, s1;
	[sflag:s0] =	ssyncset.done @!p0 $0x0  }
0x6c2: {  	[sflag:s0] =	ssyncadd.s32 @!p0 s1  }
0x6c3: {  	[bflag:$0x3] =	sbarrier.arrive $0xFFFF  }
0x6c4: {  	_ =	shalt  }

</sc_bundles>
